<compile_context>
chip_gen: v7x
topology: tpu7x:2x2x1
jax: 0.10.2.dev20260603
libtpu: 0.0.44.dev20260713+nightly
codegen_flags: <defaults>
</compile_context>

<pallas_src>
import functools

import jax
import jax.numpy as jnp
from jax import lax
from jax.experimental import pallas as pl
from jax.experimental.pallas import tpu as pltpu
from jax.experimental.pallas import tpu_sc as plsc

N_ROWS = 262144
N_COLS = 128
NUM_CORES = 2
NUM_SUBCORES = 16
NUM_WORKERS = NUM_CORES * NUM_SUBCORES
RPW = N_ROWS // NUM_WORKERS
L = 16
E_ROWS = 2048
R_ROWS = RPW - E_ROWS
NCHUNK = 6
CH = R_ROWS // NCHUNK
NSET = 3


def _dg(v, idx):
    return lax.gather(
        v,
        idx.reshape(L, 1),
        lax.GatherDimensionNumbers(
            offset_dims=(), collapsed_slice_dims=(0,), start_index_map=(0,)
        ),
        slice_sizes=(1,),
        mode=lax.GatherScatterMode.PROMISE_IN_BOUNDS,
    )


def _action(dx_s, dy_s, clk, dist_x, dist_y):
    go_down = dy_s > 1
    go_right = dx_s > 0
    punch = (clk % 12) < 4
    d2 = dist_y <= 2
    act = jnp.where(go_down, 5, 2)
    act = jnp.where(d2 & (dist_x > 26), jnp.where(go_right, 3, 4), act)
    act = jnp.where(d2 & (dist_x < 23), jnp.where(go_right, 4, 3), act)
    act = jnp.where(
        d2 & (dist_x >= 23) & (dist_x <= 26), jnp.where(punch, 1, 0), act
    )
    return act


def _sc_body(view8_hbm, viewf_hbm, out_hbm, *refs):
    (ixy0, ixy1, ixy2, iclk0, iclk1, iclk2,
     bxy0, bxy1, bxy2, bclk0, bclk1, bclk2,
     imx, isx, imy, isy, ick, bmx, bsx, bmy, bsy, bck,
     acc_v, semr, seme) = refs
    idx_sets = ((ixy0, iclk0), (ixy1, iclk1), (ixy2, iclk2))
    buf_sets = ((bxy0, bclk0), (bxy1, bclk1), (bxy2, bclk2))
    eidx = (imx, isx, imy, isy, ick)
    ebuf = (bmx, bsx, bmy, bsy, bck)

    cid = lax.axis_index("c")
    sid = lax.axis_index("s")
    wid = sid * NUM_CORES + cid
    row0 = wid * RPW
    rrow0 = row0 + E_ROWS
    iot = lax.iota(jnp.int32, L)
    one = jnp.ones((L,), jnp.int32)
    swap = iot ^ 1
    lane0 = jnp.zeros((L,), jnp.int32)
    qmask = tuple((iot >> 2) == q for q in range(4))
    rots = tuple((iot - 4 * r) & 15 for r in (1, 2, 3))
    pat0 = (iot & 3) * 4
    pat2 = pat0 + 2

    def fill_row(c, idxs):
        ixy, iclk = idxs

        def body(j, carry):
            r8 = 8 * (rrow0 + c * CH + j * L + iot)
            ixy[pl.ds(j * L, L)] = r8 + 2
            iclk[pl.ds(j * L, L)] = r8
            return carry

        lax.fori_loop(0, CH // L, body, 0)

    def fire_row(idxs, bufs):
        ixy, iclk = idxs
        bxy, bclk = bufs
        pltpu.async_copy(view8_hbm.at[ixy], bxy, semr)
        pltpu.async_copy(view8_hbm.at[iclk], bclk, semr)

    def drain_row(idxs, bufs):
        ixy, iclk = idxs
        bxy, bclk = bufs
        pltpu.make_async_copy(view8_hbm.at[ixy], bxy, semr).wait()
        pltpu.make_async_copy(view8_hbm.at[iclk], bclk, semr).wait()

    def fill_elem():
        def body(j, carry):
            base = N_COLS * (row0 + j * L + iot)
            imx[pl.ds(j * L, L)] = base + 32
            isx[pl.ds(j * L, L)] = base + 33
            imy[pl.ds(j * L, L)] = base + 34
            isy[pl.ds(j * L, L)] = base + 35
            ick[pl.ds(j * L, L)] = base
            return carry

        lax.fori_loop(0, E_ROWS // L, body, 0)

    def fire_elem():
        for idx, buf in zip(eidx, ebuf):
            pltpu.async_copy(viewf_hbm.at[idx], buf, seme)

    def drain_elem():
        for idx, buf in zip(eidx, ebuf):
            pltpu.make_async_copy(viewf_hbm.at[idx], buf, seme).wait()

    def compute_row(bufs, acc):
        bxy, bclk = bufs

        def group(g, acc2):
            dx = lane0
            dy = lane0
            ck = lane0
            for q in range(4):
                b = g * L + 4 * q
                m = bxy[b, :]
                mc = bclk[b, :]
                for r in (1, 2, 3):
                    m = jnp.where(qmask[r], _dg(bxy[b + r, :], rots[r - 1]), m)
                    mc = jnp.where(qmask[r], _dg(bclk[b + r, :], rots[r - 1]), mc)
                d = _dg(m, swap) - m
                dx = jnp.where(qmask[q], _dg(d, pat0), dx)
                dy = jnp.where(qmask[q], _dg(d, pat2), dy)
                ck = jnp.where(qmask[q], _dg(mc, pat0), ck)
            act = _action(dx, dy, ck, jnp.abs(dx), jnp.abs(dy))
            return acc2 | (one << act)

        return lax.fori_loop(0, CH // L, group, acc)

    def compute_elem(acc):
        def body16(i, acc2):
            s = pl.ds(i * L, L)
            mi_x = bmx[s].astype(jnp.int32)
            su_x = bsx[s].astype(jnp.int32)
            mi_y = bmy[s].astype(jnp.int32)
            su_y = bsy[s].astype(jnp.int32)
            clk = bck[s].astype(jnp.int32)
            dxs = su_x - mi_x
            dys = su_y - mi_y
            act = _action(dxs, dys, clk, jnp.abs(dxs), jnp.abs(dys))
            return acc2 | (one << act)

        return lax.fori_loop(0, E_ROWS // L, body16, acc)

    for c in range(NSET):
        fill_row(c, idx_sets[c])
        fire_row(idx_sets[c], buf_sets[c])
    acc = jnp.zeros((L,), jnp.int32)
    for c in range(NCHUNK):
        s = c % NSET
        drain_row(idx_sets[s], buf_sets[s])
        acc = compute_row(buf_sets[s], acc)
        if c + NSET < NCHUNK:
            fill_row(c + NSET, idx_sets[s])
            fire_row(idx_sets[s], buf_sets[s])
        if c == NCHUNK - NSET:
            fill_elem()
            fire_elem()
    drain_elem()
    acc = compute_elem(acc)

    acc_v[...] = acc
    pltpu.sync_copy(acc_v, out_hbm.at[wid])


@jax.jit
def _run(ram):
    view8 = ram.reshape(N_ROWS * 8, L)
    viewf = lax.bitcast_convert_type(ram, jnp.uint32).reshape(N_ROWS * N_COLS)
    mesh = plsc.VectorSubcoreMesh(core_axis_name="c", subcore_axis_name="s")
    scratch = (
        [pltpu.VMEM((CH,), jnp.int32) for _ in range(6)]
        + [pltpu.VMEM((CH, L), jnp.int32) for _ in range(6)]
        + [pltpu.VMEM((E_ROWS,), jnp.int32) for _ in range(5)]
        + [pltpu.VMEM((E_ROWS,), jnp.uint32) for _ in range(5)]
        + [pltpu.VMEM((L,), jnp.int32)]
        + [pltpu.SemaphoreType.DMA, pltpu.SemaphoreType.DMA]
    )
    k = functools.partial(
        pl.kernel,
        mesh=mesh,
        out_type=jax.ShapeDtypeStruct((NUM_WORKERS, L), jnp.int32),
        scratch_types=scratch,
        compiler_params=pltpu.CompilerParams(use_tc_tiling_on_sc=False),
    )(_sc_body)
    masks = k(view8, viewf)
    bits = (masks[:, :, None] >> jnp.arange(6, dtype=jnp.int32)) & 1
    seen = jnp.max(bits, axis=(0, 1)).astype(jnp.float32)
    logits = jnp.zeros((1, 18), dtype=jnp.float32)
    return lax.dynamic_update_slice(logits, seen.reshape(1, 6), (0, 0))


def kernel(ram):
    return _run(ram)

# --- scband reference (transcript-rebuilt; emitter-appended) ---
"""Pipeline reference for scband-rhythm-net-80427557584941 (READ-ONLY COPY).

The authoritative reference and input builder live on the scoring server;
editing this copy changes nothing except your own understanding.
"""

import jax, jax.numpy as jnp
import numpy as np


def setup_inputs(seed: int = 0) -> dict:
    key = jax.random.key(seed)
    ram = jax.random.randint(key, (262144, 128), 0, 256, dtype=jnp.int32)
    return {"ram": ram}


def reference(ram):
    ram_f = ram.astype(jnp.float32)
    mi_x = ram_f[:, 32]
    mi_y = ram_f[:, 34]
    su_x = ram_f[:, 33]
    su_y = ram_f[:, 35]
    clock = ram_f[:, 0]
    dist_x = jnp.abs(su_x - mi_x)
    dist_y = jnp.abs(su_y - mi_y)
    go_down = su_y > mi_y + 1
    go_up = su_y < mi_y - 1
    go_right = su_x > mi_x
    go_left = su_x < mi_x
    punch_now = (clock % 12) < 4
    perfect_pos = (dist_x >= 23) & (dist_x <= 26) & (dist_y <= 2)
    act_perfect = jnp.where(punch_now, 1, 0).astype(jnp.int32)
    act_close_x = jnp.where(go_right, 3, 4).astype(jnp.int32)
    act_flee_x = jnp.where(go_right, 4, 3).astype(jnp.int32)
    act_align_y = jnp.where(go_down, 5, 2).astype(jnp.int32)
    action = jnp.zeros(ram.shape[0], dtype=jnp.int32)
    action = jnp.where(dist_y > 2, act_align_y, action)
    cond_too_far = (dist_y <= 2) & (dist_x > 26)
    action = jnp.where(cond_too_far, act_close_x, action)
    cond_too_close = (dist_y <= 2) & (dist_x < 23)
    action = jnp.where(cond_too_close, act_flee_x, action)
    action = jnp.where(perfect_pos, act_perfect, action)
    logits = jnp.zeros((1, 18), dtype=jnp.float32)
    logits = logits.at[0, action].set(1.0)
    return logits

if __name__ == "__main__":
    import jax
    _d = setup_inputs()
    print(jax.jit(kernel)(*tuple(_d.values())))

</pallas_src>

<mosaic_0001>
#map = affine_map<(d0, d1) -> (0, 0)>
#map1 = affine_map<(d0, d1) -> (0)>
module attributes {stable_mosaic.version = 14 : i64} {
  func.func @_sc_body(%arg0: i32, %arg1: i32, %arg2: memref<2097152x16xi32, #tpu.memory_space<hbm>>, %arg3: memref<33554432xi32, #tpu.memory_space<hbm>>, %arg4: memref<32x16xi32, #tpu.memory_space<hbm>>, %arg5: memref<1024xi32, #tpu.memory_space<vmem>>, %arg6: memref<1024xi32, #tpu.memory_space<vmem>>, %arg7: memref<1024xi32, #tpu.memory_space<vmem>>, %arg8: memref<1024xi32, #tpu.memory_space<vmem>>, %arg9: memref<1024xi32, #tpu.memory_space<vmem>>, %arg10: memref<1024xi32, #tpu.memory_space<vmem>>, %arg11: memref<1024x16xi32, #tpu.memory_space<vmem>>, %arg12: memref<1024x16xi32, #tpu.memory_space<vmem>>, %arg13: memref<1024x16xi32, #tpu.memory_space<vmem>>, %arg14: memref<1024x16xi32, #tpu.memory_space<vmem>>, %arg15: memref<1024x16xi32, #tpu.memory_space<vmem>>, %arg16: memref<1024x16xi32, #tpu.memory_space<vmem>>, %arg17: memref<2048xi32, #tpu.memory_space<vmem>>, %arg18: memref<2048xi32, #tpu.memory_space<vmem>>, %arg19: memref<2048xi32, #tpu.memory_space<vmem>>, %arg20: memref<2048xi32, #tpu.memory_space<vmem>>, %arg21: memref<2048xi32, #tpu.memory_space<vmem>>, %arg22: memref<2048xi32, #tpu.memory_space<vmem>>, %arg23: memref<2048xi32, #tpu.memory_space<vmem>>, %arg24: memref<2048xi32, #tpu.memory_space<vmem>>, %arg25: memref<2048xi32, #tpu.memory_space<vmem>>, %arg26: memref<2048xi32, #tpu.memory_space<vmem>>, %arg27: memref<16xi32, #tpu.memory_space<vmem>>, %arg28: memref<!tpu.dma_semaphore, #tpu.memory_space<semaphore_mem>>, %arg29: memref<!tpu.dma_semaphore, #tpu.memory_space<semaphore_mem>>) attributes {dimension_semantics = [#tpu.dimension_semantics<core_parallel>, #tpu.dimension_semantics<subcore_parallel>], iteration_bounds = array<i64: 2, 16>, scalar_prefetch = 0 : i64, scratch_operands = 25 : i64, tpu.core_type = #tpu.core_type<sc_vector_subcore>, window_params = [{transform_indices = #map}, {transform_indices = #map1}, {transform_indices = #map}]} {
    %mul3A = arith.constant 2 : i32
    %mul3A_0 = arith.muli %arg1, %mul3A : i32
    %add3A = arith.addi %mul3A_0, %arg0 : i32
    %mul3A_1 = arith.constant 8192 : i32
    %mul3A_2 = arith.muli %add3A, %mul3A_1 : i32
    %add3A_3 = arith.constant 2048 : i32
    %add3A_4 = arith.addi %mul3A_2, %add3A_3 : i32
    %iota3A = tpu.iota {dimensions = array<i32: 0>} : vector<16xi32>
    %broadcast_in_dim3A = arith.constant 1 : i32
    %broadcast_in_dim3A_5 = vector.broadcast %broadcast_in_dim3A : i32 to vector<16xi32>
    %xor3A = arith.constant 1 : i32
    %xor3A_6 = vector.broadcast %xor3A : i32 to vector<16xi32>
    %xor3A_7 = arith.xori %iota3A, %xor3A_6 : vector<16xi32>
    %broadcast_in_dim3A_8 = arith.constant 0 : i32
    %broadcast_in_dim3A_9 = vector.broadcast %broadcast_in_dim3A_8 : i32 to vector<16xi32>
    %shift_right_arithmetic3A = arith.constant 2 : i32
    %shift_right_arithmetic3A_10 = vector.broadcast %shift_right_arithmetic3A : i32 to vector<16xi32>
    %shift_right_arithmetic3A_11 = arith.shrsi %iota3A, %shift_right_arithmetic3A_10 : vector<16xi32>
    %eq3A = arith.constant 0 : i32
    %eq3A_12 = vector.broadcast %eq3A : i32 to vector<16xi32>
    %eq3A_13 = arith.cmpi eq, %shift_right_arithmetic3A_11, %eq3A_12 : vector<16xi32>
    %shift_right_arithmetic3A_14 = arith.constant 2 : i32
    %shift_right_arithmetic3A_15 = vector.broadcast %shift_right_arithmetic3A_14 : i32 to vector<16xi32>
    %shift_right_arithmetic3A_16 = arith.shrsi %iota3A, %shift_right_arithmetic3A_15 : vector<16xi32>
    %eq3A_17 = arith.constant 1 : i32
    %eq3A_18 = vector.broadcast %eq3A_17 : i32 to vector<16xi32>
    %eq3A_19 = arith.cmpi eq, %shift_right_arithmetic3A_16, %eq3A_18 : vector<16xi32>
    %shift_right_arithmetic3A_20 = arith.constant 2 : i32
    %shift_right_arithmetic3A_21 = vector.broadcast %shift_right_arithmetic3A_20 : i32 to vector<16xi32>
    %shift_right_arithmetic3A_22 = arith.shrsi %iota3A, %shift_right_arithmetic3A_21 : vector<16xi32>
    %eq3A_23 = arith.constant 2 : i32
    %eq3A_24 = vector.broadcast %eq3A_23 : i32 to vector<16xi32>
    %eq3A_25 = arith.cmpi eq, %shift_right_arithmetic3A_22, %eq3A_24 : vector<16xi32>
    %shift_right_arithmetic3A_26 = arith.constant 2 : i32
    %shift_right_arithmetic3A_27 = vector.broadcast %shift_right_arithmetic3A_26 : i32 to vector<16xi32>
    %shift_right_arithmetic3A_28 = arith.shrsi %iota3A, %shift_right_arithmetic3A_27 : vector<16xi32>
    %eq3A_29 = arith.constant 3 : i32
    %eq3A_30 = vector.broadcast %eq3A_29 : i32 to vector<16xi32>
    %eq3A_31 = arith.cmpi eq, %shift_right_arithmetic3A_28, %eq3A_30 : vector<16xi32>
    %sub3A = arith.constant 4 : i32
    %sub3A_32 = vector.broadcast %sub3A : i32 to vector<16xi32>
    %sub3A_33 = arith.subi %iota3A, %sub3A_32 : vector<16xi32>
    %and3A = arith.constant 15 : i32
    %and3A_34 = vector.broadcast %and3A : i32 to vector<16xi32>
    %and3A_35 = arith.andi %sub3A_33, %and3A_34 : vector<16xi32>
    %sub3A_36 = arith.constant 8 : i32
    %sub3A_37 = vector.broadcast %sub3A_36 : i32 to vector<16xi32>
    %sub3A_38 = arith.subi %iota3A, %sub3A_37 : vector<16xi32>
    %and3A_39 = arith.constant 15 : i32
    %and3A_40 = vector.broadcast %and3A_39 : i32 to vector<16xi32>
    %and3A_41 = arith.andi %sub3A_38, %and3A_40 : vector<16xi32>
    %sub3A_42 = arith.constant 12 : i32
    %sub3A_43 = vector.broadcast %sub3A_42 : i32 to vector<16xi32>
    %sub3A_44 = arith.subi %iota3A, %sub3A_43 : vector<16xi32>
    %and3A_45 = arith.constant 15 : i32
    %and3A_46 = vector.broadcast %and3A_45 : i32 to vector<16xi32>
    %and3A_47 = arith.andi %sub3A_44, %and3A_46 : vector<16xi32>
    %and3A_48 = arith.constant 3 : i32
    %and3A_49 = vector.broadcast %and3A_48 : i32 to vector<16xi32>
    %and3A_50 = arith.andi %iota3A, %and3A_49 : vector<16xi32>
    %mul3A_51 = arith.constant 4 : i32
    %mul3A_52 = vector.broadcast %mul3A_51 : i32 to vector<16xi32>
    %mul3A_53 = arith.muli %and3A_50, %mul3A_52 : vector<16xi32>
    %add3A_54 = arith.constant 2 : i32
    %add3A_55 = vector.broadcast %add3A_54 : i32 to vector<16xi32>
    %add3A_56 = arith.addi %mul3A_53, %add3A_55 : vector<16xi32>
    %scan3A = arith.constant 0 : i32
    %scan3A_57 = arith.constant 0 : i32
    %scan3A_58 = arith.constant 64 : i32
    %scan3A_59 = arith.addi %scan3A_57, %scan3A_58 : i32
    %scan3A_60 = arith.constant 1 : i32
    scf.for %scan3A_235 = %scan3A_57 to %scan3A_59 step %scan3A_60  : i32 {
      %add3A_236 = arith.constant 0 : i32
      %add3A_237 = arith.addi %add3A_4, %add3A_236 : i32
      %mul3A_238 = arith.constant 16 : i32
      %mul3A_239 = arith.muli %scan3A_235, %mul3A_238 : i32
      %add3A_240 = arith.addi %add3A_237, %mul3A_239 : i32
      %add3A_241 = vector.broadcast %add3A_240 : i32 to vector<16xi32>
      %add3A_242 = arith.addi %add3A_241, %iota3A : vector<16xi32>
      %mul3A_243 = arith.constant 8 : i32
      %mul3A_244 = vector.broadcast %mul3A_243 : i32 to vector<16xi32>
      %mul3A_245 = arith.muli %mul3A_244, %add3A_242 : vector<16xi32>
      %add3A_246 = arith.constant 2 : i32
      %add3A_247 = vector.broadcast %add3A_246 : i32 to vector<16xi32>
      %add3A_248 = arith.addi %mul3A_245, %add3A_247 : vector<16xi32>
      %mul3A_249 = arith.constant 16 : i32
      %mul3A_250 = arith.muli %scan3A_235, %mul3A_249 : i32
      %swap3A_251 = arith.index_cast %mul3A_250 : i32 to index
      %swap3A_252 = tpu.vector_load %arg5[%swap3A_251] {strides = array<i32>} : memref<1024xi32, #tpu.memory_space<vmem>>, vector<16xi32>,
      %swap3A_253 = vector.shape_cast %swap3A_252 : vector<16xi32> to vector<16xi32>
      %swap3A_254 = vector.shape_cast %add3A_248 : vector<16xi32> to vector<16xi32>
      tpu.vector_store %arg5[%swap3A_251], %swap3A_254 {strides = array<i32>} : memref<1024xi32, #tpu.memory_space<vmem>>, vector<16xi32>,
      %mul3A_255 = arith.constant 16 : i32
      %mul3A_256 = arith.muli %scan3A_235, %mul3A_255 : i32
      %swap3A_257 = arith.index_cast %mul3A_256 : i32 to index
      %swap3A_258 = tpu.vector_load %arg8[%swap3A_257] {strides = array<i32>} : memref<1024xi32, #tpu.memory_space<vmem>>, vector<16xi32>,
      %swap3A_259 = vector.shape_cast %swap3A_258 : vector<16xi32> to vector<16xi32>
      %swap3A_260 = vector.shape_cast %mul3A_245 : vector<16xi32> to vector<16xi32>
      tpu.vector_store %arg8[%swap3A_257], %swap3A_260 {strides = array<i32>} : memref<1024xi32, #tpu.memory_space<vmem>>, vector<16xi32>,
    }
    %scan3A_61 = arith.constant 64 : i32
    %dma_start3A = arith.constant 0 : i32
    %dma_start3A_62 = arith.constant 0 : i32
    %dma_start3A_63 = tpu.memref_slice %arg2[%dma_start3A, %dma_start3A_62] : memref<2097152x16xi32, #tpu.memory_space<hbm>> -> memref<2097152x16xi32, #tpu.memory_space<hbm>>
    tpu.enqueue_indirect_dma source(%dma_start3A_63 : memref<2097152x16xi32, #tpu.memory_space<hbm>>) target(%arg11 : memref<1024x16xi32, #tpu.memory_space<vmem>>) offsets(%arg5 : memref<1024xi32, #tpu.memory_space<vmem>>) semaphore(%arg28 : memref<!tpu.dma_semaphore, #tpu.memory_space<semaphore_mem>>)
    %dma_start3A_64 = arith.constant 0 : i32
    %dma_start3A_65 = arith.constant 0 : i32
    %dma_start3A_66 = tpu.memref_slice %arg2[%dma_start3A_64, %dma_start3A_65] : memref<2097152x16xi32, #tpu.memory_space<hbm>> -> memref<2097152x16xi32, #tpu.memory_space<hbm>>
    tpu.enqueue_indirect_dma source(%dma_start3A_66 : memref<2097152x16xi32, #tpu.memory_space<hbm>>) target(%arg14 : memref<1024x16xi32, #tpu.memory_space<vmem>>) offsets(%arg8 : memref<1024xi32, #tpu.memory_space<vmem>>) semaphore(%arg28 : memref<!tpu.dma_semaphore, #tpu.memory_space<semaphore_mem>>)
    %scan3A_67 = arith.constant 0 : i32
    %scan3A_68 = arith.constant 0 : i32
    %scan3A_69 = arith.constant 64 : i32
    %scan3A_70 = arith.addi %scan3A_68, %scan3A_69 : i32
    %scan3A_71 = arith.constant 1 : i32
    scf.for %scan3A_235 = %scan3A_68 to %scan3A_70 step %scan3A_71  : i32 {
      %add3A_236 = arith.constant 1024 : i32
      %add3A_237 = arith.addi %add3A_4, %add3A_236 : i32
      %mul3A_238 = arith.constant 16 : i32
      %mul3A_239 = arith.muli %scan3A_235, %mul3A_238 : i32
      %add3A_240 = arith.addi %add3A_237, %mul3A_239 : i32
      %add3A_241 = vector.broadcast %add3A_240 : i32 to vector<16xi32>
      %add3A_242 = arith.addi %add3A_241, %iota3A : vector<16xi32>
      %mul3A_243 = arith.constant 8 : i32
      %mul3A_244 = vector.broadcast %mul3A_243 : i32 to vector<16xi32>
      %mul3A_245 = arith.muli %mul3A_244, %add3A_242 : vector<16xi32>
      %add3A_246 = arith.constant 2 : i32
      %add3A_247 = vector.broadcast %add3A_246 : i32 to vector<16xi32>
      %add3A_248 = arith.addi %mul3A_245, %add3A_247 : vector<16xi32>
      %mul3A_249 = arith.constant 16 : i32
      %mul3A_250 = arith.muli %scan3A_235, %mul3A_249 : i32
      %swap3A_251 = arith.index_cast %mul3A_250 : i32 to index
      %swap3A_252 = tpu.vector_load %arg6[%swap3A_251] {strides = array<i32>} : memref<1024xi32, #tpu.memory_space<vmem>>, vector<16xi32>,
      %swap3A_253 = vector.shape_cast %swap3A_252 : vector<16xi32> to vector<16xi32>
      %swap3A_254 = vector.shape_cast %add3A_248 : vector<16xi32> to vector<16xi32>
      tpu.vector_store %arg6[%swap3A_251], %swap3A_254 {strides = array<i32>} : memref<1024xi32, #tpu.memory_space<vmem>>, vector<16xi32>,
      %mul3A_255 = arith.constant 16 : i32
      %mul3A_256 = arith.muli %scan3A_235, %mul3A_255 : i32
      %swap3A_257 = arith.index_cast %mul3A_256 : i32 to index
      %swap3A_258 = tpu.vector_load %arg9[%swap3A_257] {strides = array<i32>} : memref<1024xi32, #tpu.memory_space<vmem>>, vector<16xi32>,
      %swap3A_259 = vector.shape_cast %swap3A_258 : vector<16xi32> to vector<16xi32>
      %swap3A_260 = vector.shape_cast %mul3A_245 : vector<16xi32> to vector<16xi32>
      tpu.vector_store %arg9[%swap3A_257], %swap3A_260 {strides = array<i32>} : memref<1024xi32, #tpu.memory_space<vmem>>, vector<16xi32>,
    }
    %scan3A_72 = arith.constant 64 : i32
    %dma_start3A_73 = arith.constant 0 : i32
    %dma_start3A_74 = arith.constant 0 : i32
    %dma_start3A_75 = tpu.memref_slice %arg2[%dma_start3A_73, %dma_start3A_74] : memref<2097152x16xi32, #tpu.memory_space<hbm>> -> memref<2097152x16xi32, #tpu.memory_space<hbm>>
    tpu.enqueue_indirect_dma source(%dma_start3A_75 : memref<2097152x16xi32, #tpu.memory_space<hbm>>) target(%arg12 : memref<1024x16xi32, #tpu.memory_space<vmem>>) offsets(%arg6 : memref<1024xi32, #tpu.memory_space<vmem>>) semaphore(%arg28 : memref<!tpu.dma_semaphore, #tpu.memory_space<semaphore_mem>>)
    %dma_start3A_76 = arith.constant 0 : i32
    %dma_start3A_77 = arith.constant 0 : i32
    %dma_start3A_78 = tpu.memref_slice %arg2[%dma_start3A_76, %dma_start3A_77] : memref<2097152x16xi32, #tpu.memory_space<hbm>> -> memref<2097152x16xi32, #tpu.memory_space<hbm>>
    tpu.enqueue_indirect_dma source(%dma_start3A_78 : memref<2097152x16xi32, #tpu.memory_space<hbm>>) target(%arg15 : memref<1024x16xi32, #tpu.memory_space<vmem>>) offsets(%arg9 : memref<1024xi32, #tpu.memory_space<vmem>>) semaphore(%arg28 : memref<!tpu.dma_semaphore, #tpu.memory_space<semaphore_mem>>)
    %scan3A_79 = arith.constant 0 : i32
    %scan3A_80 = arith.constant 0 : i32
    %scan3A_81 = arith.constant 64 : i32
    %scan3A_82 = arith.addi %scan3A_80, %scan3A_81 : i32
    %scan3A_83 = arith.constant 1 : i32
    scf.for %scan3A_235 = %scan3A_80 to %scan3A_82 step %scan3A_83  : i32 {
      %add3A_236 = arith.constant 2048 : i32
      %add3A_237 = arith.addi %add3A_4, %add3A_236 : i32
      %mul3A_238 = arith.constant 16 : i32
      %mul3A_239 = arith.muli %scan3A_235, %mul3A_238 : i32
      %add3A_240 = arith.addi %add3A_237, %mul3A_239 : i32
      %add3A_241 = vector.broadcast %add3A_240 : i32 to vector<16xi32>
      %add3A_242 = arith.addi %add3A_241, %iota3A : vector<16xi32>
      %mul3A_243 = arith.constant 8 : i32
      %mul3A_244 = vector.broadcast %mul3A_243 : i32 to vector<16xi32>
      %mul3A_245 = arith.muli %mul3A_244, %add3A_242 : vector<16xi32>
      %add3A_246 = arith.constant 2 : i32
      %add3A_247 = vector.broadcast %add3A_246 : i32 to vector<16xi32>
      %add3A_248 = arith.addi %mul3A_245, %add3A_247 : vector<16xi32>
      %mul3A_249 = arith.constant 16 : i32
      %mul3A_250 = arith.muli %scan3A_235, %mul3A_249 : i32
      %swap3A_251 = arith.index_cast %mul3A_250 : i32 to index
      %swap3A_252 = tpu.vector_load %arg7[%swap3A_251] {strides = array<i32>} : memref<1024xi32, #tpu.memory_space<vmem>>, vector<16xi32>,
      %swap3A_253 = vector.shape_cast %swap3A_252 : vector<16xi32> to vector<16xi32>
      %swap3A_254 = vector.shape_cast %add3A_248 : vector<16xi32> to vector<16xi32>
      tpu.vector_store %arg7[%swap3A_251], %swap3A_254 {strides = array<i32>} : memref<1024xi32, #tpu.memory_space<vmem>>, vector<16xi32>,
      %mul3A_255 = arith.constant 16 : i32
      %mul3A_256 = arith.muli %scan3A_235, %mul3A_255 : i32
      %swap3A_257 = arith.index_cast %mul3A_256 : i32 to index
      %swap3A_258 = tpu.vector_load %arg10[%swap3A_257] {strides = array<i32>} : memref<1024xi32, #tpu.memory_space<vmem>>, vector<16xi32>,
      %swap3A_259 = vector.shape_cast %swap3A_258 : vector<16xi32> to vector<16xi32>
      %swap3A_260 = vector.shape_cast %mul3A_245 : vector<16xi32> to vector<16xi32>
      tpu.vector_store %arg10[%swap3A_257], %swap3A_260 {strides = array<i32>} : memref<1024xi32, #tpu.memory_space<vmem>>, vector<16xi32>,
    }
    %scan3A_84 = arith.constant 64 : i32
    %dma_start3A_85 = arith.constant 0 : i32
    %dma_start3A_86 = arith.constant 0 : i32
    %dma_start3A_87 = tpu.memref_slice %arg2[%dma_start3A_85, %dma_start3A_86] : memref<2097152x16xi32, #tpu.memory_space<hbm>> -> memref<2097152x16xi32, #tpu.memory_space<hbm>>
    tpu.enqueue_indirect_dma source(%dma_start3A_87 : memref<2097152x16xi32, #tpu.memory_space<hbm>>) target(%arg13 : memref<1024x16xi32, #tpu.memory_space<vmem>>) offsets(%arg7 : memref<1024xi32, #tpu.memory_space<vmem>>) semaphore(%arg28 : memref<!tpu.dma_semaphore, #tpu.memory_space<semaphore_mem>>)
    %dma_start3A_88 = arith.constant 0 : i32
    %dma_start3A_89 = arith.constant 0 : i32
    %dma_start3A_90 = tpu.memref_slice %arg2[%dma_start3A_88, %dma_start3A_89] : memref<2097152x16xi32, #tpu.memory_space<hbm>> -> memref<2097152x16xi32, #tpu.memory_space<hbm>>
    tpu.enqueue_indirect_dma source(%dma_start3A_90 : memref<2097152x16xi32, #tpu.memory_space<hbm>>) target(%arg16 : memref<1024x16xi32, #tpu.memory_space<vmem>>) offsets(%arg10 : memref<1024xi32, #tpu.memory_space<vmem>>) semaphore(%arg28 : memref<!tpu.dma_semaphore, #tpu.memory_space<semaphore_mem>>)
    %broadcast_in_dim3A_91 = arith.constant 0 : i32
    %broadcast_in_dim3A_92 = vector.broadcast %broadcast_in_dim3A_91 : i32 to vector<16xi32>
    %dma_wait3A = arith.constant 0 : i32
    %dma_wait3A_93 = arith.constant 0 : i32
    %dma_wait3A_94 = tpu.memref_slice %arg2[%dma_wait3A, %dma_wait3A_93] : memref<2097152x16xi32, #tpu.memory_space<hbm>> -> memref<2097152x16xi32, #tpu.memory_space<hbm>>
    tpu.wait_indirect_dma semaphore(%arg28 : memref<!tpu.dma_semaphore, #tpu.memory_space<semaphore_mem>>) src(%dma_wait3A_94 : memref<2097152x16xi32, #tpu.memory_space<hbm>>) dst(%arg11 : memref<1024x16xi32, #tpu.memory_space<vmem>>)
    %dma_wait3A_95 = arith.constant 0 : i32
    %dma_wait3A_96 = arith.constant 0 : i32
    %dma_wait3A_97 = tpu.memref_slice %arg2[%dma_wait3A_95, %dma_wait3A_96] : memref<2097152x16xi32, #tpu.memory_space<hbm>> -> memref<2097152x16xi32, #tpu.memory_space<hbm>>
    tpu.wait_indirect_dma semaphore(%arg28 : memref<!tpu.dma_semaphore, #tpu.memory_space<semaphore_mem>>) src(%dma_wait3A_97 : memref<2097152x16xi32, #tpu.memory_space<hbm>>) dst(%arg14 : memref<1024x16xi32, #tpu.memory_space<vmem>>)
    %scan3A_98 = arith.constant 0 : i32
    %scan3A_99 = arith.constant 64 : i32
    %scan3A_100 = arith.addi %scan3A_98, %scan3A_99 : i32
    %scan3A_101 = arith.constant 1 : i32
    %scan3A_102 = scf.for %scan3A_235 = %scan3A_98 to %scan3A_100 step %scan3A_101 iter_args(%scan3A_236 = %broadcast_in_dim3A_92) -> (vector<16xi32>)  : i32 {
      %mul3A_237 = arith.constant 16 : i32
      %mul3A_238 = arith.muli %scan3A_235, %mul3A_237 : i32
      %add3A_239 = arith.constant 0 : i32
      %add3A_240 = arith.addi %mul3A_238, %add3A_239 : i32
      %get3A = arith.index_cast %add3A_240 : i32 to index
      %get3A_241 = arith.constant 0 : index
      %get3A_242 = tpu.vector_load %arg11[%get3A, %get3A_241] {strides = array<i32>} : memref<1024x16xi32, #tpu.memory_space<vmem>>, vector<1x16xi32>,
      %get3A_243 = vector.shape_cast %get3A_242 : vector<1x16xi32> to vector<16xi32>
      %get3A_244 = arith.index_cast %add3A_240 : i32 to index
      %get3A_245 = arith.constant 0 : index
      %get3A_246 = tpu.vector_load %arg14[%get3A_244, %get3A_245] {strides = array<i32>} : memref<1024x16xi32, #tpu.memory_space<vmem>>, vector<1x16xi32>,
      %get3A_247 = vector.shape_cast %get3A_246 : vector<1x16xi32> to vector<16xi32>
      %add3A_248 = arith.constant 1 : i32
      %add3A_249 = arith.addi %add3A_240, %add3A_248 : i32
      %get3A_250 = arith.index_cast %add3A_249 : i32 to index
      %get3A_251 = arith.constant 0 : index
      %get3A_252 = tpu.vector_load %arg11[%get3A_250, %get3A_251] {strides = array<i32>} : memref<1024x16xi32, #tpu.memory_space<vmem>>, vector<1x16xi32>,
      %get3A_253 = vector.shape_cast %get3A_252 : vector<1x16xi32> to vector<16xi32>
      %reshape3A = vector.shape_cast %and3A_35 : vector<16xi32> to vector<16x1xi32>
      %gather3A = vector.shape_cast %reshape3A : vector<16x1xi32> to vector<16xi32>
      %gather3A_254 = tpu.dynamic_gather %get3A_253[%gather3A] in [0] : vector<16xi32>, vector<16xi32> -> vector<16xi32>
      %select_n3A = arith.select %eq3A_19, %gather3A_254, %get3A_243 : vector<16xi1>, vector<16xi32>
      %add3A_255 = arith.constant 1 : i32
      %add3A_256 = arith.addi %add3A_240, %add3A_255 : i32
      %get3A_257 = arith.index_cast %add3A_256 : i32 to index
      %get3A_258 = arith.constant 0 : index
      %get3A_259 = tpu.vector_load %arg14[%get3A_257, %get3A_258] {strides = array<i32>} : memref<1024x16xi32, #tpu.memory_space<vmem>>, vector<1x16xi32>,
      %get3A_260 = vector.shape_cast %get3A_259 : vector<1x16xi32> to vector<16xi32>
      %reshape3A_261 = vector.shape_cast %and3A_35 : vector<16xi32> to vector<16x1xi32>
      %gather3A_262 = vector.shape_cast %reshape3A_261 : vector<16x1xi32> to vector<16xi32>
      %gather3A_263 = tpu.dynamic_gather %get3A_260[%gather3A_262] in [0] : vector<16xi32>, vector<16xi32> -> vector<16xi32>
      %select_n3A_264 = arith.select %eq3A_19, %gather3A_263, %get3A_247 : vector<16xi1>, vector<16xi32>
      %add3A_265 = arith.constant 2 : i32
      %add3A_266 = arith.addi %add3A_240, %add3A_265 : i32
      %get3A_267 = arith.index_cast %add3A_266 : i32 to index
      %get3A_268 = arith.constant 0 : index
      %get3A_269 = tpu.vector_load %arg11[%get3A_267, %get3A_268] {strides = array<i32>} : memref<1024x16xi32, #tpu.memory_space<vmem>>, vector<1x16xi32>,
      %get3A_270 = vector.shape_cast %get3A_269 : vector<1x16xi32> to vector<16xi32>
      %reshape3A_271 = vector.shape_cast %and3A_41 : vector<16xi32> to vector<16x1xi32>
      %gather3A_272 = vector.shape_cast %reshape3A_271 : vector<16x1xi32> to vector<16xi32>
      %gather3A_273 = tpu.dynamic_gather %get3A_270[%gather3A_272] in [0] : vector<16xi32>, vector<16xi32> -> vector<16xi32>
      %select_n3A_274 = arith.select %eq3A_25, %gather3A_273, %select_n3A : vector<16xi1>, vector<16xi32>
      %add3A_275 = arith.constant 2 : i32
      %add3A_276 = arith.addi %add3A_240, %add3A_275 : i32
      %get3A_277 = arith.index_cast %add3A_276 : i32 to index
      %get3A_278 = arith.constant 0 : index
      %get3A_279 = tpu.vector_load %arg14[%get3A_277, %get3A_278] {strides = array<i32>} : memref<1024x16xi32, #tpu.memory_space<vmem>>, vector<1x16xi32>,
      %get3A_280 = vector.shape_cast %get3A_279 : vector<1x16xi32> to vector<16xi32>
      %reshape3A_281 = vector.shape_cast %and3A_41 : vector<16xi32> to vector<16x1xi32>
      %gather3A_282 = vector.shape_cast %reshape3A_281 : vector<16x1xi32> to vector<16xi32>
      %gather3A_283 = tpu.dynamic_gather %get3A_280[%gather3A_282] in [0] : vector<16xi32>, vector<16xi32> -> vector<16xi32>
      %select_n3A_284 = arith.select %eq3A_25, %gather3A_283, %select_n3A_264 : vector<16xi1>, vector<16xi32>
      %add3A_285 = arith.constant 3 : i32
      %add3A_286 = arith.addi %add3A_240, %add3A_285 : i32
      %get3A_287 = arith.index_cast %add3A_286 : i32 to index
      %get3A_288 = arith.constant 0 : index
      %get3A_289 = tpu.vector_load %arg11[%get3A_287, %get3A_288] {strides = array<i32>} : memref<1024x16xi32, #tpu.memory_space<vmem>>, vector<1x16xi32>,
      %get3A_290 = vector.shape_cast %get3A_289 : vector<1x16xi32> to vector<16xi32>
      %reshape3A_291 = vector.shape_cast %and3A_47 : vector<16xi32> to vector<16x1xi32>
      %gather3A_292 = vector.shape_cast %reshape3A_291 : vector<16x1xi32> to vector<16xi32>
      %gather3A_293 = tpu.dynamic_gather %get3A_290[%gather3A_292] in [0] : vector<16xi32>, vector<16xi32> -> vector<16xi32>
      %select_n3A_294 = arith.select %eq3A_31, %gather3A_293, %select_n3A_274 : vector<16xi1>, vector<16xi32>
      %add3A_295 = arith.constant 3 : i32
      %add3A_296 = arith.addi %add3A_240, %add3A_295 : i32
      %get3A_297 = arith.index_cast %add3A_296 : i32 to index
      %get3A_298 = arith.constant 0 : index
      %get3A_299 = tpu.vector_load %arg14[%get3A_297, %get3A_298] {strides = array<i32>} : memref<1024x16xi32, #tpu.memory_space<vmem>>, vector<1x16xi32>,
      %get3A_300 = vector.shape_cast %get3A_299 : vector<1x16xi32> to vector<16xi32>
      %reshape3A_301 = vector.shape_cast %and3A_47 : vector<16xi32> to vector<16x1xi32>
      %gather3A_302 = vector.shape_cast %reshape3A_301 : vector<16x1xi32> to vector<16xi32>
      %gather3A_303 = tpu.dynamic_gather %get3A_300[%gather3A_302] in [0] : vector<16xi32>, vector<16xi32> -> vector<16xi32>
      %select_n3A_304 = arith.select %eq3A_31, %gather3A_303, %select_n3A_284 : vector<16xi1>, vector<16xi32>
      %reshape3A_305 = vector.shape_cast %xor3A_7 : vector<16xi32> to vector<16x1xi32>
      %gather3A_306 = vector.shape_cast %reshape3A_305 : vector<16x1xi32> to vector<16xi32>
      %gather3A_307 = tpu.dynamic_gather %select_n3A_294[%gather3A_306] in [0] : vector<16xi32>, vector<16xi32> -> vector<16xi32>
      %sub3A_308 = arith.subi %gather3A_307, %select_n3A_294 : vector<16xi32>
      %reshape3A_309 = vector.shape_cast %mul3A_53 : vector<16xi32> to vector<16x1xi32>
      %gather3A_310 = vector.shape_cast %reshape3A_309 : vector<16x1xi32> to vector<16xi32>
      %gather3A_311 = tpu.dynamic_gather %sub3A_308[%gather3A_310] in [0] : vector<16xi32>, vector<16xi32> -> vector<16xi32>
      %select_n3A_312 = arith.select %eq3A_13, %gather3A_311, %broadcast_in_dim3A_9 : vector<16xi1>, vector<16xi32>
      %reshape3A_313 = vector.shape_cast %add3A_56 : vector<16xi32> to vector<16x1xi32>
      %gather3A_314 = vector.shape_cast %reshape3A_313 : vector<16x1xi32> to vector<16xi32>
      %gather3A_315 = tpu.dynamic_gather %sub3A_308[%gather3A_314] in [0] : vector<16xi32>, vector<16xi32> -> vector<16xi32>
      %select_n3A_316 = arith.select %eq3A_13, %gather3A_315, %broadcast_in_dim3A_9 : vector<16xi1>, vector<16xi32>
      %reshape3A_317 = vector.shape_cast %mul3A_53 : vector<16xi32> to vector<16x1xi32>
      %gather3A_318 = vector.shape_cast %reshape3A_317 : vector<16x1xi32> to vector<16xi32>
      %gather3A_319 = tpu.dynamic_gather %select_n3A_304[%gather3A_318] in [0] : vector<16xi32>, vector<16xi32> -> vector<16xi32>
      %select_n3A_320 = arith.select %eq3A_13, %gather3A_319, %broadcast_in_dim3A_9 : vector<16xi1>, vector<16xi32>
      %mul3A_321 = arith.constant 16 : i32
      %mul3A_322 = arith.muli %scan3A_235, %mul3A_321 : i32
      %add3A_323 = arith.constant 4 : i32
      %add3A_324 = arith.addi %mul3A_322, %add3A_323 : i32
      %get3A_325 = arith.index_cast %add3A_324 : i32 to index
      %get3A_326 = arith.constant 0 : index
      %get3A_327 = tpu.vector_load %arg11[%get3A_325, %get3A_326] {strides = array<i32>} : memref<1024x16xi32, #tpu.memory_space<vmem>>, vector<1x16xi32>,
      %get3A_328 = vector.shape_cast %get3A_327 : vector<1x16xi32> to vector<16xi32>
      %get3A_329 = arith.index_cast %add3A_324 : i32 to index
      %get3A_330 = arith.constant 0 : index
      %get3A_331 = tpu.vector_load %arg14[%get3A_329, %get3A_330] {strides = array<i32>} : memref<1024x16xi32, #tpu.memory_space<vmem>>, vector<1x16xi32>,
      %get3A_332 = vector.shape_cast %get3A_331 : vector<1x16xi32> to vector<16xi32>
      %add3A_333 = arith.constant 1 : i32
      %add3A_334 = arith.addi %add3A_324, %add3A_333 : i32
      %get3A_335 = arith.index_cast %add3A_334 : i32 to index
      %get3A_336 = arith.constant 0 : index
      %get3A_337 = tpu.vector_load %arg11[%get3A_335, %get3A_336] {strides = array<i32>} : memref<1024x16xi32, #tpu.memory_space<vmem>>, vector<1x16xi32>,
      %get3A_338 = vector.shape_cast %get3A_337 : vector<1x16xi32> to vector<16xi32>
      %reshape3A_339 = vector.shape_cast %and3A_35 : vector<16xi32> to vector<16x1xi32>
      %gather3A_340 = vector.shape_cast %reshape3A_339 : vector<16x1xi32> to vector<16xi32>
      %gather3A_341 = tpu.dynamic_gather %get3A_338[%gather3A_340] in [0] : vector<16xi32>, vector<16xi32> -> vector<16xi32>
      %select_n3A_342 = arith.select %eq3A_19, %gather3A_341, %get3A_328 : vector<16xi1>, vector<16xi32>
      %add3A_343 = arith.constant 1 : i32
      %add3A_344 = arith.addi %add3A_324, %add3A_343 : i32
      %get3A_345 = arith.index_cast %add3A_344 : i32 to index
      %get3A_346 = arith.constant 0 : index
      %get3A_347 = tpu.vector_load %arg14[%get3A_345, %get3A_346] {strides = array<i32>} : memref<1024x16xi32, #tpu.memory_space<vmem>>, vector<1x16xi32>,
      %get3A_348 = vector.shape_cast %get3A_347 : vector<1x16xi32> to vector<16xi32>
      %reshape3A_349 = vector.shape_cast %and3A_35 : vector<16xi32> to vector<16x1xi32>
      %gather3A_350 = vector.shape_cast %reshape3A_349 : vector<16x1xi32> to vector<16xi32>
      %gather3A_351 = tpu.dynamic_gather %get3A_348[%gather3A_350] in [0] : vector<16xi32>, vector<16xi32> -> vector<16xi32>
      %select_n3A_352 = arith.select %eq3A_19, %gather3A_351, %get3A_332 : vector<16xi1>, vector<16xi32>
      %add3A_353 = arith.constant 2 : i32
      %add3A_354 = arith.addi %add3A_324, %add3A_353 : i32
      %get3A_355 = arith.index_cast %add3A_354 : i32 to index
      %get3A_356 = arith.constant 0 : index
      %get3A_357 = tpu.vector_load %arg11[%get3A_355, %get3A_356] {strides = array<i32>} : memref<1024x16xi32, #tpu.memory_space<vmem>>, vector<1x16xi32>,
      %get3A_358 = vector.shape_cast %get3A_357 : vector<1x16xi32> to vector<16xi32>
      %reshape3A_359 = vector.shape_cast %and3A_41 : vector<16xi32> to vector<16x1xi32>
      %gather3A_360 = vector.shape_cast %reshape3A_359 : vector<16x1xi32> to vector<16xi32>
      %gather3A_361 = tpu.dynamic_gather %get3A_358[%gather3A_360] in [0] : vector<16xi32>, vector<16xi32> -> vector<16xi32>
      %select_n3A_362 = arith.select %eq3A_25, %gather3A_361, %select_n3A_342 : vector<16xi1>, vector<16xi32>
      %add3A_363 = arith.constant 2 : i32
      %add3A_364 = arith.addi %add3A_324, %add3A_363 : i32
      %get3A_365 = arith.index_cast %add3A_364 : i32 to index
      %get3A_366 = arith.constant 0 : index
      %get3A_367 = tpu.vector_load %arg14[%get3A_365, %get3A_366] {strides = array<i32>} : memref<1024x16xi32, #tpu.memory_space<vmem>>, vector<1x16xi32>,
      %get3A_368 = vector.shape_cast %get3A_367 : vector<1x16xi32> to vector<16xi32>
      %reshape3A_369 = vector.shape_cast %and3A_41 : vector<16xi32> to vector<16x1xi32>
      %gather3A_370 = vector.shape_cast %reshape3A_369 : vector<16x1xi32> to vector<16xi32>
      %gather3A_371 = tpu.dynamic_gather %get3A_368[%gather3A_370] in [0] : vector<16xi32>, vector<16xi32> -> vector<16xi32>
      %select_n3A_372 = arith.select %eq3A_25, %gather3A_371, %select_n3A_352 : vector<16xi1>, vector<16xi32>
      %add3A_373 = arith.constant 3 : i32
      %add3A_374 = arith.addi %add3A_324, %add3A_373 : i32
      %get3A_375 = arith.index_cast %add3A_374 : i32 to index
      %get3A_376 = arith.constant 0 : index
      %get3A_377 = tpu.vector_load %arg11[%get3A_375, %get3A_376] {strides = array<i32>} : memref<1024x16xi32, #tpu.memory_space<vmem>>, vector<1x16xi32>,
      %get3A_378 = vector.shape_cast %get3A_377 : vector<1x16xi32> to vector<16xi32>
      %reshape3A_379 = vector.shape_cast %and3A_47 : vector<16xi32> to vector<16x1xi32>
      %gather3A_380 = vector.shape_cast %reshape3A_379 : vector<16x1xi32> to vector<16xi32>
      %gather3A_381 = tpu.dynamic_gather %get3A_378[%gather3A_380] in [0] : vector<16xi32>, vector<16xi32> -> vector<16xi32>
      %select_n3A_382 = arith.select %eq3A_31, %gather3A_381, %select_n3A_362 : vector<16xi1>, vector<16xi32>
      %add3A_383 = arith.constant 3 : i32
      %add3A_384 = arith.addi %add3A_324, %add3A_383 : i32
      %get3A_385 = arith.index_cast %add3A_384 : i32 to index
      %get3A_386 = arith.constant 0 : index
      %get3A_387 = tpu.vector_load %arg14[%get3A_385, %get3A_386] {strides = array<i32>} : memref<1024x16xi32, #tpu.memory_space<vmem>>, vector<1x16xi32>,
      %get3A_388 = vector.shape_cast %get3A_387 : vector<1x16xi32> to vector<16xi32>
      %reshape3A_389 = vector.shape_cast %and3A_47 : vector<16xi32> to vector<16x1xi32>
      %gather3A_390 = vector.shape_cast %reshape3A_389 : vector<16x1xi32> to vector<16xi32>
      %gather3A_391 = tpu.dynamic_gather %get3A_388[%gather3A_390] in [0] : vector<16xi32>, vector<16xi32> -> vector<16xi32>
      %select_n3A_392 = arith.select %eq3A_31, %gather3A_391, %select_n3A_372 : vector<16xi1>, vector<16xi32>
      %reshape3A_393 = vector.shape_cast %xor3A_7 : vector<16xi32> to vector<16x1xi32>
      %gather3A_394 = vector.shape_cast %reshape3A_393 : vector<16x1xi32> to vector<16xi32>
      %gather3A_395 = tpu.dynamic_gather %select_n3A_382[%gather3A_394] in [0] : vector<16xi32>, vector<16xi32> -> vector<16xi32>
      %sub3A_396 = arith.subi %gather3A_395, %select_n3A_382 : vector<16xi32>
      %reshape3A_397 = vector.shape_cast %mul3A_53 : vector<16xi32> to vector<16x1xi32>
      %gather3A_398 = vector.shape_cast %reshape3A_397 : vector<16x1xi32> to vector<16xi32>
      %gather3A_399 = tpu.dynamic_gather %sub3A_396[%gather3A_398] in [0] : vector<16xi32>, vector<16xi32> -> vector<16xi32>
      %select_n3A_400 = arith.select %eq3A_19, %gather3A_399, %select_n3A_312 : vector<16xi1>, vector<16xi32>
      %reshape3A_401 = vector.shape_cast %add3A_56 : vector<16xi32> to vector<16x1xi32>
      %gather3A_402 = vector.shape_cast %reshape3A_401 : vector<16x1xi32> to vector<16xi32>
      %gather3A_403 = tpu.dynamic_gather %sub3A_396[%gather3A_402] in [0] : vector<16xi32>, vector<16xi32> -> vector<16xi32>
      %select_n3A_404 = arith.select %eq3A_19, %gather3A_403, %select_n3A_316 : vector<16xi1>, vector<16xi32>
      %reshape3A_405 = vector.shape_cast %mul3A_53 : vector<16xi32> to vector<16x1xi32>
      %gather3A_406 = vector.shape_cast %reshape3A_405 : vector<16x1xi32> to vector<16xi32>
      %gather3A_407 = tpu.dynamic_gather %select_n3A_392[%gather3A_406] in [0] : vector<16xi32>, vector<16xi32> -> vector<16xi32>
      %select_n3A_408 = arith.select %eq3A_19, %gather3A_407, %select_n3A_320 : vector<16xi1>, vector<16xi32>
      %mul3A_409 = arith.constant 16 : i32
      %mul3A_410 = arith.muli %scan3A_235, %mul3A_409 : i32
      %add3A_411 = arith.constant 8 : i32
      %add3A_412 = arith.addi %mul3A_410, %add3A_411 : i32
      %get3A_413 = arith.index_cast %add3A_412 : i32 to index
      %get3A_414 = arith.constant 0 : index
      %get3A_415 = tpu.vector_load %arg11[%get3A_413, %get3A_414] {strides = array<i32>} : memref<1024x16xi32, #tpu.memory_space<vmem>>, vector<1x16xi32>,
      %get3A_416 = vector.shape_cast %get3A_415 : vector<1x16xi32> to vector<16xi32>
      %get3A_417 = arith.index_cast %add3A_412 : i32 to index
      %get3A_418 = arith.constant 0 : index
      %get3A_419 = tpu.vector_load %arg14[%get3A_417, %get3A_418] {strides = array<i32>} : memref<1024x16xi32, #tpu.memory_space<vmem>>, vector<1x16xi32>,
      %get3A_420 = vector.shape_cast %get3A_419 : vector<1x16xi32> to vector<16xi32>
      %add3A_421 = arith.constant 1 : i32
      %add3A_422 = arith.addi %add3A_412, %add3A_421 : i32
      %get3A_423 = arith.index_cast %add3A_422 : i32 to index
      %get3A_424 = arith.constant 0 : index
      %get3A_425 = tpu.vector_load %arg11[%get3A_423, %get3A_424] {strides = array<i32>} : memref<1024x16xi32, #tpu.memory_space<vmem>>, vector<1x16xi32>,
      %get3A_426 = vector.shape_cast %get3A_425 : vector<1x16xi32> to vector<16xi32>
      %reshape3A_427 = vector.shape_cast %and3A_35 : vector<16xi32> to vector<16x1xi32>
      %gather3A_428 = vector.shape_cast %reshape3A_427 : vector<16x1xi32> to vector<16xi32>
      %gather3A_429 = tpu.dynamic_gather %get3A_426[%gather3A_428] in [0] : vector<16xi32>, vector<16xi32> -> vector<16xi32>
      %select_n3A_430 = arith.select %eq3A_19, %gather3A_429, %get3A_416 : vector<16xi1>, vector<16xi32>
      %add3A_431 = arith.constant 1 : i32
      %add3A_432 = arith.addi %add3A_412, %add3A_431 : i32
      %get3A_433 = arith.index_cast %add3A_432 : i32 to index
      %get3A_434 = arith.constant 0 : index
      %get3A_435 = tpu.vector_load %arg14[%get3A_433, %get3A_434] {strides = array<i32>} : memref<1024x16xi32, #tpu.memory_space<vmem>>, vector<1x16xi32>,
      %get3A_436 = vector.shape_cast %get3A_435 : vector<1x16xi32> to vector<16xi32>
      %reshape3A_437 = vector.shape_cast %and3A_35 : vector<16xi32> to vector<16x1xi32>
      %gather3A_438 = vector.shape_cast %reshape3A_437 : vector<16x1xi32> to vector<16xi32>
      %gather3A_439 = tpu.dynamic_gather %get3A_436[%gather3A_438] in [0] : vector<16xi32>, vector<16xi32> -> vector<16xi32>
      %select_n3A_440 = arith.select %eq3A_19, %gather3A_439, %get3A_420 : vector<16xi1>, vector<16xi32>
      %add3A_441 = arith.constant 2 : i32
      %add3A_442 = arith.addi %add3A_412, %add3A_441 : i32
      %get3A_443 = arith.index_cast %add3A_442 : i32 to index
      %get3A_444 = arith.constant 0 : index
      %get3A_445 = tpu.vector_load %arg11[%get3A_443, %get3A_444] {strides = array<i32>} : memref<1024x16xi32, #tpu.memory_space<vmem>>, vector<1x16xi32>,
      %get3A_446 = vector.shape_cast %get3A_445 : vector<1x16xi32> to vector<16xi32>
      %reshape3A_447 = vector.shape_cast %and3A_41 : vector<16xi32> to vector<16x1xi32>
      %gather3A_448 = vector.shape_cast %reshape3A_447 : vector<16x1xi32> to vector<16xi32>
      %gather3A_449 = tpu.dynamic_gather %get3A_446[%gather3A_448] in [0] : vector<16xi32>, vector<16xi32> -> vector<16xi32>
      %select_n3A_450 = arith.select %eq3A_25, %gather3A_449, %select_n3A_430 : vector<16xi1>, vector<16xi32>
      %add3A_451 = arith.constant 2 : i32
      %add3A_452 = arith.addi %add3A_412, %add3A_451 : i32
      %get3A_453 = arith.index_cast %add3A_452 : i32 to index
      %get3A_454 = arith.constant 0 : index
      %get3A_455 = tpu.vector_load %arg14[%get3A_453, %get3A_454] {strides = array<i32>} : memref<1024x16xi32, #tpu.memory_space<vmem>>, vector<1x16xi32>,
      %get3A_456 = vector.shape_cast %get3A_455 : vector<1x16xi32> to vector<16xi32>
      %reshape3A_457 = vector.shape_cast %and3A_41 : vector<16xi32> to vector<16x1xi32>
      %gather3A_458 = vector.shape_cast %reshape3A_457 : vector<16x1xi32> to vector<16xi32>
      %gather3A_459 = tpu.dynamic_gather %get3A_456[%gather3A_458] in [0] : vector<16xi32>, vector<16xi32> -> vector<16xi32>
      %select_n3A_460 = arith.select %eq3A_25, %gather3A_459, %select_n3A_440 : vector<16xi1>, vector<16xi32>
      %add3A_461 = arith.constant 3 : i32
      %add3A_462 = arith.addi %add3A_412, %add3A_461 : i32
      %get3A_463 = arith.index_cast %add3A_462 : i32 to index
      %get3A_464 = arith.constant 0 : index
      %get3A_465 = tpu.vector_load %arg11[%get3A_463, %get3A_464] {strides = array<i32>} : memref<1024x16xi32, #tpu.memory_space<vmem>>, vector<1x16xi32>,
      %get3A_466 = vector.shape_cast %get3A_465 : vector<1x16xi32> to vector<16xi32>
      %reshape3A_467 = vector.shape_cast %and3A_47 : vector<16xi32> to vector<16x1xi32>
      %gather3A_468 = vector.shape_cast %reshape3A_467 : vector<16x1xi32> to vector<16xi32>
      %gather3A_469 = tpu.dynamic_gather %get3A_466[%gather3A_468] in [0] : vector<16xi32>, vector<16xi32> -> vector<16xi32>
      %select_n3A_470 = arith.select %eq3A_31, %gather3A_469, %select_n3A_450 : vector<16xi1>, vector<16xi32>
      %add3A_471 = arith.constant 3 : i32
      %add3A_472 = arith.addi %add3A_412, %add3A_471 : i32
      %get3A_473 = arith.index_cast %add3A_472 : i32 to index
      %get3A_474 = arith.constant 0 : index
      %get3A_475 = tpu.vector_load %arg14[%get3A_473, %get3A_474] {strides = array<i32>} : memref<1024x16xi32, #tpu.memory_space<vmem>>, vector<1x16xi32>,
      %get3A_476 = vector.shape_cast %get3A_475 : vector<1x16xi32> to vector<16xi32>
      %reshape3A_477 = vector.shape_cast %and3A_47 : vector<16xi32> to vector<16x1xi32>
      %gather3A_478 = vector.shape_cast %reshape3A_477 : vector<16x1xi32> to vector<16xi32>
      %gather3A_479 = tpu.dynamic_gather %get3A_476[%gather3A_478] in [0] : vector<16xi32>, vector<16xi32> -> vector<16xi32>
      %select_n3A_480 = arith.select %eq3A_31, %gather3A_479, %select_n3A_460 : vector<16xi1>, vector<16xi32>
      %reshape3A_481 = vector.shape_cast %xor3A_7 : vector<16xi32> to vector<16x1xi32>
      %gather3A_482 = vector.shape_cast %reshape3A_481 : vector<16x1xi32> to vector<16xi32>
      %gather3A_483 = tpu.dynamic_gather %select_n3A_470[%gather3A_482] in [0] : vector<16xi32>, vector<16xi32> -> vector<16xi32>
      %sub3A_484 = arith.subi %gather3A_483, %select_n3A_470 : vector<16xi32>
      %reshape3A_485 = vector.shape_cast %mul3A_53 : vector<16xi32> to vector<16x1xi32>
      %gather3A_486 = vector.shape_cast %reshape3A_485 : vector<16x1xi32> to vector<16xi32>
      %gather3A_487 = tpu.dynamic_gather %sub3A_484[%gather3A_486] in [0] : vector<16xi32>, vector<16xi32> -> vector<16xi32>
      %select_n3A_488 = arith.select %eq3A_25, %gather3A_487, %select_n3A_400 : vector<16xi1>, vector<16xi32>
      %reshape3A_489 = vector.shape_cast %add3A_56 : vector<16xi32> to vector<16x1xi32>
      %gather3A_490 = vector.shape_cast %reshape3A_489 : vector<16x1xi32> to vector<16xi32>
      %gather3A_491 = tpu.dynamic_gather %sub3A_484[%gather3A_490] in [0] : vector<16xi32>, vector<16xi32> -> vector<16xi32>
      %select_n3A_492 = arith.select %eq3A_25, %gather3A_491, %select_n3A_404 : vector<16xi1>, vector<16xi32>
      %reshape3A_493 = vector.shape_cast %mul3A_53 : vector<16xi32> to vector<16x1xi32>
      %gather3A_494 = vector.shape_cast %reshape3A_493 : vector<16x1xi32> to vector<16xi32>
      %gather3A_495 = tpu.dynamic_gather %select_n3A_480[%gather3A_494] in [0] : vector<16xi32>, vector<16xi32> -> vector<16xi32>
      %select_n3A_496 = arith.select %eq3A_25, %gather3A_495, %select_n3A_408 : vector<16xi1>, vector<16xi32>
      %mul3A_497 = arith.constant 16 : i32
      %mul3A_498 = arith.muli %scan3A_235, %mul3A_497 : i32
      %add3A_499 = arith.constant 12 : i32
      %add3A_500 = arith.addi %mul3A_498, %add3A_499 : i32
      %get3A_501 = arith.index_cast %add3A_500 : i32 to index
      %get3A_502 = arith.constant 0 : index
      %get3A_503 = tpu.vector_load %arg11[%get3A_501, %get3A_502] {strides = array<i32>} : memref<1024x16xi32, #tpu.memory_space<vmem>>, vector<1x16xi32>,
      %get3A_504 = vector.shape_cast %get3A_503 : vector<1x16xi32> to vector<16xi32>
      %get3A_505 = arith.index_cast %add3A_500 : i32 to index
      %get3A_506 = arith.constant 0 : index
      %get3A_507 = tpu.vector_load %arg14[%get3A_505, %get3A_506] {strides = array<i32>} : memref<1024x16xi32, #tpu.memory_space<vmem>>, vector<1x16xi32>,
      %get3A_508 = vector.shape_cast %get3A_507 : vector<1x16xi32> to vector<16xi32>
      %add3A_509 = arith.constant 1 : i32
      %add3A_510 = arith.addi %add3A_500, %add3A_509 : i32
      %get3A_511 = arith.index_cast %add3A_510 : i32 to index
      %get3A_512 = arith.constant 0 : index
      %get3A_513 = tpu.vector_load %arg11[%get3A_511, %get3A_512] {strides = array<i32>} : memref<1024x16xi32, #tpu.memory_space<vmem>>, vector<1x16xi32>,
      %get3A_514 = vector.shape_cast %get3A_513 : vector<1x16xi32> to vector<16xi32>
      %reshape3A_515 = vector.shape_cast %and3A_35 : vector<16xi32> to vector<16x1xi32>
      %gather3A_516 = vector.shape_cast %reshape3A_515 : vector<16x1xi32> to vector<16xi32>
      %gather3A_517 = tpu.dynamic_gather %get3A_514[%gather3A_516] in [0] : vector<16xi32>, vector<16xi32> -> vector<16xi32>
      %select_n3A_518 = arith.select %eq3A_19, %gather3A_517, %get3A_504 : vector<16xi1>, vector<16xi32>
      %add3A_519 = arith.constant 1 : i32
      %add3A_520 = arith.addi %add3A_500, %add3A_519 : i32
      %get3A_521 = arith.index_cast %add3A_520 : i32 to index
      %get3A_522 = arith.constant 0 : index
      %get3A_523 = tpu.vector_load %arg14[%get3A_521, %get3A_522] {strides = array<i32>} : memref<1024x16xi32, #tpu.memory_space<vmem>>, vector<1x16xi32>,
      %get3A_524 = vector.shape_cast %get3A_523 : vector<1x16xi32> to vector<16xi32>
      %reshape3A_525 = vector.shape_cast %and3A_35 : vector<16xi32> to vector<16x1xi32>
      %gather3A_526 = vector.shape_cast %reshape3A_525 : vector<16x1xi32> to vector<16xi32>
      %gather3A_527 = tpu.dynamic_gather %get3A_524[%gather3A_526] in [0] : vector<16xi32>, vector<16xi32> -> vector<16xi32>
      %select_n3A_528 = arith.select %eq3A_19, %gather3A_527, %get3A_508 : vector<16xi1>, vector<16xi32>
      %add3A_529 = arith.constant 2 : i32
      %add3A_530 = arith.addi %add3A_500, %add3A_529 : i32
      %get3A_531 = arith.index_cast %add3A_530 : i32 to index
      %get3A_532 = arith.constant 0 : index
      %get3A_533 = tpu.vector_load %arg11[%get3A_531, %get3A_532] {strides = array<i32>} : memref<1024x16xi32, #tpu.memory_space<vmem>>, vector<1x16xi32>,
      %get3A_534 = vector.shape_cast %get3A_533 : vector<1x16xi32> to vector<16xi32>
      %reshape3A_535 = vector.shape_cast %and3A_41 : vector<16xi32> to vector<16x1xi32>
      %gather3A_536 = vector.shape_cast %reshape3A_535 : vector<16x1xi32> to vector<16xi32>
      %gather3A_537 = tpu.dynamic_gather %get3A_534[%gather3A_536] in [0] : vector<16xi32>, vector<16xi32> -> vector<16xi32>
      %select_n3A_538 = arith.select %eq3A_25, %gather3A_537, %select_n3A_518 : vector<16xi1>, vector<16xi32>
      %add3A_539 = arith.constant 2 : i32
      %add3A_540 = arith.addi %add3A_500, %add3A_539 : i32
      %get3A_541 = arith.index_cast %add3A_540 : i32 to index
      %get3A_542 = arith.constant 0 : index
      %get3A_543 = tpu.vector_load %arg14[%get3A_541, %get3A_542] {strides = array<i32>} : memref<1024x16xi32, #tpu.memory_space<vmem>>, vector<1x16xi32>,
      %get3A_544 = vector.shape_cast %get3A_543 : vector<1x16xi32> to vector<16xi32>
      %reshape3A_545 = vector.shape_cast %and3A_41 : vector<16xi32> to vector<16x1xi32>
      %gather3A_546 = vector.shape_cast %reshape3A_545 : vector<16x1xi32> to vector<16xi32>
      %gather3A_547 = tpu.dynamic_gather %get3A_544[%gather3A_546] in [0] : vector<16xi32>, vector<16xi32> -> vector<16xi32>
      %select_n3A_548 = arith.select %eq3A_25, %gather3A_547, %select_n3A_528 : vector<16xi1>, vector<16xi32>
      %add3A_549 = arith.constant 3 : i32
      %add3A_550 = arith.addi %add3A_500, %add3A_549 : i32
      %get3A_551 = arith.index_cast %add3A_550 : i32 to index
      %get3A_552 = arith.constant 0 : index
      %get3A_553 = tpu.vector_load %arg11[%get3A_551, %get3A_552] {strides = array<i32>} : memref<1024x16xi32, #tpu.memory_space<vmem>>, vector<1x16xi32>,
      %get3A_554 = vector.shape_cast %get3A_553 : vector<1x16xi32> to vector<16xi32>
      %reshape3A_555 = vector.shape_cast %and3A_47 : vector<16xi32> to vector<16x1xi32>
      %gather3A_556 = vector.shape_cast %reshape3A_555 : vector<16x1xi32> to vector<16xi32>
      %gather3A_557 = tpu.dynamic_gather %get3A_554[%gather3A_556] in [0] : vector<16xi32>, vector<16xi32> -> vector<16xi32>
      %select_n3A_558 = arith.select %eq3A_31, %gather3A_557, %select_n3A_538 : vector<16xi1>, vector<16xi32>
      %add3A_559 = arith.constant 3 : i32
      %add3A_560 = arith.addi %add3A_500, %add3A_559 : i32
      %get3A_561 = arith.index_cast %add3A_560 : i32 to index
      %get3A_562 = arith.constant 0 : index
      %get3A_563 = tpu.vector_load %arg14[%get3A_561, %get3A_562] {strides = array<i32>} : memref<1024x16xi32, #tpu.memory_space<vmem>>, vector<1x16xi32>,
      %get3A_564 = vector.shape_cast %get3A_563 : vector<1x16xi32> to vector<16xi32>
      %reshape3A_565 = vector.shape_cast %and3A_47 : vector<16xi32> to vector<16x1xi32>
      %gather3A_566 = vector.shape_cast %reshape3A_565 : vector<16x1xi32> to vector<16xi32>
      %gather3A_567 = tpu.dynamic_gather %get3A_564[%gather3A_566] in [0] : vector<16xi32>, vector<16xi32> -> vector<16xi32>
      %select_n3A_568 = arith.select %eq3A_31, %gather3A_567, %select_n3A_548 : vector<16xi1>, vector<16xi32>
      %reshape3A_569 = vector.shape_cast %xor3A_7 : vector<16xi32> to vector<16x1xi32>
      %gather3A_570 = vector.shape_cast %reshape3A_569 : vector<16x1xi32> to vector<16xi32>
      %gather3A_571 = tpu.dynamic_gather %select_n3A_558[%gather3A_570] in [0] : vector<16xi32>, vector<16xi32> -> vector<16xi32>
      %sub3A_572 = arith.subi %gather3A_571, %select_n3A_558 : vector<16xi32>
      %reshape3A_573 = vector.shape_cast %mul3A_53 : vector<16xi32> to vector<16x1xi32>
      %gather3A_574 = vector.shape_cast %reshape3A_573 : vector<16x1xi32> to vector<16xi32>
      %gather3A_575 = tpu.dynamic_gather %sub3A_572[%gather3A_574] in [0] : vector<16xi32>, vector<16xi32> -> vector<16xi32>
      %select_n3A_576 = arith.select %eq3A_31, %gather3A_575, %select_n3A_488 : vector<16xi1>, vector<16xi32>
      %reshape3A_577 = vector.shape_cast %add3A_56 : vector<16xi32> to vector<16x1xi32>
      %gather3A_578 = vector.shape_cast %reshape3A_577 : vector<16x1xi32> to vector<16xi32>
      %gather3A_579 = tpu.dynamic_gather %sub3A_572[%gather3A_578] in [0] : vector<16xi32>, vector<16xi32> -> vector<16xi32>
      %select_n3A_580 = arith.select %eq3A_31, %gather3A_579, %select_n3A_492 : vector<16xi1>, vector<16xi32>
      %reshape3A_581 = vector.shape_cast %mul3A_53 : vector<16xi32> to vector<16x1xi32>
      %gather3A_582 = vector.shape_cast %reshape3A_581 : vector<16x1xi32> to vector<16xi32>
      %gather3A_583 = tpu.dynamic_gather %select_n3A_568[%gather3A_582] in [0] : vector<16xi32>, vector<16xi32> -> vector<16xi32>
      %select_n3A_584 = arith.select %eq3A_31, %gather3A_583, %select_n3A_496 : vector<16xi1>, vector<16xi32>
      %abs3A = math.absi %select_n3A_576 : vector<16xi32>
      %abs3A_585 = math.absi %select_n3A_580 : vector<16xi32>
      %gt3A = arith.constant 1 : i32
      %gt3A_586 = vector.broadcast %gt3A : i32 to vector<16xi32>
      %gt3A_587 = arith.cmpi sgt, %select_n3A_580, %gt3A_586 : vector<16xi32>
      %gt3A_588 = arith.constant 0 : i32
      %gt3A_589 = vector.broadcast %gt3A_588 : i32 to vector<16xi32>
      %gt3A_590 = arith.cmpi sgt, %select_n3A_576, %gt3A_589 : vector<16xi32>
      %jit3A = arith.constant 12 : i32
      %eq3A_591 = arith.constant 0 : i32
      %eq3A_592 = arith.cmpi eq, %jit3A, %eq3A_591 : i32
      %jit3A_593 = arith.constant 1 : i32
      %select_n3A_594 = arith.select %eq3A_592, %jit3A_593, %jit3A : i32
      %rem3A = vector.broadcast %select_n3A_594 : i32 to vector<16xi32>
      %rem3A_595 = arith.remsi %select_n3A_584, %rem3A : vector<16xi32>
      %ne3A = arith.constant 0 : i32
      %ne3A_596 = vector.broadcast %ne3A : i32 to vector<16xi32>
      %ne3A_597 = arith.cmpi ne, %rem3A_595, %ne3A_596 : vector<16xi32>
      %lt3A = arith.constant 0 : i32
      %lt3A_598 = vector.broadcast %lt3A : i32 to vector<16xi32>
      %lt3A_599 = arith.cmpi slt, %rem3A_595, %lt3A_598 : vector<16xi32>
      %lt3A_600 = arith.constant 0 : i32
      %lt3A_601 = arith.cmpi slt, %select_n3A_594, %lt3A_600 : i32
      %ne3A_602 = vector.broadcast %lt3A_601 : i1 to vector<16xi1>
      %ne3A_603 = vector.broadcast %ne3A_602 : vector<16xi1> to vector<16xi1>
      %ne3A_604 = arith.xori %lt3A_599, %ne3A_603 : vector<16xi1>
      %and3A_605 = arith.andi %ne3A_604, %ne3A_597 : vector<16xi1>
      %add3A_606 = vector.broadcast %select_n3A_594 : i32 to vector<16xi32>
      %add3A_607 = arith.addi %rem3A_595, %add3A_606 : vector<16xi32>
      %select_n3A_608 = arith.select %and3A_605, %add3A_607, %rem3A_595 : vector<16xi1>, vector<16xi32>
      %lt3A_609 = arith.constant 4 : i32
      %lt3A_610 = vector.broadcast %lt3A_609 : i32 to vector<16xi32>
      %lt3A_611 = arith.cmpi slt, %select_n3A_608, %lt3A_610 : vector<16xi32>
      %le3A = arith.constant 2 : i32
      %le3A_612 = vector.broadcast %le3A : i32 to vector<16xi32>
      %le3A_613 = arith.cmpi sle, %abs3A_585, %le3A_612 : vector<16xi32>
      %jit3A_614 = arith.constant 5 : i32
      %jit3A_615 = arith.constant 2 : i32
      %broadcast_in_dim3A_616 = vector.broadcast %jit3A_614 : i32 to vector<16xi32>
      %broadcast_in_dim3A_617 = vector.broadcast %jit3A_615 : i32 to vector<16xi32>
      %select_n3A_618 = arith.select %gt3A_587, %broadcast_in_dim3A_616, %broadcast_in_dim3A_617 : vector<16xi1>, vector<16xi32>
      %gt3A_619 = arith.constant 26 : i32
      %gt3A_620 = vector.broadcast %gt3A_619 : i32 to vector<16xi32>
      %gt3A_621 = arith.cmpi sgt, %abs3A, %gt3A_620 : vector<16xi32>
      %and3A_622 = arith.andi %le3A_613, %gt3A_621 : vector<16xi1>
      %jit3A_623 = arith.constant 3 : i32
      %jit3A_624 = arith.constant 4 : i32
      %broadcast_in_dim3A_625 = vector.broadcast %jit3A_623 : i32 to vector<16xi32>
      %broadcast_in_dim3A_626 = vector.broadcast %jit3A_624 : i32 to vector<16xi32>
      %select_n3A_627 = arith.select %gt3A_590, %broadcast_in_dim3A_625, %broadcast_in_dim3A_626 : vector<16xi1>, vector<16xi32>
      %select_n3A_628 = arith.select %and3A_622, %select_n3A_627, %select_n3A_618 : vector<16xi1>, vector<16xi32>
      %lt3A_629 = arith.constant 23 : i32
      %lt3A_630 = vector.broadcast %lt3A_629 : i32 to vector<16xi32>
      %lt3A_631 = arith.cmpi slt, %abs3A, %lt3A_630 : vector<16xi32>
      %and3A_632 = arith.andi %le3A_613, %lt3A_631 : vector<16xi1>
      %jit3A_633 = arith.constant 4 : i32
      %jit3A_634 = arith.constant 3 : i32
      %broadcast_in_dim3A_635 = vector.broadcast %jit3A_633 : i32 to vector<16xi32>
      %broadcast_in_dim3A_636 = vector.broadcast %jit3A_634 : i32 to vector<16xi32>
      %select_n3A_637 = arith.select %gt3A_590, %broadcast_in_dim3A_635, %broadcast_in_dim3A_636 : vector<16xi1>, vector<16xi32>
      %select_n3A_638 = arith.select %and3A_632, %select_n3A_637, %select_n3A_628 : vector<16xi1>, vector<16xi32>
      %ge3A = arith.constant 23 : i32
      %ge3A_639 = vector.broadcast %ge3A : i32 to vector<16xi32>
      %ge3A_640 = arith.cmpi sge, %abs3A, %ge3A_639 : vector<16xi32>
      %and3A_641 = arith.andi %le3A_613, %ge3A_640 : vector<16xi1>
      %le3A_642 = arith.constant 26 : i32
      %le3A_643 = vector.broadcast %le3A_642 : i32 to vector<16xi32>
      %le3A_644 = arith.cmpi sle, %abs3A, %le3A_643 : vector<16xi32>
      %and3A_645 = arith.andi %and3A_641, %le3A_644 : vector<16xi1>
      %jit3A_646 = arith.constant 1 : i32
      %jit3A_647 = arith.constant 0 : i32
      %broadcast_in_dim3A_648 = vector.broadcast %jit3A_646 : i32 to vector<16xi32>
      %broadcast_in_dim3A_649 = vector.broadcast %jit3A_647 : i32 to vector<16xi32>
      %select_n3A_650 = arith.select %lt3A_611, %broadcast_in_dim3A_648, %broadcast_in_dim3A_649 : vector<16xi1>, vector<16xi32>
      %select_n3A_651 = arith.select %and3A_645, %select_n3A_650, %select_n3A_638 : vector<16xi1>, vector<16xi32>
      %shift_left3A = arith.shli %broadcast_in_dim3A_5, %select_n3A_651 : vector<16xi32>
      %or3A = arith.ori %scan3A_236, %shift_left3A : vector<16xi32>
      scf.yield %or3A : vector<16xi32>
    }
    %scan3A_103 = arith.constant 64 : i32
    %scan3A_104 = arith.constant 0 : i32
    %scan3A_105 = arith.constant 0 : i32
    %scan3A_106 = arith.constant 64 : i32
    %scan3A_107 = arith.addi %scan3A_105, %scan3A_106 : i32
    %scan3A_108 = arith.constant 1 : i32
    scf.for %scan3A_235 = %scan3A_105 to %scan3A_107 step %scan3A_108  : i32 {
      %add3A_236 = arith.constant 3072 : i32
      %add3A_237 = arith.addi %add3A_4, %add3A_236 : i32
      %mul3A_238 = arith.constant 16 : i32
      %mul3A_239 = arith.muli %scan3A_235, %mul3A_238 : i32
      %add3A_240 = arith.addi %add3A_237, %mul3A_239 : i32
      %add3A_241 = vector.broadcast %add3A_240 : i32 to vector<16xi32>
      %add3A_242 = arith.addi %add3A_241, %iota3A : vector<16xi32>
      %mul3A_243 = arith.constant 8 : i32
      %mul3A_244 = vector.broadcast %mul3A_243 : i32 to vector<16xi32>
      %mul3A_245 = arith.muli %mul3A_244, %add3A_242 : vector<16xi32>
      %add3A_246 = arith.constant 2 : i32
      %add3A_247 = vector.broadcast %add3A_246 : i32 to vector<16xi32>
      %add3A_248 = arith.addi %mul3A_245, %add3A_247 : vector<16xi32>
      %mul3A_249 = arith.constant 16 : i32
      %mul3A_250 = arith.muli %scan3A_235, %mul3A_249 : i32
      %swap3A_251 = arith.index_cast %mul3A_250 : i32 to index
      %swap3A_252 = tpu.vector_load %arg5[%swap3A_251] {strides = array<i32>} : memref<1024xi32, #tpu.memory_space<vmem>>, vector<16xi32>,
      %swap3A_253 = vector.shape_cast %swap3A_252 : vector<16xi32> to vector<16xi32>
      %swap3A_254 = vector.shape_cast %add3A_248 : vector<16xi32> to vector<16xi32>
      tpu.vector_store %arg5[%swap3A_251], %swap3A_254 {strides = array<i32>} : memref<1024xi32, #tpu.memory_space<vmem>>, vector<16xi32>,
      %mul3A_255 = arith.constant 16 : i32
      %mul3A_256 = arith.muli %scan3A_235, %mul3A_255 : i32
      %swap3A_257 = arith.index_cast %mul3A_256 : i32 to index
      %swap3A_258 = tpu.vector_load %arg8[%swap3A_257] {strides = array<i32>} : memref<1024xi32, #tpu.memory_space<vmem>>, vector<16xi32>,
      %swap3A_259 = vector.shape_cast %swap3A_258 : vector<16xi32> to vector<16xi32>
      %swap3A_260 = vector.shape_cast %mul3A_245 : vector<16xi32> to vector<16xi32>
      tpu.vector_store %arg8[%swap3A_257], %swap3A_260 {strides = array<i32>} : memref<1024xi32, #tpu.memory_space<vmem>>, vector<16xi32>,
    }
    %scan3A_109 = arith.constant 64 : i32
    %dma_start3A_110 = arith.constant 0 : i32
    %dma_start3A_111 = arith.constant 0 : i32
    %dma_start3A_112 = tpu.memref_slice %arg2[%dma_start3A_110, %dma_start3A_111] : memref<2097152x16xi32, #tpu.memory_space<hbm>> -> memref<2097152x16xi32, #tpu.memory_space<hbm>>
    tpu.enqueue_indirect_dma source(%dma_start3A_112 : memref<2097152x16xi32, #tpu.memory_space<hbm>>) target(%arg11 : memref<1024x16xi32, #tpu.memory_space<vmem>>) offsets(%arg5 : memref<1024xi32, #tpu.memory_space<vmem>>) semaphore(%arg28 : memref<!tpu.dma_semaphore, #tpu.memory_space<semaphore_mem>>)
    %dma_start3A_113 = arith.constant 0 : i32
    %dma_start3A_114 = arith.constant 0 : i32
    %dma_start3A_115 = tpu.memref_slice %arg2[%dma_start3A_113, %dma_start3A_114] : memref<2097152x16xi32, #tpu.memory_space<hbm>> -> memref<2097152x16xi32, #tpu.memory_space<hbm>>
    tpu.enqueue_indirect_dma source(%dma_start3A_115 : memref<2097152x16xi32, #tpu.memory_space<hbm>>) target(%arg14 : memref<1024x16xi32, #tpu.memory_space<vmem>>) offsets(%arg8 : memref<1024xi32, #tpu.memory_space<vmem>>) semaphore(%arg28 : memref<!tpu.dma_semaphore, #tpu.memory_space<semaphore_mem>>)
    %dma_wait3A_116 = arith.constant 0 : i32
    %dma_wait3A_117 = arith.constant 0 : i32
    %dma_wait3A_118 = tpu.memref_slice %arg2[%dma_wait3A_116, %dma_wait3A_117] : memref<2097152x16xi32, #tpu.memory_space<hbm>> -> memref<2097152x16xi32, #tpu.memory_space<hbm>>
    tpu.wait_indirect_dma semaphore(%arg28 : memref<!tpu.dma_semaphore, #tpu.memory_space<semaphore_mem>>) src(%dma_wait3A_118 : memref<2097152x16xi32, #tpu.memory_space<hbm>>) dst(%arg12 : memref<1024x16xi32, #tpu.memory_space<vmem>>)
    %dma_wait3A_119 = arith.constant 0 : i32
    %dma_wait3A_120 = arith.constant 0 : i32
    %dma_wait3A_121 = tpu.memref_slice %arg2[%dma_wait3A_119, %dma_wait3A_120] : memref<2097152x16xi32, #tpu.memory_space<hbm>> -> memref<2097152x16xi32, #tpu.memory_space<hbm>>
    tpu.wait_indirect_dma semaphore(%arg28 : memref<!tpu.dma_semaphore, #tpu.memory_space<semaphore_mem>>) src(%dma_wait3A_121 : memref<2097152x16xi32, #tpu.memory_space<hbm>>) dst(%arg15 : memref<1024x16xi32, #tpu.memory_space<vmem>>)
    %scan3A_122 = arith.constant 0 : i32
    %scan3A_123 = arith.constant 64 : i32
    %scan3A_124 = arith.addi %scan3A_122, %scan3A_123 : i32
    %scan3A_125 = arith.constant 1 : i32
    %scan3A_126 = scf.for %scan3A_235 = %scan3A_122 to %scan3A_124 step %scan3A_125 iter_args(%scan3A_236 = %scan3A_102) -> (vector<16xi32>)  : i32 {
      %mul3A_237 = arith.constant 16 : i32
      %mul3A_238 = arith.muli %scan3A_235, %mul3A_237 : i32
      %add3A_239 = arith.constant 0 : i32
      %add3A_240 = arith.addi %mul3A_238, %add3A_239 : i32
      %get3A = arith.index_cast %add3A_240 : i32 to index
      %get3A_241 = arith.constant 0 : index
      %get3A_242 = tpu.vector_load %arg12[%get3A, %get3A_241] {strides = array<i32>} : memref<1024x16xi32, #tpu.memory_space<vmem>>, vector<1x16xi32>,
      %get3A_243 = vector.shape_cast %get3A_242 : vector<1x16xi32> to vector<16xi32>
      %get3A_244 = arith.index_cast %add3A_240 : i32 to index
      %get3A_245 = arith.constant 0 : index
      %get3A_246 = tpu.vector_load %arg15[%get3A_244, %get3A_245] {strides = array<i32>} : memref<1024x16xi32, #tpu.memory_space<vmem>>, vector<1x16xi32>,
      %get3A_247 = vector.shape_cast %get3A_246 : vector<1x16xi32> to vector<16xi32>
      %add3A_248 = arith.constant 1 : i32
      %add3A_249 = arith.addi %add3A_240, %add3A_248 : i32
      %get3A_250 = arith.index_cast %add3A_249 : i32 to index
      %get3A_251 = arith.constant 0 : index
      %get3A_252 = tpu.vector_load %arg12[%get3A_250, %get3A_251] {strides = array<i32>} : memref<1024x16xi32, #tpu.memory_space<vmem>>, vector<1x16xi32>,
      %get3A_253 = vector.shape_cast %get3A_252 : vector<1x16xi32> to vector<16xi32>
      %reshape3A = vector.shape_cast %and3A_35 : vector<16xi32> to vector<16x1xi32>
      %gather3A = vector.shape_cast %reshape3A : vector<16x1xi32> to vector<16xi32>
      %gather3A_254 = tpu.dynamic_gather %get3A_253[%gather3A] in [0] : vector<16xi32>, vector<16xi32> -> vector<16xi32>
      %select_n3A = arith.select %eq3A_19, %gather3A_254, %get3A_243 : vector<16xi1>, vector<16xi32>
      %add3A_255 = arith.constant 1 : i32
      %add3A_256 = arith.addi %add3A_240, %add3A_255 : i32
      %get3A_257 = arith.index_cast %add3A_256 : i32 to index
      %get3A_258 = arith.constant 0 : index
      %get3A_259 = tpu.vector_load %arg15[%get3A_257, %get3A_258] {strides = array<i32>} : memref<1024x16xi32, #tpu.memory_space<vmem>>, vector<1x16xi32>,
      %get3A_260 = vector.shape_cast %get3A_259 : vector<1x16xi32> to vector<16xi32>
      %reshape3A_261 = vector.shape_cast %and3A_35 : vector<16xi32> to vector<16x1xi32>
      %gather3A_262 = vector.shape_cast %reshape3A_261 : vector<16x1xi32> to vector<16xi32>
      %gather3A_263 = tpu.dynamic_gather %get3A_260[%gather3A_262] in [0] : vector<16xi32>, vector<16xi32> -> vector<16xi32>
      %select_n3A_264 = arith.select %eq3A_19, %gather3A_263, %get3A_247 : vector<16xi1>, vector<16xi32>
      %add3A_265 = arith.constant 2 : i32
      %add3A_266 = arith.addi %add3A_240, %add3A_265 : i32
      %get3A_267 = arith.index_cast %add3A_266 : i32 to index
      %get3A_268 = arith.constant 0 : index
      %get3A_269 = tpu.vector_load %arg12[%get3A_267, %get3A_268] {strides = array<i32>} : memref<1024x16xi32, #tpu.memory_space<vmem>>, vector<1x16xi32>,
      %get3A_270 = vector.shape_cast %get3A_269 : vector<1x16xi32> to vector<16xi32>
      %reshape3A_271 = vector.shape_cast %and3A_41 : vector<16xi32> to vector<16x1xi32>
      %gather3A_272 = vector.shape_cast %reshape3A_271 : vector<16x1xi32> to vector<16xi32>
      %gather3A_273 = tpu.dynamic_gather %get3A_270[%gather3A_272] in [0] : vector<16xi32>, vector<16xi32> -> vector<16xi32>
      %select_n3A_274 = arith.select %eq3A_25, %gather3A_273, %select_n3A : vector<16xi1>, vector<16xi32>
      %add3A_275 = arith.constant 2 : i32
      %add3A_276 = arith.addi %add3A_240, %add3A_275 : i32
      %get3A_277 = arith.index_cast %add3A_276 : i32 to index
      %get3A_278 = arith.constant 0 : index
      %get3A_279 = tpu.vector_load %arg15[%get3A_277, %get3A_278] {strides = array<i32>} : memref<1024x16xi32, #tpu.memory_space<vmem>>, vector<1x16xi32>,
      %get3A_280 = vector.shape_cast %get3A_279 : vector<1x16xi32> to vector<16xi32>
      %reshape3A_281 = vector.shape_cast %and3A_41 : vector<16xi32> to vector<16x1xi32>
      %gather3A_282 = vector.shape_cast %reshape3A_281 : vector<16x1xi32> to vector<16xi32>
      %gather3A_283 = tpu.dynamic_gather %get3A_280[%gather3A_282] in [0] : vector<16xi32>, vector<16xi32> -> vector<16xi32>
      %select_n3A_284 = arith.select %eq3A_25, %gather3A_283, %select_n3A_264 : vector<16xi1>, vector<16xi32>
      %add3A_285 = arith.constant 3 : i32
      %add3A_286 = arith.addi %add3A_240, %add3A_285 : i32
      %get3A_287 = arith.index_cast %add3A_286 : i32 to index
      %get3A_288 = arith.constant 0 : index
      %get3A_289 = tpu.vector_load %arg12[%get3A_287, %get3A_288] {strides = array<i32>} : memref<1024x16xi32, #tpu.memory_space<vmem>>, vector<1x16xi32>,
      %get3A_290 = vector.shape_cast %get3A_289 : vector<1x16xi32> to vector<16xi32>
      %reshape3A_291 = vector.shape_cast %and3A_47 : vector<16xi32> to vector<16x1xi32>
      %gather3A_292 = vector.shape_cast %reshape3A_291 : vector<16x1xi32> to vector<16xi32>
      %gather3A_293 = tpu.dynamic_gather %get3A_290[%gather3A_292] in [0] : vector<16xi32>, vector<16xi32> -> vector<16xi32>
      %select_n3A_294 = arith.select %eq3A_31, %gather3A_293, %select_n3A_274 : vector<16xi1>, vector<16xi32>
      %add3A_295 = arith.constant 3 : i32
      %add3A_296 = arith.addi %add3A_240, %add3A_295 : i32
      %get3A_297 = arith.index_cast %add3A_296 : i32 to index
      %get3A_298 = arith.constant 0 : index
      %get3A_299 = tpu.vector_load %arg15[%get3A_297, %get3A_298] {strides = array<i32>} : memref<1024x16xi32, #tpu.memory_space<vmem>>, vector<1x16xi32>,
      %get3A_300 = vector.shape_cast %get3A_299 : vector<1x16xi32> to vector<16xi32>
      %reshape3A_301 = vector.shape_cast %and3A_47 : vector<16xi32> to vector<16x1xi32>
      %gather3A_302 = vector.shape_cast %reshape3A_301 : vector<16x1xi32> to vector<16xi32>
      %gather3A_303 = tpu.dynamic_gather %get3A_300[%gather3A_302] in [0] : vector<16xi32>, vector<16xi32> -> vector<16xi32>
      %select_n3A_304 = arith.select %eq3A_31, %gather3A_303, %select_n3A_284 : vector<16xi1>, vector<16xi32>
      %reshape3A_305 = vector.shape_cast %xor3A_7 : vector<16xi32> to vector<16x1xi32>
      %gather3A_306 = vector.shape_cast %reshape3A_305 : vector<16x1xi32> to vector<16xi32>
      %gather3A_307 = tpu.dynamic_gather %select_n3A_294[%gather3A_306] in [0] : vector<16xi32>, vector<16xi32> -> vector<16xi32>
      %sub3A_308 = arith.subi %gather3A_307, %select_n3A_294 : vector<16xi32>
      %reshape3A_309 = vector.shape_cast %mul3A_53 : vector<16xi32> to vector<16x1xi32>
      %gather3A_310 = vector.shape_cast %reshape3A_309 : vector<16x1xi32> to vector<16xi32>
      %gather3A_311 = tpu.dynamic_gather %sub3A_308[%gather3A_310] in [0] : vector<16xi32>, vector<16xi32> -> vector<16xi32>
      %select_n3A_312 = arith.select %eq3A_13, %gather3A_311, %broadcast_in_dim3A_9 : vector<16xi1>, vector<16xi32>
      %reshape3A_313 = vector.shape_cast %add3A_56 : vector<16xi32> to vector<16x1xi32>
      %gather3A_314 = vector.shape_cast %reshape3A_313 : vector<16x1xi32> to vector<16xi32>
      %gather3A_315 = tpu.dynamic_gather %sub3A_308[%gather3A_314] in [0] : vector<16xi32>, vector<16xi32> -> vector<16xi32>
      %select_n3A_316 = arith.select %eq3A_13, %gather3A_315, %broadcast_in_dim3A_9 : vector<16xi1>, vector<16xi32>
      %reshape3A_317 = vector.shape_cast %mul3A_53 : vector<16xi32> to vector<16x1xi32>
      %gather3A_318 = vector.shape_cast %reshape3A_317 : vector<16x1xi32> to vector<16xi32>
      %gather3A_319 = tpu.dynamic_gather %select_n3A_304[%gather3A_318] in [0] : vector<16xi32>, vector<16xi32> -> vector<16xi32>
      %select_n3A_320 = arith.select %eq3A_13, %gather3A_319, %broadcast_in_dim3A_9 : vector<16xi1>, vector<16xi32>
      %mul3A_321 = arith.constant 16 : i32
      %mul3A_322 = arith.muli %scan3A_235, %mul3A_321 : i32
      %add3A_323 = arith.constant 4 : i32
      %add3A_324 = arith.addi %mul3A_322, %add3A_323 : i32
      %get3A_325 = arith.index_cast %add3A_324 : i32 to index
      %get3A_326 = arith.constant 0 : index
      %get3A_327 = tpu.vector_load %arg12[%get3A_325, %get3A_326] {strides = array<i32>} : memref<1024x16xi32, #tpu.memory_space<vmem>>, vector<1x16xi32>,
      %get3A_328 = vector.shape_cast %get3A_327 : vector<1x16xi32> to vector<16xi32>
      %get3A_329 = arith.index_cast %add3A_324 : i32 to index
      %get3A_330 = arith.constant 0 : index
      %get3A_331 = tpu.vector_load %arg15[%get3A_329, %get3A_330] {strides = array<i32>} : memref<1024x16xi32, #tpu.memory_space<vmem>>, vector<1x16xi32>,
      %get3A_332 = vector.shape_cast %get3A_331 : vector<1x16xi32> to vector<16xi32>
      %add3A_333 = arith.constant 1 : i32
      %add3A_334 = arith.addi %add3A_324, %add3A_333 : i32
      %get3A_335 = arith.index_cast %add3A_334 : i32 to index
      %get3A_336 = arith.constant 0 : index
      %get3A_337 = tpu.vector_load %arg12[%get3A_335, %get3A_336] {strides = array<i32>} : memref<1024x16xi32, #tpu.memory_space<vmem>>, vector<1x16xi32>,
      %get3A_338 = vector.shape_cast %get3A_337 : vector<1x16xi32> to vector<16xi32>
      %reshape3A_339 = vector.shape_cast %and3A_35 : vector<16xi32> to vector<16x1xi32>
      %gather3A_340 = vector.shape_cast %reshape3A_339 : vector<16x1xi32> to vector<16xi32>
      %gather3A_341 = tpu.dynamic_gather %get3A_338[%gather3A_340] in [0] : vector<16xi32>, vector<16xi32> -> vector<16xi32>
      %select_n3A_342 = arith.select %eq3A_19, %gather3A_341, %get3A_328 : vector<16xi1>, vector<16xi32>
      %add3A_343 = arith.constant 1 : i32
      %add3A_344 = arith.addi %add3A_324, %add3A_343 : i32
      %get3A_345 = arith.index_cast %add3A_344 : i32 to index
      %get3A_346 = arith.constant 0 : index
      %get3A_347 = tpu.vector_load %arg15[%get3A_345, %get3A_346] {strides = array<i32>} : memref<1024x16xi32, #tpu.memory_space<vmem>>, vector<1x16xi32>,
      %get3A_348 = vector.shape_cast %get3A_347 : vector<1x16xi32> to vector<16xi32>
      %reshape3A_349 = vector.shape_cast %and3A_35 : vector<16xi32> to vector<16x1xi32>
      %gather3A_350 = vector.shape_cast %reshape3A_349 : vector<16x1xi32> to vector<16xi32>
      %gather3A_351 = tpu.dynamic_gather %get3A_348[%gather3A_350] in [0] : vector<16xi32>, vector<16xi32> -> vector<16xi32>
      %select_n3A_352 = arith.select %eq3A_19, %gather3A_351, %get3A_332 : vector<16xi1>, vector<16xi32>
      %add3A_353 = arith.constant 2 : i32
      %add3A_354 = arith.addi %add3A_324, %add3A_353 : i32
      %get3A_355 = arith.index_cast %add3A_354 : i32 to index
      %get3A_356 = arith.constant 0 : index
      %get3A_357 = tpu.vector_load %arg12[%get3A_355, %get3A_356] {strides = array<i32>} : memref<1024x16xi32, #tpu.memory_space<vmem>>, vector<1x16xi32>,
      %get3A_358 = vector.shape_cast %get3A_357 : vector<1x16xi32> to vector<16xi32>
      %reshape3A_359 = vector.shape_cast %and3A_41 : vector<16xi32> to vector<16x1xi32>
      %gather3A_360 = vector.shape_cast %reshape3A_359 : vector<16x1xi32> to vector<16xi32>
      %gather3A_361 = tpu.dynamic_gather %get3A_358[%gather3A_360] in [0] : vector<16xi32>, vector<16xi32> -> vector<16xi32>
      %select_n3A_362 = arith.select %eq3A_25, %gather3A_361, %select_n3A_342 : vector<16xi1>, vector<16xi32>
      %add3A_363 = arith.constant 2 : i32
      %add3A_364 = arith.addi %add3A_324, %add3A_363 : i32
      %get3A_365 = arith.index_cast %add3A_364 : i32 to index
      %get3A_366 = arith.constant 0 : index
      %get3A_367 = tpu.vector_load %arg15[%get3A_365, %get3A_366] {strides = array<i32>} : memref<1024x16xi32, #tpu.memory_space<vmem>>, vector<1x16xi32>,
      %get3A_368 = vector.shape_cast %get3A_367 : vector<1x16xi32> to vector<16xi32>
      %reshape3A_369 = vector.shape_cast %and3A_41 : vector<16xi32> to vector<16x1xi32>
      %gather3A_370 = vector.shape_cast %reshape3A_369 : vector<16x1xi32> to vector<16xi32>
      %gather3A_371 = tpu.dynamic_gather %get3A_368[%gather3A_370] in [0] : vector<16xi32>, vector<16xi32> -> vector<16xi32>
      %select_n3A_372 = arith.select %eq3A_25, %gather3A_371, %select_n3A_352 : vector<16xi1>, vector<16xi32>
      %add3A_373 = arith.constant 3 : i32
      %add3A_374 = arith.addi %add3A_324, %add3A_373 : i32
      %get3A_375 = arith.index_cast %add3A_374 : i32 to index
      %get3A_376 = arith.constant 0 : index
      %get3A_377 = tpu.vector_load %arg12[%get3A_375, %get3A_376] {strides = array<i32>} : memref<1024x16xi32, #tpu.memory_space<vmem>>, vector<1x16xi32>,
      %get3A_378 = vector.shape_cast %get3A_377 : vector<1x16xi32> to vector<16xi32>
      %reshape3A_379 = vector.shape_cast %and3A_47 : vector<16xi32> to vector<16x1xi32>
      %gather3A_380 = vector.shape_cast %reshape3A_379 : vector<16x1xi32> to vector<16xi32>
      %gather3A_381 = tpu.dynamic_gather %get3A_378[%gather3A_380] in [0] : vector<16xi32>, vector<16xi32> -> vector<16xi32>
      %select_n3A_382 = arith.select %eq3A_31, %gather3A_381, %select_n3A_362 : vector<16xi1>, vector<16xi32>
      %add3A_383 = arith.constant 3 : i32
      %add3A_384 = arith.addi %add3A_324, %add3A_383 : i32
      %get3A_385 = arith.index_cast %add3A_384 : i32 to index
      %get3A_386 = arith.constant 0 : index
      %get3A_387 = tpu.vector_load %arg15[%get3A_385, %get3A_386] {strides = array<i32>} : memref<1024x16xi32, #tpu.memory_space<vmem>>, vector<1x16xi32>,
      %get3A_388 = vector.shape_cast %get3A_387 : vector<1x16xi32> to vector<16xi32>
      %reshape3A_389 = vector.shape_cast %and3A_47 : vector<16xi32> to vector<16x1xi32>
      %gather3A_390 = vector.shape_cast %reshape3A_389 : vector<16x1xi32> to vector<16xi32>
      %gather3A_391 = tpu.dynamic_gather %get3A_388[%gather3A_390] in [0] : vector<16xi32>, vector<16xi32> -> vector<16xi32>
      %select_n3A_392 = arith.select %eq3A_31, %gather3A_391, %select_n3A_372 : vector<16xi1>, vector<16xi32>
      %reshape3A_393 = vector.shape_cast %xor3A_7 : vector<16xi32> to vector<16x1xi32>
      %gather3A_394 = vector.shape_cast %reshape3A_393 : vector<16x1xi32> to vector<16xi32>
      %gather3A_395 = tpu.dynamic_gather %select_n3A_382[%gather3A_394] in [0] : vector<16xi32>, vector<16xi32> -> vector<16xi32>
      %sub3A_396 = arith.subi %gather3A_395, %select_n3A_382 : vector<16xi32>
      %reshape3A_397 = vector.shape_cast %mul3A_53 : vector<16xi32> to vector<16x1xi32>
      %gather3A_398 = vector.shape_cast %reshape3A_397 : vector<16x1xi32> to vector<16xi32>
      %gather3A_399 = tpu.dynamic_gather %sub3A_396[%gather3A_398] in [0] : vector<16xi32>, vector<16xi32> -> vector<16xi32>
      %select_n3A_400 = arith.select %eq3A_19, %gather3A_399, %select_n3A_312 : vector<16xi1>, vector<16xi32>
      %reshape3A_401 = vector.shape_cast %add3A_56 : vector<16xi32> to vector<16x1xi32>
      %gather3A_402 = vector.shape_cast %reshape3A_401 : vector<16x1xi32> to vector<16xi32>
      %gather3A_403 = tpu.dynamic_gather %sub3A_396[%gather3A_402] in [0] : vector<16xi32>, vector<16xi32> -> vector<16xi32>
      %select_n3A_404 = arith.select %eq3A_19, %gather3A_403, %select_n3A_316 : vector<16xi1>, vector<16xi32>
      %reshape3A_405 = vector.shape_cast %mul3A_53 : vector<16xi32> to vector<16x1xi32>
      %gather3A_406 = vector.shape_cast %reshape3A_405 : vector<16x1xi32> to vector<16xi32>
      %gather3A_407 = tpu.dynamic_gather %select_n3A_392[%gather3A_406] in [0] : vector<16xi32>, vector<16xi32> -> vector<16xi32>
      %select_n3A_408 = arith.select %eq3A_19, %gather3A_407, %select_n3A_320 : vector<16xi1>, vector<16xi32>
      %mul3A_409 = arith.constant 16 : i32
      %mul3A_410 = arith.muli %scan3A_235, %mul3A_409 : i32
      %add3A_411 = arith.constant 8 : i32
      %add3A_412 = arith.addi %mul3A_410, %add3A_411 : i32
      %get3A_413 = arith.index_cast %add3A_412 : i32 to index
      %get3A_414 = arith.constant 0 : index
      %get3A_415 = tpu.vector_load %arg12[%get3A_413, %get3A_414] {strides = array<i32>} : memref<1024x16xi32, #tpu.memory_space<vmem>>, vector<1x16xi32>,
      %get3A_416 = vector.shape_cast %get3A_415 : vector<1x16xi32> to vector<16xi32>
      %get3A_417 = arith.index_cast %add3A_412 : i32 to index
      %get3A_418 = arith.constant 0 : index
      %get3A_419 = tpu.vector_load %arg15[%get3A_417, %get3A_418] {strides = array<i32>} : memref<1024x16xi32, #tpu.memory_space<vmem>>, vector<1x16xi32>,
      %get3A_420 = vector.shape_cast %get3A_419 : vector<1x16xi32> to vector<16xi32>
      %add3A_421 = arith.constant 1 : i32
      %add3A_422 = arith.addi %add3A_412, %add3A_421 : i32
      %get3A_423 = arith.index_cast %add3A_422 : i32 to index
      %get3A_424 = arith.constant 0 : index
      %get3A_425 = tpu.vector_load %arg12[%get3A_423, %get3A_424] {strides = array<i32>} : memref<1024x16xi32, #tpu.memory_space<vmem>>, vector<1x16xi32>,
      %get3A_426 = vector.shape_cast %get3A_425 : vector<1x16xi32> to vector<16xi32>
      %reshape3A_427 = vector.shape_cast %and3A_35 : vector<16xi32> to vector<16x1xi32>
      %gather3A_428 = vector.shape_cast %reshape3A_427 : vector<16x1xi32> to vector<16xi32>
      %gather3A_429 = tpu.dynamic_gather %get3A_426[%gather3A_428] in [0] : vector<16xi32>, vector<16xi32> -> vector<16xi32>
      %select_n3A_430 = arith.select %eq3A_19, %gather3A_429, %get3A_416 : vector<16xi1>, vector<16xi32>
      %add3A_431 = arith.constant 1 : i32
      %add3A_432 = arith.addi %add3A_412, %add3A_431 : i32
      %get3A_433 = arith.index_cast %add3A_432 : i32 to index
      %get3A_434 = arith.constant 0 : index
      %get3A_435 = tpu.vector_load %arg15[%get3A_433, %get3A_434] {strides = array<i32>} : memref<1024x16xi32, #tpu.memory_space<vmem>>, vector<1x16xi32>,
      %get3A_436 = vector.shape_cast %get3A_435 : vector<1x16xi32> to vector<16xi32>
      %reshape3A_437 = vector.shape_cast %and3A_35 : vector<16xi32> to vector<16x1xi32>
      %gather3A_438 = vector.shape_cast %reshape3A_437 : vector<16x1xi32> to vector<16xi32>
      %gather3A_439 = tpu.dynamic_gather %get3A_436[%gather3A_438] in [0] : vector<16xi32>, vector<16xi32> -> vector<16xi32>
      %select_n3A_440 = arith.select %eq3A_19, %gather3A_439, %get3A_420 : vector<16xi1>, vector<16xi32>
      %add3A_441 = arith.constant 2 : i32
      %add3A_442 = arith.addi %add3A_412, %add3A_441 : i32
      %get3A_443 = arith.index_cast %add3A_442 : i32 to index
      %get3A_444 = arith.constant 0 : index
      %get3A_445 = tpu.vector_load %arg12[%get3A_443, %get3A_444] {strides = array<i32>} : memref<1024x16xi32, #tpu.memory_space<vmem>>, vector<1x16xi32>,
      %get3A_446 = vector.shape_cast %get3A_445 : vector<1x16xi32> to vector<16xi32>
      %reshape3A_447 = vector.shape_cast %and3A_41 : vector<16xi32> to vector<16x1xi32>
      %gather3A_448 = vector.shape_cast %reshape3A_447 : vector<16x1xi32> to vector<16xi32>
      %gather3A_449 = tpu.dynamic_gather %get3A_446[%gather3A_448] in [0] : vector<16xi32>, vector<16xi32> -> vector<16xi32>
      %select_n3A_450 = arith.select %eq3A_25, %gather3A_449, %select_n3A_430 : vector<16xi1>, vector<16xi32>
      %add3A_451 = arith.constant 2 : i32
      %add3A_452 = arith.addi %add3A_412, %add3A_451 : i32
      %get3A_453 = arith.index_cast %add3A_452 : i32 to index
      %get3A_454 = arith.constant 0 : index
      %get3A_455 = tpu.vector_load %arg15[%get3A_453, %get3A_454] {strides = array<i32>} : memref<1024x16xi32, #tpu.memory_space<vmem>>, vector<1x16xi32>,
      %get3A_456 = vector.shape_cast %get3A_455 : vector<1x16xi32> to vector<16xi32>
      %reshape3A_457 = vector.shape_cast %and3A_41 : vector<16xi32> to vector<16x1xi32>
      %gather3A_458 = vector.shape_cast %reshape3A_457 : vector<16x1xi32> to vector<16xi32>
      %gather3A_459 = tpu.dynamic_gather %get3A_456[%gather3A_458] in [0] : vector<16xi32>, vector<16xi32> -> vector<16xi32>
      %select_n3A_460 = arith.select %eq3A_25, %gather3A_459, %select_n3A_440 : vector<16xi1>, vector<16xi32>
      %add3A_461 = arith.constant 3 : i32
      %add3A_462 = arith.addi %add3A_412, %add3A_461 : i32
      %get3A_463 = arith.index_cast %add3A_462 : i32 to index
      %get3A_464 = arith.constant 0 : index
      %get3A_465 = tpu.vector_load %arg12[%get3A_463, %get3A_464] {strides = array<i32>} : memref<1024x16xi32, #tpu.memory_space<vmem>>, vector<1x16xi32>,
      %get3A_466 = vector.shape_cast %get3A_465 : vector<1x16xi32> to vector<16xi32>
      %reshape3A_467 = vector.shape_cast %and3A_47 : vector<16xi32> to vector<16x1xi32>
      %gather3A_468 = vector.shape_cast %reshape3A_467 : vector<16x1xi32> to vector<16xi32>
      %gather3A_469 = tpu.dynamic_gather %get3A_466[%gather3A_468] in [0] : vector<16xi32>, vector<16xi32> -> vector<16xi32>
      %select_n3A_470 = arith.select %eq3A_31, %gather3A_469, %select_n3A_450 : vector<16xi1>, vector<16xi32>
      %add3A_471 = arith.constant 3 : i32
      %add3A_472 = arith.addi %add3A_412, %add3A_471 : i32
      %get3A_473 = arith.index_cast %add3A_472 : i32 to index
      %get3A_474 = arith.constant 0 : index
      %get3A_475 = tpu.vector_load %arg15[%get3A_473, %get3A_474] {strides = array<i32>} : memref<1024x16xi32, #tpu.memory_space<vmem>>, vector<1x16xi32>,
      %get3A_476 = vector.shape_cast %get3A_475 : vector<1x16xi32> to vector<16xi32>
      %reshape3A_477 = vector.shape_cast %and3A_47 : vector<16xi32> to vector<16x1xi32>
      %gather3A_478 = vector.shape_cast %reshape3A_477 : vector<16x1xi32> to vector<16xi32>
      %gather3A_479 = tpu.dynamic_gather %get3A_476[%gather3A_478] in [0] : vector<16xi32>, vector<16xi32> -> vector<16xi32>
      %select_n3A_480 = arith.select %eq3A_31, %gather3A_479, %select_n3A_460 : vector<16xi1>, vector<16xi32>
      %reshape3A_481 = vector.shape_cast %xor3A_7 : vector<16xi32> to vector<16x1xi32>
      %gather3A_482 = vector.shape_cast %reshape3A_481 : vector<16x1xi32> to vector<16xi32>
      %gather3A_483 = tpu.dynamic_gather %select_n3A_470[%gather3A_482] in [0] : vector<16xi32>, vector<16xi32> -> vector<16xi32>
      %sub3A_484 = arith.subi %gather3A_483, %select_n3A_470 : vector<16xi32>
      %reshape3A_485 = vector.shape_cast %mul3A_53 : vector<16xi32> to vector<16x1xi32>
      %gather3A_486 = vector.shape_cast %reshape3A_485 : vector<16x1xi32> to vector<16xi32>
      %gather3A_487 = tpu.dynamic_gather %sub3A_484[%gather3A_486] in [0] : vector<16xi32>, vector<16xi32> -> vector<16xi32>
      %select_n3A_488 = arith.select %eq3A_25, %gather3A_487, %select_n3A_400 : vector<16xi1>, vector<16xi32>
      %reshape3A_489 = vector.shape_cast %add3A_56 : vector<16xi32> to vector<16x1xi32>
      %gather3A_490 = vector.shape_cast %reshape3A_489 : vector<16x1xi32> to vector<16xi32>
      %gather3A_491 = tpu.dynamic_gather %sub3A_484[%gather3A_490] in [0] : vector<16xi32>, vector<16xi32> -> vector<16xi32>
      %select_n3A_492 = arith.select %eq3A_25, %gather3A_491, %select_n3A_404 : vector<16xi1>, vector<16xi32>
      %reshape3A_493 = vector.shape_cast %mul3A_53 : vector<16xi32> to vector<16x1xi32>
      %gather3A_494 = vector.shape_cast %reshape3A_493 : vector<16x1xi32> to vector<16xi32>
      %gather3A_495 = tpu.dynamic_gather %select_n3A_480[%gather3A_494] in [0] : vector<16xi32>, vector<16xi32> -> vector<16xi32>
      %select_n3A_496 = arith.select %eq3A_25, %gather3A_495, %select_n3A_408 : vector<16xi1>, vector<16xi32>
      %mul3A_497 = arith.constant 16 : i32
      %mul3A_498 = arith.muli %scan3A_235, %mul3A_497 : i32
      %add3A_499 = arith.constant 12 : i32
      %add3A_500 = arith.addi %mul3A_498, %add3A_499 : i32
      %get3A_501 = arith.index_cast %add3A_500 : i32 to index
      %get3A_502 = arith.constant 0 : index
      %get3A_503 = tpu.vector_load %arg12[%get3A_501, %get3A_502] {strides = array<i32>} : memref<1024x16xi32, #tpu.memory_space<vmem>>, vector<1x16xi32>,
      %get3A_504 = vector.shape_cast %get3A_503 : vector<1x16xi32> to vector<16xi32>
      %get3A_505 = arith.index_cast %add3A_500 : i32 to index
      %get3A_506 = arith.constant 0 : index
      %get3A_507 = tpu.vector_load %arg15[%get3A_505, %get3A_506] {strides = array<i32>} : memref<1024x16xi32, #tpu.memory_space<vmem>>, vector<1x16xi32>,
      %get3A_508 = vector.shape_cast %get3A_507 : vector<1x16xi32> to vector<16xi32>
      %add3A_509 = arith.constant 1 : i32
      %add3A_510 = arith.addi %add3A_500, %add3A_509 : i32
      %get3A_511 = arith.index_cast %add3A_510 : i32 to index
      %get3A_512 = arith.constant 0 : index
      %get3A_513 = tpu.vector_load %arg12[%get3A_511, %get3A_512] {strides = array<i32>} : memref<1024x16xi32, #tpu.memory_space<vmem>>, vector<1x16xi32>,
      %get3A_514 = vector.shape_cast %get3A_513 : vector<1x16xi32> to vector<16xi32>
      %reshape3A_515 = vector.shape_cast %and3A_35 : vector<16xi32> to vector<16x1xi32>
      %gather3A_516 = vector.shape_cast %reshape3A_515 : vector<16x1xi32> to vector<16xi32>
      %gather3A_517 = tpu.dynamic_gather %get3A_514[%gather3A_516] in [0] : vector<16xi32>, vector<16xi32> -> vector<16xi32>
      %select_n3A_518 = arith.select %eq3A_19, %gather3A_517, %get3A_504 : vector<16xi1>, vector<16xi32>
      %add3A_519 = arith.constant 1 : i32
      %add3A_520 = arith.addi %add3A_500, %add3A_519 : i32
      %get3A_521 = arith.index_cast %add3A_520 : i32 to index
      %get3A_522 = arith.constant 0 : index
      %get3A_523 = tpu.vector_load %arg15[%get3A_521, %get3A_522] {strides = array<i32>} : memref<1024x16xi32, #tpu.memory_space<vmem>>, vector<1x16xi32>,
      %get3A_524 = vector.shape_cast %get3A_523 : vector<1x16xi32> to vector<16xi32>
      %reshape3A_525 = vector.shape_cast %and3A_35 : vector<16xi32> to vector<16x1xi32>
      %gather3A_526 = vector.shape_cast %reshape3A_525 : vector<16x1xi32> to vector<16xi32>
      %gather3A_527 = tpu.dynamic_gather %get3A_524[%gather3A_526] in [0] : vector<16xi32>, vector<16xi32> -> vector<16xi32>
      %select_n3A_528 = arith.select %eq3A_19, %gather3A_527, %get3A_508 : vector<16xi1>, vector<16xi32>
      %add3A_529 = arith.constant 2 : i32
      %add3A_530 = arith.addi %add3A_500, %add3A_529 : i32
      %get3A_531 = arith.index_cast %add3A_530 : i32 to index
      %get3A_532 = arith.constant 0 : index
      %get3A_533 = tpu.vector_load %arg12[%get3A_531, %get3A_532] {strides = array<i32>} : memref<1024x16xi32, #tpu.memory_space<vmem>>, vector<1x16xi32>,
      %get3A_534 = vector.shape_cast %get3A_533 : vector<1x16xi32> to vector<16xi32>
      %reshape3A_535 = vector.shape_cast %and3A_41 : vector<16xi32> to vector<16x1xi32>
      %gather3A_536 = vector.shape_cast %reshape3A_535 : vector<16x1xi32> to vector<16xi32>
      %gather3A_537 = tpu.dynamic_gather %get3A_534[%gather3A_536] in [0] : vector<16xi32>, vector<16xi32> -> vector<16xi32>
      %select_n3A_538 = arith.select %eq3A_25, %gather3A_537, %select_n3A_518 : vector<16xi1>, vector<16xi32>
      %add3A_539 = arith.constant 2 : i32
      %add3A_540 = arith.addi %add3A_500, %add3A_539 : i32
      %get3A_541 = arith.index_cast %add3A_540 : i32 to index
      %get3A_542 = arith.constant 0 : index
      %get3A_543 = tpu.vector_load %arg15[%get3A_541, %get3A_542] {strides = array<i32>} : memref<1024x16xi32, #tpu.memory_space<vmem>>, vector<1x16xi32>,
      %get3A_544 = vector.shape_cast %get3A_543 : vector<1x16xi32> to vector<16xi32>
      %reshape3A_545 = vector.shape_cast %and3A_41 : vector<16xi32> to vector<16x1xi32>
      %gather3A_546 = vector.shape_cast %reshape3A_545 : vector<16x1xi32> to vector<16xi32>
      %gather3A_547 = tpu.dynamic_gather %get3A_544[%gather3A_546] in [0] : vector<16xi32>, vector<16xi32> -> vector<16xi32>
      %select_n3A_548 = arith.select %eq3A_25, %gather3A_547, %select_n3A_528 : vector<16xi1>, vector<16xi32>
      %add3A_549 = arith.constant 3 : i32
      %add3A_550 = arith.addi %add3A_500, %add3A_549 : i32
      %get3A_551 = arith.index_cast %add3A_550 : i32 to index
      %get3A_552 = arith.constant 0 : index
      %get3A_553 = tpu.vector_load %arg12[%get3A_551, %get3A_552] {strides = array<i32>} : memref<1024x16xi32, #tpu.memory_space<vmem>>, vector<1x16xi32>,
      %get3A_554 = vector.shape_cast %get3A_553 : vector<1x16xi32> to vector<16xi32>
      %reshape3A_555 = vector.shape_cast %and3A_47 : vector<16xi32> to vector<16x1xi32>
      %gather3A_556 = vector.shape_cast %reshape3A_555 : vector<16x1xi32> to vector<16xi32>
      %gather3A_557 = tpu.dynamic_gather %get3A_554[%gather3A_556] in [0] : vector<16xi32>, vector<16xi32> -> vector<16xi32>
      %select_n3A_558 = arith.select %eq3A_31, %gather3A_557, %select_n3A_538 : vector<16xi1>, vector<16xi32>
      %add3A_559 = arith.constant 3 : i32
      %add3A_560 = arith.addi %add3A_500, %add3A_559 : i32
      %get3A_561 = arith.index_cast %add3A_560 : i32 to index
      %get3A_562 = arith.constant 0 : index
      %get3A_563 = tpu.vector_load %arg15[%get3A_561, %get3A_562] {strides = array<i32>} : memref<1024x16xi32, #tpu.memory_space<vmem>>, vector<1x16xi32>,
      %get3A_564 = vector.shape_cast %get3A_563 : vector<1x16xi32> to vector<16xi32>
      %reshape3A_565 = vector.shape_cast %and3A_47 : vector<16xi32> to vector<16x1xi32>
      %gather3A_566 = vector.shape_cast %reshape3A_565 : vector<16x1xi32> to vector<16xi32>
      %gather3A_567 = tpu.dynamic_gather %get3A_564[%gather3A_566] in [0] : vector<16xi32>, vector<16xi32> -> vector<16xi32>
      %select_n3A_568 = arith.select %eq3A_31, %gather3A_567, %select_n3A_548 : vector<16xi1>, vector<16xi32>
      %reshape3A_569 = vector.shape_cast %xor3A_7 : vector<16xi32> to vector<16x1xi32>
      %gather3A_570 = vector.shape_cast %reshape3A_569 : vector<16x1xi32> to vector<16xi32>
      %gather3A_571 = tpu.dynamic_gather %select_n3A_558[%gather3A_570] in [0] : vector<16xi32>, vector<16xi32> -> vector<16xi32>
      %sub3A_572 = arith.subi %gather3A_571, %select_n3A_558 : vector<16xi32>
      %reshape3A_573 = vector.shape_cast %mul3A_53 : vector<16xi32> to vector<16x1xi32>
      %gather3A_574 = vector.shape_cast %reshape3A_573 : vector<16x1xi32> to vector<16xi32>
      %gather3A_575 = tpu.dynamic_gather %sub3A_572[%gather3A_574] in [0] : vector<16xi32>, vector<16xi32> -> vector<16xi32>
      %select_n3A_576 = arith.select %eq3A_31, %gather3A_575, %select_n3A_488 : vector<16xi1>, vector<16xi32>
      %reshape3A_577 = vector.shape_cast %add3A_56 : vector<16xi32> to vector<16x1xi32>
      %gather3A_578 = vector.shape_cast %reshape3A_577 : vector<16x1xi32> to vector<16xi32>
      %gather3A_579 = tpu.dynamic_gather %sub3A_572[%gather3A_578] in [0] : vector<16xi32>, vector<16xi32> -> vector<16xi32>
      %select_n3A_580 = arith.select %eq3A_31, %gather3A_579, %select_n3A_492 : vector<16xi1>, vector<16xi32>
      %reshape3A_581 = vector.shape_cast %mul3A_53 : vector<16xi32> to vector<16x1xi32>
      %gather3A_582 = vector.shape_cast %reshape3A_581 : vector<16x1xi32> to vector<16xi32>
      %gather3A_583 = tpu.dynamic_gather %select_n3A_568[%gather3A_582] in [0] : vector<16xi32>, vector<16xi32> -> vector<16xi32>
      %select_n3A_584 = arith.select %eq3A_31, %gather3A_583, %select_n3A_496 : vector<16xi1>, vector<16xi32>
      %abs3A = math.absi %select_n3A_576 : vector<16xi32>
      %abs3A_585 = math.absi %select_n3A_580 : vector<16xi32>
      %gt3A = arith.constant 1 : i32
      %gt3A_586 = vector.broadcast %gt3A : i32 to vector<16xi32>
      %gt3A_587 = arith.cmpi sgt, %select_n3A_580, %gt3A_586 : vector<16xi32>
      %gt3A_588 = arith.constant 0 : i32
      %gt3A_589 = vector.broadcast %gt3A_588 : i32 to vector<16xi32>
      %gt3A_590 = arith.cmpi sgt, %select_n3A_576, %gt3A_589 : vector<16xi32>
      %jit3A = arith.constant 12 : i32
      %eq3A_591 = arith.constant 0 : i32
      %eq3A_592 = arith.cmpi eq, %jit3A, %eq3A_591 : i32
      %jit3A_593 = arith.constant 1 : i32
      %select_n3A_594 = arith.select %eq3A_592, %jit3A_593, %jit3A : i32
      %rem3A = vector.broadcast %select_n3A_594 : i32 to vector<16xi32>
      %rem3A_595 = arith.remsi %select_n3A_584, %rem3A : vector<16xi32>
      %ne3A = arith.constant 0 : i32
      %ne3A_596 = vector.broadcast %ne3A : i32 to vector<16xi32>
      %ne3A_597 = arith.cmpi ne, %rem3A_595, %ne3A_596 : vector<16xi32>
      %lt3A = arith.constant 0 : i32
      %lt3A_598 = vector.broadcast %lt3A : i32 to vector<16xi32>
      %lt3A_599 = arith.cmpi slt, %rem3A_595, %lt3A_598 : vector<16xi32>
      %lt3A_600 = arith.constant 0 : i32
      %lt3A_601 = arith.cmpi slt, %select_n3A_594, %lt3A_600 : i32
      %ne3A_602 = vector.broadcast %lt3A_601 : i1 to vector<16xi1>
      %ne3A_603 = vector.broadcast %ne3A_602 : vector<16xi1> to vector<16xi1>
      %ne3A_604 = arith.xori %lt3A_599, %ne3A_603 : vector<16xi1>
      %and3A_605 = arith.andi %ne3A_604, %ne3A_597 : vector<16xi1>
      %add3A_606 = vector.broadcast %select_n3A_594 : i32 to vector<16xi32>
      %add3A_607 = arith.addi %rem3A_595, %add3A_606 : vector<16xi32>
      %select_n3A_608 = arith.select %and3A_605, %add3A_607, %rem3A_595 : vector<16xi1>, vector<16xi32>
      %lt3A_609 = arith.constant 4 : i32
      %lt3A_610 = vector.broadcast %lt3A_609 : i32 to vector<16xi32>
      %lt3A_611 = arith.cmpi slt, %select_n3A_608, %lt3A_610 : vector<16xi32>
      %le3A = arith.constant 2 : i32
      %le3A_612 = vector.broadcast %le3A : i32 to vector<16xi32>
      %le3A_613 = arith.cmpi sle, %abs3A_585, %le3A_612 : vector<16xi32>
      %jit3A_614 = arith.constant 5 : i32
      %jit3A_615 = arith.constant 2 : i32
      %broadcast_in_dim3A_616 = vector.broadcast %jit3A_614 : i32 to vector<16xi32>
      %broadcast_in_dim3A_617 = vector.broadcast %jit3A_615 : i32 to vector<16xi32>
      %select_n3A_618 = arith.select %gt3A_587, %broadcast_in_dim3A_616, %broadcast_in_dim3A_617 : vector<16xi1>, vector<16xi32>
      %gt3A_619 = arith.constant 26 : i32
      %gt3A_620 = vector.broadcast %gt3A_619 : i32 to vector<16xi32>
      %gt3A_621 = arith.cmpi sgt, %abs3A, %gt3A_620 : vector<16xi32>
      %and3A_622 = arith.andi %le3A_613, %gt3A_621 : vector<16xi1>
      %jit3A_623 = arith.constant 3 : i32
      %jit3A_624 = arith.constant 4 : i32
      %broadcast_in_dim3A_625 = vector.broadcast %jit3A_623 : i32 to vector<16xi32>
      %broadcast_in_dim3A_626 = vector.broadcast %jit3A_624 : i32 to vector<16xi32>
      %select_n3A_627 = arith.select %gt3A_590, %broadcast_in_dim3A_625, %broadcast_in_dim3A_626 : vector<16xi1>, vector<16xi32>
      %select_n3A_628 = arith.select %and3A_622, %select_n3A_627, %select_n3A_618 : vector<16xi1>, vector<16xi32>
      %lt3A_629 = arith.constant 23 : i32
      %lt3A_630 = vector.broadcast %lt3A_629 : i32 to vector<16xi32>
      %lt3A_631 = arith.cmpi slt, %abs3A, %lt3A_630 : vector<16xi32>
      %and3A_632 = arith.andi %le3A_613, %lt3A_631 : vector<16xi1>
      %jit3A_633 = arith.constant 4 : i32
      %jit3A_634 = arith.constant 3 : i32
      %broadcast_in_dim3A_635 = vector.broadcast %jit3A_633 : i32 to vector<16xi32>
      %broadcast_in_dim3A_636 = vector.broadcast %jit3A_634 : i32 to vector<16xi32>
      %select_n3A_637 = arith.select %gt3A_590, %broadcast_in_dim3A_635, %broadcast_in_dim3A_636 : vector<16xi1>, vector<16xi32>
      %select_n3A_638 = arith.select %and3A_632, %select_n3A_637, %select_n3A_628 : vector<16xi1>, vector<16xi32>
      %ge3A = arith.constant 23 : i32
      %ge3A_639 = vector.broadcast %ge3A : i32 to vector<16xi32>
      %ge3A_640 = arith.cmpi sge, %abs3A, %ge3A_639 : vector<16xi32>
      %and3A_641 = arith.andi %le3A_613, %ge3A_640 : vector<16xi1>
      %le3A_642 = arith.constant 26 : i32
      %le3A_643 = vector.broadcast %le3A_642 : i32 to vector<16xi32>
      %le3A_644 = arith.cmpi sle, %abs3A, %le3A_643 : vector<16xi32>
      %and3A_645 = arith.andi %and3A_641, %le3A_644 : vector<16xi1>
      %jit3A_646 = arith.constant 1 : i32
      %jit3A_647 = arith.constant 0 : i32
      %broadcast_in_dim3A_648 = vector.broadcast %jit3A_646 : i32 to vector<16xi32>
      %broadcast_in_dim3A_649 = vector.broadcast %jit3A_647 : i32 to vector<16xi32>
      %select_n3A_650 = arith.select %lt3A_611, %broadcast_in_dim3A_648, %broadcast_in_dim3A_649 : vector<16xi1>, vector<16xi32>
      %select_n3A_651 = arith.select %and3A_645, %select_n3A_650, %select_n3A_638 : vector<16xi1>, vector<16xi32>
      %shift_left3A = arith.shli %broadcast_in_dim3A_5, %select_n3A_651 : vector<16xi32>
      %or3A = arith.ori %scan3A_236, %shift_left3A : vector<16xi32>
      scf.yield %or3A : vector<16xi32>
    }
    %scan3A_127 = arith.constant 64 : i32
    %scan3A_128 = arith.constant 0 : i32
    %scan3A_129 = arith.constant 0 : i32
    %scan3A_130 = arith.constant 64 : i32
    %scan3A_131 = arith.addi %scan3A_129, %scan3A_130 : i32
    %scan3A_132 = arith.constant 1 : i32
    scf.for %scan3A_235 = %scan3A_129 to %scan3A_131 step %scan3A_132  : i32 {
      %add3A_236 = arith.constant 4096 : i32
      %add3A_237 = arith.addi %add3A_4, %add3A_236 : i32
      %mul3A_238 = arith.constant 16 : i32
      %mul3A_239 = arith.muli %scan3A_235, %mul3A_238 : i32
      %add3A_240 = arith.addi %add3A_237, %mul3A_239 : i32
      %add3A_241 = vector.broadcast %add3A_240 : i32 to vector<16xi32>
      %add3A_242 = arith.addi %add3A_241, %iota3A : vector<16xi32>
      %mul3A_243 = arith.constant 8 : i32
      %mul3A_244 = vector.broadcast %mul3A_243 : i32 to vector<16xi32>
      %mul3A_245 = arith.muli %mul3A_244, %add3A_242 : vector<16xi32>
      %add3A_246 = arith.constant 2 : i32
      %add3A_247 = vector.broadcast %add3A_246 : i32 to vector<16xi32>
      %add3A_248 = arith.addi %mul3A_245, %add3A_247 : vector<16xi32>
      %mul3A_249 = arith.constant 16 : i32
      %mul3A_250 = arith.muli %scan3A_235, %mul3A_249 : i32
      %swap3A_251 = arith.index_cast %mul3A_250 : i32 to index
      %swap3A_252 = tpu.vector_load %arg6[%swap3A_251] {strides = array<i32>} : memref<1024xi32, #tpu.memory_space<vmem>>, vector<16xi32>,
      %swap3A_253 = vector.shape_cast %swap3A_252 : vector<16xi32> to vector<16xi32>
      %swap3A_254 = vector.shape_cast %add3A_248 : vector<16xi32> to vector<16xi32>
      tpu.vector_store %arg6[%swap3A_251], %swap3A_254 {strides = array<i32>} : memref<1024xi32, #tpu.memory_space<vmem>>, vector<16xi32>,
      %mul3A_255 = arith.constant 16 : i32
      %mul3A_256 = arith.muli %scan3A_235, %mul3A_255 : i32
      %swap3A_257 = arith.index_cast %mul3A_256 : i32 to index
      %swap3A_258 = tpu.vector_load %arg9[%swap3A_257] {strides = array<i32>} : memref<1024xi32, #tpu.memory_space<vmem>>, vector<16xi32>,
      %swap3A_259 = vector.shape_cast %swap3A_258 : vector<16xi32> to vector<16xi32>
      %swap3A_260 = vector.shape_cast %mul3A_245 : vector<16xi32> to vector<16xi32>
      tpu.vector_store %arg9[%swap3A_257], %swap3A_260 {strides = array<i32>} : memref<1024xi32, #tpu.memory_space<vmem>>, vector<16xi32>,
    }
    %scan3A_133 = arith.constant 64 : i32
    %dma_start3A_134 = arith.constant 0 : i32
    %dma_start3A_135 = arith.constant 0 : i32
    %dma_start3A_136 = tpu.memref_slice %arg2[%dma_start3A_134, %dma_start3A_135] : memref<2097152x16xi32, #tpu.memory_space<hbm>> -> memref<2097152x16xi32, #tpu.memory_space<hbm>>
    tpu.enqueue_indirect_dma source(%dma_start3A_136 : memref<2097152x16xi32, #tpu.memory_space<hbm>>) target(%arg12 : memref<1024x16xi32, #tpu.memory_space<vmem>>) offsets(%arg6 : memref<1024xi32, #tpu.memory_space<vmem>>) semaphore(%arg28 : memref<!tpu.dma_semaphore, #tpu.memory_space<semaphore_mem>>)
    %dma_start3A_137 = arith.constant 0 : i32
    %dma_start3A_138 = arith.constant 0 : i32
    %dma_start3A_139 = tpu.memref_slice %arg2[%dma_start3A_137, %dma_start3A_138] : memref<2097152x16xi32, #tpu.memory_space<hbm>> -> memref<2097152x16xi32, #tpu.memory_space<hbm>>
    tpu.enqueue_indirect_dma source(%dma_start3A_139 : memref<2097152x16xi32, #tpu.memory_space<hbm>>) target(%arg15 : memref<1024x16xi32, #tpu.memory_space<vmem>>) offsets(%arg9 : memref<1024xi32, #tpu.memory_space<vmem>>) semaphore(%arg28 : memref<!tpu.dma_semaphore, #tpu.memory_space<semaphore_mem>>)
    %dma_wait3A_140 = arith.constant 0 : i32
    %dma_wait3A_141 = arith.constant 0 : i32
    %dma_wait3A_142 = tpu.memref_slice %arg2[%dma_wait3A_140, %dma_wait3A_141] : memref<2097152x16xi32, #tpu.memory_space<hbm>> -> memref<2097152x16xi32, #tpu.memory_space<hbm>>
    tpu.wait_indirect_dma semaphore(%arg28 : memref<!tpu.dma_semaphore, #tpu.memory_space<semaphore_mem>>) src(%dma_wait3A_142 : memref<2097152x16xi32, #tpu.memory_space<hbm>>) dst(%arg13 : memref<1024x16xi32, #tpu.memory_space<vmem>>)
    %dma_wait3A_143 = arith.constant 0 : i32
    %dma_wait3A_144 = arith.constant 0 : i32
    %dma_wait3A_145 = tpu.memref_slice %arg2[%dma_wait3A_143, %dma_wait3A_144] : memref<2097152x16xi32, #tpu.memory_space<hbm>> -> memref<2097152x16xi32, #tpu.memory_space<hbm>>
    tpu.wait_indirect_dma semaphore(%arg28 : memref<!tpu.dma_semaphore, #tpu.memory_space<semaphore_mem>>) src(%dma_wait3A_145 : memref<2097152x16xi32, #tpu.memory_space<hbm>>) dst(%arg16 : memref<1024x16xi32, #tpu.memory_space<vmem>>)
    %scan3A_146 = arith.constant 0 : i32
    %scan3A_147 = arith.constant 64 : i32
    %scan3A_148 = arith.addi %scan3A_146, %scan3A_147 : i32
    %scan3A_149 = arith.constant 1 : i32
    %scan3A_150 = scf.for %scan3A_235 = %scan3A_146 to %scan3A_148 step %scan3A_149 iter_args(%scan3A_236 = %scan3A_126) -> (vector<16xi32>)  : i32 {
      %mul3A_237 = arith.constant 16 : i32
      %mul3A_238 = arith.muli %scan3A_235, %mul3A_237 : i32
      %add3A_239 = arith.constant 0 : i32
      %add3A_240 = arith.addi %mul3A_238, %add3A_239 : i32
      %get3A = arith.index_cast %add3A_240 : i32 to index
      %get3A_241 = arith.constant 0 : index
      %get3A_242 = tpu.vector_load %arg13[%get3A, %get3A_241] {strides = array<i32>} : memref<1024x16xi32, #tpu.memory_space<vmem>>, vector<1x16xi32>,
      %get3A_243 = vector.shape_cast %get3A_242 : vector<1x16xi32> to vector<16xi32>
      %get3A_244 = arith.index_cast %add3A_240 : i32 to index
      %get3A_245 = arith.constant 0 : index
      %get3A_246 = tpu.vector_load %arg16[%get3A_244, %get3A_245] {strides = array<i32>} : memref<1024x16xi32, #tpu.memory_space<vmem>>, vector<1x16xi32>,
      %get3A_247 = vector.shape_cast %get3A_246 : vector<1x16xi32> to vector<16xi32>
      %add3A_248 = arith.constant 1 : i32
      %add3A_249 = arith.addi %add3A_240, %add3A_248 : i32
      %get3A_250 = arith.index_cast %add3A_249 : i32 to index
      %get3A_251 = arith.constant 0 : index
      %get3A_252 = tpu.vector_load %arg13[%get3A_250, %get3A_251] {strides = array<i32>} : memref<1024x16xi32, #tpu.memory_space<vmem>>, vector<1x16xi32>,
      %get3A_253 = vector.shape_cast %get3A_252 : vector<1x16xi32> to vector<16xi32>
      %reshape3A = vector.shape_cast %and3A_35 : vector<16xi32> to vector<16x1xi32>
      %gather3A = vector.shape_cast %reshape3A : vector<16x1xi32> to vector<16xi32>
      %gather3A_254 = tpu.dynamic_gather %get3A_253[%gather3A] in [0] : vector<16xi32>, vector<16xi32> -> vector<16xi32>
      %select_n3A = arith.select %eq3A_19, %gather3A_254, %get3A_243 : vector<16xi1>, vector<16xi32>
      %add3A_255 = arith.constant 1 : i32
      %add3A_256 = arith.addi %add3A_240, %add3A_255 : i32
      %get3A_257 = arith.index_cast %add3A_256 : i32 to index
      %get3A_258 = arith.constant 0 : index
      %get3A_259 = tpu.vector_load %arg16[%get3A_257, %get3A_258] {strides = array<i32>} : memref<1024x16xi32, #tpu.memory_space<vmem>>, vector<1x16xi32>,
      %get3A_260 = vector.shape_cast %get3A_259 : vector<1x16xi32> to vector<16xi32>
      %reshape3A_261 = vector.shape_cast %and3A_35 : vector<16xi32> to vector<16x1xi32>
      %gather3A_262 = vector.shape_cast %reshape3A_261 : vector<16x1xi32> to vector<16xi32>
      %gather3A_263 = tpu.dynamic_gather %get3A_260[%gather3A_262] in [0] : vector<16xi32>, vector<16xi32> -> vector<16xi32>
      %select_n3A_264 = arith.select %eq3A_19, %gather3A_263, %get3A_247 : vector<16xi1>, vector<16xi32>
      %add3A_265 = arith.constant 2 : i32
      %add3A_266 = arith.addi %add3A_240, %add3A_265 : i32
      %get3A_267 = arith.index_cast %add3A_266 : i32 to index
      %get3A_268 = arith.constant 0 : index
      %get3A_269 = tpu.vector_load %arg13[%get3A_267, %get3A_268] {strides = array<i32>} : memref<1024x16xi32, #tpu.memory_space<vmem>>, vector<1x16xi32>,
      %get3A_270 = vector.shape_cast %get3A_269 : vector<1x16xi32> to vector<16xi32>
      %reshape3A_271 = vector.shape_cast %and3A_41 : vector<16xi32> to vector<16x1xi32>
      %gather3A_272 = vector.shape_cast %reshape3A_271 : vector<16x1xi32> to vector<16xi32>
      %gather3A_273 = tpu.dynamic_gather %get3A_270[%gather3A_272] in [0] : vector<16xi32>, vector<16xi32> -> vector<16xi32>
      %select_n3A_274 = arith.select %eq3A_25, %gather3A_273, %select_n3A : vector<16xi1>, vector<16xi32>
      %add3A_275 = arith.constant 2 : i32
      %add3A_276 = arith.addi %add3A_240, %add3A_275 : i32
      %get3A_277 = arith.index_cast %add3A_276 : i32 to index
      %get3A_278 = arith.constant 0 : index
      %get3A_279 = tpu.vector_load %arg16[%get3A_277, %get3A_278] {strides = array<i32>} : memref<1024x16xi32, #tpu.memory_space<vmem>>, vector<1x16xi32>,
      %get3A_280 = vector.shape_cast %get3A_279 : vector<1x16xi32> to vector<16xi32>
      %reshape3A_281 = vector.shape_cast %and3A_41 : vector<16xi32> to vector<16x1xi32>
      %gather3A_282 = vector.shape_cast %reshape3A_281 : vector<16x1xi32> to vector<16xi32>
      %gather3A_283 = tpu.dynamic_gather %get3A_280[%gather3A_282] in [0] : vector<16xi32>, vector<16xi32> -> vector<16xi32>
      %select_n3A_284 = arith.select %eq3A_25, %gather3A_283, %select_n3A_264 : vector<16xi1>, vector<16xi32>
      %add3A_285 = arith.constant 3 : i32
      %add3A_286 = arith.addi %add3A_240, %add3A_285 : i32
      %get3A_287 = arith.index_cast %add3A_286 : i32 to index
      %get3A_288 = arith.constant 0 : index
      %get3A_289 = tpu.vector_load %arg13[%get3A_287, %get3A_288] {strides = array<i32>} : memref<1024x16xi32, #tpu.memory_space<vmem>>, vector<1x16xi32>,
      %get3A_290 = vector.shape_cast %get3A_289 : vector<1x16xi32> to vector<16xi32>
      %reshape3A_291 = vector.shape_cast %and3A_47 : vector<16xi32> to vector<16x1xi32>
      %gather3A_292 = vector.shape_cast %reshape3A_291 : vector<16x1xi32> to vector<16xi32>
      %gather3A_293 = tpu.dynamic_gather %get3A_290[%gather3A_292] in [0] : vector<16xi32>, vector<16xi32> -> vector<16xi32>
      %select_n3A_294 = arith.select %eq3A_31, %gather3A_293, %select_n3A_274 : vector<16xi1>, vector<16xi32>
      %add3A_295 = arith.constant 3 : i32
      %add3A_296 = arith.addi %add3A_240, %add3A_295 : i32
      %get3A_297 = arith.index_cast %add3A_296 : i32 to index
      %get3A_298 = arith.constant 0 : index
      %get3A_299 = tpu.vector_load %arg16[%get3A_297, %get3A_298] {strides = array<i32>} : memref<1024x16xi32, #tpu.memory_space<vmem>>, vector<1x16xi32>,
      %get3A_300 = vector.shape_cast %get3A_299 : vector<1x16xi32> to vector<16xi32>
      %reshape3A_301 = vector.shape_cast %and3A_47 : vector<16xi32> to vector<16x1xi32>
      %gather3A_302 = vector.shape_cast %reshape3A_301 : vector<16x1xi32> to vector<16xi32>
      %gather3A_303 = tpu.dynamic_gather %get3A_300[%gather3A_302] in [0] : vector<16xi32>, vector<16xi32> -> vector<16xi32>
      %select_n3A_304 = arith.select %eq3A_31, %gather3A_303, %select_n3A_284 : vector<16xi1>, vector<16xi32>
      %reshape3A_305 = vector.shape_cast %xor3A_7 : vector<16xi32> to vector<16x1xi32>
      %gather3A_306 = vector.shape_cast %reshape3A_305 : vector<16x1xi32> to vector<16xi32>
      %gather3A_307 = tpu.dynamic_gather %select_n3A_294[%gather3A_306] in [0] : vector<16xi32>, vector<16xi32> -> vector<16xi32>
      %sub3A_308 = arith.subi %gather3A_307, %select_n3A_294 : vector<16xi32>
      %reshape3A_309 = vector.shape_cast %mul3A_53 : vector<16xi32> to vector<16x1xi32>
      %gather3A_310 = vector.shape_cast %reshape3A_309 : vector<16x1xi32> to vector<16xi32>
      %gather3A_311 = tpu.dynamic_gather %sub3A_308[%gather3A_310] in [0] : vector<16xi32>, vector<16xi32> -> vector<16xi32>
      %select_n3A_312 = arith.select %eq3A_13, %gather3A_311, %broadcast_in_dim3A_9 : vector<16xi1>, vector<16xi32>
      %reshape3A_313 = vector.shape_cast %add3A_56 : vector<16xi32> to vector<16x1xi32>
      %gather3A_314 = vector.shape_cast %reshape3A_313 : vector<16x1xi32> to vector<16xi32>
      %gather3A_315 = tpu.dynamic_gather %sub3A_308[%gather3A_314] in [0] : vector<16xi32>, vector<16xi32> -> vector<16xi32>
      %select_n3A_316 = arith.select %eq3A_13, %gather3A_315, %broadcast_in_dim3A_9 : vector<16xi1>, vector<16xi32>
      %reshape3A_317 = vector.shape_cast %mul3A_53 : vector<16xi32> to vector<16x1xi32>
      %gather3A_318 = vector.shape_cast %reshape3A_317 : vector<16x1xi32> to vector<16xi32>
      %gather3A_319 = tpu.dynamic_gather %select_n3A_304[%gather3A_318] in [0] : vector<16xi32>, vector<16xi32> -> vector<16xi32>
      %select_n3A_320 = arith.select %eq3A_13, %gather3A_319, %broadcast_in_dim3A_9 : vector<16xi1>, vector<16xi32>
      %mul3A_321 = arith.constant 16 : i32
      %mul3A_322 = arith.muli %scan3A_235, %mul3A_321 : i32
      %add3A_323 = arith.constant 4 : i32
      %add3A_324 = arith.addi %mul3A_322, %add3A_323 : i32
      %get3A_325 = arith.index_cast %add3A_324 : i32 to index
      %get3A_326 = arith.constant 0 : index
      %get3A_327 = tpu.vector_load %arg13[%get3A_325, %get3A_326] {strides = array<i32>} : memref<1024x16xi32, #tpu.memory_space<vmem>>, vector<1x16xi32>,
      %get3A_328 = vector.shape_cast %get3A_327 : vector<1x16xi32> to vector<16xi32>
      %get3A_329 = arith.index_cast %add3A_324 : i32 to index
      %get3A_330 = arith.constant 0 : index
      %get3A_331 = tpu.vector_load %arg16[%get3A_329, %get3A_330] {strides = array<i32>} : memref<1024x16xi32, #tpu.memory_space<vmem>>, vector<1x16xi32>,
      %get3A_332 = vector.shape_cast %get3A_331 : vector<1x16xi32> to vector<16xi32>
      %add3A_333 = arith.constant 1 : i32
      %add3A_334 = arith.addi %add3A_324, %add3A_333 : i32
      %get3A_335 = arith.index_cast %add3A_334 : i32 to index
      %get3A_336 = arith.constant 0 : index
      %get3A_337 = tpu.vector_load %arg13[%get3A_335, %get3A_336] {strides = array<i32>} : memref<1024x16xi32, #tpu.memory_space<vmem>>, vector<1x16xi32>,
      %get3A_338 = vector.shape_cast %get3A_337 : vector<1x16xi32> to vector<16xi32>
      %reshape3A_339 = vector.shape_cast %and3A_35 : vector<16xi32> to vector<16x1xi32>
      %gather3A_340 = vector.shape_cast %reshape3A_339 : vector<16x1xi32> to vector<16xi32>
      %gather3A_341 = tpu.dynamic_gather %get3A_338[%gather3A_340] in [0] : vector<16xi32>, vector<16xi32> -> vector<16xi32>
      %select_n3A_342 = arith.select %eq3A_19, %gather3A_341, %get3A_328 : vector<16xi1>, vector<16xi32>
      %add3A_343 = arith.constant 1 : i32
      %add3A_344 = arith.addi %add3A_324, %add3A_343 : i32
      %get3A_345 = arith.index_cast %add3A_344 : i32 to index
      %get3A_346 = arith.constant 0 : index
      %get3A_347 = tpu.vector_load %arg16[%get3A_345, %get3A_346] {strides = array<i32>} : memref<1024x16xi32, #tpu.memory_space<vmem>>, vector<1x16xi32>,
      %get3A_348 = vector.shape_cast %get3A_347 : vector<1x16xi32> to vector<16xi32>
      %reshape3A_349 = vector.shape_cast %and3A_35 : vector<16xi32> to vector<16x1xi32>
      %gather3A_350 = vector.shape_cast %reshape3A_349 : vector<16x1xi32> to vector<16xi32>
      %gather3A_351 = tpu.dynamic_gather %get3A_348[%gather3A_350] in [0] : vector<16xi32>, vector<16xi32> -> vector<16xi32>
      %select_n3A_352 = arith.select %eq3A_19, %gather3A_351, %get3A_332 : vector<16xi1>, vector<16xi32>
      %add3A_353 = arith.constant 2 : i32
      %add3A_354 = arith.addi %add3A_324, %add3A_353 : i32
      %get3A_355 = arith.index_cast %add3A_354 : i32 to index
      %get3A_356 = arith.constant 0 : index
      %get3A_357 = tpu.vector_load %arg13[%get3A_355, %get3A_356] {strides = array<i32>} : memref<1024x16xi32, #tpu.memory_space<vmem>>, vector<1x16xi32>,
      %get3A_358 = vector.shape_cast %get3A_357 : vector<1x16xi32> to vector<16xi32>
      %reshape3A_359 = vector.shape_cast %and3A_41 : vector<16xi32> to vector<16x1xi32>
      %gather3A_360 = vector.shape_cast %reshape3A_359 : vector<16x1xi32> to vector<16xi32>
      %gather3A_361 = tpu.dynamic_gather %get3A_358[%gather3A_360] in [0] : vector<16xi32>, vector<16xi32> -> vector<16xi32>
      %select_n3A_362 = arith.select %eq3A_25, %gather3A_361, %select_n3A_342 : vector<16xi1>, vector<16xi32>
      %add3A_363 = arith.constant 2 : i32
      %add3A_364 = arith.addi %add3A_324, %add3A_363 : i32
      %get3A_365 = arith.index_cast %add3A_364 : i32 to index
      %get3A_366 = arith.constant 0 : index
      %get3A_367 = tpu.vector_load %arg16[%get3A_365, %get3A_366] {strides = array<i32>} : memref<1024x16xi32, #tpu.memory_space<vmem>>, vector<1x16xi32>,
      %get3A_368 = vector.shape_cast %get3A_367 : vector<1x16xi32> to vector<16xi32>
      %reshape3A_369 = vector.shape_cast %and3A_41 : vector<16xi32> to vector<16x1xi32>
      %gather3A_370 = vector.shape_cast %reshape3A_369 : vector<16x1xi32> to vector<16xi32>
      %gather3A_371 = tpu.dynamic_gather %get3A_368[%gather3A_370] in [0] : vector<16xi32>, vector<16xi32> -> vector<16xi32>
      %select_n3A_372 = arith.select %eq3A_25, %gather3A_371, %select_n3A_352 : vector<16xi1>, vector<16xi32>
      %add3A_373 = arith.constant 3 : i32
      %add3A_374 = arith.addi %add3A_324, %add3A_373 : i32
      %get3A_375 = arith.index_cast %add3A_374 : i32 to index
      %get3A_376 = arith.constant 0 : index
      %get3A_377 = tpu.vector_load %arg13[%get3A_375, %get3A_376] {strides = array<i32>} : memref<1024x16xi32, #tpu.memory_space<vmem>>, vector<1x16xi32>,
      %get3A_378 = vector.shape_cast %get3A_377 : vector<1x16xi32> to vector<16xi32>
      %reshape3A_379 = vector.shape_cast %and3A_47 : vector<16xi32> to vector<16x1xi32>
      %gather3A_380 = vector.shape_cast %reshape3A_379 : vector<16x1xi32> to vector<16xi32>
      %gather3A_381 = tpu.dynamic_gather %get3A_378[%gather3A_380] in [0] : vector<16xi32>, vector<16xi32> -> vector<16xi32>
      %select_n3A_382 = arith.select %eq3A_31, %gather3A_381, %select_n3A_362 : vector<16xi1>, vector<16xi32>
      %add3A_383 = arith.constant 3 : i32
      %add3A_384 = arith.addi %add3A_324, %add3A_383 : i32
      %get3A_385 = arith.index_cast %add3A_384 : i32 to index
      %get3A_386 = arith.constant 0 : index
      %get3A_387 = tpu.vector_load %arg16[%get3A_385, %get3A_386] {strides = array<i32>} : memref<1024x16xi32, #tpu.memory_space<vmem>>, vector<1x16xi32>,
      %get3A_388 = vector.shape_cast %get3A_387 : vector<1x16xi32> to vector<16xi32>
      %reshape3A_389 = vector.shape_cast %and3A_47 : vector<16xi32> to vector<16x1xi32>
      %gather3A_390 = vector.shape_cast %reshape3A_389 : vector<16x1xi32> to vector<16xi32>
      %gather3A_391 = tpu.dynamic_gather %get3A_388[%gather3A_390] in [0] : vector<16xi32>, vector<16xi32> -> vector<16xi32>
      %select_n3A_392 = arith.select %eq3A_31, %gather3A_391, %select_n3A_372 : vector<16xi1>, vector<16xi32>
      %reshape3A_393 = vector.shape_cast %xor3A_7 : vector<16xi32> to vector<16x1xi32>
      %gather3A_394 = vector.shape_cast %reshape3A_393 : vector<16x1xi32> to vector<16xi32>
      %gather3A_395 = tpu.dynamic_gather %select_n3A_382[%gather3A_394] in [0] : vector<16xi32>, vector<16xi32> -> vector<16xi32>
      %sub3A_396 = arith.subi %gather3A_395, %select_n3A_382 : vector<16xi32>
      %reshape3A_397 = vector.shape_cast %mul3A_53 : vector<16xi32> to vector<16x1xi32>
      %gather3A_398 = vector.shape_cast %reshape3A_397 : vector<16x1xi32> to vector<16xi32>
      %gather3A_399 = tpu.dynamic_gather %sub3A_396[%gather3A_398] in [0] : vector<16xi32>, vector<16xi32> -> vector<16xi32>
      %select_n3A_400 = arith.select %eq3A_19, %gather3A_399, %select_n3A_312 : vector<16xi1>, vector<16xi32>
      %reshape3A_401 = vector.shape_cast %add3A_56 : vector<16xi32> to vector<16x1xi32>
      %gather3A_402 = vector.shape_cast %reshape3A_401 : vector<16x1xi32> to vector<16xi32>
      %gather3A_403 = tpu.dynamic_gather %sub3A_396[%gather3A_402] in [0] : vector<16xi32>, vector<16xi32> -> vector<16xi32>
      %select_n3A_404 = arith.select %eq3A_19, %gather3A_403, %select_n3A_316 : vector<16xi1>, vector<16xi32>
      %reshape3A_405 = vector.shape_cast %mul3A_53 : vector<16xi32> to vector<16x1xi32>
      %gather3A_406 = vector.shape_cast %reshape3A_405 : vector<16x1xi32> to vector<16xi32>
      %gather3A_407 = tpu.dynamic_gather %select_n3A_392[%gather3A_406] in [0] : vector<16xi32>, vector<16xi32> -> vector<16xi32>
      %select_n3A_408 = arith.select %eq3A_19, %gather3A_407, %select_n3A_320 : vector<16xi1>, vector<16xi32>
      %mul3A_409 = arith.constant 16 : i32
      %mul3A_410 = arith.muli %scan3A_235, %mul3A_409 : i32
      %add3A_411 = arith.constant 8 : i32
      %add3A_412 = arith.addi %mul3A_410, %add3A_411 : i32
      %get3A_413 = arith.index_cast %add3A_412 : i32 to index
      %get3A_414 = arith.constant 0 : index
      %get3A_415 = tpu.vector_load %arg13[%get3A_413, %get3A_414] {strides = array<i32>} : memref<1024x16xi32, #tpu.memory_space<vmem>>, vector<1x16xi32>,
      %get3A_416 = vector.shape_cast %get3A_415 : vector<1x16xi32> to vector<16xi32>
      %get3A_417 = arith.index_cast %add3A_412 : i32 to index
      %get3A_418 = arith.constant 0 : index
      %get3A_419 = tpu.vector_load %arg16[%get3A_417, %get3A_418] {strides = array<i32>} : memref<1024x16xi32, #tpu.memory_space<vmem>>, vector<1x16xi32>,
      %get3A_420 = vector.shape_cast %get3A_419 : vector<1x16xi32> to vector<16xi32>
      %add3A_421 = arith.constant 1 : i32
      %add3A_422 = arith.addi %add3A_412, %add3A_421 : i32
      %get3A_423 = arith.index_cast %add3A_422 : i32 to index
      %get3A_424 = arith.constant 0 : index
      %get3A_425 = tpu.vector_load %arg13[%get3A_423, %get3A_424] {strides = array<i32>} : memref<1024x16xi32, #tpu.memory_space<vmem>>, vector<1x16xi32>,
      %get3A_426 = vector.shape_cast %get3A_425 : vector<1x16xi32> to vector<16xi32>
      %reshape3A_427 = vector.shape_cast %and3A_35 : vector<16xi32> to vector<16x1xi32>
      %gather3A_428 = vector.shape_cast %reshape3A_427 : vector<16x1xi32> to vector<16xi32>
      %gather3A_429 = tpu.dynamic_gather %get3A_426[%gather3A_428] in [0] : vector<16xi32>, vector<16xi32> -> vector<16xi32>
      %select_n3A_430 = arith.select %eq3A_19, %gather3A_429, %get3A_416 : vector<16xi1>, vector<16xi32>
      %add3A_431 = arith.constant 1 : i32
      %add3A_432 = arith.addi %add3A_412, %add3A_431 : i32
      %get3A_433 = arith.index_cast %add3A_432 : i32 to index
      %get3A_434 = arith.constant 0 : index
      %get3A_435 = tpu.vector_load %arg16[%get3A_433, %get3A_434] {strides = array<i32>} : memref<1024x16xi32, #tpu.memory_space<vmem>>, vector<1x16xi32>,
      %get3A_436 = vector.shape_cast %get3A_435 : vector<1x16xi32> to vector<16xi32>
      %reshape3A_437 = vector.shape_cast %and3A_35 : vector<16xi32> to vector<16x1xi32>
      %gather3A_438 = vector.shape_cast %reshape3A_437 : vector<16x1xi32> to vector<16xi32>
      %gather3A_439 = tpu.dynamic_gather %get3A_436[%gather3A_438] in [0] : vector<16xi32>, vector<16xi32> -> vector<16xi32>
      %select_n3A_440 = arith.select %eq3A_19, %gather3A_439, %get3A_420 : vector<16xi1>, vector<16xi32>
      %add3A_441 = arith.constant 2 : i32
      %add3A_442 = arith.addi %add3A_412, %add3A_441 : i32
      %get3A_443 = arith.index_cast %add3A_442 : i32 to index
      %get3A_444 = arith.constant 0 : index
      %get3A_445 = tpu.vector_load %arg13[%get3A_443, %get3A_444] {strides = array<i32>} : memref<1024x16xi32, #tpu.memory_space<vmem>>, vector<1x16xi32>,
      %get3A_446 = vector.shape_cast %get3A_445 : vector<1x16xi32> to vector<16xi32>
      %reshape3A_447 = vector.shape_cast %and3A_41 : vector<16xi32> to vector<16x1xi32>
      %gather3A_448 = vector.shape_cast %reshape3A_447 : vector<16x1xi32> to vector<16xi32>
      %gather3A_449 = tpu.dynamic_gather %get3A_446[%gather3A_448] in [0] : vector<16xi32>, vector<16xi32> -> vector<16xi32>
      %select_n3A_450 = arith.select %eq3A_25, %gather3A_449, %select_n3A_430 : vector<16xi1>, vector<16xi32>
      %add3A_451 = arith.constant 2 : i32
      %add3A_452 = arith.addi %add3A_412, %add3A_451 : i32
      %get3A_453 = arith.index_cast %add3A_452 : i32 to index
      %get3A_454 = arith.constant 0 : index
      %get3A_455 = tpu.vector_load %arg16[%get3A_453, %get3A_454] {strides = array<i32>} : memref<1024x16xi32, #tpu.memory_space<vmem>>, vector<1x16xi32>,
      %get3A_456 = vector.shape_cast %get3A_455 : vector<1x16xi32> to vector<16xi32>
      %reshape3A_457 = vector.shape_cast %and3A_41 : vector<16xi32> to vector<16x1xi32>
      %gather3A_458 = vector.shape_cast %reshape3A_457 : vector<16x1xi32> to vector<16xi32>
      %gather3A_459 = tpu.dynamic_gather %get3A_456[%gather3A_458] in [0] : vector<16xi32>, vector<16xi32> -> vector<16xi32>
      %select_n3A_460 = arith.select %eq3A_25, %gather3A_459, %select_n3A_440 : vector<16xi1>, vector<16xi32>
      %add3A_461 = arith.constant 3 : i32
      %add3A_462 = arith.addi %add3A_412, %add3A_461 : i32
      %get3A_463 = arith.index_cast %add3A_462 : i32 to index
      %get3A_464 = arith.constant 0 : index
      %get3A_465 = tpu.vector_load %arg13[%get3A_463, %get3A_464] {strides = array<i32>} : memref<1024x16xi32, #tpu.memory_space<vmem>>, vector<1x16xi32>,
      %get3A_466 = vector.shape_cast %get3A_465 : vector<1x16xi32> to vector<16xi32>
      %reshape3A_467 = vector.shape_cast %and3A_47 : vector<16xi32> to vector<16x1xi32>
      %gather3A_468 = vector.shape_cast %reshape3A_467 : vector<16x1xi32> to vector<16xi32>
      %gather3A_469 = tpu.dynamic_gather %get3A_466[%gather3A_468] in [0] : vector<16xi32>, vector<16xi32> -> vector<16xi32>
      %select_n3A_470 = arith.select %eq3A_31, %gather3A_469, %select_n3A_450 : vector<16xi1>, vector<16xi32>
      %add3A_471 = arith.constant 3 : i32
      %add3A_472 = arith.addi %add3A_412, %add3A_471 : i32
      %get3A_473 = arith.index_cast %add3A_472 : i32 to index
      %get3A_474 = arith.constant 0 : index
      %get3A_475 = tpu.vector_load %arg16[%get3A_473, %get3A_474] {strides = array<i32>} : memref<1024x16xi32, #tpu.memory_space<vmem>>, vector<1x16xi32>,
      %get3A_476 = vector.shape_cast %get3A_475 : vector<1x16xi32> to vector<16xi32>
      %reshape3A_477 = vector.shape_cast %and3A_47 : vector<16xi32> to vector<16x1xi32>
      %gather3A_478 = vector.shape_cast %reshape3A_477 : vector<16x1xi32> to vector<16xi32>
      %gather3A_479 = tpu.dynamic_gather %get3A_476[%gather3A_478] in [0] : vector<16xi32>, vector<16xi32> -> vector<16xi32>
      %select_n3A_480 = arith.select %eq3A_31, %gather3A_479, %select_n3A_460 : vector<16xi1>, vector<16xi32>
      %reshape3A_481 = vector.shape_cast %xor3A_7 : vector<16xi32> to vector<16x1xi32>
      %gather3A_482 = vector.shape_cast %reshape3A_481 : vector<16x1xi32> to vector<16xi32>
      %gather3A_483 = tpu.dynamic_gather %select_n3A_470[%gather3A_482] in [0] : vector<16xi32>, vector<16xi32> -> vector<16xi32>
      %sub3A_484 = arith.subi %gather3A_483, %select_n3A_470 : vector<16xi32>
      %reshape3A_485 = vector.shape_cast %mul3A_53 : vector<16xi32> to vector<16x1xi32>
      %gather3A_486 = vector.shape_cast %reshape3A_485 : vector<16x1xi32> to vector<16xi32>
      %gather3A_487 = tpu.dynamic_gather %sub3A_484[%gather3A_486] in [0] : vector<16xi32>, vector<16xi32> -> vector<16xi32>
      %select_n3A_488 = arith.select %eq3A_25, %gather3A_487, %select_n3A_400 : vector<16xi1>, vector<16xi32>
      %reshape3A_489 = vector.shape_cast %add3A_56 : vector<16xi32> to vector<16x1xi32>
      %gather3A_490 = vector.shape_cast %reshape3A_489 : vector<16x1xi32> to vector<16xi32>
      %gather3A_491 = tpu.dynamic_gather %sub3A_484[%gather3A_490] in [0] : vector<16xi32>, vector<16xi32> -> vector<16xi32>
      %select_n3A_492 = arith.select %eq3A_25, %gather3A_491, %select_n3A_404 : vector<16xi1>, vector<16xi32>
      %reshape3A_493 = vector.shape_cast %mul3A_53 : vector<16xi32> to vector<16x1xi32>
      %gather3A_494 = vector.shape_cast %reshape3A_493 : vector<16x1xi32> to vector<16xi32>
      %gather3A_495 = tpu.dynamic_gather %select_n3A_480[%gather3A_494] in [0] : vector<16xi32>, vector<16xi32> -> vector<16xi32>
      %select_n3A_496 = arith.select %eq3A_25, %gather3A_495, %select_n3A_408 : vector<16xi1>, vector<16xi32>
      %mul3A_497 = arith.constant 16 : i32
      %mul3A_498 = arith.muli %scan3A_235, %mul3A_497 : i32
      %add3A_499 = arith.constant 12 : i32
      %add3A_500 = arith.addi %mul3A_498, %add3A_499 : i32
      %get3A_501 = arith.index_cast %add3A_500 : i32 to index
      %get3A_502 = arith.constant 0 : index
      %get3A_503 = tpu.vector_load %arg13[%get3A_501, %get3A_502] {strides = array<i32>} : memref<1024x16xi32, #tpu.memory_space<vmem>>, vector<1x16xi32>,
      %get3A_504 = vector.shape_cast %get3A_503 : vector<1x16xi32> to vector<16xi32>
      %get3A_505 = arith.index_cast %add3A_500 : i32 to index
      %get3A_506 = arith.constant 0 : index
      %get3A_507 = tpu.vector_load %arg16[%get3A_505, %get3A_506] {strides = array<i32>} : memref<1024x16xi32, #tpu.memory_space<vmem>>, vector<1x16xi32>,
      %get3A_508 = vector.shape_cast %get3A_507 : vector<1x16xi32> to vector<16xi32>
      %add3A_509 = arith.constant 1 : i32
      %add3A_510 = arith.addi %add3A_500, %add3A_509 : i32
      %get3A_511 = arith.index_cast %add3A_510 : i32 to index
      %get3A_512 = arith.constant 0 : index
      %get3A_513 = tpu.vector_load %arg13[%get3A_511, %get3A_512] {strides = array<i32>} : memref<1024x16xi32, #tpu.memory_space<vmem>>, vector<1x16xi32>,
      %get3A_514 = vector.shape_cast %get3A_513 : vector<1x16xi32> to vector<16xi32>
      %reshape3A_515 = vector.shape_cast %and3A_35 : vector<16xi32> to vector<16x1xi32>
      %gather3A_516 = vector.shape_cast %reshape3A_515 : vector<16x1xi32> to vector<16xi32>
      %gather3A_517 = tpu.dynamic_gather %get3A_514[%gather3A_516] in [0] : vector<16xi32>, vector<16xi32> -> vector<16xi32>
      %select_n3A_518 = arith.select %eq3A_19, %gather3A_517, %get3A_504 : vector<16xi1>, vector<16xi32>
      %add3A_519 = arith.constant 1 : i32
      %add3A_520 = arith.addi %add3A_500, %add3A_519 : i32
      %get3A_521 = arith.index_cast %add3A_520 : i32 to index
      %get3A_522 = arith.constant 0 : index
      %get3A_523 = tpu.vector_load %arg16[%get3A_521, %get3A_522] {strides = array<i32>} : memref<1024x16xi32, #tpu.memory_space<vmem>>, vector<1x16xi32>,
      %get3A_524 = vector.shape_cast %get3A_523 : vector<1x16xi32> to vector<16xi32>
      %reshape3A_525 = vector.shape_cast %and3A_35 : vector<16xi32> to vector<16x1xi32>
      %gather3A_526 = vector.shape_cast %reshape3A_525 : vector<16x1xi32> to vector<16xi32>
      %gather3A_527 = tpu.dynamic_gather %get3A_524[%gather3A_526] in [0] : vector<16xi32>, vector<16xi32> -> vector<16xi32>
      %select_n3A_528 = arith.select %eq3A_19, %gather3A_527, %get3A_508 : vector<16xi1>, vector<16xi32>
      %add3A_529 = arith.constant 2 : i32
      %add3A_530 = arith.addi %add3A_500, %add3A_529 : i32
      %get3A_531 = arith.index_cast %add3A_530 : i32 to index
      %get3A_532 = arith.constant 0 : index
      %get3A_533 = tpu.vector_load %arg13[%get3A_531, %get3A_532] {strides = array<i32>} : memref<1024x16xi32, #tpu.memory_space<vmem>>, vector<1x16xi32>,
      %get3A_534 = vector.shape_cast %get3A_533 : vector<1x16xi32> to vector<16xi32>
      %reshape3A_535 = vector.shape_cast %and3A_41 : vector<16xi32> to vector<16x1xi32>
      %gather3A_536 = vector.shape_cast %reshape3A_535 : vector<16x1xi32> to vector<16xi32>
      %gather3A_537 = tpu.dynamic_gather %get3A_534[%gather3A_536] in [0] : vector<16xi32>, vector<16xi32> -> vector<16xi32>
      %select_n3A_538 = arith.select %eq3A_25, %gather3A_537, %select_n3A_518 : vector<16xi1>, vector<16xi32>
      %add3A_539 = arith.constant 2 : i32
      %add3A_540 = arith.addi %add3A_500, %add3A_539 : i32
      %get3A_541 = arith.index_cast %add3A_540 : i32 to index
      %get3A_542 = arith.constant 0 : index
      %get3A_543 = tpu.vector_load %arg16[%get3A_541, %get3A_542] {strides = array<i32>} : memref<1024x16xi32, #tpu.memory_space<vmem>>, vector<1x16xi32>,
      %get3A_544 = vector.shape_cast %get3A_543 : vector<1x16xi32> to vector<16xi32>
      %reshape3A_545 = vector.shape_cast %and3A_41 : vector<16xi32> to vector<16x1xi32>
      %gather3A_546 = vector.shape_cast %reshape3A_545 : vector<16x1xi32> to vector<16xi32>
      %gather3A_547 = tpu.dynamic_gather %get3A_544[%gather3A_546] in [0] : vector<16xi32>, vector<16xi32> -> vector<16xi32>
      %select_n3A_548 = arith.select %eq3A_25, %gather3A_547, %select_n3A_528 : vector<16xi1>, vector<16xi32>
      %add3A_549 = arith.constant 3 : i32
      %add3A_550 = arith.addi %add3A_500, %add3A_549 : i32
      %get3A_551 = arith.index_cast %add3A_550 : i32 to index
      %get3A_552 = arith.constant 0 : index
      %get3A_553 = tpu.vector_load %arg13[%get3A_551, %get3A_552] {strides = array<i32>} : memref<1024x16xi32, #tpu.memory_space<vmem>>, vector<1x16xi32>,
      %get3A_554 = vector.shape_cast %get3A_553 : vector<1x16xi32> to vector<16xi32>
      %reshape3A_555 = vector.shape_cast %and3A_47 : vector<16xi32> to vector<16x1xi32>
      %gather3A_556 = vector.shape_cast %reshape3A_555 : vector<16x1xi32> to vector<16xi32>
      %gather3A_557 = tpu.dynamic_gather %get3A_554[%gather3A_556] in [0] : vector<16xi32>, vector<16xi32> -> vector<16xi32>
      %select_n3A_558 = arith.select %eq3A_31, %gather3A_557, %select_n3A_538 : vector<16xi1>, vector<16xi32>
      %add3A_559 = arith.constant 3 : i32
      %add3A_560 = arith.addi %add3A_500, %add3A_559 : i32
      %get3A_561 = arith.index_cast %add3A_560 : i32 to index
      %get3A_562 = arith.constant 0 : index
      %get3A_563 = tpu.vector_load %arg16[%get3A_561, %get3A_562] {strides = array<i32>} : memref<1024x16xi32, #tpu.memory_space<vmem>>, vector<1x16xi32>,
      %get3A_564 = vector.shape_cast %get3A_563 : vector<1x16xi32> to vector<16xi32>
      %reshape3A_565 = vector.shape_cast %and3A_47 : vector<16xi32> to vector<16x1xi32>
      %gather3A_566 = vector.shape_cast %reshape3A_565 : vector<16x1xi32> to vector<16xi32>
      %gather3A_567 = tpu.dynamic_gather %get3A_564[%gather3A_566] in [0] : vector<16xi32>, vector<16xi32> -> vector<16xi32>
      %select_n3A_568 = arith.select %eq3A_31, %gather3A_567, %select_n3A_548 : vector<16xi1>, vector<16xi32>
      %reshape3A_569 = vector.shape_cast %xor3A_7 : vector<16xi32> to vector<16x1xi32>
      %gather3A_570 = vector.shape_cast %reshape3A_569 : vector<16x1xi32> to vector<16xi32>
      %gather3A_571 = tpu.dynamic_gather %select_n3A_558[%gather3A_570] in [0] : vector<16xi32>, vector<16xi32> -> vector<16xi32>
      %sub3A_572 = arith.subi %gather3A_571, %select_n3A_558 : vector<16xi32>
      %reshape3A_573 = vector.shape_cast %mul3A_53 : vector<16xi32> to vector<16x1xi32>
      %gather3A_574 = vector.shape_cast %reshape3A_573 : vector<16x1xi32> to vector<16xi32>
      %gather3A_575 = tpu.dynamic_gather %sub3A_572[%gather3A_574] in [0] : vector<16xi32>, vector<16xi32> -> vector<16xi32>
      %select_n3A_576 = arith.select %eq3A_31, %gather3A_575, %select_n3A_488 : vector<16xi1>, vector<16xi32>
      %reshape3A_577 = vector.shape_cast %add3A_56 : vector<16xi32> to vector<16x1xi32>
      %gather3A_578 = vector.shape_cast %reshape3A_577 : vector<16x1xi32> to vector<16xi32>
      %gather3A_579 = tpu.dynamic_gather %sub3A_572[%gather3A_578] in [0] : vector<16xi32>, vector<16xi32> -> vector<16xi32>
      %select_n3A_580 = arith.select %eq3A_31, %gather3A_579, %select_n3A_492 : vector<16xi1>, vector<16xi32>
      %reshape3A_581 = vector.shape_cast %mul3A_53 : vector<16xi32> to vector<16x1xi32>
      %gather3A_582 = vector.shape_cast %reshape3A_581 : vector<16x1xi32> to vector<16xi32>
      %gather3A_583 = tpu.dynamic_gather %select_n3A_568[%gather3A_582] in [0] : vector<16xi32>, vector<16xi32> -> vector<16xi32>
      %select_n3A_584 = arith.select %eq3A_31, %gather3A_583, %select_n3A_496 : vector<16xi1>, vector<16xi32>
      %abs3A = math.absi %select_n3A_576 : vector<16xi32>
      %abs3A_585 = math.absi %select_n3A_580 : vector<16xi32>
      %gt3A = arith.constant 1 : i32
      %gt3A_586 = vector.broadcast %gt3A : i32 to vector<16xi32>
      %gt3A_587 = arith.cmpi sgt, %select_n3A_580, %gt3A_586 : vector<16xi32>
      %gt3A_588 = arith.constant 0 : i32
      %gt3A_589 = vector.broadcast %gt3A_588 : i32 to vector<16xi32>
      %gt3A_590 = arith.cmpi sgt, %select_n3A_576, %gt3A_589 : vector<16xi32>
      %jit3A = arith.constant 12 : i32
      %eq3A_591 = arith.constant 0 : i32
      %eq3A_592 = arith.cmpi eq, %jit3A, %eq3A_591 : i32
      %jit3A_593 = arith.constant 1 : i32
      %select_n3A_594 = arith.select %eq3A_592, %jit3A_593, %jit3A : i32
      %rem3A = vector.broadcast %select_n3A_594 : i32 to vector<16xi32>
      %rem3A_595 = arith.remsi %select_n3A_584, %rem3A : vector<16xi32>
      %ne3A = arith.constant 0 : i32
      %ne3A_596 = vector.broadcast %ne3A : i32 to vector<16xi32>
      %ne3A_597 = arith.cmpi ne, %rem3A_595, %ne3A_596 : vector<16xi32>
      %lt3A = arith.constant 0 : i32
      %lt3A_598 = vector.broadcast %lt3A : i32 to vector<16xi32>
      %lt3A_599 = arith.cmpi slt, %rem3A_595, %lt3A_598 : vector<16xi32>
      %lt3A_600 = arith.constant 0 : i32
      %lt3A_601 = arith.cmpi slt, %select_n3A_594, %lt3A_600 : i32
      %ne3A_602 = vector.broadcast %lt3A_601 : i1 to vector<16xi1>
      %ne3A_603 = vector.broadcast %ne3A_602 : vector<16xi1> to vector<16xi1>
      %ne3A_604 = arith.xori %lt3A_599, %ne3A_603 : vector<16xi1>
      %and3A_605 = arith.andi %ne3A_604, %ne3A_597 : vector<16xi1>
      %add3A_606 = vector.broadcast %select_n3A_594 : i32 to vector<16xi32>
      %add3A_607 = arith.addi %rem3A_595, %add3A_606 : vector<16xi32>
      %select_n3A_608 = arith.select %and3A_605, %add3A_607, %rem3A_595 : vector<16xi1>, vector<16xi32>
      %lt3A_609 = arith.constant 4 : i32
      %lt3A_610 = vector.broadcast %lt3A_609 : i32 to vector<16xi32>
      %lt3A_611 = arith.cmpi slt, %select_n3A_608, %lt3A_610 : vector<16xi32>
      %le3A = arith.constant 2 : i32
      %le3A_612 = vector.broadcast %le3A : i32 to vector<16xi32>
      %le3A_613 = arith.cmpi sle, %abs3A_585, %le3A_612 : vector<16xi32>
      %jit3A_614 = arith.constant 5 : i32
      %jit3A_615 = arith.constant 2 : i32
      %broadcast_in_dim3A_616 = vector.broadcast %jit3A_614 : i32 to vector<16xi32>
      %broadcast_in_dim3A_617 = vector.broadcast %jit3A_615 : i32 to vector<16xi32>
      %select_n3A_618 = arith.select %gt3A_587, %broadcast_in_dim3A_616, %broadcast_in_dim3A_617 : vector<16xi1>, vector<16xi32>
      %gt3A_619 = arith.constant 26 : i32
      %gt3A_620 = vector.broadcast %gt3A_619 : i32 to vector<16xi32>
      %gt3A_621 = arith.cmpi sgt, %abs3A, %gt3A_620 : vector<16xi32>
      %and3A_622 = arith.andi %le3A_613, %gt3A_621 : vector<16xi1>
      %jit3A_623 = arith.constant 3 : i32
      %jit3A_624 = arith.constant 4 : i32
      %broadcast_in_dim3A_625 = vector.broadcast %jit3A_623 : i32 to vector<16xi32>
      %broadcast_in_dim3A_626 = vector.broadcast %jit3A_624 : i32 to vector<16xi32>
      %select_n3A_627 = arith.select %gt3A_590, %broadcast_in_dim3A_625, %broadcast_in_dim3A_626 : vector<16xi1>, vector<16xi32>
      %select_n3A_628 = arith.select %and3A_622, %select_n3A_627, %select_n3A_618 : vector<16xi1>, vector<16xi32>
      %lt3A_629 = arith.constant 23 : i32
      %lt3A_630 = vector.broadcast %lt3A_629 : i32 to vector<16xi32>
      %lt3A_631 = arith.cmpi slt, %abs3A, %lt3A_630 : vector<16xi32>
      %and3A_632 = arith.andi %le3A_613, %lt3A_631 : vector<16xi1>
      %jit3A_633 = arith.constant 4 : i32
      %jit3A_634 = arith.constant 3 : i32
      %broadcast_in_dim3A_635 = vector.broadcast %jit3A_633 : i32 to vector<16xi32>
      %broadcast_in_dim3A_636 = vector.broadcast %jit3A_634 : i32 to vector<16xi32>
      %select_n3A_637 = arith.select %gt3A_590, %broadcast_in_dim3A_635, %broadcast_in_dim3A_636 : vector<16xi1>, vector<16xi32>
      %select_n3A_638 = arith.select %and3A_632, %select_n3A_637, %select_n3A_628 : vector<16xi1>, vector<16xi32>
      %ge3A = arith.constant 23 : i32
      %ge3A_639 = vector.broadcast %ge3A : i32 to vector<16xi32>
      %ge3A_640 = arith.cmpi sge, %abs3A, %ge3A_639 : vector<16xi32>
      %and3A_641 = arith.andi %le3A_613, %ge3A_640 : vector<16xi1>
      %le3A_642 = arith.constant 26 : i32
      %le3A_643 = vector.broadcast %le3A_642 : i32 to vector<16xi32>
      %le3A_644 = arith.cmpi sle, %abs3A, %le3A_643 : vector<16xi32>
      %and3A_645 = arith.andi %and3A_641, %le3A_644 : vector<16xi1>
      %jit3A_646 = arith.constant 1 : i32
      %jit3A_647 = arith.constant 0 : i32
      %broadcast_in_dim3A_648 = vector.broadcast %jit3A_646 : i32 to vector<16xi32>
      %broadcast_in_dim3A_649 = vector.broadcast %jit3A_647 : i32 to vector<16xi32>
      %select_n3A_650 = arith.select %lt3A_611, %broadcast_in_dim3A_648, %broadcast_in_dim3A_649 : vector<16xi1>, vector<16xi32>
      %select_n3A_651 = arith.select %and3A_645, %select_n3A_650, %select_n3A_638 : vector<16xi1>, vector<16xi32>
      %shift_left3A = arith.shli %broadcast_in_dim3A_5, %select_n3A_651 : vector<16xi32>
      %or3A = arith.ori %scan3A_236, %shift_left3A : vector<16xi32>
      scf.yield %or3A : vector<16xi32>
    }
    %scan3A_151 = arith.constant 64 : i32
    %scan3A_152 = arith.constant 0 : i32
    %scan3A_153 = arith.constant 0 : i32
    %scan3A_154 = arith.constant 64 : i32
    %scan3A_155 = arith.addi %scan3A_153, %scan3A_154 : i32
    %scan3A_156 = arith.constant 1 : i32
    scf.for %scan3A_235 = %scan3A_153 to %scan3A_155 step %scan3A_156  : i32 {
      %add3A_236 = arith.constant 5120 : i32
      %add3A_237 = arith.addi %add3A_4, %add3A_236 : i32
      %mul3A_238 = arith.constant 16 : i32
      %mul3A_239 = arith.muli %scan3A_235, %mul3A_238 : i32
      %add3A_240 = arith.addi %add3A_237, %mul3A_239 : i32
      %add3A_241 = vector.broadcast %add3A_240 : i32 to vector<16xi32>
      %add3A_242 = arith.addi %add3A_241, %iota3A : vector<16xi32>
      %mul3A_243 = arith.constant 8 : i32
      %mul3A_244 = vector.broadcast %mul3A_243 : i32 to vector<16xi32>
      %mul3A_245 = arith.muli %mul3A_244, %add3A_242 : vector<16xi32>
      %add3A_246 = arith.constant 2 : i32
      %add3A_247 = vector.broadcast %add3A_246 : i32 to vector<16xi32>
      %add3A_248 = arith.addi %mul3A_245, %add3A_247 : vector<16xi32>
      %mul3A_249 = arith.constant 16 : i32
      %mul3A_250 = arith.muli %scan3A_235, %mul3A_249 : i32
      %swap3A_251 = arith.index_cast %mul3A_250 : i32 to index
      %swap3A_252 = tpu.vector_load %arg7[%swap3A_251] {strides = array<i32>} : memref<1024xi32, #tpu.memory_space<vmem>>, vector<16xi32>,
      %swap3A_253 = vector.shape_cast %swap3A_252 : vector<16xi32> to vector<16xi32>
      %swap3A_254 = vector.shape_cast %add3A_248 : vector<16xi32> to vector<16xi32>
      tpu.vector_store %arg7[%swap3A_251], %swap3A_254 {strides = array<i32>} : memref<1024xi32, #tpu.memory_space<vmem>>, vector<16xi32>,
      %mul3A_255 = arith.constant 16 : i32
      %mul3A_256 = arith.muli %scan3A_235, %mul3A_255 : i32
      %swap3A_257 = arith.index_cast %mul3A_256 : i32 to index
      %swap3A_258 = tpu.vector_load %arg10[%swap3A_257] {strides = array<i32>} : memref<1024xi32, #tpu.memory_space<vmem>>, vector<16xi32>,
      %swap3A_259 = vector.shape_cast %swap3A_258 : vector<16xi32> to vector<16xi32>
      %swap3A_260 = vector.shape_cast %mul3A_245 : vector<16xi32> to vector<16xi32>
      tpu.vector_store %arg10[%swap3A_257], %swap3A_260 {strides = array<i32>} : memref<1024xi32, #tpu.memory_space<vmem>>, vector<16xi32>,
    }
    %scan3A_157 = arith.constant 64 : i32
    %dma_start3A_158 = arith.constant 0 : i32
    %dma_start3A_159 = arith.constant 0 : i32
    %dma_start3A_160 = tpu.memref_slice %arg2[%dma_start3A_158, %dma_start3A_159] : memref<2097152x16xi32, #tpu.memory_space<hbm>> -> memref<2097152x16xi32, #tpu.memory_space<hbm>>
    tpu.enqueue_indirect_dma source(%dma_start3A_160 : memref<2097152x16xi32, #tpu.memory_space<hbm>>) target(%arg13 : memref<1024x16xi32, #tpu.memory_space<vmem>>) offsets(%arg7 : memref<1024xi32, #tpu.memory_space<vmem>>) semaphore(%arg28 : memref<!tpu.dma_semaphore, #tpu.memory_space<semaphore_mem>>)
    %dma_start3A_161 = arith.constant 0 : i32
    %dma_start3A_162 = arith.constant 0 : i32
    %dma_start3A_163 = tpu.memref_slice %arg2[%dma_start3A_161, %dma_start3A_162] : memref<2097152x16xi32, #tpu.memory_space<hbm>> -> memref<2097152x16xi32, #tpu.memory_space<hbm>>
    tpu.enqueue_indirect_dma source(%dma_start3A_163 : memref<2097152x16xi32, #tpu.memory_space<hbm>>) target(%arg16 : memref<1024x16xi32, #tpu.memory_space<vmem>>) offsets(%arg10 : memref<1024xi32, #tpu.memory_space<vmem>>) semaphore(%arg28 : memref<!tpu.dma_semaphore, #tpu.memory_space<semaphore_mem>>)
    %dma_wait3A_164 = arith.constant 0 : i32
    %dma_wait3A_165 = arith.constant 0 : i32
    %dma_wait3A_166 = tpu.memref_slice %arg2[%dma_wait3A_164, %dma_wait3A_165] : memref<2097152x16xi32, #tpu.memory_space<hbm>> -> memref<2097152x16xi32, #tpu.memory_space<hbm>>
    tpu.wait_indirect_dma semaphore(%arg28 : memref<!tpu.dma_semaphore, #tpu.memory_space<semaphore_mem>>) src(%dma_wait3A_166 : memref<2097152x16xi32, #tpu.memory_space<hbm>>) dst(%arg11 : memref<1024x16xi32, #tpu.memory_space<vmem>>)
    %dma_wait3A_167 = arith.constant 0 : i32
    %dma_wait3A_168 = arith.constant 0 : i32
    %dma_wait3A_169 = tpu.memref_slice %arg2[%dma_wait3A_167, %dma_wait3A_168] : memref<2097152x16xi32, #tpu.memory_space<hbm>> -> memref<2097152x16xi32, #tpu.memory_space<hbm>>
    tpu.wait_indirect_dma semaphore(%arg28 : memref<!tpu.dma_semaphore, #tpu.memory_space<semaphore_mem>>) src(%dma_wait3A_169 : memref<2097152x16xi32, #tpu.memory_space<hbm>>) dst(%arg14 : memref<1024x16xi32, #tpu.memory_space<vmem>>)
    %scan3A_170 = arith.constant 0 : i32
    %scan3A_171 = arith.constant 64 : i32
    %scan3A_172 = arith.addi %scan3A_170, %scan3A_171 : i32
    %scan3A_173 = arith.constant 1 : i32
    %scan3A_174 = scf.for %scan3A_235 = %scan3A_170 to %scan3A_172 step %scan3A_173 iter_args(%scan3A_236 = %scan3A_150) -> (vector<16xi32>)  : i32 {
      %mul3A_237 = arith.constant 16 : i32
      %mul3A_238 = arith.muli %scan3A_235, %mul3A_237 : i32
      %add3A_239 = arith.constant 0 : i32
      %add3A_240 = arith.addi %mul3A_238, %add3A_239 : i32
      %get3A = arith.index_cast %add3A_240 : i32 to index
      %get3A_241 = arith.constant 0 : index
      %get3A_242 = tpu.vector_load %arg11[%get3A, %get3A_241] {strides = array<i32>} : memref<1024x16xi32, #tpu.memory_space<vmem>>, vector<1x16xi32>,
      %get3A_243 = vector.shape_cast %get3A_242 : vector<1x16xi32> to vector<16xi32>
      %get3A_244 = arith.index_cast %add3A_240 : i32 to index
      %get3A_245 = arith.constant 0 : index
      %get3A_246 = tpu.vector_load %arg14[%get3A_244, %get3A_245] {strides = array<i32>} : memref<1024x16xi32, #tpu.memory_space<vmem>>, vector<1x16xi32>,
      %get3A_247 = vector.shape_cast %get3A_246 : vector<1x16xi32> to vector<16xi32>
      %add3A_248 = arith.constant 1 : i32
      %add3A_249 = arith.addi %add3A_240, %add3A_248 : i32
      %get3A_250 = arith.index_cast %add3A_249 : i32 to index
      %get3A_251 = arith.constant 0 : index
      %get3A_252 = tpu.vector_load %arg11[%get3A_250, %get3A_251] {strides = array<i32>} : memref<1024x16xi32, #tpu.memory_space<vmem>>, vector<1x16xi32>,
      %get3A_253 = vector.shape_cast %get3A_252 : vector<1x16xi32> to vector<16xi32>
      %reshape3A = vector.shape_cast %and3A_35 : vector<16xi32> to vector<16x1xi32>
      %gather3A = vector.shape_cast %reshape3A : vector<16x1xi32> to vector<16xi32>
      %gather3A_254 = tpu.dynamic_gather %get3A_253[%gather3A] in [0] : vector<16xi32>, vector<16xi32> -> vector<16xi32>
      %select_n3A = arith.select %eq3A_19, %gather3A_254, %get3A_243 : vector<16xi1>, vector<16xi32>
      %add3A_255 = arith.constant 1 : i32
      %add3A_256 = arith.addi %add3A_240, %add3A_255 : i32
      %get3A_257 = arith.index_cast %add3A_256 : i32 to index
      %get3A_258 = arith.constant 0 : index
      %get3A_259 = tpu.vector_load %arg14[%get3A_257, %get3A_258] {strides = array<i32>} : memref<1024x16xi32, #tpu.memory_space<vmem>>, vector<1x16xi32>,
      %get3A_260 = vector.shape_cast %get3A_259 : vector<1x16xi32> to vector<16xi32>
      %reshape3A_261 = vector.shape_cast %and3A_35 : vector<16xi32> to vector<16x1xi32>
      %gather3A_262 = vector.shape_cast %reshape3A_261 : vector<16x1xi32> to vector<16xi32>
      %gather3A_263 = tpu.dynamic_gather %get3A_260[%gather3A_262] in [0] : vector<16xi32>, vector<16xi32> -> vector<16xi32>
      %select_n3A_264 = arith.select %eq3A_19, %gather3A_263, %get3A_247 : vector<16xi1>, vector<16xi32>
      %add3A_265 = arith.constant 2 : i32
      %add3A_266 = arith.addi %add3A_240, %add3A_265 : i32
      %get3A_267 = arith.index_cast %add3A_266 : i32 to index
      %get3A_268 = arith.constant 0 : index
      %get3A_269 = tpu.vector_load %arg11[%get3A_267, %get3A_268] {strides = array<i32>} : memref<1024x16xi32, #tpu.memory_space<vmem>>, vector<1x16xi32>,
      %get3A_270 = vector.shape_cast %get3A_269 : vector<1x16xi32> to vector<16xi32>
      %reshape3A_271 = vector.shape_cast %and3A_41 : vector<16xi32> to vector<16x1xi32>
      %gather3A_272 = vector.shape_cast %reshape3A_271 : vector<16x1xi32> to vector<16xi32>
      %gather3A_273 = tpu.dynamic_gather %get3A_270[%gather3A_272] in [0] : vector<16xi32>, vector<16xi32> -> vector<16xi32>
      %select_n3A_274 = arith.select %eq3A_25, %gather3A_273, %select_n3A : vector<16xi1>, vector<16xi32>
      %add3A_275 = arith.constant 2 : i32
      %add3A_276 = arith.addi %add3A_240, %add3A_275 : i32
      %get3A_277 = arith.index_cast %add3A_276 : i32 to index
      %get3A_278 = arith.constant 0 : index
      %get3A_279 = tpu.vector_load %arg14[%get3A_277, %get3A_278] {strides = array<i32>} : memref<1024x16xi32, #tpu.memory_space<vmem>>, vector<1x16xi32>,
      %get3A_280 = vector.shape_cast %get3A_279 : vector<1x16xi32> to vector<16xi32>
      %reshape3A_281 = vector.shape_cast %and3A_41 : vector<16xi32> to vector<16x1xi32>
      %gather3A_282 = vector.shape_cast %reshape3A_281 : vector<16x1xi32> to vector<16xi32>
      %gather3A_283 = tpu.dynamic_gather %get3A_280[%gather3A_282] in [0] : vector<16xi32>, vector<16xi32> -> vector<16xi32>
      %select_n3A_284 = arith.select %eq3A_25, %gather3A_283, %select_n3A_264 : vector<16xi1>, vector<16xi32>
      %add3A_285 = arith.constant 3 : i32
      %add3A_286 = arith.addi %add3A_240, %add3A_285 : i32
      %get3A_287 = arith.index_cast %add3A_286 : i32 to index
      %get3A_288 = arith.constant 0 : index
      %get3A_289 = tpu.vector_load %arg11[%get3A_287, %get3A_288] {strides = array<i32>} : memref<1024x16xi32, #tpu.memory_space<vmem>>, vector<1x16xi32>,
      %get3A_290 = vector.shape_cast %get3A_289 : vector<1x16xi32> to vector<16xi32>
      %reshape3A_291 = vector.shape_cast %and3A_47 : vector<16xi32> to vector<16x1xi32>
      %gather3A_292 = vector.shape_cast %reshape3A_291 : vector<16x1xi32> to vector<16xi32>
      %gather3A_293 = tpu.dynamic_gather %get3A_290[%gather3A_292] in [0] : vector<16xi32>, vector<16xi32> -> vector<16xi32>
      %select_n3A_294 = arith.select %eq3A_31, %gather3A_293, %select_n3A_274 : vector<16xi1>, vector<16xi32>
      %add3A_295 = arith.constant 3 : i32
      %add3A_296 = arith.addi %add3A_240, %add3A_295 : i32
      %get3A_297 = arith.index_cast %add3A_296 : i32 to index
      %get3A_298 = arith.constant 0 : index
      %get3A_299 = tpu.vector_load %arg14[%get3A_297, %get3A_298] {strides = array<i32>} : memref<1024x16xi32, #tpu.memory_space<vmem>>, vector<1x16xi32>,
      %get3A_300 = vector.shape_cast %get3A_299 : vector<1x16xi32> to vector<16xi32>
      %reshape3A_301 = vector.shape_cast %and3A_47 : vector<16xi32> to vector<16x1xi32>
      %gather3A_302 = vector.shape_cast %reshape3A_301 : vector<16x1xi32> to vector<16xi32>
      %gather3A_303 = tpu.dynamic_gather %get3A_300[%gather3A_302] in [0] : vector<16xi32>, vector<16xi32> -> vector<16xi32>
      %select_n3A_304 = arith.select %eq3A_31, %gather3A_303, %select_n3A_284 : vector<16xi1>, vector<16xi32>
      %reshape3A_305 = vector.shape_cast %xor3A_7 : vector<16xi32> to vector<16x1xi32>
      %gather3A_306 = vector.shape_cast %reshape3A_305 : vector<16x1xi32> to vector<16xi32>
      %gather3A_307 = tpu.dynamic_gather %select_n3A_294[%gather3A_306] in [0] : vector<16xi32>, vector<16xi32> -> vector<16xi32>
      %sub3A_308 = arith.subi %gather3A_307, %select_n3A_294 : vector<16xi32>
      %reshape3A_309 = vector.shape_cast %mul3A_53 : vector<16xi32> to vector<16x1xi32>
      %gather3A_310 = vector.shape_cast %reshape3A_309 : vector<16x1xi32> to vector<16xi32>
      %gather3A_311 = tpu.dynamic_gather %sub3A_308[%gather3A_310] in [0] : vector<16xi32>, vector<16xi32> -> vector<16xi32>
      %select_n3A_312 = arith.select %eq3A_13, %gather3A_311, %broadcast_in_dim3A_9 : vector<16xi1>, vector<16xi32>
      %reshape3A_313 = vector.shape_cast %add3A_56 : vector<16xi32> to vector<16x1xi32>
      %gather3A_314 = vector.shape_cast %reshape3A_313 : vector<16x1xi32> to vector<16xi32>
      %gather3A_315 = tpu.dynamic_gather %sub3A_308[%gather3A_314] in [0] : vector<16xi32>, vector<16xi32> -> vector<16xi32>
      %select_n3A_316 = arith.select %eq3A_13, %gather3A_315, %broadcast_in_dim3A_9 : vector<16xi1>, vector<16xi32>
      %reshape3A_317 = vector.shape_cast %mul3A_53 : vector<16xi32> to vector<16x1xi32>
      %gather3A_318 = vector.shape_cast %reshape3A_317 : vector<16x1xi32> to vector<16xi32>
      %gather3A_319 = tpu.dynamic_gather %select_n3A_304[%gather3A_318] in [0] : vector<16xi32>, vector<16xi32> -> vector<16xi32>
      %select_n3A_320 = arith.select %eq3A_13, %gather3A_319, %broadcast_in_dim3A_9 : vector<16xi1>, vector<16xi32>
      %mul3A_321 = arith.constant 16 : i32
      %mul3A_322 = arith.muli %scan3A_235, %mul3A_321 : i32
      %add3A_323 = arith.constant 4 : i32
      %add3A_324 = arith.addi %mul3A_322, %add3A_323 : i32
      %get3A_325 = arith.index_cast %add3A_324 : i32 to index
      %get3A_326 = arith.constant 0 : index
      %get3A_327 = tpu.vector_load %arg11[%get3A_325, %get3A_326] {strides = array<i32>} : memref<1024x16xi32, #tpu.memory_space<vmem>>, vector<1x16xi32>,
      %get3A_328 = vector.shape_cast %get3A_327 : vector<1x16xi32> to vector<16xi32>
      %get3A_329 = arith.index_cast %add3A_324 : i32 to index
      %get3A_330 = arith.constant 0 : index
      %get3A_331 = tpu.vector_load %arg14[%get3A_329, %get3A_330] {strides = array<i32>} : memref<1024x16xi32, #tpu.memory_space<vmem>>, vector<1x16xi32>,
      %get3A_332 = vector.shape_cast %get3A_331 : vector<1x16xi32> to vector<16xi32>
      %add3A_333 = arith.constant 1 : i32
      %add3A_334 = arith.addi %add3A_324, %add3A_333 : i32
      %get3A_335 = arith.index_cast %add3A_334 : i32 to index
      %get3A_336 = arith.constant 0 : index
      %get3A_337 = tpu.vector_load %arg11[%get3A_335, %get3A_336] {strides = array<i32>} : memref<1024x16xi32, #tpu.memory_space<vmem>>, vector<1x16xi32>,
      %get3A_338 = vector.shape_cast %get3A_337 : vector<1x16xi32> to vector<16xi32>
      %reshape3A_339 = vector.shape_cast %and3A_35 : vector<16xi32> to vector<16x1xi32>
      %gather3A_340 = vector.shape_cast %reshape3A_339 : vector<16x1xi32> to vector<16xi32>
      %gather3A_341 = tpu.dynamic_gather %get3A_338[%gather3A_340] in [0] : vector<16xi32>, vector<16xi32> -> vector<16xi32>
      %select_n3A_342 = arith.select %eq3A_19, %gather3A_341, %get3A_328 : vector<16xi1>, vector<16xi32>
      %add3A_343 = arith.constant 1 : i32
      %add3A_344 = arith.addi %add3A_324, %add3A_343 : i32
      %get3A_345 = arith.index_cast %add3A_344 : i32 to index
      %get3A_346 = arith.constant 0 : index
      %get3A_347 = tpu.vector_load %arg14[%get3A_345, %get3A_346] {strides = array<i32>} : memref<1024x16xi32, #tpu.memory_space<vmem>>, vector<1x16xi32>,
      %get3A_348 = vector.shape_cast %get3A_347 : vector<1x16xi32> to vector<16xi32>
      %reshape3A_349 = vector.shape_cast %and3A_35 : vector<16xi32> to vector<16x1xi32>
      %gather3A_350 = vector.shape_cast %reshape3A_349 : vector<16x1xi32> to vector<16xi32>
      %gather3A_351 = tpu.dynamic_gather %get3A_348[%gather3A_350] in [0] : vector<16xi32>, vector<16xi32> -> vector<16xi32>
      %select_n3A_352 = arith.select %eq3A_19, %gather3A_351, %get3A_332 : vector<16xi1>, vector<16xi32>
      %add3A_353 = arith.constant 2 : i32
      %add3A_354 = arith.addi %add3A_324, %add3A_353 : i32
      %get3A_355 = arith.index_cast %add3A_354 : i32 to index
      %get3A_356 = arith.constant 0 : index
      %get3A_357 = tpu.vector_load %arg11[%get3A_355, %get3A_356] {strides = array<i32>} : memref<1024x16xi32, #tpu.memory_space<vmem>>, vector<1x16xi32>,
      %get3A_358 = vector.shape_cast %get3A_357 : vector<1x16xi32> to vector<16xi32>
      %reshape3A_359 = vector.shape_cast %and3A_41 : vector<16xi32> to vector<16x1xi32>
      %gather3A_360 = vector.shape_cast %reshape3A_359 : vector<16x1xi32> to vector<16xi32>
      %gather3A_361 = tpu.dynamic_gather %get3A_358[%gather3A_360] in [0] : vector<16xi32>, vector<16xi32> -> vector<16xi32>
      %select_n3A_362 = arith.select %eq3A_25, %gather3A_361, %select_n3A_342 : vector<16xi1>, vector<16xi32>
      %add3A_363 = arith.constant 2 : i32
      %add3A_364 = arith.addi %add3A_324, %add3A_363 : i32
      %get3A_365 = arith.index_cast %add3A_364 : i32 to index
      %get3A_366 = arith.constant 0 : index
      %get3A_367 = tpu.vector_load %arg14[%get3A_365, %get3A_366] {strides = array<i32>} : memref<1024x16xi32, #tpu.memory_space<vmem>>, vector<1x16xi32>,
      %get3A_368 = vector.shape_cast %get3A_367 : vector<1x16xi32> to vector<16xi32>
      %reshape3A_369 = vector.shape_cast %and3A_41 : vector<16xi32> to vector<16x1xi32>
      %gather3A_370 = vector.shape_cast %reshape3A_369 : vector<16x1xi32> to vector<16xi32>
      %gather3A_371 = tpu.dynamic_gather %get3A_368[%gather3A_370] in [0] : vector<16xi32>, vector<16xi32> -> vector<16xi32>
      %select_n3A_372 = arith.select %eq3A_25, %gather3A_371, %select_n3A_352 : vector<16xi1>, vector<16xi32>
      %add3A_373 = arith.constant 3 : i32
      %add3A_374 = arith.addi %add3A_324, %add3A_373 : i32
      %get3A_375 = arith.index_cast %add3A_374 : i32 to index
      %get3A_376 = arith.constant 0 : index
      %get3A_377 = tpu.vector_load %arg11[%get3A_375, %get3A_376] {strides = array<i32>} : memref<1024x16xi32, #tpu.memory_space<vmem>>, vector<1x16xi32>,
      %get3A_378 = vector.shape_cast %get3A_377 : vector<1x16xi32> to vector<16xi32>
      %reshape3A_379 = vector.shape_cast %and3A_47 : vector<16xi32> to vector<16x1xi32>
      %gather3A_380 = vector.shape_cast %reshape3A_379 : vector<16x1xi32> to vector<16xi32>
      %gather3A_381 = tpu.dynamic_gather %get3A_378[%gather3A_380] in [0] : vector<16xi32>, vector<16xi32> -> vector<16xi32>
      %select_n3A_382 = arith.select %eq3A_31, %gather3A_381, %select_n3A_362 : vector<16xi1>, vector<16xi32>
      %add3A_383 = arith.constant 3 : i32
      %add3A_384 = arith.addi %add3A_324, %add3A_383 : i32
      %get3A_385 = arith.index_cast %add3A_384 : i32 to index
      %get3A_386 = arith.constant 0 : index
      %get3A_387 = tpu.vector_load %arg14[%get3A_385, %get3A_386] {strides = array<i32>} : memref<1024x16xi32, #tpu.memory_space<vmem>>, vector<1x16xi32>,
      %get3A_388 = vector.shape_cast %get3A_387 : vector<1x16xi32> to vector<16xi32>
      %reshape3A_389 = vector.shape_cast %and3A_47 : vector<16xi32> to vector<16x1xi32>
      %gather3A_390 = vector.shape_cast %reshape3A_389 : vector<16x1xi32> to vector<16xi32>
      %gather3A_391 = tpu.dynamic_gather %get3A_388[%gather3A_390] in [0] : vector<16xi32>, vector<16xi32> -> vector<16xi32>
      %select_n3A_392 = arith.select %eq3A_31, %gather3A_391, %select_n3A_372 : vector<16xi1>, vector<16xi32>
      %reshape3A_393 = vector.shape_cast %xor3A_7 : vector<16xi32> to vector<16x1xi32>
      %gather3A_394 = vector.shape_cast %reshape3A_393 : vector<16x1xi32> to vector<16xi32>
      %gather3A_395 = tpu.dynamic_gather %select_n3A_382[%gather3A_394] in [0] : vector<16xi32>, vector<16xi32> -> vector<16xi32>
      %sub3A_396 = arith.subi %gather3A_395, %select_n3A_382 : vector<16xi32>
      %reshape3A_397 = vector.shape_cast %mul3A_53 : vector<16xi32> to vector<16x1xi32>
      %gather3A_398 = vector.shape_cast %reshape3A_397 : vector<16x1xi32> to vector<16xi32>
      %gather3A_399 = tpu.dynamic_gather %sub3A_396[%gather3A_398] in [0] : vector<16xi32>, vector<16xi32> -> vector<16xi32>
      %select_n3A_400 = arith.select %eq3A_19, %gather3A_399, %select_n3A_312 : vector<16xi1>, vector<16xi32>
      %reshape3A_401 = vector.shape_cast %add3A_56 : vector<16xi32> to vector<16x1xi32>
      %gather3A_402 = vector.shape_cast %reshape3A_401 : vector<16x1xi32> to vector<16xi32>
      %gather3A_403 = tpu.dynamic_gather %sub3A_396[%gather3A_402] in [0] : vector<16xi32>, vector<16xi32> -> vector<16xi32>
      %select_n3A_404 = arith.select %eq3A_19, %gather3A_403, %select_n3A_316 : vector<16xi1>, vector<16xi32>
      %reshape3A_405 = vector.shape_cast %mul3A_53 : vector<16xi32> to vector<16x1xi32>
      %gather3A_406 = vector.shape_cast %reshape3A_405 : vector<16x1xi32> to vector<16xi32>
      %gather3A_407 = tpu.dynamic_gather %select_n3A_392[%gather3A_406] in [0] : vector<16xi32>, vector<16xi32> -> vector<16xi32>
      %select_n3A_408 = arith.select %eq3A_19, %gather3A_407, %select_n3A_320 : vector<16xi1>, vector<16xi32>
      %mul3A_409 = arith.constant 16 : i32
      %mul3A_410 = arith.muli %scan3A_235, %mul3A_409 : i32
      %add3A_411 = arith.constant 8 : i32
      %add3A_412 = arith.addi %mul3A_410, %add3A_411 : i32
      %get3A_413 = arith.index_cast %add3A_412 : i32 to index
      %get3A_414 = arith.constant 0 : index
      %get3A_415 = tpu.vector_load %arg11[%get3A_413, %get3A_414] {strides = array<i32>} : memref<1024x16xi32, #tpu.memory_space<vmem>>, vector<1x16xi32>,
      %get3A_416 = vector.shape_cast %get3A_415 : vector<1x16xi32> to vector<16xi32>
      %get3A_417 = arith.index_cast %add3A_412 : i32 to index
      %get3A_418 = arith.constant 0 : index
      %get3A_419 = tpu.vector_load %arg14[%get3A_417, %get3A_418] {strides = array<i32>} : memref<1024x16xi32, #tpu.memory_space<vmem>>, vector<1x16xi32>,
      %get3A_420 = vector.shape_cast %get3A_419 : vector<1x16xi32> to vector<16xi32>
      %add3A_421 = arith.constant 1 : i32
      %add3A_422 = arith.addi %add3A_412, %add3A_421 : i32
      %get3A_423 = arith.index_cast %add3A_422 : i32 to index
      %get3A_424 = arith.constant 0 : index
      %get3A_425 = tpu.vector_load %arg11[%get3A_423, %get3A_424] {strides = array<i32>} : memref<1024x16xi32, #tpu.memory_space<vmem>>, vector<1x16xi32>,
      %get3A_426 = vector.shape_cast %get3A_425 : vector<1x16xi32> to vector<16xi32>
      %reshape3A_427 = vector.shape_cast %and3A_35 : vector<16xi32> to vector<16x1xi32>
      %gather3A_428 = vector.shape_cast %reshape3A_427 : vector<16x1xi32> to vector<16xi32>
      %gather3A_429 = tpu.dynamic_gather %get3A_426[%gather3A_428] in [0] : vector<16xi32>, vector<16xi32> -> vector<16xi32>
      %select_n3A_430 = arith.select %eq3A_19, %gather3A_429, %get3A_416 : vector<16xi1>, vector<16xi32>
      %add3A_431 = arith.constant 1 : i32
      %add3A_432 = arith.addi %add3A_412, %add3A_431 : i32
      %get3A_433 = arith.index_cast %add3A_432 : i32 to index
      %get3A_434 = arith.constant 0 : index
      %get3A_435 = tpu.vector_load %arg14[%get3A_433, %get3A_434] {strides = array<i32>} : memref<1024x16xi32, #tpu.memory_space<vmem>>, vector<1x16xi32>,
      %get3A_436 = vector.shape_cast %get3A_435 : vector<1x16xi32> to vector<16xi32>
      %reshape3A_437 = vector.shape_cast %and3A_35 : vector<16xi32> to vector<16x1xi32>
      %gather3A_438 = vector.shape_cast %reshape3A_437 : vector<16x1xi32> to vector<16xi32>
      %gather3A_439 = tpu.dynamic_gather %get3A_436[%gather3A_438] in [0] : vector<16xi32>, vector<16xi32> -> vector<16xi32>
      %select_n3A_440 = arith.select %eq3A_19, %gather3A_439, %get3A_420 : vector<16xi1>, vector<16xi32>
      %add3A_441 = arith.constant 2 : i32
      %add3A_442 = arith.addi %add3A_412, %add3A_441 : i32
      %get3A_443 = arith.index_cast %add3A_442 : i32 to index
      %get3A_444 = arith.constant 0 : index
      %get3A_445 = tpu.vector_load %arg11[%get3A_443, %get3A_444] {strides = array<i32>} : memref<1024x16xi32, #tpu.memory_space<vmem>>, vector<1x16xi32>,
      %get3A_446 = vector.shape_cast %get3A_445 : vector<1x16xi32> to vector<16xi32>
      %reshape3A_447 = vector.shape_cast %and3A_41 : vector<16xi32> to vector<16x1xi32>
      %gather3A_448 = vector.shape_cast %reshape3A_447 : vector<16x1xi32> to vector<16xi32>
      %gather3A_449 = tpu.dynamic_gather %get3A_446[%gather3A_448] in [0] : vector<16xi32>, vector<16xi32> -> vector<16xi32>
      %select_n3A_450 = arith.select %eq3A_25, %gather3A_449, %select_n3A_430 : vector<16xi1>, vector<16xi32>
      %add3A_451 = arith.constant 2 : i32
      %add3A_452 = arith.addi %add3A_412, %add3A_451 : i32
      %get3A_453 = arith.index_cast %add3A_452 : i32 to index
      %get3A_454 = arith.constant 0 : index
      %get3A_455 = tpu.vector_load %arg14[%get3A_453, %get3A_454] {strides = array<i32>} : memref<1024x16xi32, #tpu.memory_space<vmem>>, vector<1x16xi32>,
      %get3A_456 = vector.shape_cast %get3A_455 : vector<1x16xi32> to vector<16xi32>
      %reshape3A_457 = vector.shape_cast %and3A_41 : vector<16xi32> to vector<16x1xi32>
      %gather3A_458 = vector.shape_cast %reshape3A_457 : vector<16x1xi32> to vector<16xi32>
      %gather3A_459 = tpu.dynamic_gather %get3A_456[%gather3A_458] in [0] : vector<16xi32>, vector<16xi32> -> vector<16xi32>
      %select_n3A_460 = arith.select %eq3A_25, %gather3A_459, %select_n3A_440 : vector<16xi1>, vector<16xi32>
      %add3A_461 = arith.constant 3 : i32
      %add3A_462 = arith.addi %add3A_412, %add3A_461 : i32
      %get3A_463 = arith.index_cast %add3A_462 : i32 to index
      %get3A_464 = arith.constant 0 : index
      %get3A_465 = tpu.vector_load %arg11[%get3A_463, %get3A_464] {strides = array<i32>} : memref<1024x16xi32, #tpu.memory_space<vmem>>, vector<1x16xi32>,
      %get3A_466 = vector.shape_cast %get3A_465 : vector<1x16xi32> to vector<16xi32>
      %reshape3A_467 = vector.shape_cast %and3A_47 : vector<16xi32> to vector<16x1xi32>
      %gather3A_468 = vector.shape_cast %reshape3A_467 : vector<16x1xi32> to vector<16xi32>
      %gather3A_469 = tpu.dynamic_gather %get3A_466[%gather3A_468] in [0] : vector<16xi32>, vector<16xi32> -> vector<16xi32>
      %select_n3A_470 = arith.select %eq3A_31, %gather3A_469, %select_n3A_450 : vector<16xi1>, vector<16xi32>
      %add3A_471 = arith.constant 3 : i32
      %add3A_472 = arith.addi %add3A_412, %add3A_471 : i32
      %get3A_473 = arith.index_cast %add3A_472 : i32 to index
      %get3A_474 = arith.constant 0 : index
      %get3A_475 = tpu.vector_load %arg14[%get3A_473, %get3A_474] {strides = array<i32>} : memref<1024x16xi32, #tpu.memory_space<vmem>>, vector<1x16xi32>,
      %get3A_476 = vector.shape_cast %get3A_475 : vector<1x16xi32> to vector<16xi32>
      %reshape3A_477 = vector.shape_cast %and3A_47 : vector<16xi32> to vector<16x1xi32>
      %gather3A_478 = vector.shape_cast %reshape3A_477 : vector<16x1xi32> to vector<16xi32>
      %gather3A_479 = tpu.dynamic_gather %get3A_476[%gather3A_478] in [0] : vector<16xi32>, vector<16xi32> -> vector<16xi32>
      %select_n3A_480 = arith.select %eq3A_31, %gather3A_479, %select_n3A_460 : vector<16xi1>, vector<16xi32>
      %reshape3A_481 = vector.shape_cast %xor3A_7 : vector<16xi32> to vector<16x1xi32>
      %gather3A_482 = vector.shape_cast %reshape3A_481 : vector<16x1xi32> to vector<16xi32>
      %gather3A_483 = tpu.dynamic_gather %select_n3A_470[%gather3A_482] in [0] : vector<16xi32>, vector<16xi32> -> vector<16xi32>
      %sub3A_484 = arith.subi %gather3A_483, %select_n3A_470 : vector<16xi32>
      %reshape3A_485 = vector.shape_cast %mul3A_53 : vector<16xi32> to vector<16x1xi32>
      %gather3A_486 = vector.shape_cast %reshape3A_485 : vector<16x1xi32> to vector<16xi32>
      %gather3A_487 = tpu.dynamic_gather %sub3A_484[%gather3A_486] in [0] : vector<16xi32>, vector<16xi32> -> vector<16xi32>
      %select_n3A_488 = arith.select %eq3A_25, %gather3A_487, %select_n3A_400 : vector<16xi1>, vector<16xi32>
      %reshape3A_489 = vector.shape_cast %add3A_56 : vector<16xi32> to vector<16x1xi32>
      %gather3A_490 = vector.shape_cast %reshape3A_489 : vector<16x1xi32> to vector<16xi32>
      %gather3A_491 = tpu.dynamic_gather %sub3A_484[%gather3A_490] in [0] : vector<16xi32>, vector<16xi32> -> vector<16xi32>
      %select_n3A_492 = arith.select %eq3A_25, %gather3A_491, %select_n3A_404 : vector<16xi1>, vector<16xi32>
      %reshape3A_493 = vector.shape_cast %mul3A_53 : vector<16xi32> to vector<16x1xi32>
      %gather3A_494 = vector.shape_cast %reshape3A_493 : vector<16x1xi32> to vector<16xi32>
      %gather3A_495 = tpu.dynamic_gather %select_n3A_480[%gather3A_494] in [0] : vector<16xi32>, vector<16xi32> -> vector<16xi32>
      %select_n3A_496 = arith.select %eq3A_25, %gather3A_495, %select_n3A_408 : vector<16xi1>, vector<16xi32>
      %mul3A_497 = arith.constant 16 : i32
      %mul3A_498 = arith.muli %scan3A_235, %mul3A_497 : i32
      %add3A_499 = arith.constant 12 : i32
      %add3A_500 = arith.addi %mul3A_498, %add3A_499 : i32
      %get3A_501 = arith.index_cast %add3A_500 : i32 to index
      %get3A_502 = arith.constant 0 : index
      %get3A_503 = tpu.vector_load %arg11[%get3A_501, %get3A_502] {strides = array<i32>} : memref<1024x16xi32, #tpu.memory_space<vmem>>, vector<1x16xi32>,
      %get3A_504 = vector.shape_cast %get3A_503 : vector<1x16xi32> to vector<16xi32>
      %get3A_505 = arith.index_cast %add3A_500 : i32 to index
      %get3A_506 = arith.constant 0 : index
      %get3A_507 = tpu.vector_load %arg14[%get3A_505, %get3A_506] {strides = array<i32>} : memref<1024x16xi32, #tpu.memory_space<vmem>>, vector<1x16xi32>,
      %get3A_508 = vector.shape_cast %get3A_507 : vector<1x16xi32> to vector<16xi32>
      %add3A_509 = arith.constant 1 : i32
      %add3A_510 = arith.addi %add3A_500, %add3A_509 : i32
      %get3A_511 = arith.index_cast %add3A_510 : i32 to index
      %get3A_512 = arith.constant 0 : index
      %get3A_513 = tpu.vector_load %arg11[%get3A_511, %get3A_512] {strides = array<i32>} : memref<1024x16xi32, #tpu.memory_space<vmem>>, vector<1x16xi32>,
      %get3A_514 = vector.shape_cast %get3A_513 : vector<1x16xi32> to vector<16xi32>
      %reshape3A_515 = vector.shape_cast %and3A_35 : vector<16xi32> to vector<16x1xi32>
      %gather3A_516 = vector.shape_cast %reshape3A_515 : vector<16x1xi32> to vector<16xi32>
      %gather3A_517 = tpu.dynamic_gather %get3A_514[%gather3A_516] in [0] : vector<16xi32>, vector<16xi32> -> vector<16xi32>
      %select_n3A_518 = arith.select %eq3A_19, %gather3A_517, %get3A_504 : vector<16xi1>, vector<16xi32>
      %add3A_519 = arith.constant 1 : i32
      %add3A_520 = arith.addi %add3A_500, %add3A_519 : i32
      %get3A_521 = arith.index_cast %add3A_520 : i32 to index
      %get3A_522 = arith.constant 0 : index
      %get3A_523 = tpu.vector_load %arg14[%get3A_521, %get3A_522] {strides = array<i32>} : memref<1024x16xi32, #tpu.memory_space<vmem>>, vector<1x16xi32>,
      %get3A_524 = vector.shape_cast %get3A_523 : vector<1x16xi32> to vector<16xi32>
      %reshape3A_525 = vector.shape_cast %and3A_35 : vector<16xi32> to vector<16x1xi32>
      %gather3A_526 = vector.shape_cast %reshape3A_525 : vector<16x1xi32> to vector<16xi32>
      %gather3A_527 = tpu.dynamic_gather %get3A_524[%gather3A_526] in [0] : vector<16xi32>, vector<16xi32> -> vector<16xi32>
      %select_n3A_528 = arith.select %eq3A_19, %gather3A_527, %get3A_508 : vector<16xi1>, vector<16xi32>
      %add3A_529 = arith.constant 2 : i32
      %add3A_530 = arith.addi %add3A_500, %add3A_529 : i32
      %get3A_531 = arith.index_cast %add3A_530 : i32 to index
      %get3A_532 = arith.constant 0 : index
      %get3A_533 = tpu.vector_load %arg11[%get3A_531, %get3A_532] {strides = array<i32>} : memref<1024x16xi32, #tpu.memory_space<vmem>>, vector<1x16xi32>,
      %get3A_534 = vector.shape_cast %get3A_533 : vector<1x16xi32> to vector<16xi32>
      %reshape3A_535 = vector.shape_cast %and3A_41 : vector<16xi32> to vector<16x1xi32>
      %gather3A_536 = vector.shape_cast %reshape3A_535 : vector<16x1xi32> to vector<16xi32>
      %gather3A_537 = tpu.dynamic_gather %get3A_534[%gather3A_536] in [0] : vector<16xi32>, vector<16xi32> -> vector<16xi32>
      %select_n3A_538 = arith.select %eq3A_25, %gather3A_537, %select_n3A_518 : vector<16xi1>, vector<16xi32>
      %add3A_539 = arith.constant 2 : i32
      %add3A_540 = arith.addi %add3A_500, %add3A_539 : i32
      %get3A_541 = arith.index_cast %add3A_540 : i32 to index
      %get3A_542 = arith.constant 0 : index
      %get3A_543 = tpu.vector_load %arg14[%get3A_541, %get3A_542] {strides = array<i32>} : memref<1024x16xi32, #tpu.memory_space<vmem>>, vector<1x16xi32>,
      %get3A_544 = vector.shape_cast %get3A_543 : vector<1x16xi32> to vector<16xi32>
      %reshape3A_545 = vector.shape_cast %and3A_41 : vector<16xi32> to vector<16x1xi32>
      %gather3A_546 = vector.shape_cast %reshape3A_545 : vector<16x1xi32> to vector<16xi32>
      %gather3A_547 = tpu.dynamic_gather %get3A_544[%gather3A_546] in [0] : vector<16xi32>, vector<16xi32> -> vector<16xi32>
      %select_n3A_548 = arith.select %eq3A_25, %gather3A_547, %select_n3A_528 : vector<16xi1>, vector<16xi32>
      %add3A_549 = arith.constant 3 : i32
      %add3A_550 = arith.addi %add3A_500, %add3A_549 : i32
      %get3A_551 = arith.index_cast %add3A_550 : i32 to index
      %get3A_552 = arith.constant 0 : index
      %get3A_553 = tpu.vector_load %arg11[%get3A_551, %get3A_552] {strides = array<i32>} : memref<1024x16xi32, #tpu.memory_space<vmem>>, vector<1x16xi32>,
      %get3A_554 = vector.shape_cast %get3A_553 : vector<1x16xi32> to vector<16xi32>
      %reshape3A_555 = vector.shape_cast %and3A_47 : vector<16xi32> to vector<16x1xi32>
      %gather3A_556 = vector.shape_cast %reshape3A_555 : vector<16x1xi32> to vector<16xi32>
      %gather3A_557 = tpu.dynamic_gather %get3A_554[%gather3A_556] in [0] : vector<16xi32>, vector<16xi32> -> vector<16xi32>
      %select_n3A_558 = arith.select %eq3A_31, %gather3A_557, %select_n3A_538 : vector<16xi1>, vector<16xi32>
      %add3A_559 = arith.constant 3 : i32
      %add3A_560 = arith.addi %add3A_500, %add3A_559 : i32
      %get3A_561 = arith.index_cast %add3A_560 : i32 to index
      %get3A_562 = arith.constant 0 : index
      %get3A_563 = tpu.vector_load %arg14[%get3A_561, %get3A_562] {strides = array<i32>} : memref<1024x16xi32, #tpu.memory_space<vmem>>, vector<1x16xi32>,
      %get3A_564 = vector.shape_cast %get3A_563 : vector<1x16xi32> to vector<16xi32>
      %reshape3A_565 = vector.shape_cast %and3A_47 : vector<16xi32> to vector<16x1xi32>
      %gather3A_566 = vector.shape_cast %reshape3A_565 : vector<16x1xi32> to vector<16xi32>
      %gather3A_567 = tpu.dynamic_gather %get3A_564[%gather3A_566] in [0] : vector<16xi32>, vector<16xi32> -> vector<16xi32>
      %select_n3A_568 = arith.select %eq3A_31, %gather3A_567, %select_n3A_548 : vector<16xi1>, vector<16xi32>
      %reshape3A_569 = vector.shape_cast %xor3A_7 : vector<16xi32> to vector<16x1xi32>
      %gather3A_570 = vector.shape_cast %reshape3A_569 : vector<16x1xi32> to vector<16xi32>
      %gather3A_571 = tpu.dynamic_gather %select_n3A_558[%gather3A_570] in [0] : vector<16xi32>, vector<16xi32> -> vector<16xi32>
      %sub3A_572 = arith.subi %gather3A_571, %select_n3A_558 : vector<16xi32>
      %reshape3A_573 = vector.shape_cast %mul3A_53 : vector<16xi32> to vector<16x1xi32>
      %gather3A_574 = vector.shape_cast %reshape3A_573 : vector<16x1xi32> to vector<16xi32>
      %gather3A_575 = tpu.dynamic_gather %sub3A_572[%gather3A_574] in [0] : vector<16xi32>, vector<16xi32> -> vector<16xi32>
      %select_n3A_576 = arith.select %eq3A_31, %gather3A_575, %select_n3A_488 : vector<16xi1>, vector<16xi32>
      %reshape3A_577 = vector.shape_cast %add3A_56 : vector<16xi32> to vector<16x1xi32>
      %gather3A_578 = vector.shape_cast %reshape3A_577 : vector<16x1xi32> to vector<16xi32>
      %gather3A_579 = tpu.dynamic_gather %sub3A_572[%gather3A_578] in [0] : vector<16xi32>, vector<16xi32> -> vector<16xi32>
      %select_n3A_580 = arith.select %eq3A_31, %gather3A_579, %select_n3A_492 : vector<16xi1>, vector<16xi32>
      %reshape3A_581 = vector.shape_cast %mul3A_53 : vector<16xi32> to vector<16x1xi32>
      %gather3A_582 = vector.shape_cast %reshape3A_581 : vector<16x1xi32> to vector<16xi32>
      %gather3A_583 = tpu.dynamic_gather %select_n3A_568[%gather3A_582] in [0] : vector<16xi32>, vector<16xi32> -> vector<16xi32>
      %select_n3A_584 = arith.select %eq3A_31, %gather3A_583, %select_n3A_496 : vector<16xi1>, vector<16xi32>
      %abs3A = math.absi %select_n3A_576 : vector<16xi32>
      %abs3A_585 = math.absi %select_n3A_580 : vector<16xi32>
      %gt3A = arith.constant 1 : i32
      %gt3A_586 = vector.broadcast %gt3A : i32 to vector<16xi32>
      %gt3A_587 = arith.cmpi sgt, %select_n3A_580, %gt3A_586 : vector<16xi32>
      %gt3A_588 = arith.constant 0 : i32
      %gt3A_589 = vector.broadcast %gt3A_588 : i32 to vector<16xi32>
      %gt3A_590 = arith.cmpi sgt, %select_n3A_576, %gt3A_589 : vector<16xi32>
      %jit3A = arith.constant 12 : i32
      %eq3A_591 = arith.constant 0 : i32
      %eq3A_592 = arith.cmpi eq, %jit3A, %eq3A_591 : i32
      %jit3A_593 = arith.constant 1 : i32
      %select_n3A_594 = arith.select %eq3A_592, %jit3A_593, %jit3A : i32
      %rem3A = vector.broadcast %select_n3A_594 : i32 to vector<16xi32>
      %rem3A_595 = arith.remsi %select_n3A_584, %rem3A : vector<16xi32>
      %ne3A = arith.constant 0 : i32
      %ne3A_596 = vector.broadcast %ne3A : i32 to vector<16xi32>
      %ne3A_597 = arith.cmpi ne, %rem3A_595, %ne3A_596 : vector<16xi32>
      %lt3A = arith.constant 0 : i32
      %lt3A_598 = vector.broadcast %lt3A : i32 to vector<16xi32>
      %lt3A_599 = arith.cmpi slt, %rem3A_595, %lt3A_598 : vector<16xi32>
      %lt3A_600 = arith.constant 0 : i32
      %lt3A_601 = arith.cmpi slt, %select_n3A_594, %lt3A_600 : i32
      %ne3A_602 = vector.broadcast %lt3A_601 : i1 to vector<16xi1>
      %ne3A_603 = vector.broadcast %ne3A_602 : vector<16xi1> to vector<16xi1>
      %ne3A_604 = arith.xori %lt3A_599, %ne3A_603 : vector<16xi1>
      %and3A_605 = arith.andi %ne3A_604, %ne3A_597 : vector<16xi1>
      %add3A_606 = vector.broadcast %select_n3A_594 : i32 to vector<16xi32>
      %add3A_607 = arith.addi %rem3A_595, %add3A_606 : vector<16xi32>
      %select_n3A_608 = arith.select %and3A_605, %add3A_607, %rem3A_595 : vector<16xi1>, vector<16xi32>
      %lt3A_609 = arith.constant 4 : i32
      %lt3A_610 = vector.broadcast %lt3A_609 : i32 to vector<16xi32>
      %lt3A_611 = arith.cmpi slt, %select_n3A_608, %lt3A_610 : vector<16xi32>
      %le3A = arith.constant 2 : i32
      %le3A_612 = vector.broadcast %le3A : i32 to vector<16xi32>
      %le3A_613 = arith.cmpi sle, %abs3A_585, %le3A_612 : vector<16xi32>
      %jit3A_614 = arith.constant 5 : i32
      %jit3A_615 = arith.constant 2 : i32
      %broadcast_in_dim3A_616 = vector.broadcast %jit3A_614 : i32 to vector<16xi32>
      %broadcast_in_dim3A_617 = vector.broadcast %jit3A_615 : i32 to vector<16xi32>
      %select_n3A_618 = arith.select %gt3A_587, %broadcast_in_dim3A_616, %broadcast_in_dim3A_617 : vector<16xi1>, vector<16xi32>
      %gt3A_619 = arith.constant 26 : i32
      %gt3A_620 = vector.broadcast %gt3A_619 : i32 to vector<16xi32>
      %gt3A_621 = arith.cmpi sgt, %abs3A, %gt3A_620 : vector<16xi32>
      %and3A_622 = arith.andi %le3A_613, %gt3A_621 : vector<16xi1>
      %jit3A_623 = arith.constant 3 : i32
      %jit3A_624 = arith.constant 4 : i32
      %broadcast_in_dim3A_625 = vector.broadcast %jit3A_623 : i32 to vector<16xi32>
      %broadcast_in_dim3A_626 = vector.broadcast %jit3A_624 : i32 to vector<16xi32>
      %select_n3A_627 = arith.select %gt3A_590, %broadcast_in_dim3A_625, %broadcast_in_dim3A_626 : vector<16xi1>, vector<16xi32>
      %select_n3A_628 = arith.select %and3A_622, %select_n3A_627, %select_n3A_618 : vector<16xi1>, vector<16xi32>
      %lt3A_629 = arith.constant 23 : i32
      %lt3A_630 = vector.broadcast %lt3A_629 : i32 to vector<16xi32>
      %lt3A_631 = arith.cmpi slt, %abs3A, %lt3A_630 : vector<16xi32>
      %and3A_632 = arith.andi %le3A_613, %lt3A_631 : vector<16xi1>
      %jit3A_633 = arith.constant 4 : i32
      %jit3A_634 = arith.constant 3 : i32
      %broadcast_in_dim3A_635 = vector.broadcast %jit3A_633 : i32 to vector<16xi32>
      %broadcast_in_dim3A_636 = vector.broadcast %jit3A_634 : i32 to vector<16xi32>
      %select_n3A_637 = arith.select %gt3A_590, %broadcast_in_dim3A_635, %broadcast_in_dim3A_636 : vector<16xi1>, vector<16xi32>
      %select_n3A_638 = arith.select %and3A_632, %select_n3A_637, %select_n3A_628 : vector<16xi1>, vector<16xi32>
      %ge3A = arith.constant 23 : i32
      %ge3A_639 = vector.broadcast %ge3A : i32 to vector<16xi32>
      %ge3A_640 = arith.cmpi sge, %abs3A, %ge3A_639 : vector<16xi32>
      %and3A_641 = arith.andi %le3A_613, %ge3A_640 : vector<16xi1>
      %le3A_642 = arith.constant 26 : i32
      %le3A_643 = vector.broadcast %le3A_642 : i32 to vector<16xi32>
      %le3A_644 = arith.cmpi sle, %abs3A, %le3A_643 : vector<16xi32>
      %and3A_645 = arith.andi %and3A_641, %le3A_644 : vector<16xi1>
      %jit3A_646 = arith.constant 1 : i32
      %jit3A_647 = arith.constant 0 : i32
      %broadcast_in_dim3A_648 = vector.broadcast %jit3A_646 : i32 to vector<16xi32>
      %broadcast_in_dim3A_649 = vector.broadcast %jit3A_647 : i32 to vector<16xi32>
      %select_n3A_650 = arith.select %lt3A_611, %broadcast_in_dim3A_648, %broadcast_in_dim3A_649 : vector<16xi1>, vector<16xi32>
      %select_n3A_651 = arith.select %and3A_645, %select_n3A_650, %select_n3A_638 : vector<16xi1>, vector<16xi32>
      %shift_left3A = arith.shli %broadcast_in_dim3A_5, %select_n3A_651 : vector<16xi32>
      %or3A = arith.ori %scan3A_236, %shift_left3A : vector<16xi32>
      scf.yield %or3A : vector<16xi32>
    }
    %scan3A_175 = arith.constant 64 : i32
    %scan3A_176 = arith.constant 0 : i32
    %scan3A_177 = arith.constant 0 : i32
    %scan3A_178 = arith.constant 128 : i32
    %scan3A_179 = arith.addi %scan3A_177, %scan3A_178 : i32
    %scan3A_180 = arith.constant 1 : i32
    scf.for %scan3A_235 = %scan3A_177 to %scan3A_179 step %scan3A_180  : i32 {
      %mul3A_236 = arith.constant 16 : i32
      %mul3A_237 = arith.muli %scan3A_235, %mul3A_236 : i32
      %add3A_238 = arith.addi %mul3A_2, %mul3A_237 : i32
      %add3A_239 = vector.broadcast %add3A_238 : i32 to vector<16xi32>
      %add3A_240 = arith.addi %add3A_239, %iota3A : vector<16xi32>
      %mul3A_241 = arith.constant 128 : i32
      %mul3A_242 = vector.broadcast %mul3A_241 : i32 to vector<16xi32>
      %mul3A_243 = arith.muli %mul3A_242, %add3A_240 : vector<16xi32>
      %add3A_244 = arith.constant 32 : i32
      %add3A_245 = vector.broadcast %add3A_244 : i32 to vector<16xi32>
      %add3A_246 = arith.addi %mul3A_243, %add3A_245 : vector<16xi32>
      %mul3A_247 = arith.constant 16 : i32
      %mul3A_248 = arith.muli %scan3A_235, %mul3A_247 : i32
      %swap3A_249 = arith.index_cast %mul3A_248 : i32 to index
      %swap3A_250 = tpu.vector_load %arg17[%swap3A_249] {strides = array<i32>} : memref<2048xi32, #tpu.memory_space<vmem>>, vector<16xi32>,
      %swap3A_251 = vector.shape_cast %swap3A_250 : vector<16xi32> to vector<16xi32>
      %swap3A_252 = vector.shape_cast %add3A_246 : vector<16xi32> to vector<16xi32>
      tpu.vector_store %arg17[%swap3A_249], %swap3A_252 {strides = array<i32>} : memref<2048xi32, #tpu.memory_space<vmem>>, vector<16xi32>,
      %add3A_253 = arith.constant 33 : i32
      %add3A_254 = vector.broadcast %add3A_253 : i32 to vector<16xi32>
      %add3A_255 = arith.addi %mul3A_243, %add3A_254 : vector<16xi32>
      %mul3A_256 = arith.constant 16 : i32
      %mul3A_257 = arith.muli %scan3A_235, %mul3A_256 : i32
      %swap3A_258 = arith.index_cast %mul3A_257 : i32 to index
      %swap3A_259 = tpu.vector_load %arg18[%swap3A_258] {strides = array<i32>} : memref<2048xi32, #tpu.memory_space<vmem>>, vector<16xi32>,
      %swap3A_260 = vector.shape_cast %swap3A_259 : vector<16xi32> to vector<16xi32>
      %swap3A_261 = vector.shape_cast %add3A_255 : vector<16xi32> to vector<16xi32>
      tpu.vector_store %arg18[%swap3A_258], %swap3A_261 {strides = array<i32>} : memref<2048xi32, #tpu.memory_space<vmem>>, vector<16xi32>,
      %add3A_262 = arith.constant 34 : i32
      %add3A_263 = vector.broadcast %add3A_262 : i32 to vector<16xi32>
      %add3A_264 = arith.addi %mul3A_243, %add3A_263 : vector<16xi32>
      %mul3A_265 = arith.constant 16 : i32
      %mul3A_266 = arith.muli %scan3A_235, %mul3A_265 : i32
      %swap3A_267 = arith.index_cast %mul3A_266 : i32 to index
      %swap3A_268 = tpu.vector_load %arg19[%swap3A_267] {strides = array<i32>} : memref<2048xi32, #tpu.memory_space<vmem>>, vector<16xi32>,
      %swap3A_269 = vector.shape_cast %swap3A_268 : vector<16xi32> to vector<16xi32>
      %swap3A_270 = vector.shape_cast %add3A_264 : vector<16xi32> to vector<16xi32>
      tpu.vector_store %arg19[%swap3A_267], %swap3A_270 {strides = array<i32>} : memref<2048xi32, #tpu.memory_space<vmem>>, vector<16xi32>,
      %add3A_271 = arith.constant 35 : i32
      %add3A_272 = vector.broadcast %add3A_271 : i32 to vector<16xi32>
      %add3A_273 = arith.addi %mul3A_243, %add3A_272 : vector<16xi32>
      %mul3A_274 = arith.constant 16 : i32
      %mul3A_275 = arith.muli %scan3A_235, %mul3A_274 : i32
      %swap3A_276 = arith.index_cast %mul3A_275 : i32 to index
      %swap3A_277 = tpu.vector_load %arg20[%swap3A_276] {strides = array<i32>} : memref<2048xi32, #tpu.memory_space<vmem>>, vector<16xi32>,
      %swap3A_278 = vector.shape_cast %swap3A_277 : vector<16xi32> to vector<16xi32>
      %swap3A_279 = vector.shape_cast %add3A_273 : vector<16xi32> to vector<16xi32>
      tpu.vector_store %arg20[%swap3A_276], %swap3A_279 {strides = array<i32>} : memref<2048xi32, #tpu.memory_space<vmem>>, vector<16xi32>,
      %mul3A_280 = arith.constant 16 : i32
      %mul3A_281 = arith.muli %scan3A_235, %mul3A_280 : i32
      %swap3A_282 = arith.index_cast %mul3A_281 : i32 to index
      %swap3A_283 = tpu.vector_load %arg21[%swap3A_282] {strides = array<i32>} : memref<2048xi32, #tpu.memory_space<vmem>>, vector<16xi32>,
      %swap3A_284 = vector.shape_cast %swap3A_283 : vector<16xi32> to vector<16xi32>
      %swap3A_285 = vector.shape_cast %mul3A_243 : vector<16xi32> to vector<16xi32>
      tpu.vector_store %arg21[%swap3A_282], %swap3A_285 {strides = array<i32>} : memref<2048xi32, #tpu.memory_space<vmem>>, vector<16xi32>,
    }
    %scan3A_181 = arith.constant 128 : i32
    %dma_start3A_182 = arith.constant 0 : i32
    %dma_start3A_183 = tpu.memref_slice %arg3[%dma_start3A_182] : memref<33554432xi32, #tpu.memory_space<hbm>> -> memref<33554432xi32, #tpu.memory_space<hbm>>
    tpu.enqueue_indirect_dma source(%dma_start3A_183 : memref<33554432xi32, #tpu.memory_space<hbm>>) target(%arg22 : memref<2048xi32, #tpu.memory_space<vmem>>) offsets(%arg17 : memref<2048xi32, #tpu.memory_space<vmem>>) semaphore(%arg29 : memref<!tpu.dma_semaphore, #tpu.memory_space<semaphore_mem>>)
    %dma_start3A_184 = arith.constant 0 : i32
    %dma_start3A_185 = tpu.memref_slice %arg3[%dma_start3A_184] : memref<33554432xi32, #tpu.memory_space<hbm>> -> memref<33554432xi32, #tpu.memory_space<hbm>>
    tpu.enqueue_indirect_dma source(%dma_start3A_185 : memref<33554432xi32, #tpu.memory_space<hbm>>) target(%arg23 : memref<2048xi32, #tpu.memory_space<vmem>>) offsets(%arg18 : memref<2048xi32, #tpu.memory_space<vmem>>) semaphore(%arg29 : memref<!tpu.dma_semaphore, #tpu.memory_space<semaphore_mem>>)
    %dma_start3A_186 = arith.constant 0 : i32
    %dma_start3A_187 = tpu.memref_slice %arg3[%dma_start3A_186] : memref<33554432xi32, #tpu.memory_space<hbm>> -> memref<33554432xi32, #tpu.memory_space<hbm>>
    tpu.enqueue_indirect_dma source(%dma_start3A_187 : memref<33554432xi32, #tpu.memory_space<hbm>>) target(%arg24 : memref<2048xi32, #tpu.memory_space<vmem>>) offsets(%arg19 : memref<2048xi32, #tpu.memory_space<vmem>>) semaphore(%arg29 : memref<!tpu.dma_semaphore, #tpu.memory_space<semaphore_mem>>)
    %dma_start3A_188 = arith.constant 0 : i32
    %dma_start3A_189 = tpu.memref_slice %arg3[%dma_start3A_188] : memref<33554432xi32, #tpu.memory_space<hbm>> -> memref<33554432xi32, #tpu.memory_space<hbm>>
    tpu.enqueue_indirect_dma source(%dma_start3A_189 : memref<33554432xi32, #tpu.memory_space<hbm>>) target(%arg25 : memref<2048xi32, #tpu.memory_space<vmem>>) offsets(%arg20 : memref<2048xi32, #tpu.memory_space<vmem>>) semaphore(%arg29 : memref<!tpu.dma_semaphore, #tpu.memory_space<semaphore_mem>>)
    %dma_start3A_190 = arith.constant 0 : i32
    %dma_start3A_191 = tpu.memref_slice %arg3[%dma_start3A_190] : memref<33554432xi32, #tpu.memory_space<hbm>> -> memref<33554432xi32, #tpu.memory_space<hbm>>
    tpu.enqueue_indirect_dma source(%dma_start3A_191 : memref<33554432xi32, #tpu.memory_space<hbm>>) target(%arg26 : memref<2048xi32, #tpu.memory_space<vmem>>) offsets(%arg21 : memref<2048xi32, #tpu.memory_space<vmem>>) semaphore(%arg29 : memref<!tpu.dma_semaphore, #tpu.memory_space<semaphore_mem>>)
    %dma_wait3A_192 = arith.constant 0 : i32
    %dma_wait3A_193 = arith.constant 0 : i32
    %dma_wait3A_194 = tpu.memref_slice %arg2[%dma_wait3A_192, %dma_wait3A_193] : memref<2097152x16xi32, #tpu.memory_space<hbm>> -> memref<2097152x16xi32, #tpu.memory_space<hbm>>
    tpu.wait_indirect_dma semaphore(%arg28 : memref<!tpu.dma_semaphore, #tpu.memory_space<semaphore_mem>>) src(%dma_wait3A_194 : memref<2097152x16xi32, #tpu.memory_space<hbm>>) dst(%arg12 : memref<1024x16xi32, #tpu.memory_space<vmem>>)
    %dma_wait3A_195 = arith.constant 0 : i32
    %dma_wait3A_196 = arith.constant 0 : i32
    %dma_wait3A_197 = tpu.memref_slice %arg2[%dma_wait3A_195, %dma_wait3A_196] : memref<2097152x16xi32, #tpu.memory_space<hbm>> -> memref<2097152x16xi32, #tpu.memory_space<hbm>>
    tpu.wait_indirect_dma semaphore(%arg28 : memref<!tpu.dma_semaphore, #tpu.memory_space<semaphore_mem>>) src(%dma_wait3A_197 : memref<2097152x16xi32, #tpu.memory_space<hbm>>) dst(%arg15 : memref<1024x16xi32, #tpu.memory_space<vmem>>)
    %scan3A_198 = arith.constant 0 : i32
    %scan3A_199 = arith.constant 64 : i32
    %scan3A_200 = arith.addi %scan3A_198, %scan3A_199 : i32
    %scan3A_201 = arith.constant 1 : i32
    %scan3A_202 = scf.for %scan3A_235 = %scan3A_198 to %scan3A_200 step %scan3A_201 iter_args(%scan3A_236 = %scan3A_174) -> (vector<16xi32>)  : i32 {
      %mul3A_237 = arith.constant 16 : i32
      %mul3A_238 = arith.muli %scan3A_235, %mul3A_237 : i32
      %add3A_239 = arith.constant 0 : i32
      %add3A_240 = arith.addi %mul3A_238, %add3A_239 : i32
      %get3A = arith.index_cast %add3A_240 : i32 to index
      %get3A_241 = arith.constant 0 : index
      %get3A_242 = tpu.vector_load %arg12[%get3A, %get3A_241] {strides = array<i32>} : memref<1024x16xi32, #tpu.memory_space<vmem>>, vector<1x16xi32>,
      %get3A_243 = vector.shape_cast %get3A_242 : vector<1x16xi32> to vector<16xi32>
      %get3A_244 = arith.index_cast %add3A_240 : i32 to index
      %get3A_245 = arith.constant 0 : index
      %get3A_246 = tpu.vector_load %arg15[%get3A_244, %get3A_245] {strides = array<i32>} : memref<1024x16xi32, #tpu.memory_space<vmem>>, vector<1x16xi32>,
      %get3A_247 = vector.shape_cast %get3A_246 : vector<1x16xi32> to vector<16xi32>
      %add3A_248 = arith.constant 1 : i32
      %add3A_249 = arith.addi %add3A_240, %add3A_248 : i32
      %get3A_250 = arith.index_cast %add3A_249 : i32 to index
      %get3A_251 = arith.constant 0 : index
      %get3A_252 = tpu.vector_load %arg12[%get3A_250, %get3A_251] {strides = array<i32>} : memref<1024x16xi32, #tpu.memory_space<vmem>>, vector<1x16xi32>,
      %get3A_253 = vector.shape_cast %get3A_252 : vector<1x16xi32> to vector<16xi32>
      %reshape3A = vector.shape_cast %and3A_35 : vector<16xi32> to vector<16x1xi32>
      %gather3A = vector.shape_cast %reshape3A : vector<16x1xi32> to vector<16xi32>
      %gather3A_254 = tpu.dynamic_gather %get3A_253[%gather3A] in [0] : vector<16xi32>, vector<16xi32> -> vector<16xi32>
      %select_n3A = arith.select %eq3A_19, %gather3A_254, %get3A_243 : vector<16xi1>, vector<16xi32>
      %add3A_255 = arith.constant 1 : i32
      %add3A_256 = arith.addi %add3A_240, %add3A_255 : i32
      %get3A_257 = arith.index_cast %add3A_256 : i32 to index
      %get3A_258 = arith.constant 0 : index
      %get3A_259 = tpu.vector_load %arg15[%get3A_257, %get3A_258] {strides = array<i32>} : memref<1024x16xi32, #tpu.memory_space<vmem>>, vector<1x16xi32>,
      %get3A_260 = vector.shape_cast %get3A_259 : vector<1x16xi32> to vector<16xi32>
      %reshape3A_261 = vector.shape_cast %and3A_35 : vector<16xi32> to vector<16x1xi32>
      %gather3A_262 = vector.shape_cast %reshape3A_261 : vector<16x1xi32> to vector<16xi32>
      %gather3A_263 = tpu.dynamic_gather %get3A_260[%gather3A_262] in [0] : vector<16xi32>, vector<16xi32> -> vector<16xi32>
      %select_n3A_264 = arith.select %eq3A_19, %gather3A_263, %get3A_247 : vector<16xi1>, vector<16xi32>
      %add3A_265 = arith.constant 2 : i32
      %add3A_266 = arith.addi %add3A_240, %add3A_265 : i32
      %get3A_267 = arith.index_cast %add3A_266 : i32 to index
      %get3A_268 = arith.constant 0 : index
      %get3A_269 = tpu.vector_load %arg12[%get3A_267, %get3A_268] {strides = array<i32>} : memref<1024x16xi32, #tpu.memory_space<vmem>>, vector<1x16xi32>,
      %get3A_270 = vector.shape_cast %get3A_269 : vector<1x16xi32> to vector<16xi32>
      %reshape3A_271 = vector.shape_cast %and3A_41 : vector<16xi32> to vector<16x1xi32>
      %gather3A_272 = vector.shape_cast %reshape3A_271 : vector<16x1xi32> to vector<16xi32>
      %gather3A_273 = tpu.dynamic_gather %get3A_270[%gather3A_272] in [0] : vector<16xi32>, vector<16xi32> -> vector<16xi32>
      %select_n3A_274 = arith.select %eq3A_25, %gather3A_273, %select_n3A : vector<16xi1>, vector<16xi32>
      %add3A_275 = arith.constant 2 : i32
      %add3A_276 = arith.addi %add3A_240, %add3A_275 : i32
      %get3A_277 = arith.index_cast %add3A_276 : i32 to index
      %get3A_278 = arith.constant 0 : index
      %get3A_279 = tpu.vector_load %arg15[%get3A_277, %get3A_278] {strides = array<i32>} : memref<1024x16xi32, #tpu.memory_space<vmem>>, vector<1x16xi32>,
      %get3A_280 = vector.shape_cast %get3A_279 : vector<1x16xi32> to vector<16xi32>
      %reshape3A_281 = vector.shape_cast %and3A_41 : vector<16xi32> to vector<16x1xi32>
      %gather3A_282 = vector.shape_cast %reshape3A_281 : vector<16x1xi32> to vector<16xi32>
      %gather3A_283 = tpu.dynamic_gather %get3A_280[%gather3A_282] in [0] : vector<16xi32>, vector<16xi32> -> vector<16xi32>
      %select_n3A_284 = arith.select %eq3A_25, %gather3A_283, %select_n3A_264 : vector<16xi1>, vector<16xi32>
      %add3A_285 = arith.constant 3 : i32
      %add3A_286 = arith.addi %add3A_240, %add3A_285 : i32
      %get3A_287 = arith.index_cast %add3A_286 : i32 to index
      %get3A_288 = arith.constant 0 : index
      %get3A_289 = tpu.vector_load %arg12[%get3A_287, %get3A_288] {strides = array<i32>} : memref<1024x16xi32, #tpu.memory_space<vmem>>, vector<1x16xi32>,
      %get3A_290 = vector.shape_cast %get3A_289 : vector<1x16xi32> to vector<16xi32>
      %reshape3A_291 = vector.shape_cast %and3A_47 : vector<16xi32> to vector<16x1xi32>
      %gather3A_292 = vector.shape_cast %reshape3A_291 : vector<16x1xi32> to vector<16xi32>
      %gather3A_293 = tpu.dynamic_gather %get3A_290[%gather3A_292] in [0] : vector<16xi32>, vector<16xi32> -> vector<16xi32>
      %select_n3A_294 = arith.select %eq3A_31, %gather3A_293, %select_n3A_274 : vector<16xi1>, vector<16xi32>
      %add3A_295 = arith.constant 3 : i32
      %add3A_296 = arith.addi %add3A_240, %add3A_295 : i32
      %get3A_297 = arith.index_cast %add3A_296 : i32 to index
      %get3A_298 = arith.constant 0 : index
      %get3A_299 = tpu.vector_load %arg15[%get3A_297, %get3A_298] {strides = array<i32>} : memref<1024x16xi32, #tpu.memory_space<vmem>>, vector<1x16xi32>,
      %get3A_300 = vector.shape_cast %get3A_299 : vector<1x16xi32> to vector<16xi32>
      %reshape3A_301 = vector.shape_cast %and3A_47 : vector<16xi32> to vector<16x1xi32>
      %gather3A_302 = vector.shape_cast %reshape3A_301 : vector<16x1xi32> to vector<16xi32>
      %gather3A_303 = tpu.dynamic_gather %get3A_300[%gather3A_302] in [0] : vector<16xi32>, vector<16xi32> -> vector<16xi32>
      %select_n3A_304 = arith.select %eq3A_31, %gather3A_303, %select_n3A_284 : vector<16xi1>, vector<16xi32>
      %reshape3A_305 = vector.shape_cast %xor3A_7 : vector<16xi32> to vector<16x1xi32>
      %gather3A_306 = vector.shape_cast %reshape3A_305 : vector<16x1xi32> to vector<16xi32>
      %gather3A_307 = tpu.dynamic_gather %select_n3A_294[%gather3A_306] in [0] : vector<16xi32>, vector<16xi32> -> vector<16xi32>
      %sub3A_308 = arith.subi %gather3A_307, %select_n3A_294 : vector<16xi32>
      %reshape3A_309 = vector.shape_cast %mul3A_53 : vector<16xi32> to vector<16x1xi32>
      %gather3A_310 = vector.shape_cast %reshape3A_309 : vector<16x1xi32> to vector<16xi32>
      %gather3A_311 = tpu.dynamic_gather %sub3A_308[%gather3A_310] in [0] : vector<16xi32>, vector<16xi32> -> vector<16xi32>
      %select_n3A_312 = arith.select %eq3A_13, %gather3A_311, %broadcast_in_dim3A_9 : vector<16xi1>, vector<16xi32>
      %reshape3A_313 = vector.shape_cast %add3A_56 : vector<16xi32> to vector<16x1xi32>
      %gather3A_314 = vector.shape_cast %reshape3A_313 : vector<16x1xi32> to vector<16xi32>
      %gather3A_315 = tpu.dynamic_gather %sub3A_308[%gather3A_314] in [0] : vector<16xi32>, vector<16xi32> -> vector<16xi32>
      %select_n3A_316 = arith.select %eq3A_13, %gather3A_315, %broadcast_in_dim3A_9 : vector<16xi1>, vector<16xi32>
      %reshape3A_317 = vector.shape_cast %mul3A_53 : vector<16xi32> to vector<16x1xi32>
      %gather3A_318 = vector.shape_cast %reshape3A_317 : vector<16x1xi32> to vector<16xi32>
      %gather3A_319 = tpu.dynamic_gather %select_n3A_304[%gather3A_318] in [0] : vector<16xi32>, vector<16xi32> -> vector<16xi32>
      %select_n3A_320 = arith.select %eq3A_13, %gather3A_319, %broadcast_in_dim3A_9 : vector<16xi1>, vector<16xi32>
      %mul3A_321 = arith.constant 16 : i32
      %mul3A_322 = arith.muli %scan3A_235, %mul3A_321 : i32
      %add3A_323 = arith.constant 4 : i32
      %add3A_324 = arith.addi %mul3A_322, %add3A_323 : i32
      %get3A_325 = arith.index_cast %add3A_324 : i32 to index
      %get3A_326 = arith.constant 0 : index
      %get3A_327 = tpu.vector_load %arg12[%get3A_325, %get3A_326] {strides = array<i32>} : memref<1024x16xi32, #tpu.memory_space<vmem>>, vector<1x16xi32>,
      %get3A_328 = vector.shape_cast %get3A_327 : vector<1x16xi32> to vector<16xi32>
      %get3A_329 = arith.index_cast %add3A_324 : i32 to index
      %get3A_330 = arith.constant 0 : index
      %get3A_331 = tpu.vector_load %arg15[%get3A_329, %get3A_330] {strides = array<i32>} : memref<1024x16xi32, #tpu.memory_space<vmem>>, vector<1x16xi32>,
      %get3A_332 = vector.shape_cast %get3A_331 : vector<1x16xi32> to vector<16xi32>
      %add3A_333 = arith.constant 1 : i32
      %add3A_334 = arith.addi %add3A_324, %add3A_333 : i32
      %get3A_335 = arith.index_cast %add3A_334 : i32 to index
      %get3A_336 = arith.constant 0 : index
      %get3A_337 = tpu.vector_load %arg12[%get3A_335, %get3A_336] {strides = array<i32>} : memref<1024x16xi32, #tpu.memory_space<vmem>>, vector<1x16xi32>,
      %get3A_338 = vector.shape_cast %get3A_337 : vector<1x16xi32> to vector<16xi32>
      %reshape3A_339 = vector.shape_cast %and3A_35 : vector<16xi32> to vector<16x1xi32>
      %gather3A_340 = vector.shape_cast %reshape3A_339 : vector<16x1xi32> to vector<16xi32>
      %gather3A_341 = tpu.dynamic_gather %get3A_338[%gather3A_340] in [0] : vector<16xi32>, vector<16xi32> -> vector<16xi32>
      %select_n3A_342 = arith.select %eq3A_19, %gather3A_341, %get3A_328 : vector<16xi1>, vector<16xi32>
      %add3A_343 = arith.constant 1 : i32
      %add3A_344 = arith.addi %add3A_324, %add3A_343 : i32
      %get3A_345 = arith.index_cast %add3A_344 : i32 to index
      %get3A_346 = arith.constant 0 : index
      %get3A_347 = tpu.vector_load %arg15[%get3A_345, %get3A_346] {strides = array<i32>} : memref<1024x16xi32, #tpu.memory_space<vmem>>, vector<1x16xi32>,
      %get3A_348 = vector.shape_cast %get3A_347 : vector<1x16xi32> to vector<16xi32>
      %reshape3A_349 = vector.shape_cast %and3A_35 : vector<16xi32> to vector<16x1xi32>
      %gather3A_350 = vector.shape_cast %reshape3A_349 : vector<16x1xi32> to vector<16xi32>
      %gather3A_351 = tpu.dynamic_gather %get3A_348[%gather3A_350] in [0] : vector<16xi32>, vector<16xi32> -> vector<16xi32>
      %select_n3A_352 = arith.select %eq3A_19, %gather3A_351, %get3A_332 : vector<16xi1>, vector<16xi32>
      %add3A_353 = arith.constant 2 : i32
      %add3A_354 = arith.addi %add3A_324, %add3A_353 : i32
      %get3A_355 = arith.index_cast %add3A_354 : i32 to index
      %get3A_356 = arith.constant 0 : index
      %get3A_357 = tpu.vector_load %arg12[%get3A_355, %get3A_356] {strides = array<i32>} : memref<1024x16xi32, #tpu.memory_space<vmem>>, vector<1x16xi32>,
      %get3A_358 = vector.shape_cast %get3A_357 : vector<1x16xi32> to vector<16xi32>
      %reshape3A_359 = vector.shape_cast %and3A_41 : vector<16xi32> to vector<16x1xi32>
      %gather3A_360 = vector.shape_cast %reshape3A_359 : vector<16x1xi32> to vector<16xi32>
      %gather3A_361 = tpu.dynamic_gather %get3A_358[%gather3A_360] in [0] : vector<16xi32>, vector<16xi32> -> vector<16xi32>
      %select_n3A_362 = arith.select %eq3A_25, %gather3A_361, %select_n3A_342 : vector<16xi1>, vector<16xi32>
      %add3A_363 = arith.constant 2 : i32
      %add3A_364 = arith.addi %add3A_324, %add3A_363 : i32
      %get3A_365 = arith.index_cast %add3A_364 : i32 to index
      %get3A_366 = arith.constant 0 : index
      %get3A_367 = tpu.vector_load %arg15[%get3A_365, %get3A_366] {strides = array<i32>} : memref<1024x16xi32, #tpu.memory_space<vmem>>, vector<1x16xi32>,
      %get3A_368 = vector.shape_cast %get3A_367 : vector<1x16xi32> to vector<16xi32>
      %reshape3A_369 = vector.shape_cast %and3A_41 : vector<16xi32> to vector<16x1xi32>
      %gather3A_370 = vector.shape_cast %reshape3A_369 : vector<16x1xi32> to vector<16xi32>
      %gather3A_371 = tpu.dynamic_gather %get3A_368[%gather3A_370] in [0] : vector<16xi32>, vector<16xi32> -> vector<16xi32>
      %select_n3A_372 = arith.select %eq3A_25, %gather3A_371, %select_n3A_352 : vector<16xi1>, vector<16xi32>
      %add3A_373 = arith.constant 3 : i32
      %add3A_374 = arith.addi %add3A_324, %add3A_373 : i32
      %get3A_375 = arith.index_cast %add3A_374 : i32 to index
      %get3A_376 = arith.constant 0 : index
      %get3A_377 = tpu.vector_load %arg12[%get3A_375, %get3A_376] {strides = array<i32>} : memref<1024x16xi32, #tpu.memory_space<vmem>>, vector<1x16xi32>,
      %get3A_378 = vector.shape_cast %get3A_377 : vector<1x16xi32> to vector<16xi32>
      %reshape3A_379 = vector.shape_cast %and3A_47 : vector<16xi32> to vector<16x1xi32>
      %gather3A_380 = vector.shape_cast %reshape3A_379 : vector<16x1xi32> to vector<16xi32>
      %gather3A_381 = tpu.dynamic_gather %get3A_378[%gather3A_380] in [0] : vector<16xi32>, vector<16xi32> -> vector<16xi32>
      %select_n3A_382 = arith.select %eq3A_31, %gather3A_381, %select_n3A_362 : vector<16xi1>, vector<16xi32>
      %add3A_383 = arith.constant 3 : i32
      %add3A_384 = arith.addi %add3A_324, %add3A_383 : i32
      %get3A_385 = arith.index_cast %add3A_384 : i32 to index
      %get3A_386 = arith.constant 0 : index
      %get3A_387 = tpu.vector_load %arg15[%get3A_385, %get3A_386] {strides = array<i32>} : memref<1024x16xi32, #tpu.memory_space<vmem>>, vector<1x16xi32>,
      %get3A_388 = vector.shape_cast %get3A_387 : vector<1x16xi32> to vector<16xi32>
      %reshape3A_389 = vector.shape_cast %and3A_47 : vector<16xi32> to vector<16x1xi32>
      %gather3A_390 = vector.shape_cast %reshape3A_389 : vector<16x1xi32> to vector<16xi32>
      %gather3A_391 = tpu.dynamic_gather %get3A_388[%gather3A_390] in [0] : vector<16xi32>, vector<16xi32> -> vector<16xi32>
      %select_n3A_392 = arith.select %eq3A_31, %gather3A_391, %select_n3A_372 : vector<16xi1>, vector<16xi32>
      %reshape3A_393 = vector.shape_cast %xor3A_7 : vector<16xi32> to vector<16x1xi32>
      %gather3A_394 = vector.shape_cast %reshape3A_393 : vector<16x1xi32> to vector<16xi32>
      %gather3A_395 = tpu.dynamic_gather %select_n3A_382[%gather3A_394] in [0] : vector<16xi32>, vector<16xi32> -> vector<16xi32>
      %sub3A_396 = arith.subi %gather3A_395, %select_n3A_382 : vector<16xi32>
      %reshape3A_397 = vector.shape_cast %mul3A_53 : vector<16xi32> to vector<16x1xi32>
      %gather3A_398 = vector.shape_cast %reshape3A_397 : vector<16x1xi32> to vector<16xi32>
      %gather3A_399 = tpu.dynamic_gather %sub3A_396[%gather3A_398] in [0] : vector<16xi32>, vector<16xi32> -> vector<16xi32>
      %select_n3A_400 = arith.select %eq3A_19, %gather3A_399, %select_n3A_312 : vector<16xi1>, vector<16xi32>
      %reshape3A_401 = vector.shape_cast %add3A_56 : vector<16xi32> to vector<16x1xi32>
      %gather3A_402 = vector.shape_cast %reshape3A_401 : vector<16x1xi32> to vector<16xi32>
      %gather3A_403 = tpu.dynamic_gather %sub3A_396[%gather3A_402] in [0] : vector<16xi32>, vector<16xi32> -> vector<16xi32>
      %select_n3A_404 = arith.select %eq3A_19, %gather3A_403, %select_n3A_316 : vector<16xi1>, vector<16xi32>
      %reshape3A_405 = vector.shape_cast %mul3A_53 : vector<16xi32> to vector<16x1xi32>
      %gather3A_406 = vector.shape_cast %reshape3A_405 : vector<16x1xi32> to vector<16xi32>
      %gather3A_407 = tpu.dynamic_gather %select_n3A_392[%gather3A_406] in [0] : vector<16xi32>, vector<16xi32> -> vector<16xi32>
      %select_n3A_408 = arith.select %eq3A_19, %gather3A_407, %select_n3A_320 : vector<16xi1>, vector<16xi32>
      %mul3A_409 = arith.constant 16 : i32
      %mul3A_410 = arith.muli %scan3A_235, %mul3A_409 : i32
      %add3A_411 = arith.constant 8 : i32
      %add3A_412 = arith.addi %mul3A_410, %add3A_411 : i32
      %get3A_413 = arith.index_cast %add3A_412 : i32 to index
      %get3A_414 = arith.constant 0 : index
      %get3A_415 = tpu.vector_load %arg12[%get3A_413, %get3A_414] {strides = array<i32>} : memref<1024x16xi32, #tpu.memory_space<vmem>>, vector<1x16xi32>,
      %get3A_416 = vector.shape_cast %get3A_415 : vector<1x16xi32> to vector<16xi32>
      %get3A_417 = arith.index_cast %add3A_412 : i32 to index
      %get3A_418 = arith.constant 0 : index
      %get3A_419 = tpu.vector_load %arg15[%get3A_417, %get3A_418] {strides = array<i32>} : memref<1024x16xi32, #tpu.memory_space<vmem>>, vector<1x16xi32>,
      %get3A_420 = vector.shape_cast %get3A_419 : vector<1x16xi32> to vector<16xi32>
      %add3A_421 = arith.constant 1 : i32
      %add3A_422 = arith.addi %add3A_412, %add3A_421 : i32
      %get3A_423 = arith.index_cast %add3A_422 : i32 to index
      %get3A_424 = arith.constant 0 : index
      %get3A_425 = tpu.vector_load %arg12[%get3A_423, %get3A_424] {strides = array<i32>} : memref<1024x16xi32, #tpu.memory_space<vmem>>, vector<1x16xi32>,
      %get3A_426 = vector.shape_cast %get3A_425 : vector<1x16xi32> to vector<16xi32>
      %reshape3A_427 = vector.shape_cast %and3A_35 : vector<16xi32> to vector<16x1xi32>
      %gather3A_428 = vector.shape_cast %reshape3A_427 : vector<16x1xi32> to vector<16xi32>
      %gather3A_429 = tpu.dynamic_gather %get3A_426[%gather3A_428] in [0] : vector<16xi32>, vector<16xi32> -> vector<16xi32>
      %select_n3A_430 = arith.select %eq3A_19, %gather3A_429, %get3A_416 : vector<16xi1>, vector<16xi32>
      %add3A_431 = arith.constant 1 : i32
      %add3A_432 = arith.addi %add3A_412, %add3A_431 : i32
      %get3A_433 = arith.index_cast %add3A_432 : i32 to index
      %get3A_434 = arith.constant 0 : index
      %get3A_435 = tpu.vector_load %arg15[%get3A_433, %get3A_434] {strides = array<i32>} : memref<1024x16xi32, #tpu.memory_space<vmem>>, vector<1x16xi32>,
      %get3A_436 = vector.shape_cast %get3A_435 : vector<1x16xi32> to vector<16xi32>
      %reshape3A_437 = vector.shape_cast %and3A_35 : vector<16xi32> to vector<16x1xi32>
      %gather3A_438 = vector.shape_cast %reshape3A_437 : vector<16x1xi32> to vector<16xi32>
      %gather3A_439 = tpu.dynamic_gather %get3A_436[%gather3A_438] in [0] : vector<16xi32>, vector<16xi32> -> vector<16xi32>
      %select_n3A_440 = arith.select %eq3A_19, %gather3A_439, %get3A_420 : vector<16xi1>, vector<16xi32>
      %add3A_441 = arith.constant 2 : i32
      %add3A_442 = arith.addi %add3A_412, %add3A_441 : i32
      %get3A_443 = arith.index_cast %add3A_442 : i32 to index
      %get3A_444 = arith.constant 0 : index
      %get3A_445 = tpu.vector_load %arg12[%get3A_443, %get3A_444] {strides = array<i32>} : memref<1024x16xi32, #tpu.memory_space<vmem>>, vector<1x16xi32>,
      %get3A_446 = vector.shape_cast %get3A_445 : vector<1x16xi32> to vector<16xi32>
      %reshape3A_447 = vector.shape_cast %and3A_41 : vector<16xi32> to vector<16x1xi32>
      %gather3A_448 = vector.shape_cast %reshape3A_447 : vector<16x1xi32> to vector<16xi32>
      %gather3A_449 = tpu.dynamic_gather %get3A_446[%gather3A_448] in [0] : vector<16xi32>, vector<16xi32> -> vector<16xi32>
      %select_n3A_450 = arith.select %eq3A_25, %gather3A_449, %select_n3A_430 : vector<16xi1>, vector<16xi32>
      %add3A_451 = arith.constant 2 : i32
      %add3A_452 = arith.addi %add3A_412, %add3A_451 : i32
      %get3A_453 = arith.index_cast %add3A_452 : i32 to index
      %get3A_454 = arith.constant 0 : index
      %get3A_455 = tpu.vector_load %arg15[%get3A_453, %get3A_454] {strides = array<i32>} : memref<1024x16xi32, #tpu.memory_space<vmem>>, vector<1x16xi32>,
      %get3A_456 = vector.shape_cast %get3A_455 : vector<1x16xi32> to vector<16xi32>
      %reshape3A_457 = vector.shape_cast %and3A_41 : vector<16xi32> to vector<16x1xi32>
      %gather3A_458 = vector.shape_cast %reshape3A_457 : vector<16x1xi32> to vector<16xi32>
      %gather3A_459 = tpu.dynamic_gather %get3A_456[%gather3A_458] in [0] : vector<16xi32>, vector<16xi32> -> vector<16xi32>
      %select_n3A_460 = arith.select %eq3A_25, %gather3A_459, %select_n3A_440 : vector<16xi1>, vector<16xi32>
      %add3A_461 = arith.constant 3 : i32
      %add3A_462 = arith.addi %add3A_412, %add3A_461 : i32
      %get3A_463 = arith.index_cast %add3A_462 : i32 to index
      %get3A_464 = arith.constant 0 : index
      %get3A_465 = tpu.vector_load %arg12[%get3A_463, %get3A_464] {strides = array<i32>} : memref<1024x16xi32, #tpu.memory_space<vmem>>, vector<1x16xi32>,
      %get3A_466 = vector.shape_cast %get3A_465 : vector<1x16xi32> to vector<16xi32>
      %reshape3A_467 = vector.shape_cast %and3A_47 : vector<16xi32> to vector<16x1xi32>
      %gather3A_468 = vector.shape_cast %reshape3A_467 : vector<16x1xi32> to vector<16xi32>
      %gather3A_469 = tpu.dynamic_gather %get3A_466[%gather3A_468] in [0] : vector<16xi32>, vector<16xi32> -> vector<16xi32>
      %select_n3A_470 = arith.select %eq3A_31, %gather3A_469, %select_n3A_450 : vector<16xi1>, vector<16xi32>
      %add3A_471 = arith.constant 3 : i32
      %add3A_472 = arith.addi %add3A_412, %add3A_471 : i32
      %get3A_473 = arith.index_cast %add3A_472 : i32 to index
      %get3A_474 = arith.constant 0 : index
      %get3A_475 = tpu.vector_load %arg15[%get3A_473, %get3A_474] {strides = array<i32>} : memref<1024x16xi32, #tpu.memory_space<vmem>>, vector<1x16xi32>,
      %get3A_476 = vector.shape_cast %get3A_475 : vector<1x16xi32> to vector<16xi32>
      %reshape3A_477 = vector.shape_cast %and3A_47 : vector<16xi32> to vector<16x1xi32>
      %gather3A_478 = vector.shape_cast %reshape3A_477 : vector<16x1xi32> to vector<16xi32>
      %gather3A_479 = tpu.dynamic_gather %get3A_476[%gather3A_478] in [0] : vector<16xi32>, vector<16xi32> -> vector<16xi32>
      %select_n3A_480 = arith.select %eq3A_31, %gather3A_479, %select_n3A_460 : vector<16xi1>, vector<16xi32>
      %reshape3A_481 = vector.shape_cast %xor3A_7 : vector<16xi32> to vector<16x1xi32>
      %gather3A_482 = vector.shape_cast %reshape3A_481 : vector<16x1xi32> to vector<16xi32>
      %gather3A_483 = tpu.dynamic_gather %select_n3A_470[%gather3A_482] in [0] : vector<16xi32>, vector<16xi32> -> vector<16xi32>
      %sub3A_484 = arith.subi %gather3A_483, %select_n3A_470 : vector<16xi32>
      %reshape3A_485 = vector.shape_cast %mul3A_53 : vector<16xi32> to vector<16x1xi32>
      %gather3A_486 = vector.shape_cast %reshape3A_485 : vector<16x1xi32> to vector<16xi32>
      %gather3A_487 = tpu.dynamic_gather %sub3A_484[%gather3A_486] in [0] : vector<16xi32>, vector<16xi32> -> vector<16xi32>
      %select_n3A_488 = arith.select %eq3A_25, %gather3A_487, %select_n3A_400 : vector<16xi1>, vector<16xi32>
      %reshape3A_489 = vector.shape_cast %add3A_56 : vector<16xi32> to vector<16x1xi32>
      %gather3A_490 = vector.shape_cast %reshape3A_489 : vector<16x1xi32> to vector<16xi32>
      %gather3A_491 = tpu.dynamic_gather %sub3A_484[%gather3A_490] in [0] : vector<16xi32>, vector<16xi32> -> vector<16xi32>
      %select_n3A_492 = arith.select %eq3A_25, %gather3A_491, %select_n3A_404 : vector<16xi1>, vector<16xi32>
      %reshape3A_493 = vector.shape_cast %mul3A_53 : vector<16xi32> to vector<16x1xi32>
      %gather3A_494 = vector.shape_cast %reshape3A_493 : vector<16x1xi32> to vector<16xi32>
      %gather3A_495 = tpu.dynamic_gather %select_n3A_480[%gather3A_494] in [0] : vector<16xi32>, vector<16xi32> -> vector<16xi32>
      %select_n3A_496 = arith.select %eq3A_25, %gather3A_495, %select_n3A_408 : vector<16xi1>, vector<16xi32>
      %mul3A_497 = arith.constant 16 : i32
      %mul3A_498 = arith.muli %scan3A_235, %mul3A_497 : i32
      %add3A_499 = arith.constant 12 : i32
      %add3A_500 = arith.addi %mul3A_498, %add3A_499 : i32
      %get3A_501 = arith.index_cast %add3A_500 : i32 to index
      %get3A_502 = arith.constant 0 : index
      %get3A_503 = tpu.vector_load %arg12[%get3A_501, %get3A_502] {strides = array<i32>} : memref<1024x16xi32, #tpu.memory_space<vmem>>, vector<1x16xi32>,
      %get3A_504 = vector.shape_cast %get3A_503 : vector<1x16xi32> to vector<16xi32>
      %get3A_505 = arith.index_cast %add3A_500 : i32 to index
      %get3A_506 = arith.constant 0 : index
      %get3A_507 = tpu.vector_load %arg15[%get3A_505, %get3A_506] {strides = array<i32>} : memref<1024x16xi32, #tpu.memory_space<vmem>>, vector<1x16xi32>,
      %get3A_508 = vector.shape_cast %get3A_507 : vector<1x16xi32> to vector<16xi32>
      %add3A_509 = arith.constant 1 : i32
      %add3A_510 = arith.addi %add3A_500, %add3A_509 : i32
      %get3A_511 = arith.index_cast %add3A_510 : i32 to index
      %get3A_512 = arith.constant 0 : index
      %get3A_513 = tpu.vector_load %arg12[%get3A_511, %get3A_512] {strides = array<i32>} : memref<1024x16xi32, #tpu.memory_space<vmem>>, vector<1x16xi32>,
      %get3A_514 = vector.shape_cast %get3A_513 : vector<1x16xi32> to vector<16xi32>
      %reshape3A_515 = vector.shape_cast %and3A_35 : vector<16xi32> to vector<16x1xi32>
      %gather3A_516 = vector.shape_cast %reshape3A_515 : vector<16x1xi32> to vector<16xi32>
      %gather3A_517 = tpu.dynamic_gather %get3A_514[%gather3A_516] in [0] : vector<16xi32>, vector<16xi32> -> vector<16xi32>
      %select_n3A_518 = arith.select %eq3A_19, %gather3A_517, %get3A_504 : vector<16xi1>, vector<16xi32>
      %add3A_519 = arith.constant 1 : i32
      %add3A_520 = arith.addi %add3A_500, %add3A_519 : i32
      %get3A_521 = arith.index_cast %add3A_520 : i32 to index
      %get3A_522 = arith.constant 0 : index
      %get3A_523 = tpu.vector_load %arg15[%get3A_521, %get3A_522] {strides = array<i32>} : memref<1024x16xi32, #tpu.memory_space<vmem>>, vector<1x16xi32>,
      %get3A_524 = vector.shape_cast %get3A_523 : vector<1x16xi32> to vector<16xi32>
      %reshape3A_525 = vector.shape_cast %and3A_35 : vector<16xi32> to vector<16x1xi32>
      %gather3A_526 = vector.shape_cast %reshape3A_525 : vector<16x1xi32> to vector<16xi32>
      %gather3A_527 = tpu.dynamic_gather %get3A_524[%gather3A_526] in [0] : vector<16xi32>, vector<16xi32> -> vector<16xi32>
      %select_n3A_528 = arith.select %eq3A_19, %gather3A_527, %get3A_508 : vector<16xi1>, vector<16xi32>
      %add3A_529 = arith.constant 2 : i32
      %add3A_530 = arith.addi %add3A_500, %add3A_529 : i32
      %get3A_531 = arith.index_cast %add3A_530 : i32 to index
      %get3A_532 = arith.constant 0 : index
      %get3A_533 = tpu.vector_load %arg12[%get3A_531, %get3A_532] {strides = array<i32>} : memref<1024x16xi32, #tpu.memory_space<vmem>>, vector<1x16xi32>,
      %get3A_534 = vector.shape_cast %get3A_533 : vector<1x16xi32> to vector<16xi32>
      %reshape3A_535 = vector.shape_cast %and3A_41 : vector<16xi32> to vector<16x1xi32>
      %gather3A_536 = vector.shape_cast %reshape3A_535 : vector<16x1xi32> to vector<16xi32>
      %gather3A_537 = tpu.dynamic_gather %get3A_534[%gather3A_536] in [0] : vector<16xi32>, vector<16xi32> -> vector<16xi32>
      %select_n3A_538 = arith.select %eq3A_25, %gather3A_537, %select_n3A_518 : vector<16xi1>, vector<16xi32>
      %add3A_539 = arith.constant 2 : i32
      %add3A_540 = arith.addi %add3A_500, %add3A_539 : i32
      %get3A_541 = arith.index_cast %add3A_540 : i32 to index
      %get3A_542 = arith.constant 0 : index
      %get3A_543 = tpu.vector_load %arg15[%get3A_541, %get3A_542] {strides = array<i32>} : memref<1024x16xi32, #tpu.memory_space<vmem>>, vector<1x16xi32>,
      %get3A_544 = vector.shape_cast %get3A_543 : vector<1x16xi32> to vector<16xi32>
      %reshape3A_545 = vector.shape_cast %and3A_41 : vector<16xi32> to vector<16x1xi32>
      %gather3A_546 = vector.shape_cast %reshape3A_545 : vector<16x1xi32> to vector<16xi32>
      %gather3A_547 = tpu.dynamic_gather %get3A_544[%gather3A_546] in [0] : vector<16xi32>, vector<16xi32> -> vector<16xi32>
      %select_n3A_548 = arith.select %eq3A_25, %gather3A_547, %select_n3A_528 : vector<16xi1>, vector<16xi32>
      %add3A_549 = arith.constant 3 : i32
      %add3A_550 = arith.addi %add3A_500, %add3A_549 : i32
      %get3A_551 = arith.index_cast %add3A_550 : i32 to index
      %get3A_552 = arith.constant 0 : index
      %get3A_553 = tpu.vector_load %arg12[%get3A_551, %get3A_552] {strides = array<i32>} : memref<1024x16xi32, #tpu.memory_space<vmem>>, vector<1x16xi32>,
      %get3A_554 = vector.shape_cast %get3A_553 : vector<1x16xi32> to vector<16xi32>
      %reshape3A_555 = vector.shape_cast %and3A_47 : vector<16xi32> to vector<16x1xi32>
      %gather3A_556 = vector.shape_cast %reshape3A_555 : vector<16x1xi32> to vector<16xi32>
      %gather3A_557 = tpu.dynamic_gather %get3A_554[%gather3A_556] in [0] : vector<16xi32>, vector<16xi32> -> vector<16xi32>
      %select_n3A_558 = arith.select %eq3A_31, %gather3A_557, %select_n3A_538 : vector<16xi1>, vector<16xi32>
      %add3A_559 = arith.constant 3 : i32
      %add3A_560 = arith.addi %add3A_500, %add3A_559 : i32
      %get3A_561 = arith.index_cast %add3A_560 : i32 to index
      %get3A_562 = arith.constant 0 : index
      %get3A_563 = tpu.vector_load %arg15[%get3A_561, %get3A_562] {strides = array<i32>} : memref<1024x16xi32, #tpu.memory_space<vmem>>, vector<1x16xi32>,
      %get3A_564 = vector.shape_cast %get3A_563 : vector<1x16xi32> to vector<16xi32>
      %reshape3A_565 = vector.shape_cast %and3A_47 : vector<16xi32> to vector<16x1xi32>
      %gather3A_566 = vector.shape_cast %reshape3A_565 : vector<16x1xi32> to vector<16xi32>
      %gather3A_567 = tpu.dynamic_gather %get3A_564[%gather3A_566] in [0] : vector<16xi32>, vector<16xi32> -> vector<16xi32>
      %select_n3A_568 = arith.select %eq3A_31, %gather3A_567, %select_n3A_548 : vector<16xi1>, vector<16xi32>
      %reshape3A_569 = vector.shape_cast %xor3A_7 : vector<16xi32> to vector<16x1xi32>
      %gather3A_570 = vector.shape_cast %reshape3A_569 : vector<16x1xi32> to vector<16xi32>
      %gather3A_571 = tpu.dynamic_gather %select_n3A_558[%gather3A_570] in [0] : vector<16xi32>, vector<16xi32> -> vector<16xi32>
      %sub3A_572 = arith.subi %gather3A_571, %select_n3A_558 : vector<16xi32>
      %reshape3A_573 = vector.shape_cast %mul3A_53 : vector<16xi32> to vector<16x1xi32>
      %gather3A_574 = vector.shape_cast %reshape3A_573 : vector<16x1xi32> to vector<16xi32>
      %gather3A_575 = tpu.dynamic_gather %sub3A_572[%gather3A_574] in [0] : vector<16xi32>, vector<16xi32> -> vector<16xi32>
      %select_n3A_576 = arith.select %eq3A_31, %gather3A_575, %select_n3A_488 : vector<16xi1>, vector<16xi32>
      %reshape3A_577 = vector.shape_cast %add3A_56 : vector<16xi32> to vector<16x1xi32>
      %gather3A_578 = vector.shape_cast %reshape3A_577 : vector<16x1xi32> to vector<16xi32>
      %gather3A_579 = tpu.dynamic_gather %sub3A_572[%gather3A_578] in [0] : vector<16xi32>, vector<16xi32> -> vector<16xi32>
      %select_n3A_580 = arith.select %eq3A_31, %gather3A_579, %select_n3A_492 : vector<16xi1>, vector<16xi32>
      %reshape3A_581 = vector.shape_cast %mul3A_53 : vector<16xi32> to vector<16x1xi32>
      %gather3A_582 = vector.shape_cast %reshape3A_581 : vector<16x1xi32> to vector<16xi32>
      %gather3A_583 = tpu.dynamic_gather %select_n3A_568[%gather3A_582] in [0] : vector<16xi32>, vector<16xi32> -> vector<16xi32>
      %select_n3A_584 = arith.select %eq3A_31, %gather3A_583, %select_n3A_496 : vector<16xi1>, vector<16xi32>
      %abs3A = math.absi %select_n3A_576 : vector<16xi32>
      %abs3A_585 = math.absi %select_n3A_580 : vector<16xi32>
      %gt3A = arith.constant 1 : i32
      %gt3A_586 = vector.broadcast %gt3A : i32 to vector<16xi32>
      %gt3A_587 = arith.cmpi sgt, %select_n3A_580, %gt3A_586 : vector<16xi32>
      %gt3A_588 = arith.constant 0 : i32
      %gt3A_589 = vector.broadcast %gt3A_588 : i32 to vector<16xi32>
      %gt3A_590 = arith.cmpi sgt, %select_n3A_576, %gt3A_589 : vector<16xi32>
      %jit3A = arith.constant 12 : i32
      %eq3A_591 = arith.constant 0 : i32
      %eq3A_592 = arith.cmpi eq, %jit3A, %eq3A_591 : i32
      %jit3A_593 = arith.constant 1 : i32
      %select_n3A_594 = arith.select %eq3A_592, %jit3A_593, %jit3A : i32
      %rem3A = vector.broadcast %select_n3A_594 : i32 to vector<16xi32>
      %rem3A_595 = arith.remsi %select_n3A_584, %rem3A : vector<16xi32>
      %ne3A = arith.constant 0 : i32
      %ne3A_596 = vector.broadcast %ne3A : i32 to vector<16xi32>
      %ne3A_597 = arith.cmpi ne, %rem3A_595, %ne3A_596 : vector<16xi32>
      %lt3A = arith.constant 0 : i32
      %lt3A_598 = vector.broadcast %lt3A : i32 to vector<16xi32>
      %lt3A_599 = arith.cmpi slt, %rem3A_595, %lt3A_598 : vector<16xi32>
      %lt3A_600 = arith.constant 0 : i32
      %lt3A_601 = arith.cmpi slt, %select_n3A_594, %lt3A_600 : i32
      %ne3A_602 = vector.broadcast %lt3A_601 : i1 to vector<16xi1>
      %ne3A_603 = vector.broadcast %ne3A_602 : vector<16xi1> to vector<16xi1>
      %ne3A_604 = arith.xori %lt3A_599, %ne3A_603 : vector<16xi1>
      %and3A_605 = arith.andi %ne3A_604, %ne3A_597 : vector<16xi1>
      %add3A_606 = vector.broadcast %select_n3A_594 : i32 to vector<16xi32>
      %add3A_607 = arith.addi %rem3A_595, %add3A_606 : vector<16xi32>
      %select_n3A_608 = arith.select %and3A_605, %add3A_607, %rem3A_595 : vector<16xi1>, vector<16xi32>
      %lt3A_609 = arith.constant 4 : i32
      %lt3A_610 = vector.broadcast %lt3A_609 : i32 to vector<16xi32>
      %lt3A_611 = arith.cmpi slt, %select_n3A_608, %lt3A_610 : vector<16xi32>
      %le3A = arith.constant 2 : i32
      %le3A_612 = vector.broadcast %le3A : i32 to vector<16xi32>
      %le3A_613 = arith.cmpi sle, %abs3A_585, %le3A_612 : vector<16xi32>
      %jit3A_614 = arith.constant 5 : i32
      %jit3A_615 = arith.constant 2 : i32
      %broadcast_in_dim3A_616 = vector.broadcast %jit3A_614 : i32 to vector<16xi32>
      %broadcast_in_dim3A_617 = vector.broadcast %jit3A_615 : i32 to vector<16xi32>
      %select_n3A_618 = arith.select %gt3A_587, %broadcast_in_dim3A_616, %broadcast_in_dim3A_617 : vector<16xi1>, vector<16xi32>
      %gt3A_619 = arith.constant 26 : i32
      %gt3A_620 = vector.broadcast %gt3A_619 : i32 to vector<16xi32>
      %gt3A_621 = arith.cmpi sgt, %abs3A, %gt3A_620 : vector<16xi32>
      %and3A_622 = arith.andi %le3A_613, %gt3A_621 : vector<16xi1>
      %jit3A_623 = arith.constant 3 : i32
      %jit3A_624 = arith.constant 4 : i32
      %broadcast_in_dim3A_625 = vector.broadcast %jit3A_623 : i32 to vector<16xi32>
      %broadcast_in_dim3A_626 = vector.broadcast %jit3A_624 : i32 to vector<16xi32>
      %select_n3A_627 = arith.select %gt3A_590, %broadcast_in_dim3A_625, %broadcast_in_dim3A_626 : vector<16xi1>, vector<16xi32>
      %select_n3A_628 = arith.select %and3A_622, %select_n3A_627, %select_n3A_618 : vector<16xi1>, vector<16xi32>
      %lt3A_629 = arith.constant 23 : i32
      %lt3A_630 = vector.broadcast %lt3A_629 : i32 to vector<16xi32>
      %lt3A_631 = arith.cmpi slt, %abs3A, %lt3A_630 : vector<16xi32>
      %and3A_632 = arith.andi %le3A_613, %lt3A_631 : vector<16xi1>
      %jit3A_633 = arith.constant 4 : i32
      %jit3A_634 = arith.constant 3 : i32
      %broadcast_in_dim3A_635 = vector.broadcast %jit3A_633 : i32 to vector<16xi32>
      %broadcast_in_dim3A_636 = vector.broadcast %jit3A_634 : i32 to vector<16xi32>
      %select_n3A_637 = arith.select %gt3A_590, %broadcast_in_dim3A_635, %broadcast_in_dim3A_636 : vector<16xi1>, vector<16xi32>
      %select_n3A_638 = arith.select %and3A_632, %select_n3A_637, %select_n3A_628 : vector<16xi1>, vector<16xi32>
      %ge3A = arith.constant 23 : i32
      %ge3A_639 = vector.broadcast %ge3A : i32 to vector<16xi32>
      %ge3A_640 = arith.cmpi sge, %abs3A, %ge3A_639 : vector<16xi32>
      %and3A_641 = arith.andi %le3A_613, %ge3A_640 : vector<16xi1>
      %le3A_642 = arith.constant 26 : i32
      %le3A_643 = vector.broadcast %le3A_642 : i32 to vector<16xi32>
      %le3A_644 = arith.cmpi sle, %abs3A, %le3A_643 : vector<16xi32>
      %and3A_645 = arith.andi %and3A_641, %le3A_644 : vector<16xi1>
      %jit3A_646 = arith.constant 1 : i32
      %jit3A_647 = arith.constant 0 : i32
      %broadcast_in_dim3A_648 = vector.broadcast %jit3A_646 : i32 to vector<16xi32>
      %broadcast_in_dim3A_649 = vector.broadcast %jit3A_647 : i32 to vector<16xi32>
      %select_n3A_650 = arith.select %lt3A_611, %broadcast_in_dim3A_648, %broadcast_in_dim3A_649 : vector<16xi1>, vector<16xi32>
      %select_n3A_651 = arith.select %and3A_645, %select_n3A_650, %select_n3A_638 : vector<16xi1>, vector<16xi32>
      %shift_left3A = arith.shli %broadcast_in_dim3A_5, %select_n3A_651 : vector<16xi32>
      %or3A = arith.ori %scan3A_236, %shift_left3A : vector<16xi32>
      scf.yield %or3A : vector<16xi32>
    }
    %scan3A_203 = arith.constant 64 : i32
    %dma_wait3A_204 = arith.constant 0 : i32
    %dma_wait3A_205 = arith.constant 0 : i32
    %dma_wait3A_206 = tpu.memref_slice %arg2[%dma_wait3A_204, %dma_wait3A_205] : memref<2097152x16xi32, #tpu.memory_space<hbm>> -> memref<2097152x16xi32, #tpu.memory_space<hbm>>
    tpu.wait_indirect_dma semaphore(%arg28 : memref<!tpu.dma_semaphore, #tpu.memory_space<semaphore_mem>>) src(%dma_wait3A_206 : memref<2097152x16xi32, #tpu.memory_space<hbm>>) dst(%arg13 : memref<1024x16xi32, #tpu.memory_space<vmem>>)
    %dma_wait3A_207 = arith.constant 0 : i32
    %dma_wait3A_208 = arith.constant 0 : i32
    %dma_wait3A_209 = tpu.memref_slice %arg2[%dma_wait3A_207, %dma_wait3A_208] : memref<2097152x16xi32, #tpu.memory_space<hbm>> -> memref<2097152x16xi32, #tpu.memory_space<hbm>>
    tpu.wait_indirect_dma semaphore(%arg28 : memref<!tpu.dma_semaphore, #tpu.memory_space<semaphore_mem>>) src(%dma_wait3A_209 : memref<2097152x16xi32, #tpu.memory_space<hbm>>) dst(%arg16 : memref<1024x16xi32, #tpu.memory_space<vmem>>)
    %scan3A_210 = arith.constant 0 : i32
    %scan3A_211 = arith.constant 64 : i32
    %scan3A_212 = arith.addi %scan3A_210, %scan3A_211 : i32
    %scan3A_213 = arith.constant 1 : i32
    %scan3A_214 = scf.for %scan3A_235 = %scan3A_210 to %scan3A_212 step %scan3A_213 iter_args(%scan3A_236 = %scan3A_202) -> (vector<16xi32>)  : i32 {
      %mul3A_237 = arith.constant 16 : i32
      %mul3A_238 = arith.muli %scan3A_235, %mul3A_237 : i32
      %add3A_239 = arith.constant 0 : i32
      %add3A_240 = arith.addi %mul3A_238, %add3A_239 : i32
      %get3A = arith.index_cast %add3A_240 : i32 to index
      %get3A_241 = arith.constant 0 : index
      %get3A_242 = tpu.vector_load %arg13[%get3A, %get3A_241] {strides = array<i32>} : memref<1024x16xi32, #tpu.memory_space<vmem>>, vector<1x16xi32>,
      %get3A_243 = vector.shape_cast %get3A_242 : vector<1x16xi32> to vector<16xi32>
      %get3A_244 = arith.index_cast %add3A_240 : i32 to index
      %get3A_245 = arith.constant 0 : index
      %get3A_246 = tpu.vector_load %arg16[%get3A_244, %get3A_245] {strides = array<i32>} : memref<1024x16xi32, #tpu.memory_space<vmem>>, vector<1x16xi32>,
      %get3A_247 = vector.shape_cast %get3A_246 : vector<1x16xi32> to vector<16xi32>
      %add3A_248 = arith.constant 1 : i32
      %add3A_249 = arith.addi %add3A_240, %add3A_248 : i32
      %get3A_250 = arith.index_cast %add3A_249 : i32 to index
      %get3A_251 = arith.constant 0 : index
      %get3A_252 = tpu.vector_load %arg13[%get3A_250, %get3A_251] {strides = array<i32>} : memref<1024x16xi32, #tpu.memory_space<vmem>>, vector<1x16xi32>,
      %get3A_253 = vector.shape_cast %get3A_252 : vector<1x16xi32> to vector<16xi32>
      %reshape3A = vector.shape_cast %and3A_35 : vector<16xi32> to vector<16x1xi32>
      %gather3A = vector.shape_cast %reshape3A : vector<16x1xi32> to vector<16xi32>
      %gather3A_254 = tpu.dynamic_gather %get3A_253[%gather3A] in [0] : vector<16xi32>, vector<16xi32> -> vector<16xi32>
      %select_n3A = arith.select %eq3A_19, %gather3A_254, %get3A_243 : vector<16xi1>, vector<16xi32>
      %add3A_255 = arith.constant 1 : i32
      %add3A_256 = arith.addi %add3A_240, %add3A_255 : i32
      %get3A_257 = arith.index_cast %add3A_256 : i32 to index
      %get3A_258 = arith.constant 0 : index
      %get3A_259 = tpu.vector_load %arg16[%get3A_257, %get3A_258] {strides = array<i32>} : memref<1024x16xi32, #tpu.memory_space<vmem>>, vector<1x16xi32>,
      %get3A_260 = vector.shape_cast %get3A_259 : vector<1x16xi32> to vector<16xi32>
      %reshape3A_261 = vector.shape_cast %and3A_35 : vector<16xi32> to vector<16x1xi32>
      %gather3A_262 = vector.shape_cast %reshape3A_261 : vector<16x1xi32> to vector<16xi32>
      %gather3A_263 = tpu.dynamic_gather %get3A_260[%gather3A_262] in [0] : vector<16xi32>, vector<16xi32> -> vector<16xi32>
      %select_n3A_264 = arith.select %eq3A_19, %gather3A_263, %get3A_247 : vector<16xi1>, vector<16xi32>
      %add3A_265 = arith.constant 2 : i32
      %add3A_266 = arith.addi %add3A_240, %add3A_265 : i32
      %get3A_267 = arith.index_cast %add3A_266 : i32 to index
      %get3A_268 = arith.constant 0 : index
      %get3A_269 = tpu.vector_load %arg13[%get3A_267, %get3A_268] {strides = array<i32>} : memref<1024x16xi32, #tpu.memory_space<vmem>>, vector<1x16xi32>,
      %get3A_270 = vector.shape_cast %get3A_269 : vector<1x16xi32> to vector<16xi32>
      %reshape3A_271 = vector.shape_cast %and3A_41 : vector<16xi32> to vector<16x1xi32>
      %gather3A_272 = vector.shape_cast %reshape3A_271 : vector<16x1xi32> to vector<16xi32>
      %gather3A_273 = tpu.dynamic_gather %get3A_270[%gather3A_272] in [0] : vector<16xi32>, vector<16xi32> -> vector<16xi32>
      %select_n3A_274 = arith.select %eq3A_25, %gather3A_273, %select_n3A : vector<16xi1>, vector<16xi32>
      %add3A_275 = arith.constant 2 : i32
      %add3A_276 = arith.addi %add3A_240, %add3A_275 : i32
      %get3A_277 = arith.index_cast %add3A_276 : i32 to index
      %get3A_278 = arith.constant 0 : index
      %get3A_279 = tpu.vector_load %arg16[%get3A_277, %get3A_278] {strides = array<i32>} : memref<1024x16xi32, #tpu.memory_space<vmem>>, vector<1x16xi32>,
      %get3A_280 = vector.shape_cast %get3A_279 : vector<1x16xi32> to vector<16xi32>
      %reshape3A_281 = vector.shape_cast %and3A_41 : vector<16xi32> to vector<16x1xi32>
      %gather3A_282 = vector.shape_cast %reshape3A_281 : vector<16x1xi32> to vector<16xi32>
      %gather3A_283 = tpu.dynamic_gather %get3A_280[%gather3A_282] in [0] : vector<16xi32>, vector<16xi32> -> vector<16xi32>
      %select_n3A_284 = arith.select %eq3A_25, %gather3A_283, %select_n3A_264 : vector<16xi1>, vector<16xi32>
      %add3A_285 = arith.constant 3 : i32
      %add3A_286 = arith.addi %add3A_240, %add3A_285 : i32
      %get3A_287 = arith.index_cast %add3A_286 : i32 to index
      %get3A_288 = arith.constant 0 : index
      %get3A_289 = tpu.vector_load %arg13[%get3A_287, %get3A_288] {strides = array<i32>} : memref<1024x16xi32, #tpu.memory_space<vmem>>, vector<1x16xi32>,
      %get3A_290 = vector.shape_cast %get3A_289 : vector<1x16xi32> to vector<16xi32>
      %reshape3A_291 = vector.shape_cast %and3A_47 : vector<16xi32> to vector<16x1xi32>
      %gather3A_292 = vector.shape_cast %reshape3A_291 : vector<16x1xi32> to vector<16xi32>
      %gather3A_293 = tpu.dynamic_gather %get3A_290[%gather3A_292] in [0] : vector<16xi32>, vector<16xi32> -> vector<16xi32>
      %select_n3A_294 = arith.select %eq3A_31, %gather3A_293, %select_n3A_274 : vector<16xi1>, vector<16xi32>
      %add3A_295 = arith.constant 3 : i32
      %add3A_296 = arith.addi %add3A_240, %add3A_295 : i32
      %get3A_297 = arith.index_cast %add3A_296 : i32 to index
      %get3A_298 = arith.constant 0 : index
      %get3A_299 = tpu.vector_load %arg16[%get3A_297, %get3A_298] {strides = array<i32>} : memref<1024x16xi32, #tpu.memory_space<vmem>>, vector<1x16xi32>,
      %get3A_300 = vector.shape_cast %get3A_299 : vector<1x16xi32> to vector<16xi32>
      %reshape3A_301 = vector.shape_cast %and3A_47 : vector<16xi32> to vector<16x1xi32>
      %gather3A_302 = vector.shape_cast %reshape3A_301 : vector<16x1xi32> to vector<16xi32>
      %gather3A_303 = tpu.dynamic_gather %get3A_300[%gather3A_302] in [0] : vector<16xi32>, vector<16xi32> -> vector<16xi32>
      %select_n3A_304 = arith.select %eq3A_31, %gather3A_303, %select_n3A_284 : vector<16xi1>, vector<16xi32>
      %reshape3A_305 = vector.shape_cast %xor3A_7 : vector<16xi32> to vector<16x1xi32>
      %gather3A_306 = vector.shape_cast %reshape3A_305 : vector<16x1xi32> to vector<16xi32>
      %gather3A_307 = tpu.dynamic_gather %select_n3A_294[%gather3A_306] in [0] : vector<16xi32>, vector<16xi32> -> vector<16xi32>
      %sub3A_308 = arith.subi %gather3A_307, %select_n3A_294 : vector<16xi32>
      %reshape3A_309 = vector.shape_cast %mul3A_53 : vector<16xi32> to vector<16x1xi32>
      %gather3A_310 = vector.shape_cast %reshape3A_309 : vector<16x1xi32> to vector<16xi32>
      %gather3A_311 = tpu.dynamic_gather %sub3A_308[%gather3A_310] in [0] : vector<16xi32>, vector<16xi32> -> vector<16xi32>
      %select_n3A_312 = arith.select %eq3A_13, %gather3A_311, %broadcast_in_dim3A_9 : vector<16xi1>, vector<16xi32>
      %reshape3A_313 = vector.shape_cast %add3A_56 : vector<16xi32> to vector<16x1xi32>
      %gather3A_314 = vector.shape_cast %reshape3A_313 : vector<16x1xi32> to vector<16xi32>
      %gather3A_315 = tpu.dynamic_gather %sub3A_308[%gather3A_314] in [0] : vector<16xi32>, vector<16xi32> -> vector<16xi32>
      %select_n3A_316 = arith.select %eq3A_13, %gather3A_315, %broadcast_in_dim3A_9 : vector<16xi1>, vector<16xi32>
      %reshape3A_317 = vector.shape_cast %mul3A_53 : vector<16xi32> to vector<16x1xi32>
      %gather3A_318 = vector.shape_cast %reshape3A_317 : vector<16x1xi32> to vector<16xi32>
      %gather3A_319 = tpu.dynamic_gather %select_n3A_304[%gather3A_318] in [0] : vector<16xi32>, vector<16xi32> -> vector<16xi32>
      %select_n3A_320 = arith.select %eq3A_13, %gather3A_319, %broadcast_in_dim3A_9 : vector<16xi1>, vector<16xi32>
      %mul3A_321 = arith.constant 16 : i32
      %mul3A_322 = arith.muli %scan3A_235, %mul3A_321 : i32
      %add3A_323 = arith.constant 4 : i32
      %add3A_324 = arith.addi %mul3A_322, %add3A_323 : i32
      %get3A_325 = arith.index_cast %add3A_324 : i32 to index
      %get3A_326 = arith.constant 0 : index
      %get3A_327 = tpu.vector_load %arg13[%get3A_325, %get3A_326] {strides = array<i32>} : memref<1024x16xi32, #tpu.memory_space<vmem>>, vector<1x16xi32>,
      %get3A_328 = vector.shape_cast %get3A_327 : vector<1x16xi32> to vector<16xi32>
      %get3A_329 = arith.index_cast %add3A_324 : i32 to index
      %get3A_330 = arith.constant 0 : index
      %get3A_331 = tpu.vector_load %arg16[%get3A_329, %get3A_330] {strides = array<i32>} : memref<1024x16xi32, #tpu.memory_space<vmem>>, vector<1x16xi32>,
      %get3A_332 = vector.shape_cast %get3A_331 : vector<1x16xi32> to vector<16xi32>
      %add3A_333 = arith.constant 1 : i32
      %add3A_334 = arith.addi %add3A_324, %add3A_333 : i32
      %get3A_335 = arith.index_cast %add3A_334 : i32 to index
      %get3A_336 = arith.constant 0 : index
      %get3A_337 = tpu.vector_load %arg13[%get3A_335, %get3A_336] {strides = array<i32>} : memref<1024x16xi32, #tpu.memory_space<vmem>>, vector<1x16xi32>,
      %get3A_338 = vector.shape_cast %get3A_337 : vector<1x16xi32> to vector<16xi32>
      %reshape3A_339 = vector.shape_cast %and3A_35 : vector<16xi32> to vector<16x1xi32>
      %gather3A_340 = vector.shape_cast %reshape3A_339 : vector<16x1xi32> to vector<16xi32>
      %gather3A_341 = tpu.dynamic_gather %get3A_338[%gather3A_340] in [0] : vector<16xi32>, vector<16xi32> -> vector<16xi32>
      %select_n3A_342 = arith.select %eq3A_19, %gather3A_341, %get3A_328 : vector<16xi1>, vector<16xi32>
      %add3A_343 = arith.constant 1 : i32
      %add3A_344 = arith.addi %add3A_324, %add3A_343 : i32
      %get3A_345 = arith.index_cast %add3A_344 : i32 to index
      %get3A_346 = arith.constant 0 : index
      %get3A_347 = tpu.vector_load %arg16[%get3A_345, %get3A_346] {strides = array<i32>} : memref<1024x16xi32, #tpu.memory_space<vmem>>, vector<1x16xi32>,
      %get3A_348 = vector.shape_cast %get3A_347 : vector<1x16xi32> to vector<16xi32>
      %reshape3A_349 = vector.shape_cast %and3A_35 : vector<16xi32> to vector<16x1xi32>
      %gather3A_350 = vector.shape_cast %reshape3A_349 : vector<16x1xi32> to vector<16xi32>
      %gather3A_351 = tpu.dynamic_gather %get3A_348[%gather3A_350] in [0] : vector<16xi32>, vector<16xi32> -> vector<16xi32>
      %select_n3A_352 = arith.select %eq3A_19, %gather3A_351, %get3A_332 : vector<16xi1>, vector<16xi32>
      %add3A_353 = arith.constant 2 : i32
      %add3A_354 = arith.addi %add3A_324, %add3A_353 : i32
      %get3A_355 = arith.index_cast %add3A_354 : i32 to index
      %get3A_356 = arith.constant 0 : index
      %get3A_357 = tpu.vector_load %arg13[%get3A_355, %get3A_356] {strides = array<i32>} : memref<1024x16xi32, #tpu.memory_space<vmem>>, vector<1x16xi32>,
      %get3A_358 = vector.shape_cast %get3A_357 : vector<1x16xi32> to vector<16xi32>
      %reshape3A_359 = vector.shape_cast %and3A_41 : vector<16xi32> to vector<16x1xi32>
      %gather3A_360 = vector.shape_cast %reshape3A_359 : vector<16x1xi32> to vector<16xi32>
      %gather3A_361 = tpu.dynamic_gather %get3A_358[%gather3A_360] in [0] : vector<16xi32>, vector<16xi32> -> vector<16xi32>
      %select_n3A_362 = arith.select %eq3A_25, %gather3A_361, %select_n3A_342 : vector<16xi1>, vector<16xi32>
      %add3A_363 = arith.constant 2 : i32
      %add3A_364 = arith.addi %add3A_324, %add3A_363 : i32
      %get3A_365 = arith.index_cast %add3A_364 : i32 to index
      %get3A_366 = arith.constant 0 : index
      %get3A_367 = tpu.vector_load %arg16[%get3A_365, %get3A_366] {strides = array<i32>} : memref<1024x16xi32, #tpu.memory_space<vmem>>, vector<1x16xi32>,
      %get3A_368 = vector.shape_cast %get3A_367 : vector<1x16xi32> to vector<16xi32>
      %reshape3A_369 = vector.shape_cast %and3A_41 : vector<16xi32> to vector<16x1xi32>
      %gather3A_370 = vector.shape_cast %reshape3A_369 : vector<16x1xi32> to vector<16xi32>
      %gather3A_371 = tpu.dynamic_gather %get3A_368[%gather3A_370] in [0] : vector<16xi32>, vector<16xi32> -> vector<16xi32>
      %select_n3A_372 = arith.select %eq3A_25, %gather3A_371, %select_n3A_352 : vector<16xi1>, vector<16xi32>
      %add3A_373 = arith.constant 3 : i32
      %add3A_374 = arith.addi %add3A_324, %add3A_373 : i32
      %get3A_375 = arith.index_cast %add3A_374 : i32 to index
      %get3A_376 = arith.constant 0 : index
      %get3A_377 = tpu.vector_load %arg13[%get3A_375, %get3A_376] {strides = array<i32>} : memref<1024x16xi32, #tpu.memory_space<vmem>>, vector<1x16xi32>,
      %get3A_378 = vector.shape_cast %get3A_377 : vector<1x16xi32> to vector<16xi32>
      %reshape3A_379 = vector.shape_cast %and3A_47 : vector<16xi32> to vector<16x1xi32>
      %gather3A_380 = vector.shape_cast %reshape3A_379 : vector<16x1xi32> to vector<16xi32>
      %gather3A_381 = tpu.dynamic_gather %get3A_378[%gather3A_380] in [0] : vector<16xi32>, vector<16xi32> -> vector<16xi32>
      %select_n3A_382 = arith.select %eq3A_31, %gather3A_381, %select_n3A_362 : vector<16xi1>, vector<16xi32>
      %add3A_383 = arith.constant 3 : i32
      %add3A_384 = arith.addi %add3A_324, %add3A_383 : i32
      %get3A_385 = arith.index_cast %add3A_384 : i32 to index
      %get3A_386 = arith.constant 0 : index
      %get3A_387 = tpu.vector_load %arg16[%get3A_385, %get3A_386] {strides = array<i32>} : memref<1024x16xi32, #tpu.memory_space<vmem>>, vector<1x16xi32>,
      %get3A_388 = vector.shape_cast %get3A_387 : vector<1x16xi32> to vector<16xi32>
      %reshape3A_389 = vector.shape_cast %and3A_47 : vector<16xi32> to vector<16x1xi32>
      %gather3A_390 = vector.shape_cast %reshape3A_389 : vector<16x1xi32> to vector<16xi32>
      %gather3A_391 = tpu.dynamic_gather %get3A_388[%gather3A_390] in [0] : vector<16xi32>, vector<16xi32> -> vector<16xi32>
      %select_n3A_392 = arith.select %eq3A_31, %gather3A_391, %select_n3A_372 : vector<16xi1>, vector<16xi32>
      %reshape3A_393 = vector.shape_cast %xor3A_7 : vector<16xi32> to vector<16x1xi32>
      %gather3A_394 = vector.shape_cast %reshape3A_393 : vector<16x1xi32> to vector<16xi32>
      %gather3A_395 = tpu.dynamic_gather %select_n3A_382[%gather3A_394] in [0] : vector<16xi32>, vector<16xi32> -> vector<16xi32>
      %sub3A_396 = arith.subi %gather3A_395, %select_n3A_382 : vector<16xi32>
      %reshape3A_397 = vector.shape_cast %mul3A_53 : vector<16xi32> to vector<16x1xi32>
      %gather3A_398 = vector.shape_cast %reshape3A_397 : vector<16x1xi32> to vector<16xi32>
      %gather3A_399 = tpu.dynamic_gather %sub3A_396[%gather3A_398] in [0] : vector<16xi32>, vector<16xi32> -> vector<16xi32>
      %select_n3A_400 = arith.select %eq3A_19, %gather3A_399, %select_n3A_312 : vector<16xi1>, vector<16xi32>
      %reshape3A_401 = vector.shape_cast %add3A_56 : vector<16xi32> to vector<16x1xi32>
      %gather3A_402 = vector.shape_cast %reshape3A_401 : vector<16x1xi32> to vector<16xi32>
      %gather3A_403 = tpu.dynamic_gather %sub3A_396[%gather3A_402] in [0] : vector<16xi32>, vector<16xi32> -> vector<16xi32>
      %select_n3A_404 = arith.select %eq3A_19, %gather3A_403, %select_n3A_316 : vector<16xi1>, vector<16xi32>
      %reshape3A_405 = vector.shape_cast %mul3A_53 : vector<16xi32> to vector<16x1xi32>
      %gather3A_406 = vector.shape_cast %reshape3A_405 : vector<16x1xi32> to vector<16xi32>
      %gather3A_407 = tpu.dynamic_gather %select_n3A_392[%gather3A_406] in [0] : vector<16xi32>, vector<16xi32> -> vector<16xi32>
      %select_n3A_408 = arith.select %eq3A_19, %gather3A_407, %select_n3A_320 : vector<16xi1>, vector<16xi32>
      %mul3A_409 = arith.constant 16 : i32
      %mul3A_410 = arith.muli %scan3A_235, %mul3A_409 : i32
      %add3A_411 = arith.constant 8 : i32
      %add3A_412 = arith.addi %mul3A_410, %add3A_411 : i32
      %get3A_413 = arith.index_cast %add3A_412 : i32 to index
      %get3A_414 = arith.constant 0 : index
      %get3A_415 = tpu.vector_load %arg13[%get3A_413, %get3A_414] {strides = array<i32>} : memref<1024x16xi32, #tpu.memory_space<vmem>>, vector<1x16xi32>,
      %get3A_416 = vector.shape_cast %get3A_415 : vector<1x16xi32> to vector<16xi32>
      %get3A_417 = arith.index_cast %add3A_412 : i32 to index
      %get3A_418 = arith.constant 0 : index
      %get3A_419 = tpu.vector_load %arg16[%get3A_417, %get3A_418] {strides = array<i32>} : memref<1024x16xi32, #tpu.memory_space<vmem>>, vector<1x16xi32>,
      %get3A_420 = vector.shape_cast %get3A_419 : vector<1x16xi32> to vector<16xi32>
      %add3A_421 = arith.constant 1 : i32
      %add3A_422 = arith.addi %add3A_412, %add3A_421 : i32
      %get3A_423 = arith.index_cast %add3A_422 : i32 to index
      %get3A_424 = arith.constant 0 : index
      %get3A_425 = tpu.vector_load %arg13[%get3A_423, %get3A_424] {strides = array<i32>} : memref<1024x16xi32, #tpu.memory_space<vmem>>, vector<1x16xi32>,
      %get3A_426 = vector.shape_cast %get3A_425 : vector<1x16xi32> to vector<16xi32>
      %reshape3A_427 = vector.shape_cast %and3A_35 : vector<16xi32> to vector<16x1xi32>
      %gather3A_428 = vector.shape_cast %reshape3A_427 : vector<16x1xi32> to vector<16xi32>
      %gather3A_429 = tpu.dynamic_gather %get3A_426[%gather3A_428] in [0] : vector<16xi32>, vector<16xi32> -> vector<16xi32>
      %select_n3A_430 = arith.select %eq3A_19, %gather3A_429, %get3A_416 : vector<16xi1>, vector<16xi32>
      %add3A_431 = arith.constant 1 : i32
      %add3A_432 = arith.addi %add3A_412, %add3A_431 : i32
      %get3A_433 = arith.index_cast %add3A_432 : i32 to index
      %get3A_434 = arith.constant 0 : index
      %get3A_435 = tpu.vector_load %arg16[%get3A_433, %get3A_434] {strides = array<i32>} : memref<1024x16xi32, #tpu.memory_space<vmem>>, vector<1x16xi32>,
      %get3A_436 = vector.shape_cast %get3A_435 : vector<1x16xi32> to vector<16xi32>
      %reshape3A_437 = vector.shape_cast %and3A_35 : vector<16xi32> to vector<16x1xi32>
      %gather3A_438 = vector.shape_cast %reshape3A_437 : vector<16x1xi32> to vector<16xi32>
      %gather3A_439 = tpu.dynamic_gather %get3A_436[%gather3A_438] in [0] : vector<16xi32>, vector<16xi32> -> vector<16xi32>
      %select_n3A_440 = arith.select %eq3A_19, %gather3A_439, %get3A_420 : vector<16xi1>, vector<16xi32>
      %add3A_441 = arith.constant 2 : i32
      %add3A_442 = arith.addi %add3A_412, %add3A_441 : i32
      %get3A_443 = arith.index_cast %add3A_442 : i32 to index
      %get3A_444 = arith.constant 0 : index
      %get3A_445 = tpu.vector_load %arg13[%get3A_443, %get3A_444] {strides = array<i32>} : memref<1024x16xi32, #tpu.memory_space<vmem>>, vector<1x16xi32>,
      %get3A_446 = vector.shape_cast %get3A_445 : vector<1x16xi32> to vector<16xi32>
      %reshape3A_447 = vector.shape_cast %and3A_41 : vector<16xi32> to vector<16x1xi32>
      %gather3A_448 = vector.shape_cast %reshape3A_447 : vector<16x1xi32> to vector<16xi32>
      %gather3A_449 = tpu.dynamic_gather %get3A_446[%gather3A_448] in [0] : vector<16xi32>, vector<16xi32> -> vector<16xi32>
      %select_n3A_450 = arith.select %eq3A_25, %gather3A_449, %select_n3A_430 : vector<16xi1>, vector<16xi32>
      %add3A_451 = arith.constant 2 : i32
      %add3A_452 = arith.addi %add3A_412, %add3A_451 : i32
      %get3A_453 = arith.index_cast %add3A_452 : i32 to index
      %get3A_454 = arith.constant 0 : index
      %get3A_455 = tpu.vector_load %arg16[%get3A_453, %get3A_454] {strides = array<i32>} : memref<1024x16xi32, #tpu.memory_space<vmem>>, vector<1x16xi32>,
      %get3A_456 = vector.shape_cast %get3A_455 : vector<1x16xi32> to vector<16xi32>
      %reshape3A_457 = vector.shape_cast %and3A_41 : vector<16xi32> to vector<16x1xi32>
      %gather3A_458 = vector.shape_cast %reshape3A_457 : vector<16x1xi32> to vector<16xi32>
      %gather3A_459 = tpu.dynamic_gather %get3A_456[%gather3A_458] in [0] : vector<16xi32>, vector<16xi32> -> vector<16xi32>
      %select_n3A_460 = arith.select %eq3A_25, %gather3A_459, %select_n3A_440 : vector<16xi1>, vector<16xi32>
      %add3A_461 = arith.constant 3 : i32
      %add3A_462 = arith.addi %add3A_412, %add3A_461 : i32
      %get3A_463 = arith.index_cast %add3A_462 : i32 to index
      %get3A_464 = arith.constant 0 : index
      %get3A_465 = tpu.vector_load %arg13[%get3A_463, %get3A_464] {strides = array<i32>} : memref<1024x16xi32, #tpu.memory_space<vmem>>, vector<1x16xi32>,
      %get3A_466 = vector.shape_cast %get3A_465 : vector<1x16xi32> to vector<16xi32>
      %reshape3A_467 = vector.shape_cast %and3A_47 : vector<16xi32> to vector<16x1xi32>
      %gather3A_468 = vector.shape_cast %reshape3A_467 : vector<16x1xi32> to vector<16xi32>
      %gather3A_469 = tpu.dynamic_gather %get3A_466[%gather3A_468] in [0] : vector<16xi32>, vector<16xi32> -> vector<16xi32>
      %select_n3A_470 = arith.select %eq3A_31, %gather3A_469, %select_n3A_450 : vector<16xi1>, vector<16xi32>
      %add3A_471 = arith.constant 3 : i32
      %add3A_472 = arith.addi %add3A_412, %add3A_471 : i32
      %get3A_473 = arith.index_cast %add3A_472 : i32 to index
      %get3A_474 = arith.constant 0 : index
      %get3A_475 = tpu.vector_load %arg16[%get3A_473, %get3A_474] {strides = array<i32>} : memref<1024x16xi32, #tpu.memory_space<vmem>>, vector<1x16xi32>,
      %get3A_476 = vector.shape_cast %get3A_475 : vector<1x16xi32> to vector<16xi32>
      %reshape3A_477 = vector.shape_cast %and3A_47 : vector<16xi32> to vector<16x1xi32>
      %gather3A_478 = vector.shape_cast %reshape3A_477 : vector<16x1xi32> to vector<16xi32>
      %gather3A_479 = tpu.dynamic_gather %get3A_476[%gather3A_478] in [0] : vector<16xi32>, vector<16xi32> -> vector<16xi32>
      %select_n3A_480 = arith.select %eq3A_31, %gather3A_479, %select_n3A_460 : vector<16xi1>, vector<16xi32>
      %reshape3A_481 = vector.shape_cast %xor3A_7 : vector<16xi32> to vector<16x1xi32>
      %gather3A_482 = vector.shape_cast %reshape3A_481 : vector<16x1xi32> to vector<16xi32>
      %gather3A_483 = tpu.dynamic_gather %select_n3A_470[%gather3A_482] in [0] : vector<16xi32>, vector<16xi32> -> vector<16xi32>
      %sub3A_484 = arith.subi %gather3A_483, %select_n3A_470 : vector<16xi32>
      %reshape3A_485 = vector.shape_cast %mul3A_53 : vector<16xi32> to vector<16x1xi32>
      %gather3A_486 = vector.shape_cast %reshape3A_485 : vector<16x1xi32> to vector<16xi32>
      %gather3A_487 = tpu.dynamic_gather %sub3A_484[%gather3A_486] in [0] : vector<16xi32>, vector<16xi32> -> vector<16xi32>
      %select_n3A_488 = arith.select %eq3A_25, %gather3A_487, %select_n3A_400 : vector<16xi1>, vector<16xi32>
      %reshape3A_489 = vector.shape_cast %add3A_56 : vector<16xi32> to vector<16x1xi32>
      %gather3A_490 = vector.shape_cast %reshape3A_489 : vector<16x1xi32> to vector<16xi32>
      %gather3A_491 = tpu.dynamic_gather %sub3A_484[%gather3A_490] in [0] : vector<16xi32>, vector<16xi32> -> vector<16xi32>
      %select_n3A_492 = arith.select %eq3A_25, %gather3A_491, %select_n3A_404 : vector<16xi1>, vector<16xi32>
      %reshape3A_493 = vector.shape_cast %mul3A_53 : vector<16xi32> to vector<16x1xi32>
      %gather3A_494 = vector.shape_cast %reshape3A_493 : vector<16x1xi32> to vector<16xi32>
      %gather3A_495 = tpu.dynamic_gather %select_n3A_480[%gather3A_494] in [0] : vector<16xi32>, vector<16xi32> -> vector<16xi32>
      %select_n3A_496 = arith.select %eq3A_25, %gather3A_495, %select_n3A_408 : vector<16xi1>, vector<16xi32>
      %mul3A_497 = arith.constant 16 : i32
      %mul3A_498 = arith.muli %scan3A_235, %mul3A_497 : i32
      %add3A_499 = arith.constant 12 : i32
      %add3A_500 = arith.addi %mul3A_498, %add3A_499 : i32
      %get3A_501 = arith.index_cast %add3A_500 : i32 to index
      %get3A_502 = arith.constant 0 : index
      %get3A_503 = tpu.vector_load %arg13[%get3A_501, %get3A_502] {strides = array<i32>} : memref<1024x16xi32, #tpu.memory_space<vmem>>, vector<1x16xi32>,
      %get3A_504 = vector.shape_cast %get3A_503 : vector<1x16xi32> to vector<16xi32>
      %get3A_505 = arith.index_cast %add3A_500 : i32 to index
      %get3A_506 = arith.constant 0 : index
      %get3A_507 = tpu.vector_load %arg16[%get3A_505, %get3A_506] {strides = array<i32>} : memref<1024x16xi32, #tpu.memory_space<vmem>>, vector<1x16xi32>,
      %get3A_508 = vector.shape_cast %get3A_507 : vector<1x16xi32> to vector<16xi32>
      %add3A_509 = arith.constant 1 : i32
      %add3A_510 = arith.addi %add3A_500, %add3A_509 : i32
      %get3A_511 = arith.index_cast %add3A_510 : i32 to index
      %get3A_512 = arith.constant 0 : index
      %get3A_513 = tpu.vector_load %arg13[%get3A_511, %get3A_512] {strides = array<i32>} : memref<1024x16xi32, #tpu.memory_space<vmem>>, vector<1x16xi32>,
      %get3A_514 = vector.shape_cast %get3A_513 : vector<1x16xi32> to vector<16xi32>
      %reshape3A_515 = vector.shape_cast %and3A_35 : vector<16xi32> to vector<16x1xi32>
      %gather3A_516 = vector.shape_cast %reshape3A_515 : vector<16x1xi32> to vector<16xi32>
      %gather3A_517 = tpu.dynamic_gather %get3A_514[%gather3A_516] in [0] : vector<16xi32>, vector<16xi32> -> vector<16xi32>
      %select_n3A_518 = arith.select %eq3A_19, %gather3A_517, %get3A_504 : vector<16xi1>, vector<16xi32>
      %add3A_519 = arith.constant 1 : i32
      %add3A_520 = arith.addi %add3A_500, %add3A_519 : i32
      %get3A_521 = arith.index_cast %add3A_520 : i32 to index
      %get3A_522 = arith.constant 0 : index
      %get3A_523 = tpu.vector_load %arg16[%get3A_521, %get3A_522] {strides = array<i32>} : memref<1024x16xi32, #tpu.memory_space<vmem>>, vector<1x16xi32>,
      %get3A_524 = vector.shape_cast %get3A_523 : vector<1x16xi32> to vector<16xi32>
      %reshape3A_525 = vector.shape_cast %and3A_35 : vector<16xi32> to vector<16x1xi32>
      %gather3A_526 = vector.shape_cast %reshape3A_525 : vector<16x1xi32> to vector<16xi32>
      %gather3A_527 = tpu.dynamic_gather %get3A_524[%gather3A_526] in [0] : vector<16xi32>, vector<16xi32> -> vector<16xi32>
      %select_n3A_528 = arith.select %eq3A_19, %gather3A_527, %get3A_508 : vector<16xi1>, vector<16xi32>
      %add3A_529 = arith.constant 2 : i32
      %add3A_530 = arith.addi %add3A_500, %add3A_529 : i32
      %get3A_531 = arith.index_cast %add3A_530 : i32 to index
      %get3A_532 = arith.constant 0 : index
      %get3A_533 = tpu.vector_load %arg13[%get3A_531, %get3A_532] {strides = array<i32>} : memref<1024x16xi32, #tpu.memory_space<vmem>>, vector<1x16xi32>,
      %get3A_534 = vector.shape_cast %get3A_533 : vector<1x16xi32> to vector<16xi32>
      %reshape3A_535 = vector.shape_cast %and3A_41 : vector<16xi32> to vector<16x1xi32>
      %gather3A_536 = vector.shape_cast %reshape3A_535 : vector<16x1xi32> to vector<16xi32>
      %gather3A_537 = tpu.dynamic_gather %get3A_534[%gather3A_536] in [0] : vector<16xi32>, vector<16xi32> -> vector<16xi32>
      %select_n3A_538 = arith.select %eq3A_25, %gather3A_537, %select_n3A_518 : vector<16xi1>, vector<16xi32>
      %add3A_539 = arith.constant 2 : i32
      %add3A_540 = arith.addi %add3A_500, %add3A_539 : i32
      %get3A_541 = arith.index_cast %add3A_540 : i32 to index
      %get3A_542 = arith.constant 0 : index
      %get3A_543 = tpu.vector_load %arg16[%get3A_541, %get3A_542] {strides = array<i32>} : memref<1024x16xi32, #tpu.memory_space<vmem>>, vector<1x16xi32>,
      %get3A_544 = vector.shape_cast %get3A_543 : vector<1x16xi32> to vector<16xi32>
      %reshape3A_545 = vector.shape_cast %and3A_41 : vector<16xi32> to vector<16x1xi32>
      %gather3A_546 = vector.shape_cast %reshape3A_545 : vector<16x1xi32> to vector<16xi32>
      %gather3A_547 = tpu.dynamic_gather %get3A_544[%gather3A_546] in [0] : vector<16xi32>, vector<16xi32> -> vector<16xi32>
      %select_n3A_548 = arith.select %eq3A_25, %gather3A_547, %select_n3A_528 : vector<16xi1>, vector<16xi32>
      %add3A_549 = arith.constant 3 : i32
      %add3A_550 = arith.addi %add3A_500, %add3A_549 : i32
      %get3A_551 = arith.index_cast %add3A_550 : i32 to index
      %get3A_552 = arith.constant 0 : index
      %get3A_553 = tpu.vector_load %arg13[%get3A_551, %get3A_552] {strides = array<i32>} : memref<1024x16xi32, #tpu.memory_space<vmem>>, vector<1x16xi32>,
      %get3A_554 = vector.shape_cast %get3A_553 : vector<1x16xi32> to vector<16xi32>
      %reshape3A_555 = vector.shape_cast %and3A_47 : vector<16xi32> to vector<16x1xi32>
      %gather3A_556 = vector.shape_cast %reshape3A_555 : vector<16x1xi32> to vector<16xi32>
      %gather3A_557 = tpu.dynamic_gather %get3A_554[%gather3A_556] in [0] : vector<16xi32>, vector<16xi32> -> vector<16xi32>
      %select_n3A_558 = arith.select %eq3A_31, %gather3A_557, %select_n3A_538 : vector<16xi1>, vector<16xi32>
      %add3A_559 = arith.constant 3 : i32
      %add3A_560 = arith.addi %add3A_500, %add3A_559 : i32
      %get3A_561 = arith.index_cast %add3A_560 : i32 to index
      %get3A_562 = arith.constant 0 : index
      %get3A_563 = tpu.vector_load %arg16[%get3A_561, %get3A_562] {strides = array<i32>} : memref<1024x16xi32, #tpu.memory_space<vmem>>, vector<1x16xi32>,
      %get3A_564 = vector.shape_cast %get3A_563 : vector<1x16xi32> to vector<16xi32>
      %reshape3A_565 = vector.shape_cast %and3A_47 : vector<16xi32> to vector<16x1xi32>
      %gather3A_566 = vector.shape_cast %reshape3A_565 : vector<16x1xi32> to vector<16xi32>
      %gather3A_567 = tpu.dynamic_gather %get3A_564[%gather3A_566] in [0] : vector<16xi32>, vector<16xi32> -> vector<16xi32>
      %select_n3A_568 = arith.select %eq3A_31, %gather3A_567, %select_n3A_548 : vector<16xi1>, vector<16xi32>
      %reshape3A_569 = vector.shape_cast %xor3A_7 : vector<16xi32> to vector<16x1xi32>
      %gather3A_570 = vector.shape_cast %reshape3A_569 : vector<16x1xi32> to vector<16xi32>
      %gather3A_571 = tpu.dynamic_gather %select_n3A_558[%gather3A_570] in [0] : vector<16xi32>, vector<16xi32> -> vector<16xi32>
      %sub3A_572 = arith.subi %gather3A_571, %select_n3A_558 : vector<16xi32>
      %reshape3A_573 = vector.shape_cast %mul3A_53 : vector<16xi32> to vector<16x1xi32>
      %gather3A_574 = vector.shape_cast %reshape3A_573 : vector<16x1xi32> to vector<16xi32>
      %gather3A_575 = tpu.dynamic_gather %sub3A_572[%gather3A_574] in [0] : vector<16xi32>, vector<16xi32> -> vector<16xi32>
      %select_n3A_576 = arith.select %eq3A_31, %gather3A_575, %select_n3A_488 : vector<16xi1>, vector<16xi32>
      %reshape3A_577 = vector.shape_cast %add3A_56 : vector<16xi32> to vector<16x1xi32>
      %gather3A_578 = vector.shape_cast %reshape3A_577 : vector<16x1xi32> to vector<16xi32>
      %gather3A_579 = tpu.dynamic_gather %sub3A_572[%gather3A_578] in [0] : vector<16xi32>, vector<16xi32> -> vector<16xi32>
      %select_n3A_580 = arith.select %eq3A_31, %gather3A_579, %select_n3A_492 : vector<16xi1>, vector<16xi32>
      %reshape3A_581 = vector.shape_cast %mul3A_53 : vector<16xi32> to vector<16x1xi32>
      %gather3A_582 = vector.shape_cast %reshape3A_581 : vector<16x1xi32> to vector<16xi32>
      %gather3A_583 = tpu.dynamic_gather %select_n3A_568[%gather3A_582] in [0] : vector<16xi32>, vector<16xi32> -> vector<16xi32>
      %select_n3A_584 = arith.select %eq3A_31, %gather3A_583, %select_n3A_496 : vector<16xi1>, vector<16xi32>
      %abs3A = math.absi %select_n3A_576 : vector<16xi32>
      %abs3A_585 = math.absi %select_n3A_580 : vector<16xi32>
      %gt3A = arith.constant 1 : i32
      %gt3A_586 = vector.broadcast %gt3A : i32 to vector<16xi32>
      %gt3A_587 = arith.cmpi sgt, %select_n3A_580, %gt3A_586 : vector<16xi32>
      %gt3A_588 = arith.constant 0 : i32
      %gt3A_589 = vector.broadcast %gt3A_588 : i32 to vector<16xi32>
      %gt3A_590 = arith.cmpi sgt, %select_n3A_576, %gt3A_589 : vector<16xi32>
      %jit3A = arith.constant 12 : i32
      %eq3A_591 = arith.constant 0 : i32
      %eq3A_592 = arith.cmpi eq, %jit3A, %eq3A_591 : i32
      %jit3A_593 = arith.constant 1 : i32
      %select_n3A_594 = arith.select %eq3A_592, %jit3A_593, %jit3A : i32
      %rem3A = vector.broadcast %select_n3A_594 : i32 to vector<16xi32>
      %rem3A_595 = arith.remsi %select_n3A_584, %rem3A : vector<16xi32>
      %ne3A = arith.constant 0 : i32
      %ne3A_596 = vector.broadcast %ne3A : i32 to vector<16xi32>
      %ne3A_597 = arith.cmpi ne, %rem3A_595, %ne3A_596 : vector<16xi32>
      %lt3A = arith.constant 0 : i32
      %lt3A_598 = vector.broadcast %lt3A : i32 to vector<16xi32>
      %lt3A_599 = arith.cmpi slt, %rem3A_595, %lt3A_598 : vector<16xi32>
      %lt3A_600 = arith.constant 0 : i32
      %lt3A_601 = arith.cmpi slt, %select_n3A_594, %lt3A_600 : i32
      %ne3A_602 = vector.broadcast %lt3A_601 : i1 to vector<16xi1>
      %ne3A_603 = vector.broadcast %ne3A_602 : vector<16xi1> to vector<16xi1>
      %ne3A_604 = arith.xori %lt3A_599, %ne3A_603 : vector<16xi1>
      %and3A_605 = arith.andi %ne3A_604, %ne3A_597 : vector<16xi1>
      %add3A_606 = vector.broadcast %select_n3A_594 : i32 to vector<16xi32>
      %add3A_607 = arith.addi %rem3A_595, %add3A_606 : vector<16xi32>
      %select_n3A_608 = arith.select %and3A_605, %add3A_607, %rem3A_595 : vector<16xi1>, vector<16xi32>
      %lt3A_609 = arith.constant 4 : i32
      %lt3A_610 = vector.broadcast %lt3A_609 : i32 to vector<16xi32>
      %lt3A_611 = arith.cmpi slt, %select_n3A_608, %lt3A_610 : vector<16xi32>
      %le3A = arith.constant 2 : i32
      %le3A_612 = vector.broadcast %le3A : i32 to vector<16xi32>
      %le3A_613 = arith.cmpi sle, %abs3A_585, %le3A_612 : vector<16xi32>
      %jit3A_614 = arith.constant 5 : i32
      %jit3A_615 = arith.constant 2 : i32
      %broadcast_in_dim3A_616 = vector.broadcast %jit3A_614 : i32 to vector<16xi32>
      %broadcast_in_dim3A_617 = vector.broadcast %jit3A_615 : i32 to vector<16xi32>
      %select_n3A_618 = arith.select %gt3A_587, %broadcast_in_dim3A_616, %broadcast_in_dim3A_617 : vector<16xi1>, vector<16xi32>
      %gt3A_619 = arith.constant 26 : i32
      %gt3A_620 = vector.broadcast %gt3A_619 : i32 to vector<16xi32>
      %gt3A_621 = arith.cmpi sgt, %abs3A, %gt3A_620 : vector<16xi32>
      %and3A_622 = arith.andi %le3A_613, %gt3A_621 : vector<16xi1>
      %jit3A_623 = arith.constant 3 : i32
      %jit3A_624 = arith.constant 4 : i32
      %broadcast_in_dim3A_625 = vector.broadcast %jit3A_623 : i32 to vector<16xi32>
      %broadcast_in_dim3A_626 = vector.broadcast %jit3A_624 : i32 to vector<16xi32>
      %select_n3A_627 = arith.select %gt3A_590, %broadcast_in_dim3A_625, %broadcast_in_dim3A_626 : vector<16xi1>, vector<16xi32>
      %select_n3A_628 = arith.select %and3A_622, %select_n3A_627, %select_n3A_618 : vector<16xi1>, vector<16xi32>
      %lt3A_629 = arith.constant 23 : i32
      %lt3A_630 = vector.broadcast %lt3A_629 : i32 to vector<16xi32>
      %lt3A_631 = arith.cmpi slt, %abs3A, %lt3A_630 : vector<16xi32>
      %and3A_632 = arith.andi %le3A_613, %lt3A_631 : vector<16xi1>
      %jit3A_633 = arith.constant 4 : i32
      %jit3A_634 = arith.constant 3 : i32
      %broadcast_in_dim3A_635 = vector.broadcast %jit3A_633 : i32 to vector<16xi32>
      %broadcast_in_dim3A_636 = vector.broadcast %jit3A_634 : i32 to vector<16xi32>
      %select_n3A_637 = arith.select %gt3A_590, %broadcast_in_dim3A_635, %broadcast_in_dim3A_636 : vector<16xi1>, vector<16xi32>
      %select_n3A_638 = arith.select %and3A_632, %select_n3A_637, %select_n3A_628 : vector<16xi1>, vector<16xi32>
      %ge3A = arith.constant 23 : i32
      %ge3A_639 = vector.broadcast %ge3A : i32 to vector<16xi32>
      %ge3A_640 = arith.cmpi sge, %abs3A, %ge3A_639 : vector<16xi32>
      %and3A_641 = arith.andi %le3A_613, %ge3A_640 : vector<16xi1>
      %le3A_642 = arith.constant 26 : i32
      %le3A_643 = vector.broadcast %le3A_642 : i32 to vector<16xi32>
      %le3A_644 = arith.cmpi sle, %abs3A, %le3A_643 : vector<16xi32>
      %and3A_645 = arith.andi %and3A_641, %le3A_644 : vector<16xi1>
      %jit3A_646 = arith.constant 1 : i32
      %jit3A_647 = arith.constant 0 : i32
      %broadcast_in_dim3A_648 = vector.broadcast %jit3A_646 : i32 to vector<16xi32>
      %broadcast_in_dim3A_649 = vector.broadcast %jit3A_647 : i32 to vector<16xi32>
      %select_n3A_650 = arith.select %lt3A_611, %broadcast_in_dim3A_648, %broadcast_in_dim3A_649 : vector<16xi1>, vector<16xi32>
      %select_n3A_651 = arith.select %and3A_645, %select_n3A_650, %select_n3A_638 : vector<16xi1>, vector<16xi32>
      %shift_left3A = arith.shli %broadcast_in_dim3A_5, %select_n3A_651 : vector<16xi32>
      %or3A = arith.ori %scan3A_236, %shift_left3A : vector<16xi32>
      scf.yield %or3A : vector<16xi32>
    }
    %scan3A_215 = arith.constant 64 : i32
    %dma_wait3A_216 = arith.constant 0 : i32
    %dma_wait3A_217 = tpu.memref_slice %arg3[%dma_wait3A_216] : memref<33554432xi32, #tpu.memory_space<hbm>> -> memref<33554432xi32, #tpu.memory_space<hbm>>
    tpu.wait_indirect_dma semaphore(%arg29 : memref<!tpu.dma_semaphore, #tpu.memory_space<semaphore_mem>>) src(%dma_wait3A_217 : memref<33554432xi32, #tpu.memory_space<hbm>>) dst(%arg22 : memref<2048xi32, #tpu.memory_space<vmem>>)
    %dma_wait3A_218 = arith.constant 0 : i32
    %dma_wait3A_219 = tpu.memref_slice %arg3[%dma_wait3A_218] : memref<33554432xi32, #tpu.memory_space<hbm>> -> memref<33554432xi32, #tpu.memory_space<hbm>>
    tpu.wait_indirect_dma semaphore(%arg29 : memref<!tpu.dma_semaphore, #tpu.memory_space<semaphore_mem>>) src(%dma_wait3A_219 : memref<33554432xi32, #tpu.memory_space<hbm>>) dst(%arg23 : memref<2048xi32, #tpu.memory_space<vmem>>)
    %dma_wait3A_220 = arith.constant 0 : i32
    %dma_wait3A_221 = tpu.memref_slice %arg3[%dma_wait3A_220] : memref<33554432xi32, #tpu.memory_space<hbm>> -> memref<33554432xi32, #tpu.memory_space<hbm>>
    tpu.wait_indirect_dma semaphore(%arg29 : memref<!tpu.dma_semaphore, #tpu.memory_space<semaphore_mem>>) src(%dma_wait3A_221 : memref<33554432xi32, #tpu.memory_space<hbm>>) dst(%arg24 : memref<2048xi32, #tpu.memory_space<vmem>>)
    %dma_wait3A_222 = arith.constant 0 : i32
    %dma_wait3A_223 = tpu.memref_slice %arg3[%dma_wait3A_222] : memref<33554432xi32, #tpu.memory_space<hbm>> -> memref<33554432xi32, #tpu.memory_space<hbm>>
    tpu.wait_indirect_dma semaphore(%arg29 : memref<!tpu.dma_semaphore, #tpu.memory_space<semaphore_mem>>) src(%dma_wait3A_223 : memref<33554432xi32, #tpu.memory_space<hbm>>) dst(%arg25 : memref<2048xi32, #tpu.memory_space<vmem>>)
    %dma_wait3A_224 = arith.constant 0 : i32
    %dma_wait3A_225 = tpu.memref_slice %arg3[%dma_wait3A_224] : memref<33554432xi32, #tpu.memory_space<hbm>> -> memref<33554432xi32, #tpu.memory_space<hbm>>
    tpu.wait_indirect_dma semaphore(%arg29 : memref<!tpu.dma_semaphore, #tpu.memory_space<semaphore_mem>>) src(%dma_wait3A_225 : memref<33554432xi32, #tpu.memory_space<hbm>>) dst(%arg26 : memref<2048xi32, #tpu.memory_space<vmem>>)
    %scan3A_226 = arith.constant 0 : i32
    %scan3A_227 = arith.constant 128 : i32
    %scan3A_228 = arith.addi %scan3A_226, %scan3A_227 : i32
    %scan3A_229 = arith.constant 1 : i32
    %scan3A_230 = scf.for %scan3A_235 = %scan3A_226 to %scan3A_228 step %scan3A_229 iter_args(%scan3A_236 = %scan3A_214) -> (vector<16xi32>)  : i32 {
      %mul3A_237 = arith.constant 16 : i32
      %mul3A_238 = arith.muli %scan3A_235, %mul3A_237 : i32
      %get3A = arith.index_cast %mul3A_238 : i32 to index
      %get3A_239 = tpu.vector_load %arg22[%get3A] {strides = array<i32>} : memref<2048xi32, #tpu.memory_space<vmem>>, vector<16xi32>,
      %get3A_240 = vector.shape_cast %get3A_239 : vector<16xi32> to vector<16xi32>
      %get3A_241 = arith.index_cast %mul3A_238 : i32 to index
      %get3A_242 = tpu.vector_load %arg23[%get3A_241] {strides = array<i32>} : memref<2048xi32, #tpu.memory_space<vmem>>, vector<16xi32>,
      %get3A_243 = vector.shape_cast %get3A_242 : vector<16xi32> to vector<16xi32>
      %get3A_244 = arith.index_cast %mul3A_238 : i32 to index
      %get3A_245 = tpu.vector_load %arg24[%get3A_244] {strides = array<i32>} : memref<2048xi32, #tpu.memory_space<vmem>>, vector<16xi32>,
      %get3A_246 = vector.shape_cast %get3A_245 : vector<16xi32> to vector<16xi32>
      %get3A_247 = arith.index_cast %mul3A_238 : i32 to index
      %get3A_248 = tpu.vector_load %arg25[%get3A_247] {strides = array<i32>} : memref<2048xi32, #tpu.memory_space<vmem>>, vector<16xi32>,
      %get3A_249 = vector.shape_cast %get3A_248 : vector<16xi32> to vector<16xi32>
      %get3A_250 = arith.index_cast %mul3A_238 : i32 to index
      %get3A_251 = tpu.vector_load %arg26[%get3A_250] {strides = array<i32>} : memref<2048xi32, #tpu.memory_space<vmem>>, vector<16xi32>,
      %get3A_252 = vector.shape_cast %get3A_251 : vector<16xi32> to vector<16xi32>
      %sub3A_253 = arith.subi %get3A_243, %get3A_240 : vector<16xi32>
      %sub3A_254 = arith.subi %get3A_249, %get3A_246 : vector<16xi32>
      %abs3A = math.absi %sub3A_253 : vector<16xi32>
      %abs3A_255 = math.absi %sub3A_254 : vector<16xi32>
      %gt3A = arith.constant 1 : i32
      %gt3A_256 = vector.broadcast %gt3A : i32 to vector<16xi32>
      %gt3A_257 = arith.cmpi sgt, %sub3A_254, %gt3A_256 : vector<16xi32>
      %gt3A_258 = arith.constant 0 : i32
      %gt3A_259 = vector.broadcast %gt3A_258 : i32 to vector<16xi32>
      %gt3A_260 = arith.cmpi sgt, %sub3A_253, %gt3A_259 : vector<16xi32>
      %jit3A = arith.constant 12 : i32
      %eq3A_261 = arith.constant 0 : i32
      %eq3A_262 = arith.cmpi eq, %jit3A, %eq3A_261 : i32
      %jit3A_263 = arith.constant 1 : i32
      %select_n3A = arith.select %eq3A_262, %jit3A_263, %jit3A : i32
      %rem3A = vector.broadcast %select_n3A : i32 to vector<16xi32>
      %rem3A_264 = arith.remsi %get3A_252, %rem3A : vector<16xi32>
      %ne3A = arith.constant 0 : i32
      %ne3A_265 = vector.broadcast %ne3A : i32 to vector<16xi32>
      %ne3A_266 = arith.cmpi ne, %rem3A_264, %ne3A_265 : vector<16xi32>
      %lt3A = arith.constant 0 : i32
      %lt3A_267 = vector.broadcast %lt3A : i32 to vector<16xi32>
      %lt3A_268 = arith.cmpi slt, %rem3A_264, %lt3A_267 : vector<16xi32>
      %lt3A_269 = arith.constant 0 : i32
      %lt3A_270 = arith.cmpi slt, %select_n3A, %lt3A_269 : i32
      %ne3A_271 = vector.broadcast %lt3A_270 : i1 to vector<16xi1>
      %ne3A_272 = vector.broadcast %ne3A_271 : vector<16xi1> to vector<16xi1>
      %ne3A_273 = arith.xori %lt3A_268, %ne3A_272 : vector<16xi1>
      %and3A_274 = arith.andi %ne3A_273, %ne3A_266 : vector<16xi1>
      %add3A_275 = vector.broadcast %select_n3A : i32 to vector<16xi32>
      %add3A_276 = arith.addi %rem3A_264, %add3A_275 : vector<16xi32>
      %select_n3A_277 = arith.select %and3A_274, %add3A_276, %rem3A_264 : vector<16xi1>, vector<16xi32>
      %lt3A_278 = arith.constant 4 : i32
      %lt3A_279 = vector.broadcast %lt3A_278 : i32 to vector<16xi32>
      %lt3A_280 = arith.cmpi slt, %select_n3A_277, %lt3A_279 : vector<16xi32>
      %le3A = arith.constant 2 : i32
      %le3A_281 = vector.broadcast %le3A : i32 to vector<16xi32>
      %le3A_282 = arith.cmpi sle, %abs3A_255, %le3A_281 : vector<16xi32>
      %jit3A_283 = arith.constant 5 : i32
      %jit3A_284 = arith.constant 2 : i32
      %broadcast_in_dim3A_285 = vector.broadcast %jit3A_283 : i32 to vector<16xi32>
      %broadcast_in_dim3A_286 = vector.broadcast %jit3A_284 : i32 to vector<16xi32>
      %select_n3A_287 = arith.select %gt3A_257, %broadcast_in_dim3A_285, %broadcast_in_dim3A_286 : vector<16xi1>, vector<16xi32>
      %gt3A_288 = arith.constant 26 : i32
      %gt3A_289 = vector.broadcast %gt3A_288 : i32 to vector<16xi32>
      %gt3A_290 = arith.cmpi sgt, %abs3A, %gt3A_289 : vector<16xi32>
      %and3A_291 = arith.andi %le3A_282, %gt3A_290 : vector<16xi1>
      %jit3A_292 = arith.constant 3 : i32
      %jit3A_293 = arith.constant 4 : i32
      %broadcast_in_dim3A_294 = vector.broadcast %jit3A_292 : i32 to vector<16xi32>
      %broadcast_in_dim3A_295 = vector.broadcast %jit3A_293 : i32 to vector<16xi32>
      %select_n3A_296 = arith.select %gt3A_260, %broadcast_in_dim3A_294, %broadcast_in_dim3A_295 : vector<16xi1>, vector<16xi32>
      %select_n3A_297 = arith.select %and3A_291, %select_n3A_296, %select_n3A_287 : vector<16xi1>, vector<16xi32>
      %lt3A_298 = arith.constant 23 : i32
      %lt3A_299 = vector.broadcast %lt3A_298 : i32 to vector<16xi32>
      %lt3A_300 = arith.cmpi slt, %abs3A, %lt3A_299 : vector<16xi32>
      %and3A_301 = arith.andi %le3A_282, %lt3A_300 : vector<16xi1>
      %jit3A_302 = arith.constant 4 : i32
      %jit3A_303 = arith.constant 3 : i32
      %broadcast_in_dim3A_304 = vector.broadcast %jit3A_302 : i32 to vector<16xi32>
      %broadcast_in_dim3A_305 = vector.broadcast %jit3A_303 : i32 to vector<16xi32>
      %select_n3A_306 = arith.select %gt3A_260, %broadcast_in_dim3A_304, %broadcast_in_dim3A_305 : vector<16xi1>, vector<16xi32>
      %select_n3A_307 = arith.select %and3A_301, %select_n3A_306, %select_n3A_297 : vector<16xi1>, vector<16xi32>
      %ge3A = arith.constant 23 : i32
      %ge3A_308 = vector.broadcast %ge3A : i32 to vector<16xi32>
      %ge3A_309 = arith.cmpi sge, %abs3A, %ge3A_308 : vector<16xi32>
      %and3A_310 = arith.andi %le3A_282, %ge3A_309 : vector<16xi1>
      %le3A_311 = arith.constant 26 : i32
      %le3A_312 = vector.broadcast %le3A_311 : i32 to vector<16xi32>
      %le3A_313 = arith.cmpi sle, %abs3A, %le3A_312 : vector<16xi32>
      %and3A_314 = arith.andi %and3A_310, %le3A_313 : vector<16xi1>
      %jit3A_315 = arith.constant 1 : i32
      %jit3A_316 = arith.constant 0 : i32
      %broadcast_in_dim3A_317 = vector.broadcast %jit3A_315 : i32 to vector<16xi32>
      %broadcast_in_dim3A_318 = vector.broadcast %jit3A_316 : i32 to vector<16xi32>
      %select_n3A_319 = arith.select %lt3A_280, %broadcast_in_dim3A_317, %broadcast_in_dim3A_318 : vector<16xi1>, vector<16xi32>
      %select_n3A_320 = arith.select %and3A_314, %select_n3A_319, %select_n3A_307 : vector<16xi1>, vector<16xi32>
      %shift_left3A = arith.shli %broadcast_in_dim3A_5, %select_n3A_320 : vector<16xi32>
      %or3A = arith.ori %scan3A_236, %shift_left3A : vector<16xi32>
      scf.yield %or3A : vector<16xi32>
    }
    %scan3A_231 = arith.constant 128 : i32
    %swap3A = arith.constant 0 : index
    %swap3A_232 = tpu.vector_load %arg27[%swap3A] {strides = array<i32>} : memref<16xi32, #tpu.memory_space<vmem>>, vector<16xi32>,
    %swap3A_233 = vector.shape_cast %swap3A_232 : vector<16xi32> to vector<16xi32>
    %swap3A_234 = vector.shape_cast %scan3A_230 : vector<16xi32> to vector<16xi32>
    tpu.vector_store %arg27[%swap3A], %swap3A_234 {strides = array<i32>} : memref<16xi32, #tpu.memory_space<vmem>>, vector<16xi32>,
    "tpu.region"() ({
      %run_scoped3A = tpu.sem_alloc : memref<!tpu.dma_semaphore, #tpu.memory_space<semaphore_mem>>
      %dma_start3A_235 = arith.constant 0 : i32
      %dma_start3A_236 = tpu.memref_slice %arg4[%add3A, %dma_start3A_235] : memref<32x16xi32, #tpu.memory_space<hbm>> -> memref<1x16xi32, #tpu.memory_space<hbm>>
      %dma_start3A_237 = tpu.memref_squeeze %dma_start3A_236 : memref<1x16xi32, #tpu.memory_space<hbm>> -> memref<16xi32, #tpu.memory_space<hbm>>
      %dma_start3A_238 = arith.constant 0 : i32
      %dma_start3A_239 = tpu.memref_slice %arg4[%add3A, %dma_start3A_238] : memref<32x16xi32, #tpu.memory_space<hbm>> -> memref<1x16xi32, #tpu.memory_space<hbm>>
      %dma_start3A_240 = tpu.memref_squeeze %dma_start3A_239 : memref<1x16xi32, #tpu.memory_space<hbm>> -> memref<16xi32, #tpu.memory_space<hbm>>
      tpu.enqueue_dma source(%arg27 : memref<16xi32, #tpu.memory_space<vmem>>) target(%dma_start3A_240 : memref<16xi32, #tpu.memory_space<hbm>>) target_semaphore(%run_scoped3A : memref<!tpu.dma_semaphore, #tpu.memory_space<semaphore_mem>>)
      %dma_wait3A_241 = arith.constant 0 : i32
      %dma_wait3A_242 = tpu.memref_slice %arg4[%add3A, %dma_wait3A_241] : memref<32x16xi32, #tpu.memory_space<hbm>> -> memref<1x16xi32, #tpu.memory_space<hbm>>
      %dma_wait3A_243 = tpu.memref_squeeze %dma_wait3A_242 : memref<1x16xi32, #tpu.memory_space<hbm>> -> memref<16xi32, #tpu.memory_space<hbm>>
      %dma_wait3A_244 = arith.constant 0 : i32
      %dma_wait3A_245 = tpu.memref_slice %arg4[%add3A, %dma_wait3A_244] : memref<32x16xi32, #tpu.memory_space<hbm>> -> memref<1x16xi32, #tpu.memory_space<hbm>>
      %dma_wait3A_246 = tpu.memref_squeeze %dma_wait3A_245 : memref<1x16xi32, #tpu.memory_space<hbm>> -> memref<16xi32, #tpu.memory_space<hbm>>
      tpu.wait_dma2 semaphore(%run_scoped3A : memref<!tpu.dma_semaphore, #tpu.memory_space<semaphore_mem>>) src(%arg27 : memref<16xi32, #tpu.memory_space<vmem>>) dst(%dma_wait3A_246 : memref<16xi32, #tpu.memory_space<hbm>>)
      tpu.yield
    }) : () -> ()
    return
  }
}

</mosaic_0001>

<sc_bundles>
// kernel: _run.3.cloned.1.call-start
scs
__scs_entry_jumppad:
0x0: {  	(pc) =	sbr.rel $0x88, $3  }
0x1: {  	(tag) =	ssettag $0x0;
	lr =	simm.s32 $0x1  }
0x2: {  	[smem:$0x3FA0] =	sst lr;
	_ =	strace $0xD0000000  }
0x3: {  	_ = 	snop  }
0x4: {  	_ = 	snop  }
0x5: {  	_ = 	snop  }
0x6: {  	_ = 	snop  }
0x7: {  	_ = 	snop  }
__scs_overlays_trampoline_lowered:
0x8: {  	[smem:$0x3FAF] =	sst s0  }
0x9: {  	[smem:$0x3FB0] =	sst s1  }
0xa: {  	[smem:$0x3FB1] =	sst s2  }
0xb: {  	[smem:$0x3FB2] =	sst s3  }
0xc: {  	[smem:$0x3FB3] =	sst s4  }
0xd: {  	[smem:$0x3FB4] =	sst s5  }
0xe: {  	[smem:$0x3FB5] =	sst s6  }
0xf: {  	[smem:$0x3FB6] =	sst s7  }
0x10: {  	[smem:$0x3FB7] =	sst s8  }
0x11: {  	[smem:$0x3FB8] =	sst s9;
	s0 =	simm.s32 @!p0 $0x0  }
0x12: {  	s1 =	sld [smem:$0x3F9E];
	s0 =	simm.s32 @p0 $0x1  }
0x13: {  	[smem:$0x3FB9] =	sst s0;
	s0 =	simm.s32 @!p1 $0x0  }
0x14: {  	s2 =	sld [smem:$0x3F9D];
	s0 =	simm.s32 @p1 $0x1  }
0x15: {  	[smem:$0x3FBA] =	sst s0;
	s0 =	simm.s32 @!p2 $0x0  }
0x16: {  	s3 =	sld [smem:$0x3FDB];
	s0 =	simm.s32 @p2 $0x1  }
0x17: {  	s4 =	simm.s32 $0x1BF5;
	[smem:$0x3FBC] =	sst s0  }
0x18: {  	s0 =	sld [smem:$0x3F9F];
	_ =	swait.ge [sflag:s4], $0x0  }
0x19: {  	s7 =	sld [smem:$0x3FA0]  }
0x1a: {  	s8 =	sadd.s32 $0xFFFFE003, lr  }
0x1b: {  	s9 =	sadd.s32 $0xFFFFFEF7, lr;
	s5 =	simm.s32 $0xFFFFFFFF;
	p2 =	slt.u32 s8, $0xFFFFF086  }
0x1c: {  	p1 =	slt.u32 s9, $0xF7A;
	s5 =	simm.s32 @!p2 $0x0  }
0x1d: {  	s5 =	simm.s32 @p1 $0x1;
	p0 =	seq.s32 s7, s2  }
0x1e: {  	s7 =	smul.u32 @!p0 $0xF7A, s2;
	p2 =	seq.s32 @!p0 s5, $0x0  }
0x1f: {  	s9 =	smul.u32 $0xF7A, s1;
	s8 =	simm.s32 @!p0 $0x1BF5;
	p2 =	por !p2, p0  }
0x20: {  	[sflag:s8] =	ssyncset.s32 @!p0 $0xFFFFF086;
	s6 =	sadd.s32 @!p0 s3, s7;
	s7 =	simm.s32 @!p0 $0x108  }
0x21: {  	s3 =	sadd.s32 s3, s9;
	s6 =	sadd.s32 @!p0 $0x88, s6;
	s7 =	simm.s32 @p2 $0x1082  }
0x22: {  	[simem:s7], [sflag:s8] =	dma.local @!p0 [hbm:s6], $0xF7A  }
0x23: {  	s9 =	sor.u32 $0xD0000000, s2;
	s6 =	simm.s32 $0x108;
	_ =	swait.ge @!p0 [sflag:s8], $0x0  }
0x24: {  	s3 =	sadd.s32 $0x88, s3;
	s6 =	simm.s32 @!p1 $0x1082;
	[sflag:s4] =	ssyncset.s32 $0xFFFFF086  }
0x25: {  	[simem:s6], [sflag:s4] =	dma.local [hbm:s3], $0xF7A  }
0x26: {  	[smem:$0x3FA0] =	sst s1;
	(tag) =	ssettag s2;
	_ =	strace s9  }
0x27: {  	s1 =	sld [smem:$0x3FB0]  }
0x28: {  	s2 =	sld [smem:$0x3FB1]  }
0x29: {  	s4 =	sld [smem:$0x3FB3]  }
0x2a: {  	p0 =	seq.s32 s5, $0x0;
	s5 =	sld [smem:$0x3FB4]  }
0x2b: {  	s6 =	sld [smem:$0x3FB5]  }
0x2c: {  	s7 =	sld [smem:$0x3FB6]  }
0x2d: {  	s3 =	simm.s32 $0x108;
	s8 =	sld [smem:$0x3FB7]  }
0x2e: {  	s3 =	simm.s32 @!p0 $0x1082;
	s9 =	sld [smem:$0x3FB8]  }
0x2f: {  	lr =	sadd.s32 s0, s3;
	s0 =	sld [smem:$0x3FAF]  }
0x30: {  	s3 =	sld [smem:$0x3FB2]  }
0x31: {  	[smem:$0x3FBB] =	sst s10  }
0x32: {  	s10 =	sld [smem:$0x3FB9];
	_ =	sdelay $0x3  }
0x33: {  	p0 =	seq.s32 s10, $0x1;
	s10 =	sld [smem:$0x3FBB];
	_ =	sdelay $0x3  }
0x34: {  	[smem:$0x3FBB] =	sst s10  }
0x35: {  	s10 =	sld [smem:$0x3FBA];
	_ =	sdelay $0x3  }
0x36: {  	p1 =	seq.s32 s10, $0x1;
	s10 =	sld [smem:$0x3FBB];
	_ =	sdelay $0x3  }
0x37: {  	[smem:$0x3FBB] =	sst s10  }
0x38: {  	s10 =	sld [smem:$0x3FBC]  }
0x39: {  	_ = 	snop;
	(pc) =	sbr.ind lr, $3  }
0x3a: {  	_ = 	snop  }
0x3b: {  	_ = 	snop  }
0x3c: {  	p2 =	seq.s32 s10, $0x1;
	s10 =	sld [smem:$0x3FBB]  }
0x3d: {  	_ =	shalt  }
0x3e: {  	_ =	shalt  }
0x3f: {  	_ =	shalt  }
0x40: {  	_ =	shalt  }
0x41: {  	_ =	shalt  }
0x42: {  	_ =	shalt  }
0x43: {  	_ =	shalt  }
0x44: {  	_ =	shalt  }
0x45: {  	_ =	shalt  }
0x46: {  	_ =	shalt  }
0x47: {  	_ =	shalt  }
0x48: {  	_ =	shalt  }
0x49: {  	_ =	shalt  }
0x4a: {  	_ =	shalt  }
0x4b: {  	_ =	shalt  }
0x4c: {  	_ =	shalt  }
0x4d: {  	_ =	shalt  }
0x4e: {  	_ =	shalt  }
0x4f: {  	_ =	shalt  }
0x50: {  	_ =	shalt  }
0x51: {  	_ =	shalt  }
0x52: {  	_ =	shalt  }
0x53: {  	_ =	shalt  }
0x54: {  	_ =	shalt  }
0x55: {  	_ =	shalt  }
0x56: {  	_ =	shalt  }
0x57: {  	_ =	shalt  }
0x58: {  	_ =	shalt  }
0x59: {  	_ =	shalt  }
0x5a: {  	_ =	shalt  }
0x5b: {  	_ =	shalt  }
0x5c: {  	_ =	shalt  }
0x5d: {  	_ =	shalt  }
0x5e: {  	_ =	shalt  }
0x5f: {  	_ =	shalt  }
0x60: {  	_ =	shalt  }
0x61: {  	_ =	shalt  }
0x62: {  	_ =	shalt  }
0x63: {  	_ =	shalt  }
0x64: {  	_ =	shalt  }
0x65: {  	_ =	shalt  }
0x66: {  	_ =	shalt  }
0x67: {  	_ =	shalt  }
0x68: {  	_ =	shalt  }
0x69: {  	_ =	shalt  }
0x6a: {  	_ =	shalt  }
0x6b: {  	_ =	shalt  }
0x6c: {  	_ =	shalt  }
0x6d: {  	_ =	shalt  }
0x6e: {  	_ =	shalt  }
0x6f: {  	_ =	shalt  }
0x70: {  	_ =	shalt  }
0x71: {  	_ =	shalt  }
0x72: {  	_ =	shalt  }
0x73: {  	_ =	shalt  }
0x74: {  	_ =	shalt  }
0x75: {  	_ =	shalt  }
0x76: {  	_ =	shalt  }
0x77: {  	_ =	shalt  }
0x78: {  	_ =	shalt  }
0x79: {  	_ =	shalt  }
0x7a: {  	_ =	shalt  }
0x7b: {  	_ =	shalt  }
0x7c: {  	_ =	shalt  }
0x7d: {  	_ =	shalt  }
0x7e: {  	_ =	shalt  }
0x7f: {  	_ =	shalt  }
0x80: {  	_ =	shalt  }
0x81: {  	_ =	shalt  }
0x82: {  	_ =	shalt  }
0x83: {  	_ =	shalt  }
0x84: {  	_ =	shalt  }
0x85: {  	_ =	shalt  }
0x86: {  	_ =	shalt  }
0x87: {  	_ =	shalt  }
.Lfunc_end0:
.L_simem_size_0:
called_computation_lowered:
.L_overlay_start_0:
0x88: {  	s2 =	sld [smem:$0x3FD9]  }
0x89: {  	s3 =	sld [smem:$0x3FFE];
	_ =	sdelay $0x1  }
0x8a: {  	s1 =	srdreg.scid  }
0x8b: {  	s0 =	sand.u32 $0x1, s1  }
0x8c: {  	s17 =	sshll.u32 s0, $0xA;
	s2 =	sadd.s32 s3, s2  }
0x8d: {  	s2 =	sadd.s32 s2, s17  }
0x8e: {  	[smem:$0x3FC7] =	sst s2  }
0x8f: {  	_ = 	snop  }
0x90: {  	s2 =	sld [smem:$0x3FC9];
	(tm) =	ssettm $0x1  }
0x91: {  	s18 =	sld [smem:$0x3FFB];
	_ =	sdelay $0x3  }
0x92: {  	_ =	strace s18  }
0x93: {  	s3 =	sld [smem:$0x3FFC];
	_ =	sdelay $0x3  }
0x94: {  	_ =	strace s3  }
0x95: {  	s3 =	sld [smem:$0x3FFD];
	_ =	sdelay $0x3  }
0x96: {  	_ =	strace s3  }
0x97: {  	_ =	strace $0x8FFFFFFF  }
0x98: {  	s19 =	sld [smem:$0x3FDB];
	_ =	sdelay $0x1  }
0x99: {  	s4 =	simm.s32 $_scs_section_size  }
0x9a: {  	s5 =	simm.s32 $_size__tile_overlayer_lowered;
	s6 =	simm.s32 $_tile_overlayer_lowered  }
0x9b: {  	s22 =	simm.s32 $0x1BFF;
	s21 =	sshll.u32 s6, $0x1;
	s3 =	sadd.s32 s4, s19  }
0x9c: {  	s7 =	simm.s32 $0x0;
	s20 =	sshll.u32 s5, $0x1;
	s5 =	sadd.s32 s21, s3  }
0x9d: {  	[timem:s7], [sflag:s22] =	dma.local [hbm:s5], s20  }
0x9e: {  	_ =	swait.ge [sflag:s22], s20  }
0x9f: {  	s4 =	ssub.s32 $0x0, s20;
	[sflag:s22] =	ssyncset.done $0x0  }
0xa0: {  	[sflag:s22] =	ssyncadd.s32 s4;
	_ =	sdelay $0x1  }
0xa1: {  	s23 =	simm.s32 $0x1B8B  }
0xa2: {  	_ =	swait.ge [sflag:s23], $0x1  }
0xa3: {  	[sflag:s23] =	ssyncset.done $0x0  }
0xa4: {  	s25 =	simm.s32 $0x1B8E;
	s24 =	sld [smem:$0x3FFE];
	[sflag:s23] =	ssyncadd.s32 $0xFFFFFFFF  }
0xa5: {  	s26 =	simm.s32 $execute0_lowered;
	[smem:$0x3FD2] =	sst s25  }
0xa6: {  	s5 =	sshll.u32 s26, $0x1;
	_ =	strace $0x80000046;
	[dreg:$0x1] =	wrdreg $0xFFFFFFFF  }
0xa7: {  	s28 =	simm.s32 $_size_execute0_lowered;
	s3 =	sadd.s32 s3, s5;
	[dreg:$0x0] =	wrdreg $0x0  }
0xa8: {  	s5 =	sshll.u32 s28, $0x1;
	[dreg:$0x2] =	wrdreg s3  }
0xa9: {  	[dreg:$0x3] =	wrdreg s5  }
0xaa: {  	[dreg:$0x4] =	wrdreg $0xC0  }
0xab: {  	_ =	task [dreg:s7], $0x5FFFF  }
0xac: {  	[dreg:$0x1] =	wrdreg $0xFFFFFFFF  }
0xad: {  	[dreg:$0x0] =	wrdreg $0x60  }
0xae: {  	[dreg:$0x2] =	wrdreg s2  }
0xaf: {  	[dreg:$0x3] =	wrdreg s24  }
0xb0: {  	[dreg:$0x4] =	wrdreg $0x9  }
0xb1: {  	_ =	task.clear_ibuf [dreg:s7], $0x5FFFF;
	_ =	strace $0x90000046  }
0xb2: {  	s29 =	simm.s32 $0x9;
	_ =	strace $0x80000048  }
0xb3: {  	_ =	swait.ge [sflag:s29], $0x1  }
0xb4: {  	[sflag:s29] =	ssyncadd.s32 $0xFFFFFFFF  }
0xb5: {  	_ =	strace $0x90000048  }
0xb6: {  	_ =	sfence  }
0xb7: {  	s30 =	sld [smem:$0x0];
	_ =	sdelay $0x2  }
0xb8: {  	s31 =	sshll.u32 s1, $0xD;
	s1 =	sshrl.u32 s1, $0x2  }
0xb9: {  	s3 =	sand.u32 $0x4000, s31;
	s1 =	sadd.s32 s1, s30  }
0xba: {  	s0 =	sor.u32 s3, s0;
	s1 =	sshll.u32 s1, $0x11  }
0xbb: {  	s0 =	sor.u32 s1, s0  }
0xbc: {  	s0 =	sadd.s32 $0x8F2B, s0  }
0xbd: {  	[sflag:s0] =	ssyncadd.remote.s32 $0x1  }
0xbe: {  	_ =	sfence.sel $0xFFFF  }
0xbf: {  	[dreg:$0x0] =	wrdreg $0xFFFFFFFF;
	(pc) =	sbr.abs _section_cstart, $3  }
0xc0: {  	[dreg:$0x1] =	wrdreg $0xFFFFFFFF  }
0xc1: {  	_ =	task.clear_ibuf [dreg:s7], $0x2FFFF;
	_ =	strace $0x9FFFFFFF  }
0xc2: {  	(tm) =	ssettm $0x7FFFFFFF  }
0xc3: {  	_ =	shalt  }
tec
execute0_lowered:
.L_overlay_start_1:
0x0: {  	(tag) =	ssettag $0x1  }
0x1: {  	v0 =	vimm.s32 $0xBA987654;
	v1 =	vimm.s32 $0x3210FEDC  }
0x2: {  	v6 =	vimm.s32 $0x76543210;
	v7 =	vimm.s32 $0xEFCDAB89;
	v8 =	vimm.s32 $0x67452301  }
0x3: {  	vm0 =	vmmov $0xf;
	vm1 =	vmmov $0xff;
	vm2 =	vmmov $0xfff  }
0x4: {  	s3 =	rddreg [dreg:$0x1];
	vm3 =	vcmask $0xB08;
	vm4 =	vcmask $0x1310;
	vm5 =	vcmask $0x1B18  }
0x5: {  	s0 =	srdreg.scid;
	s4 =	stileid.u32;
	s5 =	simm.s32 $0x0;
	vm7 =	vcmask $0x300;
	vm8 =	vcmask $0x2320;
	vm14 =	vcmask $0x2B28  }
0x6: {  	vm10 =	vcmask $0x3330;
	v2 =	vunpack.c.l.s4.s8 v0;
	v1 =	vunpack.c.l.s4.s8 v1;
	s0 =	sand.u32 $0x1, s0;
	s1 =	sshll.u32 s4, $0x2;
	s4 =	sshll.u32 s4, $0xE  }
0x7: {  	v11 =	vimm.s32 $0x4;
	v12 =	vimm.s32 $0x3;
	v7 =	vunpack.c.l.s4.s8 v7;
	s2 =	sshll.u32 s0, $0x1;
	s23 =	ssub.s32 $0x2, s0;
	s0 =	sshll.u32 s0, $0xD  }
0x8: {  	[smem:$0x7FF] =	sst s5;
	v4 =	vunpack.c.0.s8.s32 v2;
	v5 =	vunpack.c.0.s8.s32 v1;
	v2 =	vimm.s32 $0xFEDCBA98;
	s0 =	sor.u32 s0, s4  }
0x9: {  	v0 =	vlaneseq.u32;
	v8 =	vunpack.c.l.s4.s8 v8;
	_ =	strace $0x80000047;
	v2 =	vunpack.c.l.s4.s8 v2;
	s26 =	sor.u32 $0x800, s0;
	[dreg:$0x1e] =	wrdreg s0  }
0xa: {  	v6 =	vunpack.c.l.s4.s8 v6;
	v7 =	vunpack.c.0.s8.s32 v7;
	s28 =	sor.u32 $0xC00, s0;
	v3 =	vcombine.low v5, v4;
	[smem:$0x7F8] =	sst s26  }
0xb: {  	v8 =	vunpack.c.0.s8.s32 v8;
	s29 =	sor.u32 $0x1000, s0;
	[smem:$0x7F9] =	sst s28;
	v5 =	vcombine.low v4, v5;
	v9 =	vunpack.c.0.s8.s32 v2  }
0xc: {  	s1 =	sor.u32 s2, s1;
	s30 =	sor.u32 $0x1400, s0;
	[smem:$0x7FA] =	sst s29;
	v4 =	vand.u32 $0x3, v0;
	v2 =	vand.u32 $0xF, v3;
	v3 =	vunpack.c.0.s8.s32 v6  }
0xd: {  	v13 =	vimm.s32 $0x5;
	s24 =	sshrl.u32 s23, $0x1;
	s31 =	sor.u32 $0x1800, s0;
	[smem:$0x7FB] =	sst s30;
	v4 =	vmul.u32 $0x4, v4;
	v6 =	vand.u32 $0xF, v9  }
0xe: {  	s1 =	sadd.s32 s1, s3;
	s0 =	sor.u32 $0x1C00, s0;
	[smem:$0x7FC] =	sst s31;
	v3 =	vcombine.low v6, v3;
	v6 =	vcombine.low v8, v7;
	v8 =	vimm.s32 $0xECA86420  }
0xf: {  	v14 =	vimm.s32 $0x1;
	v10 =	vmul.u32 $0x2, v0;
	s2 =	ssub.s32 s23, s24;
	s1 =	sadd.s32 $0x400000, s1;
	[smem:$0x7FD] =	sst s0;
	v9 =	vunpack.c.l.s4.s8 v8  }
0x10: {  	v1 =	vmul.u32 $0x8, v0;
	s25 =	smax.u32 s2, $0x1;
	[dreg:$0x1d] =	wrdreg s1;
	v5 =	vand.u32 $0xF, v5;
	v7 =	vor.u32 $0x2, v4  }
0x11: {  	s2 =	simm.s32 $0x0;
	[dreg:$0x1f] =	wrdreg s25;
	v8 =	vimm.s32 $0x0;
	v6 =	vand.u32 $0xF, v6;
	v9 =	vunpack.c.0.s8.s32 v9  }
.LBB2_1:
0x12: {  	s1 =	sld [smem:$0x7F8];
	_ =	sdelay $0x2  }
0x13: {  	v15 =	vmov s1  }
0x14: {  	v15 =	vshll.u32 v15, $0x3  }
0x15: {  	[smem:$0x7F7] =	sst s2;
	s2 =	simm.s32 $0x0;
	v16 =	vor.u32 v1, v15  }
0x16: {  	s0 =	simm.s32 $0x40;
	v15 =	vor.u32 $0x2, v16;
	[tilespmem:s2+$0xC00] =	vst v16  }
.LBB2_2:
0x17: {  	p0 =	sne.s32 s0, $0xFC0  }
0x18: {  	[tilespmem:s2+$0x0] =	vst v15;
	s1 =	sadd.s32 $0x10, s1;
	s2 =	smov.u32 s0;
	s0 =	sadd.s32 $0x40, s0  }
.Ltmp0:
0x19: {  	(pc) =	sbr.rel @p0 .LBB2_2-.Ltmp0, $4  }
0x1a: {  	v15 =	vmov s1  }
0x1b: {  	v15 =	vshll.u32 v15, $0x3  }
0x1c: {  	s2 =	sshra.s32 s2, $0x2;
	v16 =	vor.u32 v1, v15  }
0x1d: {  	v15 =	vor.u32 $0x2, v16;
	[tilespmem:s2+$0xC00] =	vst v16  }
0x1e: {  	s30 =	sld [smem:$0x7F9]  }
0x1f: {  	s0 =	simm.s32 $0x0  }
0x20: {  	[tilespmem:s2+$0x0] =	vst v15;
	s1 =	rddreg [dreg:$0x0];
	s29 =	simm.s32 $0x400;
	s3 =	simm.s32 $0x1800  }
0x21: {  	[tilespmem:s3], [sflag:$0x1] =	stream.indirect.gather [hbm4b:s1+s29], $0x10, s0, s29, $0xb8;
	v15 =	vmov s30;
	[tilespmem:$0x1E810] =	vst v63  }
0x22: {  	s31 =	simm.s32 $0xC00;
	s4 =	simm.s32 $0xD800;
	s2 =	simm.s32 $0x0;
	v15 =	vshll.u32 v15, $0x3  }
0x23: {  	[tilespmem:s4], [sflag:$0x1] =	stream.indirect.gather [hbm4b:s1+s29], $0x10, s31, s29, $0xb8;
	v16 =	vor.u32 v1, v15;
	[tilespmem:$0x1E810] =	vst v63  }
0x24: {  	vm9 =	vcmask $0x3B38;
	s0 =	simm.s32 $0x40;
	s1 =	smov.u32 s30;
	v15 =	vor.u32 $0x2, v16;
	[tilespmem:s2+$0x1000] =	vst v16  }
.LBB2_4:
0x25: {  	p0 =	sne.s32 s0, $0xFC0  }
0x26: {  	[tilespmem:s2+$0x400] =	vst v15;
	s1 =	sadd.s32 $0x10, s1;
	s2 =	smov.u32 s0;
	s0 =	sadd.s32 $0x40, s0  }
.Ltmp1:
0x27: {  	(pc) =	sbr.rel @p0 .LBB2_4-.Ltmp1, $4  }
0x28: {  	v15 =	vmov s1  }
0x29: {  	v15 =	vshll.u32 v15, $0x3  }
0x2a: {  	s2 =	sshra.s32 s2, $0x2;
	v16 =	vor.u32 v1, v15  }
0x2b: {  	v15 =	vor.u32 $0x2, v16;
	[tilespmem:s2+$0x1000] =	vst v16  }
0x2c: {  	[tilespmem:s2+$0x400] =	vst v15;
	s0 =	rddreg [dreg:$0x0];
	s31 =	simm.s32 $0x400;
	s1 =	simm.s32 $0x5800  }
0x2d: {  	[tilespmem:s1], [sflag:$0x1] =	stream.indirect.gather [hbm4b:s0+s31], $0x10, s31, s31, $0xb8;
	[tilespmem:$0x1E810] =	vst v63  }
0x2e: {  	s1 =	sld [smem:$0x7FA];
	_ =	sdelay $0x2  }
0x2f: {  	v15 =	vmov s1  }
0x30: {  	s3 =	simm.s32 $0x1000;
	s4 =	simm.s32 $0x11800;
	s2 =	simm.s32 $0x0;
	v15 =	vshll.u32 v15, $0x3  }
0x31: {  	[tilespmem:s4], [sflag:$0x1] =	stream.indirect.gather [hbm4b:s0+s31], $0x10, s3, s31, $0xb8;
	v16 =	vor.u32 v1, v15;
	[tilespmem:$0x1E810] =	vst v63  }
0x32: {  	s0 =	simm.s32 $0x40;
	v15 =	vor.u32 $0x2, v16;
	[tilespmem:s2+$0x1400] =	vst v16  }
.LBB2_6:
0x33: {  	p0 =	sne.s32 s0, $0xFC0  }
0x34: {  	[tilespmem:s2+$0x800] =	vst v15;
	s1 =	sadd.s32 $0x10, s1;
	s2 =	smov.u32 s0;
	s0 =	sadd.s32 $0x40, s0  }
.Ltmp2:
0x35: {  	(pc) =	sbr.rel @p0 .LBB2_6-.Ltmp2, $4  }
0x36: {  	v15 =	vmov s1  }
0x37: {  	v15 =	vshll.u32 v15, $0x3  }
0x38: {  	s2 =	sshra.s32 s2, $0x2;
	v16 =	vor.u32 v1, v15  }
0x39: {  	v15 =	vor.u32 $0x2, v16;
	[tilespmem:s2+$0x1400] =	vst v16  }
0x3a: {  	s0 =	rddreg [dreg:$0x0]  }
0x3b: {  	[tilespmem:s2+$0x800] =	vst v15;
	s1 =	simm.s32 $0x400;
	s26 =	simm.s32 $0x800;
	s3 =	simm.s32 $0x9800  }
0x3c: {  	[tilespmem:s3], [sflag:$0x1] =	stream.indirect.gather [hbm4b:s0+s1], $0x10, s26, s1, $0xb8;
	[tilespmem:$0x1E810] =	vst v63  }
0x3d: {  	s28 =	simm.s32 $0x1400;
	s29 =	simm.s32 $0x15800;
	s30 =	simm.s32 $0x1  }
0x3e: {  	[tilespmem:s29], [sflag:$0x1] =	stream.indirect.gather [hbm4b:s0+s1], $0x10, s28, s1, $0xb8;
	[tilespmem:$0x1E810] =	vst v63  }
0x3f: {  	_ =	swait.ge [sflag:s30], $0x4000  }
0x40: {  	[sflag:s30] =	ssyncset.done $0x0  }
0x41: {  	[sflag:s30] =	ssyncadd.s32 $0xFFFFC000  }
0x42: {  	_ =	swait.ge [sflag:s30], $0x4000  }
0x43: {  	[sflag:s30] =	ssyncset.done $0x0  }
0x44: {  	s26 =	simm.s32 $0x0;
	[sflag:s30] =	ssyncadd.s32 $0xFFFFC000  }
0x45: {  	v15 =	vld [tilespmem:s26+$0xD8C0]  }
0x46: {  	v16 =	vld [tilespmem:s26+$0xD8F0]  }
0x47: {  	v17 =	vld [tilespmem:s26+$0xD8B0]  }
0x48: {  	v18 =	vld [tilespmem:s26+$0xD8E0]  }
0x49: {  	v19 =	vld [tilespmem:s26+$0xD830]  }
0x4a: {  	v20 =	vld [tilespmem:s26+$0xD870]  }
0x4b: {  	v21 =	vld [tilespmem:s26+$0xD8A0]  }
0x4c: {  	v22 =	vld [tilespmem:s26+$0xD8D0]  }
0x4d: {  	v23 =	vld [tilespmem:s26+$0xD820]  }
0x4e: {  	v24 =	vld [tilespmem:s26+$0xD860]  }
0x4f: {  	v25 =	vld [tilespmem:s26+$0xD890]  }
0x50: {  	v26 =	vld [tilespmem:s26+$0xD810]  }
0x51: {  	v27 =	vld [tilespmem:s26+$0xD850]  }
0x52: {  	v28 =	vld [tilespmem:s26+$0xD880]  }
0x53: {  	v29 =	vld [tilespmem:s26+$0xD800];
	v16 =	vperm.xlane v16, v5;
	v17 =	vperm.xlane v17, v5  }
0x54: {  	v30 =	vld [tilespmem:s26+$0xD840];
	v18 =	vperm.xlane v18, v3;
	v19 =	vperm.xlane v19, v5  }
0x55: {  	v20 =	vperm.xlane v20, v5;
	v21 =	vperm.xlane v21, v3  }
0x56: {  	v22 =	vperm.xlane v22, v2;
	v26 =	vperm.xlane v26, v2  }
0x57: {  	v25 =	vperm.xlane v25, v2;
	v27 =	vperm.xlane v27, v2  }
0x58: {  	v23 =	vperm.xlane v23, v3;
	v24 =	vperm.xlane v24, v3;
	v15 =	vsel vm0, v15, v22  }
0x59: {  	v22 =	vsel vm0, v29, v26;
	v25 =	vsel vm0, v28, v25;
	v26 =	vsel vm0, v30, v27  }
0x5a: {  	v21 =	vsel vm1, v25, v21;
	v22 =	vsel vm1, v22, v23;
	v23 =	vsel vm1, v26, v24  }
0x5b: {  	v15 =	vsel vm1, v15, v18;
	v18 =	vsel vm2, v22, v19;
	v19 =	vsel vm2, v23, v20  }
0x5c: {  	v17 =	vsel vm2, v21, v17;
	v18 =	vperm.xlane v18, v4;
	v19 =	vperm.xlane v19, v4  }
0x5d: {  	v15 =	vsel vm2, v15, v16;
	v17 =	vperm.xlane v17, v4  }
0x5e: {  	v15 =	vperm.xlane v15, v4;
	v16 =	vsel vm0, v18, v19  }
0x5f: {  	v16 =	vsel vm1, v16, v17  }
0x60: {  	v16 =	vsel vm2, v16, v15  }
0x61: {  	(v2sf) =	vpush v16, $0x7  }
0x62: {  	(v2sf) =	vpush v16, $0x6  }
0x63: {  	(v2sf) =	vpush v16, $0xF  }
0x64: {  	(v2sf) =	vpush v16, $0xB  }
0x65: {  	(v2sf) =	vpush v16, $0x5;
	_ =	sdelay $0x2  }
0x66: {  	v29 =	vld [tilespmem:s26+$0x18D0]  }
0x67: {  	v28 =	vld [tilespmem:s26+$0x1820]  }
0x68: {  	v27 =	vld [tilespmem:s26+$0x1860];
	(v2sf) =	vpush v16, $0xE  }
0x69: {  	v26 =	vld [tilespmem:s26+$0x1830];
	(v2sf) =	vpush v16, $0xA  }
0x6a: {  	v24 =	vld [tilespmem:s26+$0x1870];
	(v2sf) =	vpush v16, $0x4  }
0x6b: {  	v25 =	vld [tilespmem:s26+$0x18A0];
	(v2sf) =	vpush v16, $0xD  }
0x6c: {  	v21 =	vld [tilespmem:s26+$0x18F0];
	(v2sf) =	vpush v16, $0x9  }
0x6d: {  	v22 =	vld [tilespmem:s26+$0x18B0];
	(v2sf) =	vpush v16, $0x3  }
0x6e: {  	v23 =	vld [tilespmem:s26+$0x18E0];
	(v2sf) =	vpush v16, $0xC;
	s4 =	spop (v2sf)  }
0x6f: {  	v20 =	vld [tilespmem:s26+$0x1840];
	(v2sf) =	vpush v16, $0x8;
	s24 =	smulhi.u32 $0x2AAAAAAB, s4;
	s15 =	spop (v2sf)  }
0x70: {  	v18 =	vld [tilespmem:s26+$0x1880];
	(v2sf) =	vpush v16, $0x2;
	s25 =	smulhi.u32 $0x2AAAAAAB, s15;
	s0 =	spop (v2sf)  }
0x71: {  	v19 =	vld [tilespmem:s26+$0x1800];
	(v2sf) =	vpush v16, $0x1;
	s1 =	smulhi.u32 $0x2AAAAAAB, s0;
	s9 =	spop (v2sf)  }
0x72: {  	s31 =	simm.s32 $0x400;
	v17 =	vld [tilespmem:s26+$0x18C0];
	v15 =	vimm.s32 $0x0;
	(v2sf) =	vpush v16, $0x0;
	s16 =	smulhi.u32 $0x2AAAAAAB, s9;
	s18 =	spop (v2sf)  }
.LBB2_8:
0x73: {  	v30 =	vld [tilespmem:s26+$0x1890]  }
0x74: {  	v31 =	vld [tilespmem:s26+$0x1810]  }
0x75: {  	s2 =	smulhi.u32 $0x2AAAAAAB, s18;
	v32 =	vld [tilespmem:s26+$0x1850];
	s26 =	sshra.s32 s31, $0x2;
	s4 =	sshra.s32 s4, $0x1F  }
0x76: {  	s0 =	sshra.s32 s0, $0x1F;
	v34 =	vld [tilespmem:s26+$0xD8F0];
	s4 =	smul.u32 $0x2AAAAAAB, s4  }
0x77: {  	s15 =	sshra.s32 s15, $0x1F;
	v35 =	vld [tilespmem:s26+$0xD8B0];
	s0 =	smul.u32 $0x2AAAAAAB, s0  }
0x78: {  	s9 =	sshra.s32 s9, $0x1F;
	v36 =	vld [tilespmem:s26+$0xD8E0];
	[dreg:$0x16] =	wrdreg s4;
	s4 =	smul.u32 $0x2AAAAAAB, s15  }
0x79: {  	s18 =	sshra.s32 s18, $0x1F;
	v37 =	vld [tilespmem:s26+$0xD830];
	s15 =	smul.u32 $0x2AAAAAAB, s9  }
0x7a: {  	v38 =	vld [tilespmem:s26+$0xD870];
	s9 =	smul.u32 $0x2AAAAAAB, s18;
	s5 =	spop (v2sf);
	v39 =	vperm.xlane v21, v5;
	v41 =	vperm.xlane v22, v5  }
0x7b: {  	v40 =	vld [tilespmem:s26+$0xD8A0];
	v42 =	vperm.xlane v23, v3;
	v44 =	vperm.xlane v26, v5;
	s10 =	smulhi.u32 $0x2AAAAAAB, s5;
	s17 =	spop (v2sf)  }
0x7c: {  	v43 =	vld [tilespmem:s26+$0xD8D0];
	v45 =	vperm.xlane v24, v5;
	v47 =	vperm.xlane v25, v3;
	s5 =	sshra.s32 s5, $0x1F;
	s12 =	smulhi.u32 $0x2AAAAAAB, s17  }
0x7d: {  	v46 =	vld [tilespmem:s26+$0xD820];
	v48 =	vperm.xlane v29, v2;
	v49 =	vperm.xlane v28, v3;
	s29 =	spop (v2sf);
	s5 =	smul.u32 $0x2AAAAAAB, s5  }
0x7e: {  	[dreg:$0x15] =	wrdreg s24;
	v51 =	vld [tilespmem:s26+$0xD890];
	v50 =	vperm.xlane v27, v3;
	v31 =	vperm.xlane v31, v2;
	s17 =	sshra.s32 s17, $0x1F;
	s11 =	smulhi.u32 $0x2AAAAAAB, s29  }
0x7f: {  	v52 =	vld [tilespmem:s26+$0xD810];
	v30 =	vperm.xlane v30, v2;
	v32 =	vperm.xlane v32, v2;
	s28 =	spop (v2sf);
	s17 =	smul.u32 $0x2AAAAAAB, s17  }
0x80: {  	[dreg:$0x14] =	wrdreg s25;
	v33 =	vld [tilespmem:s26+$0xD8C0];
	v21 =	vperm.xlane v34, v5;
	v22 =	vperm.xlane v35, v5;
	s29 =	sshra.s32 s29, $0x1F;
	s19 =	smulhi.u32 $0x2AAAAAAB, s28  }
0x81: {  	v59 =	vld [tilespmem:s26+$0xD800];
	v25 =	vperm.xlane v36, v3;
	v23 =	vperm.xlane v37, v5;
	s25 =	spop (v2sf);
	s18 =	smul.u32 $0x2AAAAAAB, s29  }
0x82: {  	v58 =	vld [tilespmem:s26+$0xD880];
	[dreg:$0x6] =	wrdreg s2;
	v24 =	vperm.xlane v38, v5;
	v26 =	vperm.xlane v40, v3;
	s28 =	sshra.s32 s28, $0x1F;
	s20 =	smulhi.u32 $0x2AAAAAAB, s25  }
0x83: {  	v29 =	vld [tilespmem:s26+$0xD860];
	v60 =	vperm.xlane v43, v2;
	v27 =	vperm.xlane v46, v3;
	s30 =	spop (v2sf);
	s28 =	smul.u32 $0x2AAAAAAB, s28  }
0x84: {  	v57 =	vld [tilespmem:s26+$0xD850];
	s0 =	sadd.s32 s0, s1;
	v61 =	vperm.xlane v52, v2;
	v62 =	vperm.xlane v51, v2;
	v63 =	vsel vm0, v17, v48;
	s25 =	sshra.s32 s25, $0x1F;
	s13 =	smulhi.u32 $0x2AAAAAAB, s30  }
0x85: {  	v30 =	vsel vm0, v18, v30;
	v31 =	vsel vm0, v19, v31;
	v20 =	vsel vm0, v20, v32;
	s10 =	sadd.s32 s5, s10;
	s3 =	spop (v2sf);
	s25 =	smul.u32 $0x2AAAAAAB, s25  }
0x86: {  	v42 =	vsel vm1, v63, v42;
	v17 =	vsel vm0, v33, v60;
	v18 =	vsel vm0, v59, v61;
	s12 =	sadd.s32 s17, s12;
	s30 =	sshra.s32 s30, $0x1F;
	s22 =	smulhi.u32 $0x2AAAAAAB, s3  }
0x87: {  	v19 =	vsel vm0, v58, v62;
	v31 =	vsel vm1, v31, v49;
	v20 =	vsel vm1, v20, v50;
	s1 =	sadd.s32 s18, s11;
	s23 =	spop (v2sf);
	s29 =	smul.u32 $0x2AAAAAAB, s30  }
0x88: {  	v30 =	vsel vm1, v30, v47;
	v32 =	vsel vm2, v42, v39;
	v28 =	vperm.xlane v29, v3;
	s18 =	rddreg [dreg:$0x6];
	s3 =	sshra.s32 s3, $0x1F;
	s6 =	smulhi.u32 $0x2AAAAAAB, s23  }
0x89: {  	v29 =	vperm.xlane v57, v2;
	v31 =	vsel vm2, v31, v44;
	v20 =	vsel vm2, v20, v45;
	s17 =	sshrl.u32 s1, $0x1F;
	s21 =	spop (v2sf);
	s30 =	smul.u32 $0x2AAAAAAB, s3  }
0x8a: {  	v30 =	vsel vm2, v30, v41;
	v46 =	vperm.xlane v32, v6;
	v43 =	vperm.xlane v31, v6;
	s23 =	sshra.s32 s23, $0x1F;
	s3 =	sadd.s32 s15, s16;
	s15 =	sadd.s32 s28, s19  }
0x8b: {  	v19 =	vsel vm1, v19, v26;
	v17 =	vsel vm1, v17, v25;
	v44 =	vperm.xlane v20, v6;
	s16 =	sadd.s32 s25, s20;
	s8 =	smulhi.u32 $0x2AAAAAAB, s21;
	s14 =	spop (v2sf)  }
0x8c: {  	v18 =	vsel vm1, v18, v27;
	v45 =	vperm.xlane v30, v6;
	v31 =	vsub.s32 v43, v31;
	s23 =	smul.u32 $0x2AAAAAAB, s23;
	s21 =	sshra.s32 s21, $0x1F;
	s5 =	sadd.s32 s29, s13  }
0x8d: {  	v20 =	vsub.s32 v44, v20;
	v47 =	vperm.xlane v31, v4;
	v31 =	vperm.xlane v31, v7;
	s29 =	sshrl.u32 s15, $0x1F;
	s20 =	sshrl.u32 s15, $0x1;
	s7 =	smulhi.u32 $0x2AAAAAAB, s14  }
0x8e: {  	v30 =	vsub.s32 v45, v30;
	v34 =	vperm.xlane v20, v4;
	v20 =	vperm.xlane v20, v7;
	s15 =	sshrl.u32 s3, $0x1;
	s24 =	spop (v2sf);
	s21 =	smul.u32 $0x2AAAAAAB, s21  }
0x8f: {  	v32 =	vsub.s32 v46, v32;
	v33 =	vperm.xlane v30, v4;
	v30 =	vperm.xlane v30, v7;
	s14 =	sshra.s32 s14, $0x1F;
	s22 =	sadd.s32 s30, s22;
	s2 =	smulhi.u32 $0x2AAAAAAB, s24  }
0x90: {  	s30 =	sshrl.u32 s16, $0x1F;
	s24 =	sshra.s32 s24, $0x1F;
	s14 =	smul.u32 $0x2AAAAAAB, s14;
	v34 =	vsel vm0, v47, v34;
	v20 =	vsel vm0, v31, v20;
	v31 =	vperm.xlane v32, v4  }
0x91: {  	s6 =	sadd.s32 s23, s6;
	s23 =	sshrl.u32 s22, $0x1F;
	s11 =	sshrl.u32 s22, $0x1;
	v33 =	vsel vm1, v34, v33;
	v20 =	vsel vm1, v20, v30;
	v30 =	vperm.xlane v32, v7  }
0x92: {  	s24 =	smul.u32 $0x2AAAAAAB, s24;
	s25 =	sshrl.u32 s6, $0x1F;
	v48 =	vmov s23;
	s6 =	sshrl.u32 s6, $0x1;
	v51 =	vmov s11;
	v31 =	vsel vm2, v33, v31  }
0x93: {  	s22 =	sshrl.u32 s10, $0x1F;
	s19 =	sadd.s32 s21, s8;
	s21 =	sshrl.u32 s16, $0x1;
	v49 =	vmov s25;
	v52 =	vmov s6;
	v32 =	vsel vm3, s29, v48  }
0x94: {  	s23 =	sshrl.u32 s12, $0x1F;
	v35 =	vsel vm3, s20, v51;
	s25 =	sshrl.u32 s10, $0x1;
	s2 =	sadd.s32 s24, s2;
	v33 =	vsel vm3, s30, v49;
	v36 =	vsel vm3, s21, v52  }
0x95: {  	s29 =	sshrl.u32 s0, $0x1F;
	v32 =	vsel vm4, s22, v32;
	v35 =	vsel vm4, s25, v35;
	s28 =	sshrl.u32 s2, $0x1F;
	s2 =	sshrl.u32 s2, $0x1;
	v33 =	vsel vm4, s23, v33  }
0x96: {  	s16 =	sshrl.u32 s5, $0x1;
	s7 =	sadd.s32 s14, s7;
	s0 =	sshrl.u32 s0, $0x1;
	v32 =	vsel vm5, s29, v32;
	v50 =	vmov s28;
	v53 =	vmov s2  }
0x97: {  	s24 =	sshrl.u32 s7, $0x1F;
	s30 =	sshrl.u32 s3, $0x1F;
	s10 =	sshrl.u32 s7, $0x1;
	v35 =	vsel vm5, s0, v35;
	v34 =	vnsel vm7, $0x0, v50;
	v37 =	vnsel vm7, $0x0, v53  }
0x98: {  	s13 =	sshrl.u32 s19, $0x1;
	s28 =	sshrl.u32 s12, $0x1;
	v33 =	vsel vm5, s30, v33;
	s12 =	sshrl.u32 s19, $0x1F;
	v34 =	vsel vm3, s24, v34;
	v37 =	vsel vm3, s10, v37  }
0x99: {  	s14 =	sshrl.u32 s5, $0x1F;
	s5 =	sadd.s32 s9, s18;
	s21 =	rddreg [dreg:$0x14];
	v36 =	vsel vm4, s28, v36;
	v34 =	vsel vm4, s12, v34;
	v37 =	vsel vm4, s13, v37  }
0x9a: {  	s20 =	sshrl.u32 s5, $0x1F;
	s25 =	rddreg [dreg:$0x16];
	s19 =	sshrl.u32 s1, $0x1;
	v32 =	vcombine.low v33, v32;
	v34 =	vsel vm5, s14, v34;
	v37 =	vsel vm5, s16, v37  }
0x9b: {  	v54 =	vld [tilespmem:s26+$0xD840];
	s22 =	sshrl.u32 s5, $0x1;
	s2 =	sadd.s32 s4, s21;
	v36 =	vsel vm5, s15, v36;
	s24 =	rddreg [dreg:$0x15];
	v55 =	vsel vm8, s17, v34;
	v56 =	vsel vm8, s19, v37  }
0x9c: {  	s23 =	sshrl.u32 s2, $0x1F;
	s28 =	sshrl.u32 s2, $0x1;
	s3 =	sadd.s32 s25, s24;
	v35 =	vcombine.low v36, v35;
	v33 =	vsel vm14, s20, v55;
	v34 =	vsel vm14, s22, v56  }
0x9d: {  	v32 =	vperm.xlane v32, v9;
	s29 =	sshrl.u32 s3, $0x1F;
	s30 =	sshrl.u32 s3, $0x1;
	v33 =	vsel vm10, s23, v33;
	v34 =	vsel vm10, s28, v34  }
0x9e: {  	v35 =	vperm.xlane v35, v9;
	v33 =	vsel vm9, s29, v33;
	v34 =	vsel vm9, s30, v34  }
0x9f: {  	v20 =	vsel vm2, v20, v30;
	v30 =	vperm.xlane v33, v10;
	v57 =	vperm.xlane v34, v10  }
0xa0: {  	v29 =	vsel vm0, v54, v29;
	vm6 =	vlt.s32 v8, v31;
	v58 =	vsub.s32 $0x0, v31  }
0xa1: {  	vm11 =	vlt.s32 v20, $0x2;
	v30 =	vsel vm1, v30, v32;
	v59 =	vsel vm1, v57, v35  }
0xa2: {  	v60 =	vsub.s32 $0x0, v20;
	v61 =	vsel vm6, $0x4, v12;
	v30 =	vadd.s32 v30, v59  }
0xa3: {  	v31 =	vmin.u32 v31, v58;
	v63 =	vsel vm6, $0x3, v11;
	v30 =	vmul.u32 $0xC, v30  }
0xa4: {  	v62 =	vsel vm11, $0x2, v13;
	v20 =	vmin.u32 v20, v60;
	vm6 =	vlt.s32 v31, $0x17  }
0xa5: {  	vm13 =	vgt.s32 v31, $0x1A;
	vm11 =	vlt.s32 v20, $0x3;
	v16 =	vsub.s32 v16, v30  }
0xa6: {  	v20 =	vadd.s32 $0xFFFFFFE9, v31;
	vm12 =	vlt.s32 v16, $0x0;
	v30 =	vadd.s32 $0xC, v16  }
0xa7: {  	vm6 =	vmand vm6, vm11;
	v16 =	vsel vm12, v30, v16;
	vm12 =	vmand vm13, vm11  }
0xa8: {  	vm13 =	vlt.s32 v16, $0x4;
	v16 =	vsel vm12, v63, v62;
	vm12 =	vlt.u32 v20, $0x4  }
0xa9: {  	v16 =	vsel vm6, v61, v16;
	vm6 =	vmand vm11, vm12;
	v20 =	vsel vm13, $0x1, v8  }
0xaa: {  	v18 =	vsel vm2, v18, v23;
	v16 =	vsel vm6, v20, v16;
	v20 =	vsel vm1, v29, v28  }
0xab: {  	v19 =	vsel vm2, v19, v22;
	v16 =	vshll.u32 v14, v16;
	v20 =	vsel vm2, v20, v24  }
0xac: {  	v15 =	vor.u32 v15, v16;
	v16 =	vperm.xlane v18, v4;
	v18 =	vperm.xlane v20, v4  }
0xad: {  	v17 =	vsel vm2, v17, v21;
	v19 =	vperm.xlane v19, v4  }
0xae: {  	v17 =	vperm.xlane v17, v4;
	v16 =	vsel vm0, v16, v18  }
0xaf: {  	v16 =	vsel vm1, v16, v19  }
0xb0: {  	v16 =	vsel vm2, v16, v17  }
0xb1: {  	(v2sf) =	vpush v16, $0x7  }
0xb2: {  	(v2sf) =	vpush v16, $0x6  }
0xb3: {  	(v2sf) =	vpush v16, $0xF  }
0xb4: {  	(v2sf) =	vpush v16, $0xB  }
0xb5: {  	(v2sf) =	vpush v16, $0x5;
	_ =	sdelay $0x2  }
0xb6: {  	v26 =	vld [tilespmem:s26+$0x1830]  }
0xb7: {  	v25 =	vld [tilespmem:s26+$0x18A0]  }
0xb8: {  	v27 =	vld [tilespmem:s26+$0x1860];
	(v2sf) =	vpush v16, $0xE  }
0xb9: {  	v21 =	vld [tilespmem:s26+$0x18F0];
	(v2sf) =	vpush v16, $0xA  }
0xba: {  	v22 =	vld [tilespmem:s26+$0x18B0];
	(v2sf) =	vpush v16, $0x4  }
0xbb: {  	v23 =	vld [tilespmem:s26+$0x18E0];
	(v2sf) =	vpush v16, $0xD  }
0xbc: {  	v29 =	vld [tilespmem:s26+$0x18D0];
	(v2sf) =	vpush v16, $0x9  }
0xbd: {  	p0 =	sne.s32 s31, $0xFC00;
	v28 =	vld [tilespmem:s26+$0x1820];
	(v2sf) =	vpush v16, $0x3  }
.Ltmp3:
0xbe: {  	v24 =	vld [tilespmem:s26+$0x1870];
	(v2sf) =	vpush v16, $0xC;
	s4 =	spop (v2sf);
	(pc) =	sbr.rel @p0 .LBB2_8-.Ltmp3, $4  }
0xbf: {  	v20 =	vld [tilespmem:s26+$0x1840];
	(v2sf) =	vpush v16, $0x8;
	s24 =	smulhi.u32 $0x2AAAAAAB, s4;
	s15 =	spop (v2sf)  }
0xc0: {  	v18 =	vld [tilespmem:s26+$0x1880];
	(v2sf) =	vpush v16, $0x2;
	s25 =	smulhi.u32 $0x2AAAAAAB, s15;
	s0 =	spop (v2sf)  }
0xc1: {  	v19 =	vld [tilespmem:s26+$0x1800];
	(v2sf) =	vpush v16, $0x1;
	s1 =	smulhi.u32 $0x2AAAAAAB, s0;
	s9 =	spop (v2sf)  }
0xc2: {  	s31 =	sadd.s32 $0x400, s31;
	v17 =	vld [tilespmem:s26+$0x18C0];
	(v2sf) =	vpush v16, $0x0;
	s16 =	smulhi.u32 $0x2AAAAAAB, s9;
	s18 =	spop (v2sf)  }
0xc3: {  	_ =	sdelay $0x1  }
0xc4: {  	s0 =	sshra.s32 s0, $0x1F  }
0xc5: {  	s9 =	sshra.s32 s9, $0x1F;
	s0 =	smul.u32 $0x2AAAAAAB, s0  }
0xc6: {  	s9 =	smul.u32 $0x2AAAAAAB, s9;
	s6 =	spop (v2sf)  }
0xc7: {  	s7 =	spop (v2sf);
	s8 =	smulhi.u32 $0x2AAAAAAB, s6  }
0xc8: {  	s6 =	sshra.s32 s6, $0x1F;
	s11 =	smulhi.u32 $0x2AAAAAAB, s7  }
0xc9: {  	s6 =	smul.u32 $0x2AAAAAAB, s6;
	s7 =	sshra.s32 s7, $0x1F  }
0xca: {  	s2 =	spop (v2sf);
	s7 =	smul.u32 $0x2AAAAAAB, s7  }
0xcb: {  	v35 =	vld [tilespmem:s26+$0x1890];
	s9 =	sadd.s32 s9, s16;
	s10 =	spop (v2sf);
	s16 =	smulhi.u32 $0x2AAAAAAB, s2  }
0xcc: {  	v37 =	vld [tilespmem:s26+$0x1810];
	s2 =	sshra.s32 s2, $0x1F;
	s13 =	smulhi.u32 $0x2AAAAAAB, s10  }
0xcd: {  	v38 =	vld [tilespmem:s26+$0x1850];
	v29 =	vperm.xlane v29, v2;
	s26 =	sshra.s32 s15, $0x1F;
	s12 =	spop (v2sf);
	s2 =	smul.u32 $0x2AAAAAAB, s2  }
0xce: {  	v28 =	vperm.xlane v28, v3;
	v26 =	vperm.xlane v26, v5;
	s0 =	sadd.s32 s0, s1;
	s10 =	sshra.s32 s10, $0x1F;
	s14 =	smulhi.u32 $0x2AAAAAAB, s12  }
0xcf: {  	v21 =	vperm.xlane v21, v5;
	v22 =	vperm.xlane v22, v5;
	s5 =	spop (v2sf);
	s10 =	smul.u32 $0x2AAAAAAB, s10;
	s12 =	sshra.s32 s12, $0x1F  }
0xd0: {  	v23 =	vperm.xlane v23, v3;
	v44 =	vperm.xlane v27, v3;
	s6 =	sadd.s32 s6, s8;
	s17 =	spop (v2sf);
	s12 =	smul.u32 $0x2AAAAAAB, s12  }
0xd1: {  	v24 =	vperm.xlane v24, v5;
	v17 =	vsel vm0, v17, v29;
	v35 =	vperm.xlane v35, v2;
	s7 =	sadd.s32 s7, s11;
	s19 =	smulhi.u32 $0x2AAAAAAB, s17;
	s20 =	spop (v2sf)  }
0xd2: {  	v37 =	vperm.xlane v37, v2;
	v38 =	vperm.xlane v38, v2;
	v17 =	vsel vm1, v17, v23;
	s28 =	sshra.s32 s17, $0x1F;
	s10 =	sadd.s32 s10, s13;
	s21 =	smulhi.u32 $0x2AAAAAAB, s20  }
0xd3: {  	v25 =	vperm.xlane v25, v3;
	v17 =	vsel vm2, v17, v21;
	v18 =	vsel vm0, v18, v35;
	s22 =	spop (v2sf);
	s1 =	smul.u32 $0x2AAAAAAB, s28;
	s30 =	sshra.s32 s20, $0x1F  }
0xd4: {  	v19 =	vsel vm0, v19, v37;
	v20 =	vsel vm0, v20, v38;
	v51 =	vperm.xlane v17, v6;
	s12 =	sadd.s32 s12, s14;
	s20 =	sshrl.u32 s10, $0x1F;
	s3 =	smulhi.u32 $0x2AAAAAAB, s22  }
0xd5: {  	v19 =	vsel vm1, v19, v28;
	v20 =	vsel vm1, v20, v44;
	v18 =	vsel vm1, v18, v25;
	s10 =	sshrl.u32 s10, $0x1;
	s23 =	spop (v2sf);
	s11 =	smul.u32 $0x2AAAAAAB, s30  }
0xd6: {  	v19 =	vsel vm2, v19, v26;
	v20 =	vsel vm2, v20, v24;
	v18 =	vsel vm2, v18, v22;
	s17 =	smulhi.u32 $0x2AAAAAAB, s23;
	s29 =	spop (v2sf);
	s28 =	sshra.s32 s23, $0x1F  }
0xd7: {  	v17 =	vsub.s32 v51, v17;
	v47 =	vperm.xlane v19, v6;
	v49 =	vperm.xlane v20, v6;
	s1 =	sadd.s32 s1, s19;
	s23 =	sshrl.u32 s12, $0x1;
	s31 =	smulhi.u32 $0x2AAAAAAB, s29  }
0xd8: {  	v50 =	vperm.xlane v18, v6;
	v59 =	vperm.xlane v17, v4;
	s8 =	sshra.s32 s29, $0x1F;
	s29 =	sshra.s32 s22, $0x1F;
	s13 =	smul.u32 $0x2AAAAAAB, s28  }
0xd9: {  	v17 =	vperm.xlane v17, v7;
	v19 =	vsub.s32 v47, v19;
	v20 =	vsub.s32 v49, v20;
	s11 =	sadd.s32 s11, s21;
	s19 =	sshrl.u32 s1, $0x1F;
	s1 =	sshrl.u32 s1, $0x1  }
0xda: {  	v23 =	vperm.xlane v19, v4;
	v54 =	vperm.xlane v20, v4;
	s21 =	sshrl.u32 s12, $0x1F;
	s28 =	sshrl.u32 s6, $0x1F;
	s12 =	smulhi.u32 $0x2AAAAAAB, s5  }
0xdb: {  	v18 =	vsub.s32 v50, v18;
	v19 =	vperm.xlane v19, v7;
	v20 =	vperm.xlane v20, v7;
	s6 =	sshrl.u32 s6, $0x1;
	s8 =	smul.u32 $0x2AAAAAAB, s8;
	s30 =	sshrl.u32 s11, $0x1F  }
0xdc: {  	v57 =	vperm.xlane v18, v4;
	v18 =	vperm.xlane v18, v7;
	v58 =	vsel vm0, v23, v54;
	s11 =	sshrl.u32 s11, $0x1;
	s22 =	smul.u32 $0x2AAAAAAB, s29;
	s29 =	sshrl.u32 s7, $0x1F  }
0xdd: {  	v19 =	vsel vm0, v19, v20;
	v30 =	vmov s19;
	v33 =	vmov s1;
	s7 =	sshrl.u32 s7, $0x1;
	s19 =	smulhi.u32 $0x2AAAAAAB, s18;
	s13 =	sadd.s32 s13, s17  }
0xde: {  	v22 =	vsel vm1, v58, v57;
	v31 =	vmov s30;
	v30 =	vsel vm3, s20, v30;
	s20 =	sshra.s32 s18, $0x1F;
	s8 =	sadd.s32 s8, s31;
	s30 =	sshrl.u32 s13, $0x1F  }
0xdf: {  	v18 =	vsel vm1, v19, v18;
	v34 =	vmov s11;
	v33 =	vsel vm3, s10, v33;
	s1 =	sadd.s32 s22, s3;
	s10 =	sshrl.u32 s13, $0x1;
	s13 =	sshra.s32 s5, $0x1F  }
0xe0: {  	v20 =	vsel vm2, v22, v59;
	v31 =	vsel vm3, s21, v31;
	v34 =	vsel vm3, s23, v34;
	s21 =	smul.u32 $0x2AAAAAAB, s20;
	s31 =	sshrl.u32 s8, $0x1F;
	s8 =	sshrl.u32 s8, $0x1  }
0xe1: {  	s17 =	sshrl.u32 s9, $0x1;
	v30 =	vsel vm4, s28, v30;
	v33 =	vsel vm4, s6, v33;
	s11 =	sshrl.u32 s1, $0x1F;
	s3 =	smul.u32 $0x2AAAAAAB, s13;
	v36 =	vmov s8  }
0xe2: {  	v31 =	vsel vm4, s29, v31;
	s1 =	sshrl.u32 s1, $0x1;
	v32 =	vmov s31;
	s31 =	sshrl.u32 s0, $0x1F;
	s0 =	sshrl.u32 s0, $0x1;
	v36 =	vnsel vm7, $0x0, v36  }
0xe3: {  	s29 =	sshra.s32 s4, $0x1F;
	s8 =	sshrl.u32 s9, $0x1F;
	v32 =	vnsel vm7, $0x0, v32;
	v33 =	vsel vm5, s0, v33;
	s0 =	sadd.s32 s3, s12;
	v36 =	vsel vm3, s10, v36  }
0xe4: {  	v34 =	vsel vm4, s7, v34;
	v32 =	vsel vm3, s30, v32;
	s14 =	sshrl.u32 s0, $0x1F;
	s0 =	sshrl.u32 s0, $0x1;
	v45 =	vsel vm4, s1, v36;
	s1 =	sadd.s32 s2, s16  }
0xe5: {  	v48 =	vsel vm5, s17, v34;
	v30 =	vsel vm5, s31, v30;
	v32 =	vsel vm4, s11, v32;
	s22 =	sshrl.u32 s1, $0x1F;
	s23 =	sshrl.u32 s1, $0x1;
	s1 =	smul.u32 $0x2AAAAAAB, s26  }
0xe6: {  	v31 =	vsel vm5, s8, v31;
	s2 =	sadd.s32 s21, s19;
	v46 =	vsel vm5, s14, v32;
	v52 =	vsel vm5, s0, v45;
	s0 =	smul.u32 $0x2AAAAAAB, s29  }
0xe7: {  	v60 =	vcombine.low v31, v30;
	s28 =	sshrl.u32 s2, $0x1F;
	s2 =	sshrl.u32 s2, $0x1;
	v53 =	vsel vm8, s22, v46;
	v55 =	vsel vm8, s23, v52;
	s1 =	sadd.s32 s1, s25  }
0xe8: {  	v24 =	vcombine.low v48, v33;
	v56 =	vsel vm14, s28, v53;
	s0 =	sadd.s32 s0, s24;
	v21 =	vsel vm14, s2, v55;
	s30 =	sshrl.u32 s1, $0x1F;
	s1 =	sshrl.u32 s1, $0x1  }
0xe9: {  	v23 =	vperm.xlane v60, v9;
	s31 =	sshrl.u32 s0, $0x1F;
	s0 =	sshrl.u32 s0, $0x1;
	v25 =	vsel vm10, s30, v56;
	v21 =	vsel vm10, s1, v21  }
0xea: {  	v24 =	vperm.xlane v24, v9;
	v25 =	vsel vm9, s31, v25;
	v21 =	vsel vm9, s0, v21  }
0xeb: {  	v17 =	vsel vm2, v18, v17;
	v19 =	vperm.xlane v25, v10;
	v21 =	vperm.xlane v21, v10  }
0xec: {  	vm6 =	vlt.s32 v8, v20;
	vm11 =	vlt.s32 v17, $0x2;
	v61 =	vsub.s32 $0x0, v20  }
0xed: {  	v62 =	vsel vm6, $0x4, v12;
	v18 =	vsel vm1, v19, v23;
	v19 =	vsel vm1, v21, v24  }
0xee: {  	v20 =	vmin.u32 v20, v61;
	v63 =	vsel vm11, $0x2, v13;
	v18 =	vadd.s32 v18, v19  }
0xef: {  	vm12 =	vgt.s32 v20, $0x1A;
	v19 =	vsub.s32 $0x0, v17;
	v18 =	vmul.u32 $0xC, v18  }
0xf0: {  	v17 =	vmin.u32 v17, v19;
	v19 =	vsel vm6, $0x3, v11;
	vm6 =	vlt.s32 v20, $0x17  }
0xf1: {  	vm11 =	vlt.s32 v17, $0x3;
	v17 =	vadd.s32 $0xFFFFFFE9, v20;
	v16 =	vsub.s32 v16, v18  }
0xf2: {  	s1 =	sld [smem:$0x7FB];
	vm12 =	vmand vm12, vm11;
	vm13 =	vlt.s32 v16, $0x0;
	v18 =	vadd.s32 $0xC, v16  }
0xf3: {  	vm6 =	vmand vm6, vm11;
	v16 =	vsel vm13, v18, v16;
	v18 =	vsel vm12, v19, v63  }
0xf4: {  	vm13 =	vlt.u32 v17, $0x4;
	vm12 =	vlt.s32 v16, $0x4;
	v16 =	vsel vm6, v62, v18  }
0xf5: {  	vm6 =	vmand vm11, vm13;
	v18 =	vmov s1;
	v17 =	vsel vm12, $0x1, v8  }
0xf6: {  	v16 =	vsel vm6, v17, v16;
	v17 =	vshll.u32 v18, $0x3  }
0xf7: {  	s2 =	simm.s32 $0x0;
	v16 =	vshll.u32 v14, v16;
	v17 =	vor.u32 v1, v17  }
0xf8: {  	s0 =	simm.s32 $0x40;
	v15 =	vor.u32 v15, v16;
	v16 =	vor.u32 $0x2, v17;
	[tilespmem:s2+$0xC00] =	vst v17  }
.LBB2_10:
0xf9: {  	p0 =	sne.s32 s0, $0xFC0  }
0xfa: {  	[tilespmem:s2+$0x0] =	vst v16;
	s1 =	sadd.s32 $0x10, s1;
	s2 =	smov.u32 s0;
	s0 =	sadd.s32 $0x40, s0  }
.Ltmp4:
0xfb: {  	(pc) =	sbr.rel @p0 .LBB2_10-.Ltmp4, $4  }
0xfc: {  	v16 =	vmov s1  }
0xfd: {  	v16 =	vshll.u32 v16, $0x3  }
0xfe: {  	s2 =	sshra.s32 s2, $0x2;
	v17 =	vor.u32 v1, v16  }
0xff: {  	v16 =	vor.u32 $0x2, v17;
	[tilespmem:s2+$0xC00] =	vst v17  }
0x100: {  	s0 =	simm.s32 $0x0  }
0x101: {  	[tilespmem:s2+$0x0] =	vst v16;
	s1 =	rddreg [dreg:$0x0];
	s25 =	simm.s32 $0x400;
	s3 =	simm.s32 $0x1800  }
0x102: {  	[tilespmem:s3], [sflag:$0x1] =	stream.indirect.gather [hbm4b:s1+s25], $0x10, s0, s25, $0xb8;
	[tilespmem:$0x1E810] =	vst v63  }
0x103: {  	s26 =	simm.s32 $0xC00;
	s29 =	simm.s32 $0xD800;
	s30 =	simm.s32 $0x1  }
0x104: {  	[tilespmem:s29], [sflag:$0x1] =	stream.indirect.gather [hbm4b:s1+s25], $0x10, s26, s25, $0xb8;
	[tilespmem:$0x1E810] =	vst v63  }
0x105: {  	_ =	swait.ge [sflag:s30], $0x4000  }
0x106: {  	[sflag:s30] =	ssyncset.done $0x0  }
0x107: {  	[sflag:s30] =	ssyncadd.s32 $0xFFFFC000  }
0x108: {  	_ =	swait.ge [sflag:s30], $0x4000  }
0x109: {  	[sflag:s30] =	ssyncset.done $0x0  }
0x10a: {  	s26 =	simm.s32 $0x0;
	[sflag:s30] =	ssyncadd.s32 $0xFFFFC000  }
0x10b: {  	v16 =	vld [tilespmem:s26+$0x118C0]  }
0x10c: {  	v17 =	vld [tilespmem:s26+$0x118F0]  }
0x10d: {  	v18 =	vld [tilespmem:s26+$0x118B0]  }
0x10e: {  	v19 =	vld [tilespmem:s26+$0x118E0]  }
0x10f: {  	v20 =	vld [tilespmem:s26+$0x11830]  }
0x110: {  	v21 =	vld [tilespmem:s26+$0x11870]  }
0x111: {  	v22 =	vld [tilespmem:s26+$0x118A0]  }
0x112: {  	v23 =	vld [tilespmem:s26+$0x118D0]  }
0x113: {  	v24 =	vld [tilespmem:s26+$0x11820]  }
0x114: {  	v25 =	vld [tilespmem:s26+$0x11860]  }
0x115: {  	v26 =	vld [tilespmem:s26+$0x11890]  }
0x116: {  	v27 =	vld [tilespmem:s26+$0x11810]  }
0x117: {  	v28 =	vld [tilespmem:s26+$0x11850]  }
0x118: {  	v29 =	vld [tilespmem:s26+$0x11880]  }
0x119: {  	v30 =	vld [tilespmem:s26+$0x11800];
	v17 =	vperm.xlane v17, v5;
	v18 =	vperm.xlane v18, v5  }
0x11a: {  	v31 =	vld [tilespmem:s26+$0x11840];
	v19 =	vperm.xlane v19, v3;
	v20 =	vperm.xlane v20, v5  }
0x11b: {  	v21 =	vperm.xlane v21, v5;
	v22 =	vperm.xlane v22, v3  }
0x11c: {  	v23 =	vperm.xlane v23, v2;
	v27 =	vperm.xlane v27, v2  }
0x11d: {  	v26 =	vperm.xlane v26, v2;
	v28 =	vperm.xlane v28, v2  }
0x11e: {  	v16 =	vsel vm0, v16, v23;
	v23 =	vperm.xlane v24, v3;
	v24 =	vperm.xlane v25, v3  }
0x11f: {  	v25 =	vsel vm0, v30, v27;
	v26 =	vsel vm0, v29, v26;
	v27 =	vsel vm0, v31, v28  }
0x120: {  	v22 =	vsel vm1, v26, v22;
	v23 =	vsel vm1, v25, v23;
	v24 =	vsel vm1, v27, v24  }
0x121: {  	v16 =	vsel vm1, v16, v19;
	v19 =	vsel vm2, v23, v20;
	v20 =	vsel vm2, v24, v21  }
0x122: {  	v18 =	vsel vm2, v22, v18;
	v19 =	vperm.xlane v19, v4;
	v20 =	vperm.xlane v20, v4  }
0x123: {  	v16 =	vsel vm2, v16, v17;
	v18 =	vperm.xlane v18, v4  }
0x124: {  	v16 =	vperm.xlane v16, v4;
	v17 =	vsel vm0, v19, v20  }
0x125: {  	v17 =	vsel vm1, v17, v18  }
0x126: {  	v16 =	vsel vm2, v17, v16  }
0x127: {  	(v2sf) =	vpush v16, $0x7  }
0x128: {  	(v2sf) =	vpush v16, $0x6  }
0x129: {  	(v2sf) =	vpush v16, $0xF  }
0x12a: {  	(v2sf) =	vpush v16, $0xB  }
0x12b: {  	(v2sf) =	vpush v16, $0x5;
	_ =	sdelay $0x2  }
0x12c: {  	v29 =	vld [tilespmem:s26+$0x58D0]  }
0x12d: {  	v28 =	vld [tilespmem:s26+$0x5820]  }
0x12e: {  	v26 =	vld [tilespmem:s26+$0x5830];
	(v2sf) =	vpush v16, $0xE  }
0x12f: {  	v22 =	vld [tilespmem:s26+$0x58B0];
	(v2sf) =	vpush v16, $0xA  }
0x130: {  	v25 =	vld [tilespmem:s26+$0x58A0];
	(v2sf) =	vpush v16, $0x4  }
0x131: {  	v27 =	vld [tilespmem:s26+$0x5860];
	(v2sf) =	vpush v16, $0xD  }
0x132: {  	v21 =	vld [tilespmem:s26+$0x58F0];
	(v2sf) =	vpush v16, $0x9  }
0x133: {  	v23 =	vld [tilespmem:s26+$0x58E0];
	(v2sf) =	vpush v16, $0x3  }
0x134: {  	v24 =	vld [tilespmem:s26+$0x5870];
	(v2sf) =	vpush v16, $0xC;
	s4 =	spop (v2sf)  }
0x135: {  	v19 =	vld [tilespmem:s26+$0x5800];
	(v2sf) =	vpush v16, $0x8;
	s25 =	smulhi.u32 $0x2AAAAAAB, s4;
	s15 =	spop (v2sf)  }
0x136: {  	v20 =	vld [tilespmem:s26+$0x5840];
	(v2sf) =	vpush v16, $0x2;
	s28 =	smulhi.u32 $0x2AAAAAAB, s15;
	s5 =	spop (v2sf)  }
0x137: {  	v18 =	vld [tilespmem:s26+$0x5880];
	(v2sf) =	vpush v16, $0x1;
	s1 =	smulhi.u32 $0x2AAAAAAB, s5;
	s0 =	spop (v2sf)  }
0x138: {  	s31 =	simm.s32 $0x400;
	v17 =	vld [tilespmem:s26+$0x58C0];
	(v2sf) =	vpush v16, $0x0;
	s7 =	smulhi.u32 $0x2AAAAAAB, s0;
	s18 =	spop (v2sf)  }
.LBB2_12:
0x139: {  	_ =	sdelay $0x1  }
0x13a: {  	s2 =	smulhi.u32 $0x2AAAAAAB, s18;
	s4 =	sshra.s32 s4, $0x1F;
	[dreg:$0x10] =	wrdreg s28  }
0x13b: {  	s0 =	sshra.s32 s0, $0x1F;
	[dreg:$0xd] =	wrdreg s25;
	s4 =	smul.u32 $0x2AAAAAAB, s4  }
0x13c: {  	v30 =	vld [tilespmem:s26+$0x5890];
	s0 =	smul.u32 $0x2AAAAAAB, s0;
	s9 =	spop (v2sf)  }
0x13d: {  	v31 =	vld [tilespmem:s26+$0x5810];
	s10 =	smulhi.u32 $0x2AAAAAAB, s9;
	s17 =	spop (v2sf)  }
0x13e: {  	v32 =	vld [tilespmem:s26+$0x5850];
	s26 =	sshra.s32 s31, $0x2;
	s12 =	smulhi.u32 $0x2AAAAAAB, s17;
	s29 =	spop (v2sf)  }
0x13f: {  	v34 =	vld [tilespmem:s26+$0x118F0];
	s11 =	smulhi.u32 $0x2AAAAAAB, s29;
	s28 =	spop (v2sf)  }
0x140: {  	v35 =	vld [tilespmem:s26+$0x118B0];
	s19 =	smulhi.u32 $0x2AAAAAAB, s28;
	s25 =	spop (v2sf)  }
0x141: {  	v36 =	vld [tilespmem:s26+$0x118E0];
	s28 =	sshra.s32 s28, $0x1F;
	s20 =	smulhi.u32 $0x2AAAAAAB, s25  }
0x142: {  	v37 =	vld [tilespmem:s26+$0x11830];
	s30 =	spop (v2sf);
	s28 =	smul.u32 $0x2AAAAAAB, s28  }
0x143: {  	v38 =	vld [tilespmem:s26+$0x11870];
	v39 =	vperm.xlane v21, v5;
	v41 =	vperm.xlane v22, v5;
	s25 =	sshra.s32 s25, $0x1F;
	s13 =	smulhi.u32 $0x2AAAAAAB, s30  }
0x144: {  	v40 =	vld [tilespmem:s26+$0x118A0];
	v42 =	vperm.xlane v23, v3;
	v44 =	vperm.xlane v26, v5;
	s3 =	spop (v2sf);
	s25 =	smul.u32 $0x2AAAAAAB, s25  }
0x145: {  	v43 =	vld [tilespmem:s26+$0x118D0];
	v45 =	vperm.xlane v24, v5;
	v47 =	vperm.xlane v25, v3;
	s22 =	smulhi.u32 $0x2AAAAAAB, s3;
	s14 =	spop (v2sf)  }
0x146: {  	v46 =	vld [tilespmem:s26+$0x11820];
	v48 =	vperm.xlane v29, v2;
	v49 =	vperm.xlane v28, v3;
	s6 =	smulhi.u32 $0x2AAAAAAB, s14;
	s21 =	spop (v2sf)  }
0x147: {  	v51 =	vld [tilespmem:s26+$0x11890];
	v50 =	vperm.xlane v27, v3;
	v31 =	vperm.xlane v31, v2;
	s14 =	sshra.s32 s14, $0x1F;
	s8 =	smulhi.u32 $0x2AAAAAAB, s21  }
0x148: {  	v52 =	vld [tilespmem:s26+$0x11810];
	v30 =	vperm.xlane v30, v2;
	v32 =	vperm.xlane v32, v2;
	s24 =	spop (v2sf);
	s14 =	smul.u32 $0x2AAAAAAB, s14  }
0x149: {  	v33 =	vld [tilespmem:s26+$0x118C0];
	v21 =	vperm.xlane v34, v5;
	v22 =	vperm.xlane v35, v5;
	s16 =	smulhi.u32 $0x2AAAAAAB, s24;
	s23 =	spop (v2sf)  }
0x14a: {  	s15 =	sshra.s32 s15, $0x1F;
	v59 =	vld [tilespmem:s26+$0x11800];
	[dreg:$0x7] =	wrdreg s2;
	v25 =	vperm.xlane v36, v3;
	v23 =	vperm.xlane v37, v5;
	s2 =	smulhi.u32 $0x2AAAAAAB, s23  }
0x14b: {  	v58 =	vld [tilespmem:s26+$0x11880];
	v24 =	vperm.xlane v38, v5;
	v26 =	vperm.xlane v40, v3;
	[dreg:$0x19] =	wrdreg s16;
	s16 =	sshra.s32 s5, $0x1F;
	s5 =	smul.u32 $0x2AAAAAAB, s15  }
0x14c: {  	v29 =	vld [tilespmem:s26+$0x11860];
	v60 =	vperm.xlane v43, v2;
	v27 =	vperm.xlane v46, v3;
	s15 =	smul.u32 $0x2AAAAAAB, s16;
	s16 =	sshra.s32 s18, $0x1F  }
0x14d: {  	v57 =	vld [tilespmem:s26+$0x11850];
	v61 =	vperm.xlane v52, v2;
	v62 =	vperm.xlane v51, v2;
	v63 =	vsel vm0, v17, v48;
	s18 =	sshra.s32 s9, $0x1F;
	s9 =	smul.u32 $0x2AAAAAAB, s16  }
0x14e: {  	s17 =	sshra.s32 s17, $0x1F;
	v30 =	vsel vm0, v18, v30;
	v31 =	vsel vm0, v19, v31;
	v20 =	vsel vm0, v20, v32;
	s18 =	smul.u32 $0x2AAAAAAB, s18  }
0x14f: {  	s29 =	sshra.s32 s29, $0x1F;
	v42 =	vsel vm1, v63, v42;
	v17 =	vsel vm0, v33, v60;
	v18 =	vsel vm0, v59, v61;
	s16 =	smul.u32 $0x2AAAAAAB, s17  }
0x150: {  	v19 =	vsel vm0, v58, v62;
	v31 =	vsel vm1, v31, v49;
	v20 =	vsel vm1, v20, v50;
	s30 =	sshra.s32 s30, $0x1F;
	s17 =	smul.u32 $0x2AAAAAAB, s29  }
0x151: {  	v30 =	vsel vm1, v30, v47;
	v32 =	vsel vm2, v42, v39;
	v28 =	vperm.xlane v29, v3;
	s3 =	sshra.s32 s3, $0x1F;
	s29 =	smul.u32 $0x2AAAAAAB, s30  }
0x152: {  	v29 =	vperm.xlane v57, v2;
	v31 =	vsel vm2, v31, v44;
	v20 =	vsel vm2, v20, v45;
	s30 =	smul.u32 $0x2AAAAAAB, s3;
	s3 =	sshra.s32 s21, $0x1F  }
0x153: {  	v30 =	vsel vm2, v30, v41;
	v46 =	vperm.xlane v32, v6;
	v43 =	vperm.xlane v31, v6;
	s21 =	sshra.s32 s24, $0x1F;
	s24 =	smul.u32 $0x2AAAAAAB, s3  }
0x154: {  	v19 =	vsel vm1, v19, v26;
	v17 =	vsel vm1, v17, v25;
	v44 =	vperm.xlane v20, v6;
	s23 =	sshra.s32 s23, $0x1F;
	s21 =	smul.u32 $0x2AAAAAAB, s21  }
0x155: {  	v18 =	vsel vm1, v18, v27;
	v45 =	vperm.xlane v30, v6;
	v31 =	vsub.s32 v43, v31;
	s14 =	sadd.s32 s14, s6;
	s1 =	sadd.s32 s15, s1;
	s15 =	smul.u32 $0x2AAAAAAB, s23  }
0x156: {  	v20 =	vsub.s32 v44, v20;
	v47 =	vperm.xlane v31, v4;
	v31 =	vperm.xlane v31, v7;
	s3 =	sadd.s32 s0, s7;
	s23 =	sshrl.u32 s14, $0x1F;
	s14 =	sshrl.u32 s14, $0x1  }
0x157: {  	v30 =	vsub.s32 v45, v30;
	v34 =	vperm.xlane v20, v4;
	v20 =	vperm.xlane v20, v7;
	s10 =	sadd.s32 s18, s10;
	s12 =	sadd.s32 s16, s12;
	s18 =	sadd.s32 s28, s19  }
0x158: {  	v32 =	vsub.s32 v46, v32;
	v33 =	vperm.xlane v30, v4;
	v30 =	vperm.xlane v30, v7;
	s19 =	sadd.s32 s25, s20;
	s0 =	sadd.s32 s17, s11;
	s20 =	sadd.s32 s30, s22  }
0x159: {  	v34 =	vsel vm0, v47, v34;
	v20 =	vsel vm0, v31, v20;
	v31 =	vperm.xlane v32, v4;
	s6 =	sadd.s32 s29, s13;
	s16 =	sshrl.u32 s3, $0x1;
	s22 =	sshrl.u32 s20, $0x1F  }
0x15a: {  	v33 =	vsel vm1, v34, v33;
	v20 =	vsel vm1, v20, v30;
	v30 =	vperm.xlane v32, v7;
	s2 =	sadd.s32 s15, s2;
	s11 =	sshrl.u32 s20, $0x1;
	s29 =	sshrl.u32 s18, $0x1F  }
0x15b: {  	v31 =	vsel vm2, v33, v31;
	v49 =	vmov s23;
	v52 =	vmov s14;
	s30 =	sshrl.u32 s19, $0x1F;
	s8 =	sadd.s32 s24, s8;
	s7 =	sshrl.u32 s18, $0x1  }
0x15c: {  	s18 =	sshrl.u32 s19, $0x1;
	s19 =	sshrl.u32 s10, $0x1F;
	v48 =	vmov s22;
	s25 =	sshrl.u32 s2, $0x1F;
	v51 =	vmov s11;
	v33 =	vsel vm3, s30, v49  }
0x15d: {  	s20 =	sshrl.u32 s12, $0x1F;
	s24 =	sshrl.u32 s10, $0x1;
	s2 =	sshrl.u32 s2, $0x1;
	v36 =	vsel vm3, s18, v52;
	v50 =	vmov s25;
	v32 =	vsel vm3, s29, v48  }
0x15e: {  	s15 =	sshrl.u32 s6, $0x1F;
	s22 =	rddreg [dreg:$0x19];
	s30 =	sshrl.u32 s3, $0x1F;
	v53 =	vmov s2;
	v35 =	vsel vm3, s7, v51;
	v33 =	vsel vm4, s20, v33  }
0x15f: {  	s13 =	sshrl.u32 s8, $0x1F;
	s14 =	sadd.s32 s21, s22;
	s25 =	sshrl.u32 s12, $0x1;
	v34 =	vnsel vm7, $0x0, v50;
	v32 =	vsel vm4, s19, v32;
	v37 =	vnsel vm7, $0x0, v53  }
0x160: {  	s29 =	sshrl.u32 s1, $0x1F;
	s23 =	sshrl.u32 s14, $0x1F;
	v35 =	vsel vm4, s24, v35;
	v36 =	vsel vm4, s25, v36;
	s10 =	sshrl.u32 s14, $0x1;
	v33 =	vsel vm5, s30, v33  }
0x161: {  	s1 =	sshrl.u32 s1, $0x1;
	s21 =	rddreg [dreg:$0x10];
	s14 =	sshrl.u32 s8, $0x1;
	v34 =	vsel vm3, s23, v34;
	v32 =	vsel vm5, s29, v32;
	v37 =	vsel vm3, s10, v37  }
0x162: {  	s17 =	sshrl.u32 s6, $0x1;
	s18 =	sshrl.u32 s0, $0x1F;
	s19 =	rddreg [dreg:$0x7];
	v35 =	vsel vm5, s1, v35;
	v34 =	vsel vm4, s13, v34;
	v37 =	vsel vm4, s14, v37  }
0x163: {  	s0 =	sshrl.u32 s0, $0x1;
	s2 =	sadd.s32 s5, s21;
	s6 =	sadd.s32 s9, s19;
	v36 =	vsel vm5, s16, v36;
	v34 =	vsel vm5, s15, v34;
	v37 =	vsel vm5, s17, v37  }
0x164: {  	v54 =	vld [tilespmem:s26+$0x11840];
	s24 =	rddreg [dreg:$0xd];
	v32 =	vcombine.low v33, v32;
	s20 =	sshrl.u32 s6, $0x1F;
	s22 =	sshrl.u32 s6, $0x1;
	v55 =	vsel vm8, s18, v34;
	v56 =	vsel vm8, s0, v37  }
0x165: {  	s23 =	sshrl.u32 s2, $0x1F;
	s3 =	sadd.s32 s4, s24;
	s25 =	sshrl.u32 s2, $0x1;
	v35 =	vcombine.low v36, v35;
	v33 =	vsel vm14, s20, v55;
	v34 =	vsel vm14, s22, v56  }
0x166: {  	s29 =	sshrl.u32 s3, $0x1F;
	s30 =	sshrl.u32 s3, $0x1;
	v32 =	vperm.xlane v32, v9;
	v33 =	vsel vm10, s23, v33;
	v34 =	vsel vm10, s25, v34  }
0x167: {  	v35 =	vperm.xlane v35, v9;
	v33 =	vsel vm9, s29, v33;
	v34 =	vsel vm9, s30, v34  }
0x168: {  	v20 =	vsel vm2, v20, v30;
	v30 =	vperm.xlane v33, v10;
	v57 =	vperm.xlane v34, v10  }
0x169: {  	v29 =	vsel vm0, v54, v29;
	vm6 =	vlt.s32 v8, v31;
	v58 =	vsub.s32 $0x0, v31  }
0x16a: {  	vm11 =	vlt.s32 v20, $0x2;
	v30 =	vsel vm1, v30, v32;
	v59 =	vsel vm1, v57, v35  }
0x16b: {  	v60 =	vsub.s32 $0x0, v20;
	v61 =	vsel vm6, $0x4, v12;
	v30 =	vadd.s32 v30, v59  }
0x16c: {  	v31 =	vmin.u32 v31, v58;
	v63 =	vsel vm6, $0x3, v11;
	v30 =	vmul.u32 $0xC, v30  }
0x16d: {  	v62 =	vsel vm11, $0x2, v13;
	v20 =	vmin.u32 v20, v60;
	vm6 =	vlt.s32 v31, $0x17  }
0x16e: {  	vm13 =	vgt.s32 v31, $0x1A;
	vm11 =	vlt.s32 v20, $0x3;
	v16 =	vsub.s32 v16, v30  }
0x16f: {  	v20 =	vadd.s32 $0xFFFFFFE9, v31;
	vm12 =	vlt.s32 v16, $0x0;
	v30 =	vadd.s32 $0xC, v16  }
0x170: {  	vm6 =	vmand vm6, vm11;
	v16 =	vsel vm12, v30, v16;
	vm12 =	vmand vm13, vm11  }
0x171: {  	vm13 =	vlt.s32 v16, $0x4;
	v16 =	vsel vm12, v63, v62;
	vm12 =	vlt.u32 v20, $0x4  }
0x172: {  	v16 =	vsel vm6, v61, v16;
	vm6 =	vmand vm11, vm12;
	v20 =	vsel vm13, $0x1, v8  }
0x173: {  	v18 =	vsel vm2, v18, v23;
	v16 =	vsel vm6, v20, v16;
	v20 =	vsel vm1, v29, v28  }
0x174: {  	v19 =	vsel vm2, v19, v22;
	v16 =	vshll.u32 v14, v16;
	v20 =	vsel vm2, v20, v24  }
0x175: {  	v15 =	vor.u32 v15, v16;
	v16 =	vperm.xlane v18, v4;
	v18 =	vperm.xlane v20, v4  }
0x176: {  	v17 =	vsel vm2, v17, v21;
	v19 =	vperm.xlane v19, v4  }
0x177: {  	v17 =	vperm.xlane v17, v4;
	v16 =	vsel vm0, v16, v18  }
0x178: {  	v16 =	vsel vm1, v16, v19  }
0x179: {  	v16 =	vsel vm2, v16, v17  }
0x17a: {  	(v2sf) =	vpush v16, $0x7  }
0x17b: {  	(v2sf) =	vpush v16, $0x6  }
0x17c: {  	(v2sf) =	vpush v16, $0xF  }
0x17d: {  	(v2sf) =	vpush v16, $0xB  }
0x17e: {  	(v2sf) =	vpush v16, $0x5;
	_ =	sdelay $0x2  }
0x17f: {  	v26 =	vld [tilespmem:s26+$0x5830]  }
0x180: {  	v25 =	vld [tilespmem:s26+$0x58A0]  }
0x181: {  	v27 =	vld [tilespmem:s26+$0x5860];
	(v2sf) =	vpush v16, $0xE  }
0x182: {  	v21 =	vld [tilespmem:s26+$0x58F0];
	(v2sf) =	vpush v16, $0xA  }
0x183: {  	v22 =	vld [tilespmem:s26+$0x58B0];
	(v2sf) =	vpush v16, $0x4  }
0x184: {  	v23 =	vld [tilespmem:s26+$0x58E0];
	(v2sf) =	vpush v16, $0xD  }
0x185: {  	v29 =	vld [tilespmem:s26+$0x58D0];
	(v2sf) =	vpush v16, $0x9  }
0x186: {  	p0 =	sne.s32 s31, $0xFC00;
	v28 =	vld [tilespmem:s26+$0x5820];
	(v2sf) =	vpush v16, $0x3  }
.Ltmp5:
0x187: {  	v24 =	vld [tilespmem:s26+$0x5870];
	(v2sf) =	vpush v16, $0xC;
	s4 =	spop (v2sf);
	(pc) =	sbr.rel @p0 .LBB2_12-.Ltmp5, $4  }
0x188: {  	v20 =	vld [tilespmem:s26+$0x5840];
	(v2sf) =	vpush v16, $0x8;
	s25 =	smulhi.u32 $0x2AAAAAAB, s4;
	s15 =	spop (v2sf)  }
0x189: {  	v18 =	vld [tilespmem:s26+$0x5880];
	(v2sf) =	vpush v16, $0x2;
	s28 =	smulhi.u32 $0x2AAAAAAB, s15;
	s5 =	spop (v2sf)  }
0x18a: {  	v19 =	vld [tilespmem:s26+$0x5800];
	(v2sf) =	vpush v16, $0x1;
	s1 =	smulhi.u32 $0x2AAAAAAB, s5;
	s0 =	spop (v2sf)  }
0x18b: {  	s31 =	sadd.s32 $0x400, s31;
	v17 =	vld [tilespmem:s26+$0x58C0];
	(v2sf) =	vpush v16, $0x0;
	s7 =	smulhi.u32 $0x2AAAAAAB, s0;
	s18 =	spop (v2sf)  }
0x18c: {  	_ =	sdelay $0x1  }
0x18d: {  	s5 =	sshra.s32 s5, $0x1F  }
0x18e: {  	s0 =	sshra.s32 s0, $0x1F;
	s5 =	smul.u32 $0x2AAAAAAB, s5  }
0x18f: {  	s23 =	smul.u32 $0x2AAAAAAB, s0;
	s8 =	spop (v2sf)  }
0x190: {  	s9 =	spop (v2sf);
	s10 =	smulhi.u32 $0x2AAAAAAB, s8  }
0x191: {  	s8 =	sshra.s32 s8, $0x1F;
	s12 =	smulhi.u32 $0x2AAAAAAB, s9  }
0x192: {  	s2 =	spop (v2sf);
	s8 =	smul.u32 $0x2AAAAAAB, s8;
	s9 =	sshra.s32 s9, $0x1F  }
0x193: {  	s11 =	spop (v2sf);
	s9 =	smul.u32 $0x2AAAAAAB, s9  }
0x194: {  	s13 =	spop (v2sf);
	s14 =	smulhi.u32 $0x2AAAAAAB, s11  }
0x195: {  	v35 =	vld [tilespmem:s26+$0x5890];
	s24 =	sshra.s32 s11, $0x1F;
	s16 =	smulhi.u32 $0x2AAAAAAB, s13  }
0x196: {  	v37 =	vld [tilespmem:s26+$0x5810];
	s6 =	spop (v2sf);
	s11 =	smul.u32 $0x2AAAAAAB, s24;
	s29 =	sshra.s32 s13, $0x1F  }
0x197: {  	v38 =	vld [tilespmem:s26+$0x5850];
	v29 =	vperm.xlane v29, v2;
	v28 =	vperm.xlane v28, v3;
	s0 =	sadd.s32 s5, s1;
	s17 =	spop (v2sf);
	s13 =	smul.u32 $0x2AAAAAAB, s29  }
0x198: {  	v26 =	vperm.xlane v26, v5;
	v21 =	vperm.xlane v21, v5;
	s7 =	sadd.s32 s23, s7;
	s19 =	smulhi.u32 $0x2AAAAAAB, s17;
	s20 =	spop (v2sf)  }
0x199: {  	v22 =	vperm.xlane v22, v5;
	v23 =	vperm.xlane v23, v3;
	s8 =	sadd.s32 s8, s10;
	s30 =	sshra.s32 s17, $0x1F;
	s21 =	smulhi.u32 $0x2AAAAAAB, s20  }
0x19a: {  	v44 =	vperm.xlane v27, v3;
	v24 =	vperm.xlane v24, v5;
	s9 =	sadd.s32 s9, s12;
	s11 =	sadd.s32 s11, s14;
	s1 =	smul.u32 $0x2AAAAAAB, s30  }
0x19b: {  	v17 =	vsel vm0, v17, v29;
	v37 =	vperm.xlane v37, v2;
	v35 =	vperm.xlane v35, v2;
	s22 =	spop (v2sf);
	s13 =	sadd.s32 s13, s16;
	s16 =	smulhi.u32 $0x2AAAAAAB, s2  }
0x19c: {  	v25 =	vperm.xlane v25, v3;
	v38 =	vperm.xlane v38, v2;
	v17 =	vsel vm1, v17, v23;
	s17 =	sshra.s32 s20, $0x1F;
	s2 =	sshra.s32 s2, $0x1F;
	s3 =	smulhi.u32 $0x2AAAAAAB, s22  }
0x19d: {  	v17 =	vsel vm2, v17, v21;
	v18 =	vsel vm0, v18, v35;
	v19 =	vsel vm0, v19, v37;
	s24 =	spop (v2sf);
	s12 =	smul.u32 $0x2AAAAAAB, s17;
	s29 =	sshra.s32 s22, $0x1F  }
0x19e: {  	v20 =	vsel vm0, v20, v38;
	v51 =	vperm.xlane v17, v6;
	v19 =	vsel vm1, v19, v28;
	s22 =	sshrl.u32 s13, $0x1;
	s17 =	sshrl.u32 s7, $0x1;
	s2 =	smul.u32 $0x2AAAAAAB, s2  }
0x19f: {  	v20 =	vsel vm1, v20, v44;
	v18 =	vsel vm1, v18, v25;
	v19 =	vsel vm2, v19, v26;
	s5 =	smulhi.u32 $0x2AAAAAAB, s24;
	s31 =	spop (v2sf);
	s24 =	sshra.s32 s24, $0x1F  }
0x1a0: {  	v20 =	vsel vm2, v20, v24;
	v18 =	vsel vm2, v18, v22;
	v47 =	vperm.xlane v19, v6;
	s1 =	sadd.s32 s1, s19;
	s20 =	smulhi.u32 $0x2AAAAAAB, s31;
	s10 =	sshra.s32 s31, $0x1F  }
0x1a1: {  	v17 =	vsub.s32 v51, v17;
	v49 =	vperm.xlane v20, v6;
	v50 =	vperm.xlane v18, v6;
	s14 =	smul.u32 $0x2AAAAAAB, s24;
	s12 =	sadd.s32 s12, s21;
	s19 =	sshrl.u32 s1, $0x1F  }
0x1a2: {  	v59 =	vperm.xlane v17, v4;
	v17 =	vperm.xlane v17, v7;
	v19 =	vsub.s32 v47, v19;
	s1 =	sshrl.u32 s1, $0x1;
	s21 =	smul.u32 $0x2AAAAAAB, s29;
	s24 =	sshrl.u32 s8, $0x1F  }
0x1a3: {  	v20 =	vsub.s32 v49, v20;
	v23 =	vperm.xlane v19, v4;
	v19 =	vperm.xlane v19, v7;
	s29 =	sshrl.u32 s9, $0x1F;
	s8 =	sshrl.u32 s8, $0x1;
	s9 =	sshrl.u32 s9, $0x1  }
0x1a4: {  	v18 =	vsub.s32 v50, v18;
	v54 =	vperm.xlane v20, v4;
	v20 =	vperm.xlane v20, v7;
	s10 =	smul.u32 $0x2AAAAAAB, s10;
	s30 =	sshrl.u32 s12, $0x1F;
	s12 =	sshrl.u32 s12, $0x1  }
0x1a5: {  	v57 =	vperm.xlane v18, v4;
	v30 =	vmov s19;
	s19 =	sshrl.u32 s11, $0x1F;
	s11 =	sshrl.u32 s11, $0x1;
	v34 =	vmov s12;
	s12 =	smulhi.u32 $0x2AAAAAAB, s6  }
0x1a6: {  	v18 =	vperm.xlane v18, v7;
	v33 =	vmov s1;
	s5 =	sadd.s32 s14, s5;
	v30 =	vsel vm3, s19, v30;
	s1 =	sadd.s32 s21, s3;
	s19 =	smulhi.u32 $0x2AAAAAAB, s18  }
0x1a7: {  	v58 =	vsel vm0, v23, v54;
	v19 =	vsel vm0, v19, v20;
	v31 =	vmov s30;
	s10 =	sadd.s32 s10, s20;
	s20 =	sshrl.u32 s13, $0x1F;
	s30 =	sshrl.u32 s5, $0x1F  }
0x1a8: {  	v22 =	vsel vm1, v58, v57;
	v18 =	vsel vm1, v19, v18;
	v33 =	vsel vm3, s11, v33;
	s5 =	sshrl.u32 s5, $0x1;
	s11 =	sshrl.u32 s1, $0x1F;
	s13 =	sshra.s32 s6, $0x1F  }
0x1a9: {  	v20 =	vsel vm2, v22, v59;
	v34 =	vsel vm3, s22, v34;
	v30 =	vsel vm4, s24, v30;
	s1 =	sshrl.u32 s1, $0x1;
	s31 =	sshrl.u32 s10, $0x1F;
	s10 =	sshrl.u32 s10, $0x1  }
0x1aa: {  	v33 =	vsel vm4, s8, v33;
	s24 =	sshra.s32 s15, $0x1F;
	v31 =	vsel vm3, s20, v31;
	s3 =	smul.u32 $0x2AAAAAAB, s13;
	s20 =	sshra.s32 s18, $0x1F;
	v36 =	vmov s10  }
0x1ab: {  	v32 =	vmov s31;
	v31 =	vsel vm4, s29, v31;
	s31 =	sshrl.u32 s0, $0x1F;
	s10 =	sshrl.u32 s7, $0x1F;
	s0 =	sshrl.u32 s0, $0x1;
	v36 =	vnsel vm7, $0x0, v36  }
0x1ac: {  	s21 =	smul.u32 $0x2AAAAAAB, s20;
	s29 =	sshra.s32 s4, $0x1F;
	v32 =	vnsel vm7, $0x0, v32;
	v33 =	vsel vm5, s0, v33;
	s0 =	sadd.s32 s3, s12;
	v36 =	vsel vm3, s5, v36  }
0x1ad: {  	v34 =	vsel vm4, s9, v34;
	v32 =	vsel vm3, s30, v32;
	s14 =	sshrl.u32 s0, $0x1F;
	s0 =	sshrl.u32 s0, $0x1;
	v45 =	vsel vm4, s1, v36;
	s1 =	sadd.s32 s2, s16  }
0x1ae: {  	v48 =	vsel vm5, s17, v34;
	v30 =	vsel vm5, s31, v30;
	v32 =	vsel vm4, s11, v32;
	s22 =	sshrl.u32 s1, $0x1F;
	s23 =	sshrl.u32 s1, $0x1;
	s1 =	smul.u32 $0x2AAAAAAB, s24  }
0x1af: {  	v31 =	vsel vm5, s10, v31;
	s2 =	sadd.s32 s21, s19;
	v46 =	vsel vm5, s14, v32;
	v52 =	vsel vm5, s0, v45;
	s0 =	smul.u32 $0x2AAAAAAB, s29  }
0x1b0: {  	v60 =	vcombine.low v31, v30;
	s26 =	sshrl.u32 s2, $0x1F;
	s2 =	sshrl.u32 s2, $0x1;
	v53 =	vsel vm8, s22, v46;
	v55 =	vsel vm8, s23, v52;
	s1 =	sadd.s32 s1, s28  }
0x1b1: {  	v24 =	vcombine.low v48, v33;
	v56 =	vsel vm14, s26, v53;
	s0 =	sadd.s32 s0, s25;
	v21 =	vsel vm14, s2, v55;
	s30 =	sshrl.u32 s1, $0x1F;
	s1 =	sshrl.u32 s1, $0x1  }
0x1b2: {  	v23 =	vperm.xlane v60, v9;
	s31 =	sshrl.u32 s0, $0x1F;
	s0 =	sshrl.u32 s0, $0x1;
	v25 =	vsel vm10, s30, v56;
	v21 =	vsel vm10, s1, v21  }
0x1b3: {  	v24 =	vperm.xlane v24, v9;
	v25 =	vsel vm9, s31, v25;
	v21 =	vsel vm9, s0, v21  }
0x1b4: {  	v17 =	vsel vm2, v18, v17;
	v19 =	vperm.xlane v25, v10;
	v21 =	vperm.xlane v21, v10  }
0x1b5: {  	vm6 =	vlt.s32 v8, v20;
	vm11 =	vlt.s32 v17, $0x2;
	v61 =	vsub.s32 $0x0, v20  }
0x1b6: {  	v62 =	vsel vm6, $0x4, v12;
	v18 =	vsel vm1, v19, v23;
	v19 =	vsel vm1, v21, v24  }
0x1b7: {  	v20 =	vmin.u32 v20, v61;
	v63 =	vsel vm11, $0x2, v13;
	v18 =	vadd.s32 v18, v19  }
0x1b8: {  	vm12 =	vgt.s32 v20, $0x1A;
	v19 =	vsub.s32 $0x0, v17;
	v18 =	vmul.u32 $0xC, v18  }
0x1b9: {  	v17 =	vmin.u32 v17, v19;
	v19 =	vsel vm6, $0x3, v11;
	vm6 =	vlt.s32 v20, $0x17  }
0x1ba: {  	vm11 =	vlt.s32 v17, $0x3;
	v17 =	vadd.s32 $0xFFFFFFE9, v20;
	v16 =	vsub.s32 v16, v18  }
0x1bb: {  	s1 =	sld [smem:$0x7FC];
	vm12 =	vmand vm12, vm11;
	vm13 =	vlt.s32 v16, $0x0;
	v18 =	vadd.s32 $0xC, v16  }
0x1bc: {  	vm6 =	vmand vm6, vm11;
	v16 =	vsel vm13, v18, v16;
	v18 =	vsel vm12, v19, v63  }
0x1bd: {  	vm13 =	vlt.u32 v17, $0x4;
	vm12 =	vlt.s32 v16, $0x4;
	v16 =	vsel vm6, v62, v18  }
0x1be: {  	vm6 =	vmand vm11, vm13;
	v18 =	vmov s1;
	v17 =	vsel vm12, $0x1, v8  }
0x1bf: {  	v16 =	vsel vm6, v17, v16;
	v17 =	vshll.u32 v18, $0x3  }
0x1c0: {  	s2 =	simm.s32 $0x0;
	v16 =	vshll.u32 v14, v16;
	v17 =	vor.u32 v1, v17  }
0x1c1: {  	s0 =	simm.s32 $0x40;
	v15 =	vor.u32 v15, v16;
	v16 =	vor.u32 $0x2, v17;
	[tilespmem:s2+$0x1000] =	vst v17  }
.LBB2_14:
0x1c2: {  	p0 =	sne.s32 s0, $0xFC0  }
0x1c3: {  	[tilespmem:s2+$0x400] =	vst v16;
	s1 =	sadd.s32 $0x10, s1;
	s2 =	smov.u32 s0;
	s0 =	sadd.s32 $0x40, s0  }
.Ltmp6:
0x1c4: {  	(pc) =	sbr.rel @p0 .LBB2_14-.Ltmp6, $4  }
0x1c5: {  	v16 =	vmov s1  }
0x1c6: {  	v16 =	vshll.u32 v16, $0x3  }
0x1c7: {  	s2 =	sshra.s32 s2, $0x2;
	v17 =	vor.u32 v1, v16  }
0x1c8: {  	v16 =	vor.u32 $0x2, v17;
	[tilespmem:s2+$0x1000] =	vst v17  }
0x1c9: {  	[tilespmem:s2+$0x400] =	vst v16;
	s0 =	rddreg [dreg:$0x0];
	s1 =	simm.s32 $0x400;
	s26 =	simm.s32 $0x5800  }
0x1ca: {  	[tilespmem:s26], [sflag:$0x1] =	stream.indirect.gather [hbm4b:s0+s1], $0x10, s1, s1, $0xb8;
	[tilespmem:$0x1E810] =	vst v63  }
0x1cb: {  	s29 =	simm.s32 $0x1000;
	s3 =	simm.s32 $0x11800;
	s30 =	simm.s32 $0x1  }
0x1cc: {  	[tilespmem:s3], [sflag:$0x1] =	stream.indirect.gather [hbm4b:s0+s1], $0x10, s29, s1, $0xb8;
	[tilespmem:$0x1E810] =	vst v63  }
0x1cd: {  	_ =	swait.ge [sflag:s30], $0x4000  }
0x1ce: {  	[sflag:s30] =	ssyncset.done $0x0  }
0x1cf: {  	[sflag:s30] =	ssyncadd.s32 $0xFFFFC000  }
0x1d0: {  	_ =	swait.ge [sflag:s30], $0x4000  }
0x1d1: {  	[sflag:s30] =	ssyncset.done $0x0  }
0x1d2: {  	s26 =	simm.s32 $0x0;
	[sflag:s30] =	ssyncadd.s32 $0xFFFFC000  }
0x1d3: {  	v16 =	vld [tilespmem:s26+$0x158C0]  }
0x1d4: {  	v17 =	vld [tilespmem:s26+$0x158F0]  }
0x1d5: {  	v18 =	vld [tilespmem:s26+$0x158B0]  }
0x1d6: {  	v19 =	vld [tilespmem:s26+$0x158E0]  }
0x1d7: {  	v20 =	vld [tilespmem:s26+$0x15830]  }
0x1d8: {  	v21 =	vld [tilespmem:s26+$0x15870]  }
0x1d9: {  	v22 =	vld [tilespmem:s26+$0x158A0]  }
0x1da: {  	v23 =	vld [tilespmem:s26+$0x158D0]  }
0x1db: {  	v24 =	vld [tilespmem:s26+$0x15820]  }
0x1dc: {  	v25 =	vld [tilespmem:s26+$0x15860]  }
0x1dd: {  	v26 =	vld [tilespmem:s26+$0x15890]  }
0x1de: {  	v27 =	vld [tilespmem:s26+$0x15810]  }
0x1df: {  	v28 =	vld [tilespmem:s26+$0x15850]  }
0x1e0: {  	v29 =	vld [tilespmem:s26+$0x15880]  }
0x1e1: {  	v30 =	vld [tilespmem:s26+$0x15800];
	v17 =	vperm.xlane v17, v5;
	v18 =	vperm.xlane v18, v5  }
0x1e2: {  	v31 =	vld [tilespmem:s26+$0x15840];
	v19 =	vperm.xlane v19, v3;
	v20 =	vperm.xlane v20, v5  }
0x1e3: {  	v21 =	vperm.xlane v21, v5;
	v22 =	vperm.xlane v22, v3  }
0x1e4: {  	v23 =	vperm.xlane v23, v2;
	v27 =	vperm.xlane v27, v2  }
0x1e5: {  	v26 =	vperm.xlane v26, v2;
	v28 =	vperm.xlane v28, v2  }
0x1e6: {  	v16 =	vsel vm0, v16, v23;
	v23 =	vperm.xlane v24, v3;
	v24 =	vperm.xlane v25, v3  }
0x1e7: {  	v25 =	vsel vm0, v30, v27;
	v26 =	vsel vm0, v29, v26;
	v27 =	vsel vm0, v31, v28  }
0x1e8: {  	v22 =	vsel vm1, v26, v22;
	v23 =	vsel vm1, v25, v23;
	v24 =	vsel vm1, v27, v24  }
0x1e9: {  	v16 =	vsel vm1, v16, v19;
	v19 =	vsel vm2, v23, v20;
	v20 =	vsel vm2, v24, v21  }
0x1ea: {  	v18 =	vsel vm2, v22, v18;
	v19 =	vperm.xlane v19, v4;
	v20 =	vperm.xlane v20, v4  }
0x1eb: {  	v16 =	vsel vm2, v16, v17;
	v18 =	vperm.xlane v18, v4  }
0x1ec: {  	v16 =	vperm.xlane v16, v4;
	v17 =	vsel vm0, v19, v20  }
0x1ed: {  	v17 =	vsel vm1, v17, v18  }
0x1ee: {  	v16 =	vsel vm2, v17, v16  }
0x1ef: {  	(v2sf) =	vpush v16, $0x7  }
0x1f0: {  	(v2sf) =	vpush v16, $0x6  }
0x1f1: {  	(v2sf) =	vpush v16, $0xF  }
0x1f2: {  	(v2sf) =	vpush v16, $0xB  }
0x1f3: {  	(v2sf) =	vpush v16, $0x5;
	_ =	sdelay $0x2  }
0x1f4: {  	v29 =	vld [tilespmem:s26+$0x98D0]  }
0x1f5: {  	v28 =	vld [tilespmem:s26+$0x9820]  }
0x1f6: {  	v26 =	vld [tilespmem:s26+$0x9830];
	(v2sf) =	vpush v16, $0xE  }
0x1f7: {  	v22 =	vld [tilespmem:s26+$0x98B0];
	(v2sf) =	vpush v16, $0xA  }
0x1f8: {  	v25 =	vld [tilespmem:s26+$0x98A0];
	(v2sf) =	vpush v16, $0x4  }
0x1f9: {  	v27 =	vld [tilespmem:s26+$0x9860];
	(v2sf) =	vpush v16, $0xD  }
0x1fa: {  	v21 =	vld [tilespmem:s26+$0x98F0];
	(v2sf) =	vpush v16, $0x9  }
0x1fb: {  	v23 =	vld [tilespmem:s26+$0x98E0];
	(v2sf) =	vpush v16, $0x3  }
0x1fc: {  	v24 =	vld [tilespmem:s26+$0x9870];
	(v2sf) =	vpush v16, $0xC;
	s4 =	spop (v2sf)  }
0x1fd: {  	v19 =	vld [tilespmem:s26+$0x9800];
	(v2sf) =	vpush v16, $0x8;
	s25 =	smulhi.u32 $0x2AAAAAAB, s4;
	s15 =	spop (v2sf)  }
0x1fe: {  	v20 =	vld [tilespmem:s26+$0x9840];
	(v2sf) =	vpush v16, $0x2;
	s28 =	smulhi.u32 $0x2AAAAAAB, s15;
	s5 =	spop (v2sf)  }
0x1ff: {  	v18 =	vld [tilespmem:s26+$0x9880];
	(v2sf) =	vpush v16, $0x1;
	s1 =	smulhi.u32 $0x2AAAAAAB, s5;
	s0 =	spop (v2sf)  }
0x200: {  	s31 =	simm.s32 $0x400;
	v17 =	vld [tilespmem:s26+$0x98C0];
	(v2sf) =	vpush v16, $0x0;
	s7 =	smulhi.u32 $0x2AAAAAAB, s0;
	s18 =	spop (v2sf)  }
.LBB2_16:
0x201: {  	_ =	sdelay $0x1  }
0x202: {  	s2 =	smulhi.u32 $0x2AAAAAAB, s18;
	s4 =	sshra.s32 s4, $0x1F;
	[dreg:$0x11] =	wrdreg s28  }
0x203: {  	s0 =	sshra.s32 s0, $0x1F;
	[dreg:$0xe] =	wrdreg s25;
	s4 =	smul.u32 $0x2AAAAAAB, s4  }
0x204: {  	v30 =	vld [tilespmem:s26+$0x9890];
	s0 =	smul.u32 $0x2AAAAAAB, s0;
	s9 =	spop (v2sf)  }
0x205: {  	v31 =	vld [tilespmem:s26+$0x9810];
	s10 =	smulhi.u32 $0x2AAAAAAB, s9;
	s17 =	spop (v2sf)  }
0x206: {  	v32 =	vld [tilespmem:s26+$0x9850];
	s26 =	sshra.s32 s31, $0x2;
	s12 =	smulhi.u32 $0x2AAAAAAB, s17;
	s29 =	spop (v2sf)  }
0x207: {  	v34 =	vld [tilespmem:s26+$0x158F0];
	s11 =	smulhi.u32 $0x2AAAAAAB, s29;
	s28 =	spop (v2sf)  }
0x208: {  	v35 =	vld [tilespmem:s26+$0x158B0];
	s19 =	smulhi.u32 $0x2AAAAAAB, s28;
	s25 =	spop (v2sf)  }
0x209: {  	v36 =	vld [tilespmem:s26+$0x158E0];
	s28 =	sshra.s32 s28, $0x1F;
	s20 =	smulhi.u32 $0x2AAAAAAB, s25  }
0x20a: {  	v37 =	vld [tilespmem:s26+$0x15830];
	s30 =	spop (v2sf);
	s28 =	smul.u32 $0x2AAAAAAB, s28  }
0x20b: {  	v38 =	vld [tilespmem:s26+$0x15870];
	v39 =	vperm.xlane v21, v5;
	v41 =	vperm.xlane v22, v5;
	s25 =	sshra.s32 s25, $0x1F;
	s13 =	smulhi.u32 $0x2AAAAAAB, s30  }
0x20c: {  	v40 =	vld [tilespmem:s26+$0x158A0];
	v42 =	vperm.xlane v23, v3;
	v44 =	vperm.xlane v26, v5;
	s3 =	spop (v2sf);
	s25 =	smul.u32 $0x2AAAAAAB, s25  }
0x20d: {  	v43 =	vld [tilespmem:s26+$0x158D0];
	v45 =	vperm.xlane v24, v5;
	v47 =	vperm.xlane v25, v3;
	s22 =	smulhi.u32 $0x2AAAAAAB, s3;
	s14 =	spop (v2sf)  }
0x20e: {  	v46 =	vld [tilespmem:s26+$0x15820];
	v48 =	vperm.xlane v29, v2;
	v49 =	vperm.xlane v28, v3;
	s6 =	smulhi.u32 $0x2AAAAAAB, s14;
	s21 =	spop (v2sf)  }
0x20f: {  	v51 =	vld [tilespmem:s26+$0x15890];
	v50 =	vperm.xlane v27, v3;
	v31 =	vperm.xlane v31, v2;
	s14 =	sshra.s32 s14, $0x1F;
	s8 =	smulhi.u32 $0x2AAAAAAB, s21  }
0x210: {  	v52 =	vld [tilespmem:s26+$0x15810];
	v30 =	vperm.xlane v30, v2;
	v32 =	vperm.xlane v32, v2;
	s24 =	spop (v2sf);
	s14 =	smul.u32 $0x2AAAAAAB, s14  }
0x211: {  	v33 =	vld [tilespmem:s26+$0x158C0];
	v21 =	vperm.xlane v34, v5;
	v22 =	vperm.xlane v35, v5;
	s16 =	smulhi.u32 $0x2AAAAAAB, s24;
	s23 =	spop (v2sf)  }
0x212: {  	s15 =	sshra.s32 s15, $0x1F;
	v59 =	vld [tilespmem:s26+$0x15800];
	[dreg:$0x8] =	wrdreg s2;
	v25 =	vperm.xlane v36, v3;
	v23 =	vperm.xlane v37, v5;
	s2 =	smulhi.u32 $0x2AAAAAAB, s23  }
0x213: {  	v58 =	vld [tilespmem:s26+$0x15880];
	v24 =	vperm.xlane v38, v5;
	v26 =	vperm.xlane v40, v3;
	[dreg:$0x1a] =	wrdreg s16;
	s16 =	sshra.s32 s5, $0x1F;
	s5 =	smul.u32 $0x2AAAAAAB, s15  }
0x214: {  	v29 =	vld [tilespmem:s26+$0x15860];
	v60 =	vperm.xlane v43, v2;
	v27 =	vperm.xlane v46, v3;
	s15 =	smul.u32 $0x2AAAAAAB, s16;
	s16 =	sshra.s32 s18, $0x1F  }
0x215: {  	v57 =	vld [tilespmem:s26+$0x15850];
	v61 =	vperm.xlane v52, v2;
	v62 =	vperm.xlane v51, v2;
	v63 =	vsel vm0, v17, v48;
	s18 =	sshra.s32 s9, $0x1F;
	s9 =	smul.u32 $0x2AAAAAAB, s16  }
0x216: {  	s17 =	sshra.s32 s17, $0x1F;
	v30 =	vsel vm0, v18, v30;
	v31 =	vsel vm0, v19, v31;
	v20 =	vsel vm0, v20, v32;
	s18 =	smul.u32 $0x2AAAAAAB, s18  }
0x217: {  	s29 =	sshra.s32 s29, $0x1F;
	v42 =	vsel vm1, v63, v42;
	v17 =	vsel vm0, v33, v60;
	v18 =	vsel vm0, v59, v61;
	s16 =	smul.u32 $0x2AAAAAAB, s17  }
0x218: {  	v19 =	vsel vm0, v58, v62;
	v31 =	vsel vm1, v31, v49;
	v20 =	vsel vm1, v20, v50;
	s30 =	sshra.s32 s30, $0x1F;
	s17 =	smul.u32 $0x2AAAAAAB, s29  }
0x219: {  	v30 =	vsel vm1, v30, v47;
	v32 =	vsel vm2, v42, v39;
	v28 =	vperm.xlane v29, v3;
	s3 =	sshra.s32 s3, $0x1F;
	s29 =	smul.u32 $0x2AAAAAAB, s30  }
0x21a: {  	v29 =	vperm.xlane v57, v2;
	v31 =	vsel vm2, v31, v44;
	v20 =	vsel vm2, v20, v45;
	s30 =	smul.u32 $0x2AAAAAAB, s3;
	s3 =	sshra.s32 s21, $0x1F  }
0x21b: {  	v30 =	vsel vm2, v30, v41;
	v46 =	vperm.xlane v32, v6;
	v43 =	vperm.xlane v31, v6;
	s21 =	sshra.s32 s24, $0x1F;
	s24 =	smul.u32 $0x2AAAAAAB, s3  }
0x21c: {  	v19 =	vsel vm1, v19, v26;
	v17 =	vsel vm1, v17, v25;
	v44 =	vperm.xlane v20, v6;
	s23 =	sshra.s32 s23, $0x1F;
	s21 =	smul.u32 $0x2AAAAAAB, s21  }
0x21d: {  	v18 =	vsel vm1, v18, v27;
	v45 =	vperm.xlane v30, v6;
	v31 =	vsub.s32 v43, v31;
	s14 =	sadd.s32 s14, s6;
	s1 =	sadd.s32 s15, s1;
	s15 =	smul.u32 $0x2AAAAAAB, s23  }
0x21e: {  	v20 =	vsub.s32 v44, v20;
	v47 =	vperm.xlane v31, v4;
	v31 =	vperm.xlane v31, v7;
	s3 =	sadd.s32 s0, s7;
	s23 =	sshrl.u32 s14, $0x1F;
	s14 =	sshrl.u32 s14, $0x1  }
0x21f: {  	v30 =	vsub.s32 v45, v30;
	v34 =	vperm.xlane v20, v4;
	v20 =	vperm.xlane v20, v7;
	s10 =	sadd.s32 s18, s10;
	s12 =	sadd.s32 s16, s12;
	s18 =	sadd.s32 s28, s19  }
0x220: {  	v32 =	vsub.s32 v46, v32;
	v33 =	vperm.xlane v30, v4;
	v30 =	vperm.xlane v30, v7;
	s19 =	sadd.s32 s25, s20;
	s0 =	sadd.s32 s17, s11;
	s20 =	sadd.s32 s30, s22  }
0x221: {  	v34 =	vsel vm0, v47, v34;
	v20 =	vsel vm0, v31, v20;
	v31 =	vperm.xlane v32, v4;
	s6 =	sadd.s32 s29, s13;
	s16 =	sshrl.u32 s3, $0x1;
	s22 =	sshrl.u32 s20, $0x1F  }
0x222: {  	v33 =	vsel vm1, v34, v33;
	v20 =	vsel vm1, v20, v30;
	v30 =	vperm.xlane v32, v7;
	s2 =	sadd.s32 s15, s2;
	s11 =	sshrl.u32 s20, $0x1;
	s29 =	sshrl.u32 s18, $0x1F  }
0x223: {  	v31 =	vsel vm2, v33, v31;
	v49 =	vmov s23;
	v52 =	vmov s14;
	s30 =	sshrl.u32 s19, $0x1F;
	s8 =	sadd.s32 s24, s8;
	s7 =	sshrl.u32 s18, $0x1  }
0x224: {  	s18 =	sshrl.u32 s19, $0x1;
	s19 =	sshrl.u32 s10, $0x1F;
	v48 =	vmov s22;
	s25 =	sshrl.u32 s2, $0x1F;
	v51 =	vmov s11;
	v33 =	vsel vm3, s30, v49  }
0x225: {  	s20 =	sshrl.u32 s12, $0x1F;
	s24 =	sshrl.u32 s10, $0x1;
	s2 =	sshrl.u32 s2, $0x1;
	v36 =	vsel vm3, s18, v52;
	v50 =	vmov s25;
	v32 =	vsel vm3, s29, v48  }
0x226: {  	s15 =	sshrl.u32 s6, $0x1F;
	s22 =	rddreg [dreg:$0x1a];
	s30 =	sshrl.u32 s3, $0x1F;
	v53 =	vmov s2;
	v35 =	vsel vm3, s7, v51;
	v33 =	vsel vm4, s20, v33  }
0x227: {  	s13 =	sshrl.u32 s8, $0x1F;
	s14 =	sadd.s32 s21, s22;
	s25 =	sshrl.u32 s12, $0x1;
	v34 =	vnsel vm7, $0x0, v50;
	v32 =	vsel vm4, s19, v32;
	v37 =	vnsel vm7, $0x0, v53  }
0x228: {  	s29 =	sshrl.u32 s1, $0x1F;
	s23 =	sshrl.u32 s14, $0x1F;
	v35 =	vsel vm4, s24, v35;
	v36 =	vsel vm4, s25, v36;
	s10 =	sshrl.u32 s14, $0x1;
	v33 =	vsel vm5, s30, v33  }
0x229: {  	s1 =	sshrl.u32 s1, $0x1;
	s21 =	rddreg [dreg:$0x11];
	s14 =	sshrl.u32 s8, $0x1;
	v34 =	vsel vm3, s23, v34;
	v32 =	vsel vm5, s29, v32;
	v37 =	vsel vm3, s10, v37  }
0x22a: {  	s17 =	sshrl.u32 s6, $0x1;
	s18 =	sshrl.u32 s0, $0x1F;
	s19 =	rddreg [dreg:$0x8];
	v35 =	vsel vm5, s1, v35;
	v34 =	vsel vm4, s13, v34;
	v37 =	vsel vm4, s14, v37  }
0x22b: {  	s0 =	sshrl.u32 s0, $0x1;
	s2 =	sadd.s32 s5, s21;
	s6 =	sadd.s32 s9, s19;
	v36 =	vsel vm5, s16, v36;
	v34 =	vsel vm5, s15, v34;
	v37 =	vsel vm5, s17, v37  }
0x22c: {  	v54 =	vld [tilespmem:s26+$0x15840];
	s24 =	rddreg [dreg:$0xe];
	v32 =	vcombine.low v33, v32;
	s20 =	sshrl.u32 s6, $0x1F;
	s22 =	sshrl.u32 s6, $0x1;
	v55 =	vsel vm8, s18, v34;
	v56 =	vsel vm8, s0, v37  }
0x22d: {  	s23 =	sshrl.u32 s2, $0x1F;
	s3 =	sadd.s32 s4, s24;
	s25 =	sshrl.u32 s2, $0x1;
	v35 =	vcombine.low v36, v35;
	v33 =	vsel vm14, s20, v55;
	v34 =	vsel vm14, s22, v56  }
0x22e: {  	s29 =	sshrl.u32 s3, $0x1F;
	s30 =	sshrl.u32 s3, $0x1;
	v32 =	vperm.xlane v32, v9;
	v33 =	vsel vm10, s23, v33;
	v34 =	vsel vm10, s25, v34  }
0x22f: {  	v35 =	vperm.xlane v35, v9;
	v33 =	vsel vm9, s29, v33;
	v34 =	vsel vm9, s30, v34  }
0x230: {  	v20 =	vsel vm2, v20, v30;
	v30 =	vperm.xlane v33, v10;
	v57 =	vperm.xlane v34, v10  }
0x231: {  	v29 =	vsel vm0, v54, v29;
	vm6 =	vlt.s32 v8, v31;
	v58 =	vsub.s32 $0x0, v31  }
0x232: {  	vm11 =	vlt.s32 v20, $0x2;
	v30 =	vsel vm1, v30, v32;
	v59 =	vsel vm1, v57, v35  }
0x233: {  	v60 =	vsub.s32 $0x0, v20;
	v61 =	vsel vm6, $0x4, v12;
	v30 =	vadd.s32 v30, v59  }
0x234: {  	v31 =	vmin.u32 v31, v58;
	v63 =	vsel vm6, $0x3, v11;
	v30 =	vmul.u32 $0xC, v30  }
0x235: {  	v62 =	vsel vm11, $0x2, v13;
	v20 =	vmin.u32 v20, v60;
	vm6 =	vlt.s32 v31, $0x17  }
0x236: {  	vm13 =	vgt.s32 v31, $0x1A;
	vm11 =	vlt.s32 v20, $0x3;
	v16 =	vsub.s32 v16, v30  }
0x237: {  	v20 =	vadd.s32 $0xFFFFFFE9, v31;
	vm12 =	vlt.s32 v16, $0x0;
	v30 =	vadd.s32 $0xC, v16  }
0x238: {  	vm6 =	vmand vm6, vm11;
	v16 =	vsel vm12, v30, v16;
	vm12 =	vmand vm13, vm11  }
0x239: {  	vm13 =	vlt.s32 v16, $0x4;
	v16 =	vsel vm12, v63, v62;
	vm12 =	vlt.u32 v20, $0x4  }
0x23a: {  	v16 =	vsel vm6, v61, v16;
	vm6 =	vmand vm11, vm12;
	v20 =	vsel vm13, $0x1, v8  }
0x23b: {  	v18 =	vsel vm2, v18, v23;
	v16 =	vsel vm6, v20, v16;
	v20 =	vsel vm1, v29, v28  }
0x23c: {  	v19 =	vsel vm2, v19, v22;
	v16 =	vshll.u32 v14, v16;
	v20 =	vsel vm2, v20, v24  }
0x23d: {  	v15 =	vor.u32 v15, v16;
	v16 =	vperm.xlane v18, v4;
	v18 =	vperm.xlane v20, v4  }
0x23e: {  	v17 =	vsel vm2, v17, v21;
	v19 =	vperm.xlane v19, v4  }
0x23f: {  	v17 =	vperm.xlane v17, v4;
	v16 =	vsel vm0, v16, v18  }
0x240: {  	v16 =	vsel vm1, v16, v19  }
0x241: {  	v16 =	vsel vm2, v16, v17  }
0x242: {  	(v2sf) =	vpush v16, $0x7  }
0x243: {  	(v2sf) =	vpush v16, $0x6  }
0x244: {  	(v2sf) =	vpush v16, $0xF  }
0x245: {  	(v2sf) =	vpush v16, $0xB  }
0x246: {  	(v2sf) =	vpush v16, $0x5;
	_ =	sdelay $0x2  }
0x247: {  	v26 =	vld [tilespmem:s26+$0x9830]  }
0x248: {  	v25 =	vld [tilespmem:s26+$0x98A0]  }
0x249: {  	v27 =	vld [tilespmem:s26+$0x9860];
	(v2sf) =	vpush v16, $0xE  }
0x24a: {  	v21 =	vld [tilespmem:s26+$0x98F0];
	(v2sf) =	vpush v16, $0xA  }
0x24b: {  	v22 =	vld [tilespmem:s26+$0x98B0];
	(v2sf) =	vpush v16, $0x4  }
0x24c: {  	v23 =	vld [tilespmem:s26+$0x98E0];
	(v2sf) =	vpush v16, $0xD  }
0x24d: {  	v29 =	vld [tilespmem:s26+$0x98D0];
	(v2sf) =	vpush v16, $0x9  }
0x24e: {  	p0 =	sne.s32 s31, $0xFC00;
	v28 =	vld [tilespmem:s26+$0x9820];
	(v2sf) =	vpush v16, $0x3  }
.Ltmp7:
0x24f: {  	v24 =	vld [tilespmem:s26+$0x9870];
	(v2sf) =	vpush v16, $0xC;
	s4 =	spop (v2sf);
	(pc) =	sbr.rel @p0 .LBB2_16-.Ltmp7, $4  }
0x250: {  	v20 =	vld [tilespmem:s26+$0x9840];
	(v2sf) =	vpush v16, $0x8;
	s25 =	smulhi.u32 $0x2AAAAAAB, s4;
	s15 =	spop (v2sf)  }
0x251: {  	v18 =	vld [tilespmem:s26+$0x9880];
	(v2sf) =	vpush v16, $0x2;
	s28 =	smulhi.u32 $0x2AAAAAAB, s15;
	s5 =	spop (v2sf)  }
0x252: {  	v19 =	vld [tilespmem:s26+$0x9800];
	(v2sf) =	vpush v16, $0x1;
	s1 =	smulhi.u32 $0x2AAAAAAB, s5;
	s0 =	spop (v2sf)  }
0x253: {  	s31 =	sadd.s32 $0x400, s31;
	v17 =	vld [tilespmem:s26+$0x98C0];
	(v2sf) =	vpush v16, $0x0;
	s7 =	smulhi.u32 $0x2AAAAAAB, s0;
	s18 =	spop (v2sf)  }
0x254: {  	_ =	sdelay $0x1  }
0x255: {  	s5 =	sshra.s32 s5, $0x1F  }
0x256: {  	s0 =	sshra.s32 s0, $0x1F;
	s5 =	smul.u32 $0x2AAAAAAB, s5  }
0x257: {  	s23 =	smul.u32 $0x2AAAAAAB, s0;
	s8 =	spop (v2sf)  }
0x258: {  	s9 =	spop (v2sf);
	s10 =	smulhi.u32 $0x2AAAAAAB, s8  }
0x259: {  	s8 =	sshra.s32 s8, $0x1F;
	s12 =	smulhi.u32 $0x2AAAAAAB, s9  }
0x25a: {  	s2 =	spop (v2sf);
	s8 =	smul.u32 $0x2AAAAAAB, s8;
	s9 =	sshra.s32 s9, $0x1F  }
0x25b: {  	s11 =	spop (v2sf);
	s9 =	smul.u32 $0x2AAAAAAB, s9  }
0x25c: {  	s13 =	spop (v2sf);
	s14 =	smulhi.u32 $0x2AAAAAAB, s11  }
0x25d: {  	v35 =	vld [tilespmem:s26+$0x9890];
	s24 =	sshra.s32 s11, $0x1F;
	s16 =	smulhi.u32 $0x2AAAAAAB, s13  }
0x25e: {  	v37 =	vld [tilespmem:s26+$0x9810];
	s6 =	spop (v2sf);
	s11 =	smul.u32 $0x2AAAAAAB, s24;
	s29 =	sshra.s32 s13, $0x1F  }
0x25f: {  	v38 =	vld [tilespmem:s26+$0x9850];
	v29 =	vperm.xlane v29, v2;
	v28 =	vperm.xlane v28, v3;
	s0 =	sadd.s32 s5, s1;
	s17 =	spop (v2sf);
	s13 =	smul.u32 $0x2AAAAAAB, s29  }
0x260: {  	v26 =	vperm.xlane v26, v5;
	v21 =	vperm.xlane v21, v5;
	s7 =	sadd.s32 s23, s7;
	s19 =	smulhi.u32 $0x2AAAAAAB, s17;
	s20 =	spop (v2sf)  }
0x261: {  	v22 =	vperm.xlane v22, v5;
	v23 =	vperm.xlane v23, v3;
	s8 =	sadd.s32 s8, s10;
	s30 =	sshra.s32 s17, $0x1F;
	s21 =	smulhi.u32 $0x2AAAAAAB, s20  }
0x262: {  	v44 =	vperm.xlane v27, v3;
	v24 =	vperm.xlane v24, v5;
	s9 =	sadd.s32 s9, s12;
	s11 =	sadd.s32 s11, s14;
	s1 =	smul.u32 $0x2AAAAAAB, s30  }
0x263: {  	v17 =	vsel vm0, v17, v29;
	v37 =	vperm.xlane v37, v2;
	v35 =	vperm.xlane v35, v2;
	s22 =	spop (v2sf);
	s13 =	sadd.s32 s13, s16;
	s16 =	smulhi.u32 $0x2AAAAAAB, s2  }
0x264: {  	v25 =	vperm.xlane v25, v3;
	v38 =	vperm.xlane v38, v2;
	v17 =	vsel vm1, v17, v23;
	s17 =	sshra.s32 s20, $0x1F;
	s2 =	sshra.s32 s2, $0x1F;
	s3 =	smulhi.u32 $0x2AAAAAAB, s22  }
0x265: {  	v17 =	vsel vm2, v17, v21;
	v18 =	vsel vm0, v18, v35;
	v19 =	vsel vm0, v19, v37;
	s24 =	spop (v2sf);
	s12 =	smul.u32 $0x2AAAAAAB, s17;
	s29 =	sshra.s32 s22, $0x1F  }
0x266: {  	v20 =	vsel vm0, v20, v38;
	v51 =	vperm.xlane v17, v6;
	v19 =	vsel vm1, v19, v28;
	s22 =	sshrl.u32 s13, $0x1;
	s17 =	sshrl.u32 s7, $0x1;
	s2 =	smul.u32 $0x2AAAAAAB, s2  }
0x267: {  	v20 =	vsel vm1, v20, v44;
	v18 =	vsel vm1, v18, v25;
	v19 =	vsel vm2, v19, v26;
	s5 =	smulhi.u32 $0x2AAAAAAB, s24;
	s31 =	spop (v2sf);
	s24 =	sshra.s32 s24, $0x1F  }
0x268: {  	v20 =	vsel vm2, v20, v24;
	v18 =	vsel vm2, v18, v22;
	v47 =	vperm.xlane v19, v6;
	s1 =	sadd.s32 s1, s19;
	s20 =	smulhi.u32 $0x2AAAAAAB, s31;
	s10 =	sshra.s32 s31, $0x1F  }
0x269: {  	v17 =	vsub.s32 v51, v17;
	v49 =	vperm.xlane v20, v6;
	v50 =	vperm.xlane v18, v6;
	s14 =	smul.u32 $0x2AAAAAAB, s24;
	s12 =	sadd.s32 s12, s21;
	s19 =	sshrl.u32 s1, $0x1F  }
0x26a: {  	v59 =	vperm.xlane v17, v4;
	v17 =	vperm.xlane v17, v7;
	v19 =	vsub.s32 v47, v19;
	s1 =	sshrl.u32 s1, $0x1;
	s21 =	smul.u32 $0x2AAAAAAB, s29;
	s24 =	sshrl.u32 s8, $0x1F  }
0x26b: {  	v20 =	vsub.s32 v49, v20;
	v23 =	vperm.xlane v19, v4;
	v19 =	vperm.xlane v19, v7;
	s29 =	sshrl.u32 s9, $0x1F;
	s8 =	sshrl.u32 s8, $0x1;
	s9 =	sshrl.u32 s9, $0x1  }
0x26c: {  	v18 =	vsub.s32 v50, v18;
	v54 =	vperm.xlane v20, v4;
	v20 =	vperm.xlane v20, v7;
	s10 =	smul.u32 $0x2AAAAAAB, s10;
	s30 =	sshrl.u32 s12, $0x1F;
	s12 =	sshrl.u32 s12, $0x1  }
0x26d: {  	v57 =	vperm.xlane v18, v4;
	v30 =	vmov s19;
	s19 =	sshrl.u32 s11, $0x1F;
	s11 =	sshrl.u32 s11, $0x1;
	v34 =	vmov s12;
	s12 =	smulhi.u32 $0x2AAAAAAB, s6  }
0x26e: {  	v18 =	vperm.xlane v18, v7;
	v33 =	vmov s1;
	s5 =	sadd.s32 s14, s5;
	v30 =	vsel vm3, s19, v30;
	s1 =	sadd.s32 s21, s3;
	s19 =	smulhi.u32 $0x2AAAAAAB, s18  }
0x26f: {  	v58 =	vsel vm0, v23, v54;
	v19 =	vsel vm0, v19, v20;
	v31 =	vmov s30;
	s10 =	sadd.s32 s10, s20;
	s20 =	sshrl.u32 s13, $0x1F;
	s30 =	sshrl.u32 s5, $0x1F  }
0x270: {  	v22 =	vsel vm1, v58, v57;
	v18 =	vsel vm1, v19, v18;
	v33 =	vsel vm3, s11, v33;
	s5 =	sshrl.u32 s5, $0x1;
	s11 =	sshrl.u32 s1, $0x1F;
	s13 =	sshra.s32 s6, $0x1F  }
0x271: {  	v20 =	vsel vm2, v22, v59;
	v34 =	vsel vm3, s22, v34;
	v30 =	vsel vm4, s24, v30;
	s1 =	sshrl.u32 s1, $0x1;
	s31 =	sshrl.u32 s10, $0x1F;
	s10 =	sshrl.u32 s10, $0x1  }
0x272: {  	v33 =	vsel vm4, s8, v33;
	s24 =	sshra.s32 s15, $0x1F;
	v31 =	vsel vm3, s20, v31;
	s3 =	smul.u32 $0x2AAAAAAB, s13;
	s20 =	sshra.s32 s18, $0x1F;
	v36 =	vmov s10  }
0x273: {  	v32 =	vmov s31;
	v31 =	vsel vm4, s29, v31;
	s31 =	sshrl.u32 s0, $0x1F;
	s10 =	sshrl.u32 s7, $0x1F;
	s0 =	sshrl.u32 s0, $0x1;
	v36 =	vnsel vm7, $0x0, v36  }
0x274: {  	s21 =	smul.u32 $0x2AAAAAAB, s20;
	s29 =	sshra.s32 s4, $0x1F;
	v32 =	vnsel vm7, $0x0, v32;
	v33 =	vsel vm5, s0, v33;
	s0 =	sadd.s32 s3, s12;
	v36 =	vsel vm3, s5, v36  }
0x275: {  	v34 =	vsel vm4, s9, v34;
	v32 =	vsel vm3, s30, v32;
	s14 =	sshrl.u32 s0, $0x1F;
	s0 =	sshrl.u32 s0, $0x1;
	v45 =	vsel vm4, s1, v36;
	s1 =	sadd.s32 s2, s16  }
0x276: {  	v48 =	vsel vm5, s17, v34;
	v30 =	vsel vm5, s31, v30;
	v32 =	vsel vm4, s11, v32;
	s22 =	sshrl.u32 s1, $0x1F;
	s23 =	sshrl.u32 s1, $0x1;
	s1 =	smul.u32 $0x2AAAAAAB, s24  }
0x277: {  	v31 =	vsel vm5, s10, v31;
	s2 =	sadd.s32 s21, s19;
	v46 =	vsel vm5, s14, v32;
	v52 =	vsel vm5, s0, v45;
	s0 =	smul.u32 $0x2AAAAAAB, s29  }
0x278: {  	v60 =	vcombine.low v31, v30;
	s26 =	sshrl.u32 s2, $0x1F;
	s2 =	sshrl.u32 s2, $0x1;
	v53 =	vsel vm8, s22, v46;
	v55 =	vsel vm8, s23, v52;
	s1 =	sadd.s32 s1, s28  }
0x279: {  	v24 =	vcombine.low v48, v33;
	v56 =	vsel vm14, s26, v53;
	s0 =	sadd.s32 s0, s25;
	v21 =	vsel vm14, s2, v55;
	s30 =	sshrl.u32 s1, $0x1F;
	s1 =	sshrl.u32 s1, $0x1  }
0x27a: {  	v23 =	vperm.xlane v60, v9;
	s31 =	sshrl.u32 s0, $0x1F;
	s0 =	sshrl.u32 s0, $0x1;
	v25 =	vsel vm10, s30, v56;
	v21 =	vsel vm10, s1, v21  }
0x27b: {  	v24 =	vperm.xlane v24, v9;
	v25 =	vsel vm9, s31, v25;
	v21 =	vsel vm9, s0, v21  }
0x27c: {  	v17 =	vsel vm2, v18, v17;
	v19 =	vperm.xlane v25, v10;
	v21 =	vperm.xlane v21, v10  }
0x27d: {  	vm6 =	vlt.s32 v8, v20;
	vm11 =	vlt.s32 v17, $0x2;
	v61 =	vsub.s32 $0x0, v20  }
0x27e: {  	v62 =	vsel vm6, $0x4, v12;
	v18 =	vsel vm1, v19, v23;
	v19 =	vsel vm1, v21, v24  }
0x27f: {  	v20 =	vmin.u32 v20, v61;
	v63 =	vsel vm11, $0x2, v13;
	v18 =	vadd.s32 v18, v19  }
0x280: {  	vm12 =	vgt.s32 v20, $0x1A;
	v19 =	vsub.s32 $0x0, v17;
	v18 =	vmul.u32 $0xC, v18  }
0x281: {  	v17 =	vmin.u32 v17, v19;
	v19 =	vsel vm6, $0x3, v11;
	vm6 =	vlt.s32 v20, $0x17  }
0x282: {  	vm11 =	vlt.s32 v17, $0x3;
	v17 =	vadd.s32 $0xFFFFFFE9, v20;
	v16 =	vsub.s32 v16, v18  }
0x283: {  	s1 =	sld [smem:$0x7FD];
	vm12 =	vmand vm12, vm11;
	vm13 =	vlt.s32 v16, $0x0;
	v18 =	vadd.s32 $0xC, v16  }
0x284: {  	vm6 =	vmand vm6, vm11;
	v16 =	vsel vm13, v18, v16;
	v18 =	vsel vm12, v19, v63  }
0x285: {  	vm13 =	vlt.u32 v17, $0x4;
	vm12 =	vlt.s32 v16, $0x4;
	v16 =	vsel vm6, v62, v18  }
0x286: {  	vm6 =	vmand vm11, vm13;
	v18 =	vmov s1;
	v17 =	vsel vm12, $0x1, v8  }
0x287: {  	v16 =	vsel vm6, v17, v16;
	v17 =	vshll.u32 v18, $0x3  }
0x288: {  	s2 =	simm.s32 $0x0;
	v16 =	vshll.u32 v14, v16;
	v17 =	vor.u32 v1, v17  }
0x289: {  	s0 =	simm.s32 $0x40;
	v15 =	vor.u32 v15, v16;
	v16 =	vor.u32 $0x2, v17;
	[tilespmem:s2+$0x1400] =	vst v17  }
.LBB2_18:
0x28a: {  	p0 =	sne.s32 s0, $0xFC0  }
0x28b: {  	[tilespmem:s2+$0x800] =	vst v16;
	s1 =	sadd.s32 $0x10, s1;
	s2 =	smov.u32 s0;
	s0 =	sadd.s32 $0x40, s0  }
.Ltmp8:
0x28c: {  	(pc) =	sbr.rel @p0 .LBB2_18-.Ltmp8, $4  }
0x28d: {  	v16 =	vmov s1  }
0x28e: {  	v16 =	vshll.u32 v16, $0x3  }
0x28f: {  	s2 =	sshra.s32 s2, $0x2;
	v17 =	vor.u32 v1, v16  }
0x290: {  	v16 =	vor.u32 $0x2, v17;
	[tilespmem:s2+$0x1400] =	vst v17  }
0x291: {  	s0 =	rddreg [dreg:$0x0]  }
0x292: {  	[tilespmem:s2+$0x800] =	vst v16;
	s1 =	simm.s32 $0x400;
	s25 =	simm.s32 $0x800;
	s3 =	simm.s32 $0x9800  }
0x293: {  	[tilespmem:s3], [sflag:$0x1] =	stream.indirect.gather [hbm4b:s0+s1], $0x10, s25, s1, $0xb8;
	[tilespmem:$0x1E810] =	vst v63  }
0x294: {  	s26 =	simm.s32 $0x1400;
	s29 =	simm.s32 $0x15800;
	s30 =	simm.s32 $0x1  }
0x295: {  	[tilespmem:s29], [sflag:$0x1] =	stream.indirect.gather [hbm4b:s0+s1], $0x10, s26, s1, $0xb8;
	[tilespmem:$0x1E810] =	vst v63  }
0x296: {  	_ =	swait.ge [sflag:s30], $0x4000  }
0x297: {  	[sflag:s30] =	ssyncset.done $0x0  }
0x298: {  	[sflag:s30] =	ssyncadd.s32 $0xFFFFC000  }
0x299: {  	_ =	swait.ge [sflag:s30], $0x4000  }
0x29a: {  	[sflag:s30] =	ssyncset.done $0x0  }
0x29b: {  	s26 =	simm.s32 $0x0;
	[sflag:s30] =	ssyncadd.s32 $0xFFFFC000  }
0x29c: {  	v16 =	vld [tilespmem:s26+$0xD8C0]  }
0x29d: {  	v17 =	vld [tilespmem:s26+$0xD8F0]  }
0x29e: {  	v18 =	vld [tilespmem:s26+$0xD8B0]  }
0x29f: {  	v19 =	vld [tilespmem:s26+$0xD8E0]  }
0x2a0: {  	v20 =	vld [tilespmem:s26+$0xD830]  }
0x2a1: {  	v21 =	vld [tilespmem:s26+$0xD870]  }
0x2a2: {  	v22 =	vld [tilespmem:s26+$0xD8A0]  }
0x2a3: {  	v23 =	vld [tilespmem:s26+$0xD8D0]  }
0x2a4: {  	v24 =	vld [tilespmem:s26+$0xD820]  }
0x2a5: {  	v25 =	vld [tilespmem:s26+$0xD860]  }
0x2a6: {  	v26 =	vld [tilespmem:s26+$0xD890]  }
0x2a7: {  	v27 =	vld [tilespmem:s26+$0xD810]  }
0x2a8: {  	v28 =	vld [tilespmem:s26+$0xD850]  }
0x2a9: {  	v29 =	vld [tilespmem:s26+$0xD880]  }
0x2aa: {  	v30 =	vld [tilespmem:s26+$0xD800];
	v17 =	vperm.xlane v17, v5;
	v18 =	vperm.xlane v18, v5  }
0x2ab: {  	v31 =	vld [tilespmem:s26+$0xD840];
	v19 =	vperm.xlane v19, v3;
	v20 =	vperm.xlane v20, v5  }
0x2ac: {  	v21 =	vperm.xlane v21, v5;
	v22 =	vperm.xlane v22, v3  }
0x2ad: {  	v23 =	vperm.xlane v23, v2;
	v27 =	vperm.xlane v27, v2  }
0x2ae: {  	v26 =	vperm.xlane v26, v2;
	v28 =	vperm.xlane v28, v2  }
0x2af: {  	v16 =	vsel vm0, v16, v23;
	v23 =	vperm.xlane v24, v3;
	v24 =	vperm.xlane v25, v3  }
0x2b0: {  	v25 =	vsel vm0, v30, v27;
	v26 =	vsel vm0, v29, v26;
	v27 =	vsel vm0, v31, v28  }
0x2b1: {  	v22 =	vsel vm1, v26, v22;
	v23 =	vsel vm1, v25, v23;
	v24 =	vsel vm1, v27, v24  }
0x2b2: {  	v16 =	vsel vm1, v16, v19;
	v19 =	vsel vm2, v23, v20;
	v20 =	vsel vm2, v24, v21  }
0x2b3: {  	v18 =	vsel vm2, v22, v18;
	v19 =	vperm.xlane v19, v4;
	v20 =	vperm.xlane v20, v4  }
0x2b4: {  	v16 =	vsel vm2, v16, v17;
	v18 =	vperm.xlane v18, v4  }
0x2b5: {  	v16 =	vperm.xlane v16, v4;
	v17 =	vsel vm0, v19, v20  }
0x2b6: {  	v17 =	vsel vm1, v17, v18  }
0x2b7: {  	v16 =	vsel vm2, v17, v16  }
0x2b8: {  	(v2sf) =	vpush v16, $0x7  }
0x2b9: {  	(v2sf) =	vpush v16, $0x6  }
0x2ba: {  	(v2sf) =	vpush v16, $0xF  }
0x2bb: {  	(v2sf) =	vpush v16, $0xB  }
0x2bc: {  	(v2sf) =	vpush v16, $0x5;
	_ =	sdelay $0x2  }
0x2bd: {  	v29 =	vld [tilespmem:s26+$0x18D0]  }
0x2be: {  	v28 =	vld [tilespmem:s26+$0x1820]  }
0x2bf: {  	v26 =	vld [tilespmem:s26+$0x1830];
	(v2sf) =	vpush v16, $0xE  }
0x2c0: {  	v22 =	vld [tilespmem:s26+$0x18B0];
	(v2sf) =	vpush v16, $0xA  }
0x2c1: {  	v25 =	vld [tilespmem:s26+$0x18A0];
	(v2sf) =	vpush v16, $0x4  }
0x2c2: {  	v27 =	vld [tilespmem:s26+$0x1860];
	(v2sf) =	vpush v16, $0xD  }
0x2c3: {  	v21 =	vld [tilespmem:s26+$0x18F0];
	(v2sf) =	vpush v16, $0x9  }
0x2c4: {  	v23 =	vld [tilespmem:s26+$0x18E0];
	(v2sf) =	vpush v16, $0x3  }
0x2c5: {  	v24 =	vld [tilespmem:s26+$0x1870];
	(v2sf) =	vpush v16, $0xC;
	s4 =	spop (v2sf)  }
0x2c6: {  	v19 =	vld [tilespmem:s26+$0x1800];
	(v2sf) =	vpush v16, $0x8;
	s25 =	smulhi.u32 $0x2AAAAAAB, s4;
	s15 =	spop (v2sf)  }
0x2c7: {  	v20 =	vld [tilespmem:s26+$0x1840];
	(v2sf) =	vpush v16, $0x2;
	s28 =	smulhi.u32 $0x2AAAAAAB, s15;
	s5 =	spop (v2sf)  }
0x2c8: {  	v18 =	vld [tilespmem:s26+$0x1880];
	(v2sf) =	vpush v16, $0x1;
	s1 =	smulhi.u32 $0x2AAAAAAB, s5;
	s0 =	spop (v2sf)  }
0x2c9: {  	s31 =	simm.s32 $0x400;
	v17 =	vld [tilespmem:s26+$0x18C0];
	(v2sf) =	vpush v16, $0x0;
	s7 =	smulhi.u32 $0x2AAAAAAB, s0;
	s18 =	spop (v2sf)  }
.LBB2_20:
0x2ca: {  	_ =	sdelay $0x1  }
0x2cb: {  	s2 =	smulhi.u32 $0x2AAAAAAB, s18;
	s4 =	sshra.s32 s4, $0x1F;
	[dreg:$0x12] =	wrdreg s28  }
0x2cc: {  	s0 =	sshra.s32 s0, $0x1F;
	[dreg:$0xf] =	wrdreg s25;
	s4 =	smul.u32 $0x2AAAAAAB, s4  }
0x2cd: {  	v30 =	vld [tilespmem:s26+$0x1890];
	s0 =	smul.u32 $0x2AAAAAAB, s0;
	s9 =	spop (v2sf)  }
0x2ce: {  	v31 =	vld [tilespmem:s26+$0x1810];
	s10 =	smulhi.u32 $0x2AAAAAAB, s9;
	s17 =	spop (v2sf)  }
0x2cf: {  	v32 =	vld [tilespmem:s26+$0x1850];
	s26 =	sshra.s32 s31, $0x2;
	s12 =	smulhi.u32 $0x2AAAAAAB, s17;
	s29 =	spop (v2sf)  }
0x2d0: {  	v34 =	vld [tilespmem:s26+$0xD8F0];
	s11 =	smulhi.u32 $0x2AAAAAAB, s29;
	s28 =	spop (v2sf)  }
0x2d1: {  	v35 =	vld [tilespmem:s26+$0xD8B0];
	s19 =	smulhi.u32 $0x2AAAAAAB, s28;
	s25 =	spop (v2sf)  }
0x2d2: {  	v36 =	vld [tilespmem:s26+$0xD8E0];
	s28 =	sshra.s32 s28, $0x1F;
	s20 =	smulhi.u32 $0x2AAAAAAB, s25  }
0x2d3: {  	v37 =	vld [tilespmem:s26+$0xD830];
	s30 =	spop (v2sf);
	s28 =	smul.u32 $0x2AAAAAAB, s28  }
0x2d4: {  	v38 =	vld [tilespmem:s26+$0xD870];
	v39 =	vperm.xlane v21, v5;
	v41 =	vperm.xlane v22, v5;
	s25 =	sshra.s32 s25, $0x1F;
	s13 =	smulhi.u32 $0x2AAAAAAB, s30  }
0x2d5: {  	v40 =	vld [tilespmem:s26+$0xD8A0];
	v42 =	vperm.xlane v23, v3;
	v44 =	vperm.xlane v26, v5;
	s3 =	spop (v2sf);
	s25 =	smul.u32 $0x2AAAAAAB, s25  }
0x2d6: {  	v43 =	vld [tilespmem:s26+$0xD8D0];
	v45 =	vperm.xlane v24, v5;
	v47 =	vperm.xlane v25, v3;
	s22 =	smulhi.u32 $0x2AAAAAAB, s3;
	s14 =	spop (v2sf)  }
0x2d7: {  	v46 =	vld [tilespmem:s26+$0xD820];
	v48 =	vperm.xlane v29, v2;
	v49 =	vperm.xlane v28, v3;
	s6 =	smulhi.u32 $0x2AAAAAAB, s14;
	s21 =	spop (v2sf)  }
0x2d8: {  	v51 =	vld [tilespmem:s26+$0xD890];
	v50 =	vperm.xlane v27, v3;
	v31 =	vperm.xlane v31, v2;
	s14 =	sshra.s32 s14, $0x1F;
	s8 =	smulhi.u32 $0x2AAAAAAB, s21  }
0x2d9: {  	v52 =	vld [tilespmem:s26+$0xD810];
	v30 =	vperm.xlane v30, v2;
	v32 =	vperm.xlane v32, v2;
	s24 =	spop (v2sf);
	s14 =	smul.u32 $0x2AAAAAAB, s14  }
0x2da: {  	v33 =	vld [tilespmem:s26+$0xD8C0];
	v21 =	vperm.xlane v34, v5;
	v22 =	vperm.xlane v35, v5;
	s16 =	smulhi.u32 $0x2AAAAAAB, s24;
	s23 =	spop (v2sf)  }
0x2db: {  	s15 =	sshra.s32 s15, $0x1F;
	v59 =	vld [tilespmem:s26+$0xD800];
	[dreg:$0x9] =	wrdreg s2;
	v25 =	vperm.xlane v36, v3;
	v23 =	vperm.xlane v37, v5;
	s2 =	smulhi.u32 $0x2AAAAAAB, s23  }
0x2dc: {  	v58 =	vld [tilespmem:s26+$0xD880];
	v24 =	vperm.xlane v38, v5;
	v26 =	vperm.xlane v40, v3;
	[dreg:$0x1b] =	wrdreg s16;
	s16 =	sshra.s32 s5, $0x1F;
	s5 =	smul.u32 $0x2AAAAAAB, s15  }
0x2dd: {  	v29 =	vld [tilespmem:s26+$0xD860];
	v60 =	vperm.xlane v43, v2;
	v27 =	vperm.xlane v46, v3;
	s15 =	smul.u32 $0x2AAAAAAB, s16;
	s16 =	sshra.s32 s18, $0x1F  }
0x2de: {  	v57 =	vld [tilespmem:s26+$0xD850];
	v61 =	vperm.xlane v52, v2;
	v62 =	vperm.xlane v51, v2;
	v63 =	vsel vm0, v17, v48;
	s18 =	sshra.s32 s9, $0x1F;
	s9 =	smul.u32 $0x2AAAAAAB, s16  }
0x2df: {  	s17 =	sshra.s32 s17, $0x1F;
	v30 =	vsel vm0, v18, v30;
	v31 =	vsel vm0, v19, v31;
	v20 =	vsel vm0, v20, v32;
	s18 =	smul.u32 $0x2AAAAAAB, s18  }
0x2e0: {  	s29 =	sshra.s32 s29, $0x1F;
	v42 =	vsel vm1, v63, v42;
	v17 =	vsel vm0, v33, v60;
	v18 =	vsel vm0, v59, v61;
	s16 =	smul.u32 $0x2AAAAAAB, s17  }
0x2e1: {  	v19 =	vsel vm0, v58, v62;
	v31 =	vsel vm1, v31, v49;
	v20 =	vsel vm1, v20, v50;
	s30 =	sshra.s32 s30, $0x1F;
	s17 =	smul.u32 $0x2AAAAAAB, s29  }
0x2e2: {  	v30 =	vsel vm1, v30, v47;
	v32 =	vsel vm2, v42, v39;
	v28 =	vperm.xlane v29, v3;
	s3 =	sshra.s32 s3, $0x1F;
	s29 =	smul.u32 $0x2AAAAAAB, s30  }
0x2e3: {  	v29 =	vperm.xlane v57, v2;
	v31 =	vsel vm2, v31, v44;
	v20 =	vsel vm2, v20, v45;
	s30 =	smul.u32 $0x2AAAAAAB, s3;
	s3 =	sshra.s32 s21, $0x1F  }
0x2e4: {  	v30 =	vsel vm2, v30, v41;
	v46 =	vperm.xlane v32, v6;
	v43 =	vperm.xlane v31, v6;
	s21 =	sshra.s32 s24, $0x1F;
	s24 =	smul.u32 $0x2AAAAAAB, s3  }
0x2e5: {  	v19 =	vsel vm1, v19, v26;
	v17 =	vsel vm1, v17, v25;
	v44 =	vperm.xlane v20, v6;
	s23 =	sshra.s32 s23, $0x1F;
	s21 =	smul.u32 $0x2AAAAAAB, s21  }
0x2e6: {  	v18 =	vsel vm1, v18, v27;
	v45 =	vperm.xlane v30, v6;
	v31 =	vsub.s32 v43, v31;
	s14 =	sadd.s32 s14, s6;
	s1 =	sadd.s32 s15, s1;
	s15 =	smul.u32 $0x2AAAAAAB, s23  }
0x2e7: {  	v20 =	vsub.s32 v44, v20;
	v47 =	vperm.xlane v31, v4;
	v31 =	vperm.xlane v31, v7;
	s3 =	sadd.s32 s0, s7;
	s23 =	sshrl.u32 s14, $0x1F;
	s14 =	sshrl.u32 s14, $0x1  }
0x2e8: {  	v30 =	vsub.s32 v45, v30;
	v34 =	vperm.xlane v20, v4;
	v20 =	vperm.xlane v20, v7;
	s10 =	sadd.s32 s18, s10;
	s12 =	sadd.s32 s16, s12;
	s18 =	sadd.s32 s28, s19  }
0x2e9: {  	v32 =	vsub.s32 v46, v32;
	v33 =	vperm.xlane v30, v4;
	v30 =	vperm.xlane v30, v7;
	s19 =	sadd.s32 s25, s20;
	s0 =	sadd.s32 s17, s11;
	s20 =	sadd.s32 s30, s22  }
0x2ea: {  	v34 =	vsel vm0, v47, v34;
	v20 =	vsel vm0, v31, v20;
	v31 =	vperm.xlane v32, v4;
	s6 =	sadd.s32 s29, s13;
	s16 =	sshrl.u32 s3, $0x1;
	s22 =	sshrl.u32 s20, $0x1F  }
0x2eb: {  	v33 =	vsel vm1, v34, v33;
	v20 =	vsel vm1, v20, v30;
	v30 =	vperm.xlane v32, v7;
	s2 =	sadd.s32 s15, s2;
	s11 =	sshrl.u32 s20, $0x1;
	s29 =	sshrl.u32 s18, $0x1F  }
0x2ec: {  	v31 =	vsel vm2, v33, v31;
	v49 =	vmov s23;
	v52 =	vmov s14;
	s30 =	sshrl.u32 s19, $0x1F;
	s8 =	sadd.s32 s24, s8;
	s7 =	sshrl.u32 s18, $0x1  }
0x2ed: {  	s18 =	sshrl.u32 s19, $0x1;
	s19 =	sshrl.u32 s10, $0x1F;
	v48 =	vmov s22;
	s25 =	sshrl.u32 s2, $0x1F;
	v51 =	vmov s11;
	v33 =	vsel vm3, s30, v49  }
0x2ee: {  	s20 =	sshrl.u32 s12, $0x1F;
	s24 =	sshrl.u32 s10, $0x1;
	s2 =	sshrl.u32 s2, $0x1;
	v36 =	vsel vm3, s18, v52;
	v50 =	vmov s25;
	v32 =	vsel vm3, s29, v48  }
0x2ef: {  	s15 =	sshrl.u32 s6, $0x1F;
	s22 =	rddreg [dreg:$0x1b];
	s30 =	sshrl.u32 s3, $0x1F;
	v53 =	vmov s2;
	v35 =	vsel vm3, s7, v51;
	v33 =	vsel vm4, s20, v33  }
0x2f0: {  	s13 =	sshrl.u32 s8, $0x1F;
	s14 =	sadd.s32 s21, s22;
	s25 =	sshrl.u32 s12, $0x1;
	v34 =	vnsel vm7, $0x0, v50;
	v32 =	vsel vm4, s19, v32;
	v37 =	vnsel vm7, $0x0, v53  }
0x2f1: {  	s29 =	sshrl.u32 s1, $0x1F;
	s23 =	sshrl.u32 s14, $0x1F;
	v35 =	vsel vm4, s24, v35;
	v36 =	vsel vm4, s25, v36;
	s10 =	sshrl.u32 s14, $0x1;
	v33 =	vsel vm5, s30, v33  }
0x2f2: {  	s1 =	sshrl.u32 s1, $0x1;
	s21 =	rddreg [dreg:$0x12];
	s14 =	sshrl.u32 s8, $0x1;
	v34 =	vsel vm3, s23, v34;
	v32 =	vsel vm5, s29, v32;
	v37 =	vsel vm3, s10, v37  }
0x2f3: {  	s17 =	sshrl.u32 s6, $0x1;
	s18 =	sshrl.u32 s0, $0x1F;
	s19 =	rddreg [dreg:$0x9];
	v35 =	vsel vm5, s1, v35;
	v34 =	vsel vm4, s13, v34;
	v37 =	vsel vm4, s14, v37  }
0x2f4: {  	s0 =	sshrl.u32 s0, $0x1;
	s2 =	sadd.s32 s5, s21;
	s6 =	sadd.s32 s9, s19;
	v36 =	vsel vm5, s16, v36;
	v34 =	vsel vm5, s15, v34;
	v37 =	vsel vm5, s17, v37  }
0x2f5: {  	v54 =	vld [tilespmem:s26+$0xD840];
	s24 =	rddreg [dreg:$0xf];
	v32 =	vcombine.low v33, v32;
	s20 =	sshrl.u32 s6, $0x1F;
	s22 =	sshrl.u32 s6, $0x1;
	v55 =	vsel vm8, s18, v34;
	v56 =	vsel vm8, s0, v37  }
0x2f6: {  	s23 =	sshrl.u32 s2, $0x1F;
	s3 =	sadd.s32 s4, s24;
	s25 =	sshrl.u32 s2, $0x1;
	v35 =	vcombine.low v36, v35;
	v33 =	vsel vm14, s20, v55;
	v34 =	vsel vm14, s22, v56  }
0x2f7: {  	s29 =	sshrl.u32 s3, $0x1F;
	s30 =	sshrl.u32 s3, $0x1;
	v32 =	vperm.xlane v32, v9;
	v33 =	vsel vm10, s23, v33;
	v34 =	vsel vm10, s25, v34  }
0x2f8: {  	v35 =	vperm.xlane v35, v9;
	v33 =	vsel vm9, s29, v33;
	v34 =	vsel vm9, s30, v34  }
0x2f9: {  	v20 =	vsel vm2, v20, v30;
	v30 =	vperm.xlane v33, v10;
	v57 =	vperm.xlane v34, v10  }
0x2fa: {  	v29 =	vsel vm0, v54, v29;
	vm6 =	vlt.s32 v8, v31;
	v58 =	vsub.s32 $0x0, v31  }
0x2fb: {  	vm11 =	vlt.s32 v20, $0x2;
	v30 =	vsel vm1, v30, v32;
	v59 =	vsel vm1, v57, v35  }
0x2fc: {  	v60 =	vsub.s32 $0x0, v20;
	v61 =	vsel vm6, $0x4, v12;
	v30 =	vadd.s32 v30, v59  }
0x2fd: {  	v31 =	vmin.u32 v31, v58;
	v63 =	vsel vm6, $0x3, v11;
	v30 =	vmul.u32 $0xC, v30  }
0x2fe: {  	v62 =	vsel vm11, $0x2, v13;
	v20 =	vmin.u32 v20, v60;
	vm6 =	vlt.s32 v31, $0x17  }
0x2ff: {  	vm13 =	vgt.s32 v31, $0x1A;
	vm11 =	vlt.s32 v20, $0x3;
	v16 =	vsub.s32 v16, v30  }
0x300: {  	v20 =	vadd.s32 $0xFFFFFFE9, v31;
	vm12 =	vlt.s32 v16, $0x0;
	v30 =	vadd.s32 $0xC, v16  }
0x301: {  	vm6 =	vmand vm6, vm11;
	v16 =	vsel vm12, v30, v16;
	vm12 =	vmand vm13, vm11  }
0x302: {  	vm13 =	vlt.s32 v16, $0x4;
	v16 =	vsel vm12, v63, v62;
	vm12 =	vlt.u32 v20, $0x4  }
0x303: {  	v16 =	vsel vm6, v61, v16;
	vm6 =	vmand vm11, vm12;
	v20 =	vsel vm13, $0x1, v8  }
0x304: {  	v18 =	vsel vm2, v18, v23;
	v16 =	vsel vm6, v20, v16;
	v20 =	vsel vm1, v29, v28  }
0x305: {  	v19 =	vsel vm2, v19, v22;
	v16 =	vshll.u32 v14, v16;
	v20 =	vsel vm2, v20, v24  }
0x306: {  	v15 =	vor.u32 v15, v16;
	v16 =	vperm.xlane v18, v4;
	v18 =	vperm.xlane v20, v4  }
0x307: {  	v17 =	vsel vm2, v17, v21;
	v19 =	vperm.xlane v19, v4  }
0x308: {  	v17 =	vperm.xlane v17, v4;
	v16 =	vsel vm0, v16, v18  }
0x309: {  	v16 =	vsel vm1, v16, v19  }
0x30a: {  	v16 =	vsel vm2, v16, v17  }
0x30b: {  	(v2sf) =	vpush v16, $0x7  }
0x30c: {  	(v2sf) =	vpush v16, $0x6  }
0x30d: {  	(v2sf) =	vpush v16, $0xF  }
0x30e: {  	(v2sf) =	vpush v16, $0xB  }
0x30f: {  	(v2sf) =	vpush v16, $0x5;
	_ =	sdelay $0x2  }
0x310: {  	v26 =	vld [tilespmem:s26+$0x1830]  }
0x311: {  	v25 =	vld [tilespmem:s26+$0x18A0]  }
0x312: {  	v27 =	vld [tilespmem:s26+$0x1860];
	(v2sf) =	vpush v16, $0xE  }
0x313: {  	v21 =	vld [tilespmem:s26+$0x18F0];
	(v2sf) =	vpush v16, $0xA  }
0x314: {  	v22 =	vld [tilespmem:s26+$0x18B0];
	(v2sf) =	vpush v16, $0x4  }
0x315: {  	v23 =	vld [tilespmem:s26+$0x18E0];
	(v2sf) =	vpush v16, $0xD  }
0x316: {  	v29 =	vld [tilespmem:s26+$0x18D0];
	(v2sf) =	vpush v16, $0x9  }
0x317: {  	p0 =	sne.s32 s31, $0xFC00;
	v28 =	vld [tilespmem:s26+$0x1820];
	(v2sf) =	vpush v16, $0x3  }
.Ltmp9:
0x318: {  	v24 =	vld [tilespmem:s26+$0x1870];
	(v2sf) =	vpush v16, $0xC;
	s4 =	spop (v2sf);
	(pc) =	sbr.rel @p0 .LBB2_20-.Ltmp9, $4  }
0x319: {  	v20 =	vld [tilespmem:s26+$0x1840];
	(v2sf) =	vpush v16, $0x8;
	s25 =	smulhi.u32 $0x2AAAAAAB, s4;
	s15 =	spop (v2sf)  }
0x31a: {  	v18 =	vld [tilespmem:s26+$0x1880];
	(v2sf) =	vpush v16, $0x2;
	s28 =	smulhi.u32 $0x2AAAAAAB, s15;
	s5 =	spop (v2sf)  }
0x31b: {  	v19 =	vld [tilespmem:s26+$0x1800];
	(v2sf) =	vpush v16, $0x1;
	s1 =	smulhi.u32 $0x2AAAAAAB, s5;
	s0 =	spop (v2sf)  }
0x31c: {  	s31 =	sadd.s32 $0x400, s31;
	v17 =	vld [tilespmem:s26+$0x18C0];
	(v2sf) =	vpush v16, $0x0;
	s7 =	smulhi.u32 $0x2AAAAAAB, s0;
	s18 =	spop (v2sf)  }
0x31d: {  	_ =	sdelay $0x1  }
0x31e: {  	s5 =	sshra.s32 s5, $0x1F  }
0x31f: {  	s0 =	sshra.s32 s0, $0x1F;
	s5 =	smul.u32 $0x2AAAAAAB, s5  }
0x320: {  	s23 =	smul.u32 $0x2AAAAAAB, s0;
	s8 =	spop (v2sf)  }
0x321: {  	s9 =	spop (v2sf);
	s10 =	smulhi.u32 $0x2AAAAAAB, s8  }
0x322: {  	v35 =	vld [tilespmem:s26+$0x1890];
	s8 =	sshra.s32 s8, $0x1F;
	s12 =	smulhi.u32 $0x2AAAAAAB, s9  }
0x323: {  	v37 =	vld [tilespmem:s26+$0x1810];
	s2 =	spop (v2sf);
	s8 =	smul.u32 $0x2AAAAAAB, s8;
	s9 =	sshra.s32 s9, $0x1F  }
0x324: {  	v38 =	vld [tilespmem:s26+$0x1850];
	s26 =	sshra.s32 s4, $0x1F;
	s11 =	spop (v2sf);
	s9 =	smul.u32 $0x2AAAAAAB, s9  }
0x325: {  	s0 =	sadd.s32 s5, s1;
	s13 =	spop (v2sf);
	s14 =	smulhi.u32 $0x2AAAAAAB, s11  }
0x326: {  	s7 =	sadd.s32 s23, s7;
	s24 =	sshra.s32 s11, $0x1F;
	s16 =	smulhi.u32 $0x2AAAAAAB, s13  }
0x327: {  	v29 =	vperm.xlane v29, v2;
	s6 =	spop (v2sf);
	s11 =	smul.u32 $0x2AAAAAAB, s24;
	s29 =	sshra.s32 s13, $0x1F  }
0x328: {  	v28 =	vperm.xlane v28, v3;
	v26 =	vperm.xlane v26, v5;
	s23 =	sshra.s32 s15, $0x1F;
	s17 =	spop (v2sf);
	s13 =	smul.u32 $0x2AAAAAAB, s29  }
0x329: {  	v21 =	vperm.xlane v21, v5;
	v22 =	vperm.xlane v22, v5;
	s8 =	sadd.s32 s8, s10;
	s19 =	smulhi.u32 $0x2AAAAAAB, s17;
	s20 =	spop (v2sf)  }
0x32a: {  	v23 =	vperm.xlane v23, v3;
	v45 =	vperm.xlane v27, v3;
	s9 =	sadd.s32 s9, s12;
	s30 =	sshra.s32 s17, $0x1F;
	s21 =	smulhi.u32 $0x2AAAAAAB, s20  }
0x32b: {  	v24 =	vperm.xlane v24, v5;
	v17 =	vsel vm0, v17, v29;
	v37 =	vperm.xlane v37, v2;
	s11 =	sadd.s32 s11, s14;
	s22 =	spop (v2sf);
	s1 =	smul.u32 $0x2AAAAAAB, s30  }
0x32c: {  	v35 =	vperm.xlane v35, v2;
	v38 =	vperm.xlane v38, v2;
	v17 =	vsel vm1, v17, v23;
	s17 =	sshra.s32 s20, $0x1F;
	s13 =	sadd.s32 s13, s16;
	s3 =	smulhi.u32 $0x2AAAAAAB, s22  }
0x32d: {  	v25 =	vperm.xlane v25, v3;
	v17 =	vsel vm2, v17, v21;
	v19 =	vsel vm0, v19, v37;
	s16 =	sshrl.u32 s7, $0x1;
	s24 =	spop (v2sf);
	s12 =	smul.u32 $0x2AAAAAAB, s17  }
0x32e: {  	v18 =	vsel vm0, v18, v35;
	v20 =	vsel vm0, v20, v38;
	v19 =	vsel vm1, v19, v28;
	s29 =	sshra.s32 s22, $0x1F;
	s22 =	sshrl.u32 s13, $0x1;
	s17 =	smulhi.u32 $0x2AAAAAAB, s18  }
0x32f: {  	v52 =	vperm.xlane v17, v6;
	v20 =	vsel vm1, v20, v45;
	v19 =	vsel vm2, v19, v26;
	s5 =	smulhi.u32 $0x2AAAAAAB, s24;
	s31 =	spop (v2sf);
	s24 =	sshra.s32 s24, $0x1F  }
0x330: {  	v18 =	vsel vm1, v18, v25;
	v20 =	vsel vm2, v20, v24;
	v48 =	vperm.xlane v19, v6;
	s1 =	sadd.s32 s1, s19;
	s20 =	smulhi.u32 $0x2AAAAAAB, s31;
	s10 =	sshra.s32 s31, $0x1F  }
0x331: {  	v18 =	vsel vm2, v18, v22;
	v50 =	vperm.xlane v20, v6;
	s14 =	smul.u32 $0x2AAAAAAB, s24;
	s12 =	sadd.s32 s12, s21;
	s19 =	sshrl.u32 s1, $0x1F  }
0x332: {  	v17 =	vsub.s32 v52, v17;
	v51 =	vperm.xlane v18, v6;
	v19 =	vsub.s32 v48, v19;
	s1 =	sshrl.u32 s1, $0x1;
	s21 =	smul.u32 $0x2AAAAAAB, s29;
	s24 =	sshrl.u32 s8, $0x1F  }
0x333: {  	v20 =	vsub.s32 v50, v20;
	v23 =	vperm.xlane v19, v4;
	v19 =	vperm.xlane v19, v7;
	s29 =	sshrl.u32 s9, $0x1F;
	s8 =	sshrl.u32 s8, $0x1;
	s9 =	sshrl.u32 s9, $0x1  }
0x334: {  	v18 =	vsub.s32 v51, v18;
	v55 =	vperm.xlane v20, v4;
	v20 =	vperm.xlane v20, v7;
	s10 =	smul.u32 $0x2AAAAAAB, s10;
	s30 =	sshrl.u32 s12, $0x1F;
	s12 =	sshrl.u32 s12, $0x1  }
0x335: {  	v58 =	vperm.xlane v18, v4;
	v30 =	vmov s19;
	s19 =	sshrl.u32 s11, $0x1F;
	v33 =	vmov s1;
	s11 =	sshrl.u32 s11, $0x1;
	s5 =	sadd.s32 s14, s5  }
0x336: {  	v18 =	vperm.xlane v18, v7;
	v34 =	vmov s12;
	v33 =	vsel vm3, s11, v33;
	s1 =	sadd.s32 s21, s3;
	s11 =	smulhi.u32 $0x2AAAAAAB, s6;
	s12 =	sshra.s32 s6, $0x1F  }
0x337: {  	v59 =	vsel vm0, v23, v55;
	v19 =	vsel vm0, v19, v20;
	v30 =	vsel vm3, s19, v30;
	s14 =	smulhi.u32 $0x2AAAAAAB, s2;
	s2 =	sshra.s32 s2, $0x1F;
	s19 =	sshra.s32 s18, $0x1F  }
0x338: {  	v20 =	vperm.xlane v17, v4;
	v17 =	vperm.xlane v17, v7;
	v31 =	vmov s30;
	s10 =	sadd.s32 s10, s20;
	s20 =	sshrl.u32 s13, $0x1F;
	s30 =	sshrl.u32 s5, $0x1F  }
0x339: {  	v22 =	vsel vm1, v59, v58;
	v34 =	vsel vm3, s22, v34;
	v30 =	vsel vm4, s24, v30;
	s3 =	smul.u32 $0x2AAAAAAB, s12;
	s31 =	sshrl.u32 s10, $0x1F;
	s10 =	sshrl.u32 s10, $0x1  }
0x33a: {  	v33 =	vsel vm4, s8, v33;
	s5 =	sshrl.u32 s5, $0x1;
	s2 =	smul.u32 $0x2AAAAAAB, s2;
	v34 =	vsel vm4, s9, v34;
	s9 =	sshrl.u32 s7, $0x1F;
	v36 =	vmov s10  }
0x33b: {  	v31 =	vsel vm3, s20, v31;
	s20 =	smul.u32 $0x2AAAAAAB, s19;
	v32 =	vmov s31;
	s31 =	sshrl.u32 s0, $0x1F;
	s0 =	sshrl.u32 s0, $0x1;
	v36 =	vnsel vm7, $0x0, v36  }
0x33c: {  	s10 =	sshrl.u32 s1, $0x1F;
	s1 =	sshrl.u32 s1, $0x1;
	v32 =	vnsel vm7, $0x0, v32;
	v33 =	vsel vm5, s0, v33;
	s0 =	sadd.s32 s3, s11;
	v36 =	vsel vm3, s5, v36  }
0x33d: {  	v31 =	vsel vm4, s29, v31;
	v32 =	vsel vm3, s30, v32;
	s13 =	sshrl.u32 s0, $0x1F;
	s0 =	sshrl.u32 s0, $0x1;
	v46 =	vsel vm4, s1, v36;
	s1 =	sadd.s32 s2, s14  }
0x33e: {  	v49 =	vsel vm5, s16, v34;
	v30 =	vsel vm5, s31, v30;
	v32 =	vsel vm4, s10, v32;
	s21 =	sshrl.u32 s1, $0x1F;
	s22 =	sshrl.u32 s1, $0x1;
	s1 =	smul.u32 $0x2AAAAAAB, s23  }
0x33f: {  	v31 =	vsel vm5, s9, v31;
	s2 =	sadd.s32 s20, s17;
	v47 =	vsel vm5, s13, v32;
	v53 =	vsel vm5, s0, v46;
	s0 =	smul.u32 $0x2AAAAAAB, s26  }
0x340: {  	v60 =	vcombine.low v31, v30;
	s24 =	sshrl.u32 s2, $0x1F;
	s2 =	sshrl.u32 s2, $0x1;
	v54 =	vsel vm8, s21, v47;
	v56 =	vsel vm8, s22, v53;
	s1 =	sadd.s32 s1, s28  }
0x341: {  	v24 =	vcombine.low v49, v33;
	v57 =	vsel vm14, s24, v54;
	s0 =	sadd.s32 s0, s25;
	v21 =	vsel vm14, s2, v56;
	s29 =	sshrl.u32 s1, $0x1F;
	s1 =	sshrl.u32 s1, $0x1  }
0x342: {  	v23 =	vperm.xlane v60, v9;
	s30 =	sshrl.u32 s0, $0x1F;
	s0 =	sshrl.u32 s0, $0x1;
	v25 =	vsel vm10, s29, v57;
	v21 =	vsel vm10, s1, v21  }
0x343: {  	v24 =	vperm.xlane v24, v9;
	v25 =	vsel vm9, s30, v25;
	v21 =	vsel vm9, s0, v21  }
0x344: {  	v18 =	vsel vm1, v19, v18;
	v19 =	vperm.xlane v25, v10;
	v21 =	vperm.xlane v21, v10  }
0x345: {  	v20 =	vsel vm2, v22, v20;
	v17 =	vsel vm2, v18, v17  }
0x346: {  	vm6 =	vlt.s32 v8, v20;
	v18 =	vsel vm1, v19, v23;
	v19 =	vsel vm1, v21, v24  }
0x347: {  	vm11 =	vlt.s32 v17, $0x2;
	v61 =	vsub.s32 $0x0, v20;
	v18 =	vadd.s32 v18, v19  }
0x348: {  	v62 =	vsel vm6, $0x4, v12;
	v20 =	vmin.u32 v20, v61;
	v18 =	vmul.u32 $0xC, v18  }
0x349: {  	v63 =	vsel vm11, $0x2, v13;
	vm13 =	vgt.s32 v20, $0x1A;
	v19 =	vsub.s32 $0x0, v17  }
0x34a: {  	v17 =	vmin.u32 v17, v19;
	v19 =	vsel vm6, $0x3, v11;
	v16 =	vsub.s32 v16, v18  }
0x34b: {  	vm11 =	vlt.s32 v17, $0x3;
	vm12 =	vlt.s32 v16, $0x0;
	v17 =	vadd.s32 $0xC, v16  }
0x34c: {  	vm6 =	vlt.s32 v20, $0x17;
	v18 =	vadd.s32 $0xFFFFFFE9, v20;
	v16 =	vsel vm12, v17, v16  }
0x34d: {  	s31 =	rddreg [dreg:$0x1e];
	vm6 =	vmand vm6, vm11;
	vm12 =	vmand vm13, vm11;
	vm13 =	vlt.s32 v16, $0x4  }
0x34e: {  	v17 =	vsel vm12, v19, v63;
	v19 =	vmov s31;
	v16 =	vmul.u32 $0x80, v0  }
0x34f: {  	vm12 =	vlt.u32 v18, $0x4;
	v18 =	vsel vm6, v62, v17;
	v17 =	vshll.u32 v19, $0x7  }
0x350: {  	vm6 =	vmand vm11, vm12;
	v19 =	vsel vm13, $0x1, v8;
	v17 =	vor.u32 v16, v17  }
0x351: {  	s0 =	simm.s32 $0x0;
	v18 =	vsel vm6, v19, v18;
	v19 =	vor.u32 $0x23, v17  }
0x352: {  	v18 =	vshll.u32 v14, v18;
	v20 =	vor.u32 $0x20, v17;
	[tilespmem:s0+$0x1B000] =	vst v19  }
0x353: {  	s2 =	sadd.s32 $0x10, s31;
	s1 =	simm.s32 $0x40;
	v15 =	vor.u32 v15, v18;
	v19 =	vor.u32 $0x21, v17;
	v18 =	vor.u32 $0x22, v17;
	[tilespmem:s0+$0x19800] =	vst v20  }
.LBB2_22:
0x354: {  	v20 =	vmov s2;
	p0 =	sne.s32 s1, $0x1FC0;
	[tilespmem:s0+$0x1A000] =	vst v19;
	s3 =	smov.u32 s1;
	s1 =	sadd.s32 $0x40, s1  }
.Ltmp10:
0x355: {  	v19 =	vshll.u32 v20, $0x7;
	[tilespmem:s0+$0x1A800] =	vst v18;
	(pc) =	sbr.rel @p0 .LBB2_22-.Ltmp10, $4  }
0x356: {  	[tilespmem:s0+$0x1B800] =	vst v17;
	v17 =	vor.u32 v16, v19  }
0x357: {  	s0 =	sshra.s32 s3, $0x2;
	v20 =	vor.u32 $0x20, v17;
	v19 =	vor.u32 $0x21, v17;
	v21 =	vor.u32 $0x23, v17  }
0x358: {  	v18 =	vor.u32 $0x22, v17;
	[tilespmem:s0+$0x1B000] =	vst v21  }
0x359: {  	s2 =	sadd.s32 $0x10, s2;
	[tilespmem:s0+$0x19800] =	vst v20  }
0x35a: {  	[tilespmem:s0+$0x1A000] =	vst v19  }
0x35b: {  	[tilespmem:s0+$0x1A800] =	vst v18;
	s19 =	rddreg [dreg:$0x1]  }
0x35c: {  	[tilespmem:s0+$0x1B800] =	vst v17;
	s1 =	simm.s32 $0x800;
	s2 =	simm.s32 $0x19800;
	s3 =	simm.s32 $0x1C000  }
0x35d: {  	[tilespmem:s3], [sflag:$0x2] =	stream.indirect.gather [hbm4b:s19+s1], $0x1, s2, s1, $0xb8;
	[tilespmem:$0x1E810] =	vst v63  }
0x35e: {  	s20 =	simm.s32 $0x1A000;
	s21 =	simm.s32 $0x1C800  }
0x35f: {  	[tilespmem:s21], [sflag:$0x2] =	stream.indirect.gather [hbm4b:s19+s1], $0x1, s20, s1, $0xb8;
	[tilespmem:$0x1E810] =	vst v63  }
0x360: {  	s22 =	simm.s32 $0x1A800;
	s23 =	simm.s32 $0x1D000  }
0x361: {  	[tilespmem:s23], [sflag:$0x2] =	stream.indirect.gather [hbm4b:s19+s1], $0x1, s22, s1, $0xb8;
	[tilespmem:$0x1E810] =	vst v63  }
0x362: {  	s24 =	simm.s32 $0x1B000;
	s25 =	simm.s32 $0x1D800  }
0x363: {  	[tilespmem:s25], [sflag:$0x2] =	stream.indirect.gather [hbm4b:s19+s1], $0x1, s24, s1, $0xb8;
	[tilespmem:$0x1E810] =	vst v63  }
0x364: {  	s26 =	simm.s32 $0x1B800;
	s29 =	simm.s32 $0x1E000;
	s30 =	simm.s32 $0x1  }
0x365: {  	[tilespmem:s29], [sflag:$0x2] =	stream.indirect.gather [hbm4b:s19+s1], $0x1, s26, s1, $0xb8;
	[tilespmem:$0x1E810] =	vst v63  }
0x366: {  	_ =	swait.ge [sflag:s30], $0x4000  }
0x367: {  	[sflag:s30] =	ssyncset.done $0x0  }
0x368: {  	[sflag:s30] =	ssyncadd.s32 $0xFFFFC000  }
0x369: {  	_ =	swait.ge [sflag:s30], $0x4000  }
0x36a: {  	[sflag:s30] =	ssyncset.done $0x0  }
0x36b: {  	s26 =	simm.s32 $0x0;
	[sflag:s30] =	ssyncadd.s32 $0xFFFFC000  }
0x36c: {  	v16 =	vld [tilespmem:s26+$0x118C0]  }
0x36d: {  	v17 =	vld [tilespmem:s26+$0x118F0]  }
0x36e: {  	v18 =	vld [tilespmem:s26+$0x118B0]  }
0x36f: {  	v19 =	vld [tilespmem:s26+$0x118E0]  }
0x370: {  	v20 =	vld [tilespmem:s26+$0x11830]  }
0x371: {  	v21 =	vld [tilespmem:s26+$0x11870]  }
0x372: {  	v22 =	vld [tilespmem:s26+$0x118A0]  }
0x373: {  	v23 =	vld [tilespmem:s26+$0x118D0]  }
0x374: {  	v24 =	vld [tilespmem:s26+$0x11820]  }
0x375: {  	v25 =	vld [tilespmem:s26+$0x11860]  }
0x376: {  	v26 =	vld [tilespmem:s26+$0x11890]  }
0x377: {  	v27 =	vld [tilespmem:s26+$0x11810]  }
0x378: {  	v28 =	vld [tilespmem:s26+$0x11850]  }
0x379: {  	v29 =	vld [tilespmem:s26+$0x11880]  }
0x37a: {  	v30 =	vld [tilespmem:s26+$0x11800];
	v17 =	vperm.xlane v17, v5;
	v18 =	vperm.xlane v18, v5  }
0x37b: {  	v31 =	vld [tilespmem:s26+$0x11840];
	v19 =	vperm.xlane v19, v3;
	v20 =	vperm.xlane v20, v5  }
0x37c: {  	v21 =	vperm.xlane v21, v5;
	v22 =	vperm.xlane v22, v3  }
0x37d: {  	v23 =	vperm.xlane v23, v2;
	v27 =	vperm.xlane v27, v2  }
0x37e: {  	v26 =	vperm.xlane v26, v2;
	v28 =	vperm.xlane v28, v2  }
0x37f: {  	v16 =	vsel vm0, v16, v23;
	v23 =	vperm.xlane v24, v3;
	v24 =	vperm.xlane v25, v3  }
0x380: {  	v25 =	vsel vm0, v30, v27;
	v26 =	vsel vm0, v29, v26;
	v27 =	vsel vm0, v31, v28  }
0x381: {  	v22 =	vsel vm1, v26, v22;
	v23 =	vsel vm1, v25, v23;
	v24 =	vsel vm1, v27, v24  }
0x382: {  	v16 =	vsel vm1, v16, v19;
	v19 =	vsel vm2, v23, v20;
	v20 =	vsel vm2, v24, v21  }
0x383: {  	v18 =	vsel vm2, v22, v18;
	v19 =	vperm.xlane v19, v4;
	v20 =	vperm.xlane v20, v4  }
0x384: {  	v16 =	vsel vm2, v16, v17;
	v18 =	vperm.xlane v18, v4  }
0x385: {  	v16 =	vperm.xlane v16, v4;
	v17 =	vsel vm0, v19, v20  }
0x386: {  	v17 =	vsel vm1, v17, v18  }
0x387: {  	v16 =	vsel vm2, v17, v16  }
0x388: {  	(v2sf) =	vpush v16, $0x7  }
0x389: {  	(v2sf) =	vpush v16, $0x6  }
0x38a: {  	(v2sf) =	vpush v16, $0xF  }
0x38b: {  	(v2sf) =	vpush v16, $0xB  }
0x38c: {  	(v2sf) =	vpush v16, $0x5;
	_ =	sdelay $0x2  }
0x38d: {  	v28 =	vld [tilespmem:s26+$0x58D0]  }
0x38e: {  	v29 =	vld [tilespmem:s26+$0x5820]  }
0x38f: {  	v26 =	vld [tilespmem:s26+$0x5870];
	(v2sf) =	vpush v16, $0xE  }
0x390: {  	v22 =	vld [tilespmem:s26+$0x58B0];
	(v2sf) =	vpush v16, $0xA  }
0x391: {  	v27 =	vld [tilespmem:s26+$0x58A0];
	(v2sf) =	vpush v16, $0x4  }
0x392: {  	v25 =	vld [tilespmem:s26+$0x5860];
	(v2sf) =	vpush v16, $0xD  }
0x393: {  	v23 =	vld [tilespmem:s26+$0x58E0];
	(v2sf) =	vpush v16, $0x9  }
0x394: {  	v24 =	vld [tilespmem:s26+$0x5830];
	(v2sf) =	vpush v16, $0x3  }
0x395: {  	v21 =	vld [tilespmem:s26+$0x5840];
	(v2sf) =	vpush v16, $0xC;
	s4 =	spop (v2sf)  }
0x396: {  	v19 =	vld [tilespmem:s26+$0x58F0];
	(v2sf) =	vpush v16, $0x8;
	s25 =	smulhi.u32 $0x2AAAAAAB, s4;
	s15 =	spop (v2sf)  }
0x397: {  	v20 =	vld [tilespmem:s26+$0x5800];
	(v2sf) =	vpush v16, $0x2;
	s28 =	smulhi.u32 $0x2AAAAAAB, s15;
	s5 =	spop (v2sf)  }
0x398: {  	v18 =	vld [tilespmem:s26+$0x5880];
	(v2sf) =	vpush v16, $0x1;
	s17 =	smulhi.u32 $0x2AAAAAAB, s5;
	s1 =	spop (v2sf)  }
0x399: {  	s31 =	simm.s32 $0x400;
	v17 =	vld [tilespmem:s26+$0x58C0];
	(v2sf) =	vpush v16, $0x0;
	s7 =	smulhi.u32 $0x2AAAAAAB, s1;
	s18 =	spop (v2sf)  }
.LBB2_24:
0x39a: {  	v30 =	vld [tilespmem:s26+$0x5890]  }
0x39b: {  	s0 =	smulhi.u32 $0x2AAAAAAB, s18;
	v31 =	vld [tilespmem:s26+$0x5810];
	s4 =	sshra.s32 s4, $0x1F  }
0x39c: {  	v32 =	vld [tilespmem:s26+$0x5850];
	s26 =	sshra.s32 s31, $0x2;
	s15 =	sshra.s32 s15, $0x1F;
	s4 =	smul.u32 $0x2AAAAAAB, s4  }
0x39d: {  	s19 =	sshra.s32 s5, $0x1F;
	v33 =	vld [tilespmem:s26+$0x118C0];
	s5 =	smul.u32 $0x2AAAAAAB, s15  }
0x39e: {  	s1 =	sshra.s32 s1, $0x1F;
	v34 =	vld [tilespmem:s26+$0x118F0];
	s19 =	smul.u32 $0x2AAAAAAB, s19  }
0x39f: {  	s18 =	sshra.s32 s18, $0x1F;
	[dreg:$0x5] =	wrdreg s28;
	v35 =	vld [tilespmem:s26+$0x118B0];
	s15 =	smul.u32 $0x2AAAAAAB, s1  }
0x3a0: {  	v36 =	vld [tilespmem:s26+$0x118E0];
	s1 =	smul.u32 $0x2AAAAAAB, s18;
	s16 =	spop (v2sf)  }
0x3a1: {  	v37 =	vld [tilespmem:s26+$0x11830];
	v39 =	vperm.xlane v19, v5;
	v41 =	vperm.xlane v22, v5;
	s9 =	smulhi.u32 $0x2AAAAAAB, s16;
	s28 =	spop (v2sf)  }
0x3a2: {  	v38 =	vld [tilespmem:s26+$0x11870];
	v42 =	vperm.xlane v23, v3;
	v44 =	vperm.xlane v24, v5;
	s16 =	sshra.s32 s16, $0x1F;
	s11 =	smulhi.u32 $0x2AAAAAAB, s28  }
0x3a3: {  	v40 =	vld [tilespmem:s26+$0x118A0];
	v45 =	vperm.xlane v26, v5;
	v47 =	vperm.xlane v27, v3;
	s29 =	spop (v2sf);
	s16 =	smul.u32 $0x2AAAAAAB, s16  }
0x3a4: {  	v43 =	vld [tilespmem:s26+$0x118D0];
	v48 =	vperm.xlane v28, v2;
	v49 =	vperm.xlane v29, v3;
	s18 =	sshra.s32 s28, $0x1F;
	s10 =	smulhi.u32 $0x2AAAAAAB, s29  }
0x3a5: {  	v46 =	vld [tilespmem:s26+$0x11820];
	v50 =	vperm.xlane v25, v3;
	v31 =	vperm.xlane v31, v2;
	s30 =	spop (v2sf);
	s18 =	smul.u32 $0x2AAAAAAB, s18  }
0x3a6: {  	[dreg:$0xc] =	wrdreg s25;
	v51 =	vld [tilespmem:s26+$0x11810];
	v30 =	vperm.xlane v30, v2;
	v32 =	vperm.xlane v32, v2;
	s28 =	sshra.s32 s29, $0x1F;
	s13 =	smulhi.u32 $0x2AAAAAAB, s30  }
0x3a7: {  	v57 =	vld [tilespmem:s26+$0x11850];
	v19 =	vperm.xlane v34, v5;
	v22 =	vperm.xlane v35, v5;
	s25 =	spop (v2sf);
	s28 =	smul.u32 $0x2AAAAAAB, s28  }
0x3a8: {  	v59 =	vld [tilespmem:s26+$0x11800];
	v25 =	vperm.xlane v36, v3;
	v23 =	vperm.xlane v37, v5;
	s30 =	sshra.s32 s30, $0x1F;
	s20 =	smulhi.u32 $0x2AAAAAAB, s25  }
0x3a9: {  	v28 =	vld [tilespmem:s26+$0x11860];
	v24 =	vperm.xlane v38, v5;
	v26 =	vperm.xlane v40, v3;
	s24 =	spop (v2sf);
	s29 =	smul.u32 $0x2AAAAAAB, s30  }
0x3aa: {  	[dreg:$0xa] =	wrdreg s0;
	v29 =	vld [tilespmem:s26+$0x11890];
	v60 =	vperm.xlane v43, v2;
	v27 =	vperm.xlane v46, v3;
	s25 =	sshra.s32 s25, $0x1F;
	s12 =	smulhi.u32 $0x2AAAAAAB, s24  }
0x3ab: {  	v61 =	vperm.xlane v51, v2;
	v63 =	vsel vm0, v17, v48;
	v30 =	vsel vm0, v18, v30;
	s3 =	spop (v2sf);
	s25 =	smul.u32 $0x2AAAAAAB, s25  }
0x3ac: {  	s7 =	sadd.s32 s15, s7;
	v31 =	vsel vm0, v20, v31;
	v21 =	vsel vm0, v21, v32;
	v42 =	vsel vm1, v63, v42;
	s24 =	sshra.s32 s24, $0x1F;
	s22 =	smulhi.u32 $0x2AAAAAAB, s3  }
0x3ad: {  	v17 =	vsel vm0, v33, v60;
	v18 =	vsel vm0, v59, v61;
	v31 =	vsel vm1, v31, v49;
	s9 =	sadd.s32 s16, s9;
	s14 =	spop (v2sf);
	s24 =	smul.u32 $0x2AAAAAAB, s24  }
0x3ae: {  	v58 =	vld [tilespmem:s26+$0x11880];
	v21 =	vsel vm1, v21, v50;
	v30 =	vsel vm1, v30, v47;
	s16 =	sshrl.u32 s7, $0x1;
	v28 =	vperm.xlane v28, v3;
	s3 =	sshra.s32 s3, $0x1F;
	s6 =	smulhi.u32 $0x2AAAAAAB, s14  }
0x3af: {  	v32 =	vsel vm2, v42, v39;
	v62 =	vperm.xlane v29, v2;
	v29 =	vperm.xlane v57, v2;
	s11 =	sadd.s32 s18, s11;
	s0 =	spop (v2sf);
	s30 =	smul.u32 $0x2AAAAAAB, s3  }
0x3b0: {  	v31 =	vsel vm2, v31, v44;
	v21 =	vsel vm2, v21, v45;
	v30 =	vsel vm2, v30, v41;
	s13 =	sadd.s32 s29, s13;
	s14 =	sshra.s32 s14, $0x1F;
	s8 =	smulhi.u32 $0x2AAAAAAB, s0  }
0x3b1: {  	v46 =	vperm.xlane v32, v6;
	v17 =	vsel vm1, v17, v25;
	v43 =	vperm.xlane v31, v6;
	s29 =	sshrl.u32 s13, $0x1F;
	s23 =	spop (v2sf);
	s14 =	smul.u32 $0x2AAAAAAB, s14  }
0x3b2: {  	v18 =	vsel vm1, v18, v27;
	v44 =	vperm.xlane v21, v6;
	v45 =	vperm.xlane v30, v6;
	s18 =	sshrl.u32 s13, $0x1;
	s0 =	sshra.s32 s0, $0x1F;
	s2 =	smulhi.u32 $0x2AAAAAAB, s23  }
0x3b3: {  	v18 =	vsel vm2, v18, v23;
	v20 =	vsel vm0, v58, v62;
	v31 =	vsub.s32 v43, v31;
	s21 =	spop (v2sf);
	s3 =	sshra.s32 s23, $0x1F;
	s23 =	smul.u32 $0x2AAAAAAB, s0  }
0x3b4: {  	v21 =	vsub.s32 v44, v21;
	v47 =	vperm.xlane v31, v4;
	v31 =	vperm.xlane v31, v7;
	s0 =	sshra.s32 s21, $0x1F;
	[dreg:$0x1c] =	wrdreg s2;
	s2 =	smulhi.u32 $0x2AAAAAAB, s21  }
0x3b5: {  	v30 =	vsub.s32 v45, v30;
	v34 =	vperm.xlane v21, v4;
	v21 =	vperm.xlane v21, v7;
	s14 =	sadd.s32 s14, s6;
	s6 =	sadd.s32 s24, s12;
	s21 =	smul.u32 $0x2AAAAAAB, s3  }
0x3b6: {  	v32 =	vsub.s32 v46, v32;
	v33 =	vperm.xlane v30, v4;
	v30 =	vperm.xlane v30, v7;
	s3 =	sadd.s32 s19, s17;
	s17 =	smul.u32 $0x2AAAAAAB, s0;
	s19 =	sadd.s32 s25, s20  }
0x3b7: {  	v34 =	vsel vm0, v47, v34;
	v21 =	vsel vm0, v31, v21;
	v31 =	vperm.xlane v32, v4;
	s0 =	sadd.s32 s28, s10;
	s20 =	sadd.s32 s30, s22;
	s24 =	sshrl.u32 s14, $0x1F  }
0x3b8: {  	v33 =	vsel vm1, v34, v33;
	v21 =	vsel vm1, v21, v30;
	v30 =	vperm.xlane v32, v7;
	s14 =	sshrl.u32 s14, $0x1;
	s8 =	sadd.s32 s23, s8;
	s15 =	sshrl.u32 s6, $0x1F  }
0x3b9: {  	s22 =	sshrl.u32 s20, $0x1F;
	v31 =	vsel vm2, v33, v31;
	v49 =	vmov s24;
	s10 =	sshrl.u32 s20, $0x1;
	s30 =	sshrl.u32 s19, $0x1F;
	v52 =	vmov s14  }
0x3ba: {  	s19 =	sshrl.u32 s19, $0x1;
	s20 =	sshrl.u32 s9, $0x1F;
	s2 =	sadd.s32 s17, s2;
	v48 =	vmov s22;
	v51 =	vmov s10;
	v33 =	vsel vm3, s30, v49  }
0x3bb: {  	s22 =	sshrl.u32 s11, $0x1F;
	v36 =	vsel vm3, s19, v52;
	s25 =	sshrl.u32 s2, $0x1F;
	s2 =	sshrl.u32 s2, $0x1;
	v32 =	vsel vm3, s29, v48;
	v35 =	vsel vm3, s18, v51  }
0x3bc: {  	s23 =	rddreg [dreg:$0x1c];
	s9 =	sshrl.u32 s9, $0x1;
	s30 =	sshrl.u32 s7, $0x1F;
	v33 =	vsel vm4, s22, v33;
	v50 =	vmov s25;
	v53 =	vmov s2  }
0x3bd: {  	s13 =	sshrl.u32 s8, $0x1F;
	s14 =	sadd.s32 s21, s23;
	v32 =	vsel vm4, s20, v32;
	s25 =	sshrl.u32 s11, $0x1;
	v35 =	vsel vm4, s9, v35;
	v33 =	vsel vm5, s30, v33  }
0x3be: {  	s24 =	sshrl.u32 s14, $0x1F;
	s29 =	sshrl.u32 s3, $0x1F;
	s10 =	sshrl.u32 s14, $0x1;
	v34 =	vnsel vm7, $0x0, v50;
	v37 =	vnsel vm7, $0x0, v53;
	v36 =	vsel vm4, s25, v36  }
0x3bf: {  	s19 =	rddreg [dreg:$0xa];
	s3 =	sshrl.u32 s3, $0x1;
	s14 =	sshrl.u32 s8, $0x1;
	v32 =	vsel vm5, s29, v32;
	v34 =	vsel vm3, s24, v34;
	v37 =	vsel vm3, s10, v37  }
0x3c0: {  	s17 =	sshrl.u32 s6, $0x1;
	s21 =	rddreg [dreg:$0x5];
	s1 =	sadd.s32 s1, s19;
	v35 =	vsel vm5, s3, v35;
	v34 =	vsel vm4, s13, v34;
	v37 =	vsel vm4, s14, v37  }
0x3c1: {  	s18 =	sshrl.u32 s0, $0x1F;
	s0 =	sshrl.u32 s0, $0x1;
	s20 =	sshrl.u32 s1, $0x1F;
	v36 =	vsel vm5, s16, v36;
	v34 =	vsel vm5, s15, v34;
	v37 =	vsel vm5, s17, v37  }
0x3c2: {  	v54 =	vld [tilespmem:s26+$0x11840];
	s22 =	sshrl.u32 s1, $0x1;
	s3 =	sadd.s32 s5, s21;
	v32 =	vcombine.low v33, v32;
	s24 =	rddreg [dreg:$0xc];
	v55 =	vsel vm8, s18, v34;
	v56 =	vsel vm8, s0, v37  }
0x3c3: {  	s23 =	sshrl.u32 s3, $0x1F;
	s25 =	sshrl.u32 s3, $0x1;
	s2 =	sadd.s32 s4, s24;
	v35 =	vcombine.low v36, v35;
	v33 =	vsel vm14, s20, v55;
	v34 =	vsel vm14, s22, v56  }
0x3c4: {  	v32 =	vperm.xlane v32, v9;
	s29 =	sshrl.u32 s2, $0x1F;
	s30 =	sshrl.u32 s2, $0x1;
	v33 =	vsel vm10, s23, v33;
	v34 =	vsel vm10, s25, v34  }
0x3c5: {  	v35 =	vperm.xlane v35, v9;
	v33 =	vsel vm9, s29, v33;
	v34 =	vsel vm9, s30, v34  }
0x3c6: {  	v21 =	vsel vm2, v21, v30;
	v30 =	vperm.xlane v33, v10;
	v57 =	vperm.xlane v34, v10  }
0x3c7: {  	v29 =	vsel vm0, v54, v29;
	vm6 =	vlt.s32 v8, v31;
	v58 =	vsub.s32 $0x0, v31  }
0x3c8: {  	vm11 =	vlt.s32 v21, $0x2;
	v30 =	vsel vm1, v30, v32;
	v59 =	vsel vm1, v57, v35  }
0x3c9: {  	v60 =	vsub.s32 $0x0, v21;
	v61 =	vsel vm6, $0x4, v12;
	v30 =	vadd.s32 v30, v59  }
0x3ca: {  	v31 =	vmin.u32 v31, v58;
	v63 =	vsel vm6, $0x3, v11;
	v30 =	vmul.u32 $0xC, v30  }
0x3cb: {  	v62 =	vsel vm11, $0x2, v13;
	v21 =	vmin.u32 v21, v60;
	vm6 =	vlt.s32 v31, $0x17  }
0x3cc: {  	vm13 =	vgt.s32 v31, $0x1A;
	vm11 =	vlt.s32 v21, $0x3;
	v16 =	vsub.s32 v16, v30  }
0x3cd: {  	v21 =	vadd.s32 $0xFFFFFFE9, v31;
	vm12 =	vlt.s32 v16, $0x0;
	v30 =	vadd.s32 $0xC, v16  }
0x3ce: {  	vm6 =	vmand vm6, vm11;
	v16 =	vsel vm12, v30, v16;
	vm12 =	vmand vm13, vm11  }
0x3cf: {  	vm13 =	vlt.s32 v16, $0x4;
	v16 =	vsel vm12, v63, v62;
	vm12 =	vlt.u32 v21, $0x4  }
0x3d0: {  	v16 =	vsel vm6, v61, v16;
	vm6 =	vmand vm11, vm12;
	v21 =	vsel vm13, $0x1, v8  }
0x3d1: {  	v20 =	vsel vm1, v20, v26;
	v16 =	vsel vm6, v21, v16;
	v21 =	vsel vm1, v29, v28  }
0x3d2: {  	v20 =	vsel vm2, v20, v22;
	v16 =	vshll.u32 v14, v16;
	v21 =	vsel vm2, v21, v24  }
0x3d3: {  	v15 =	vor.u32 v15, v16;
	v16 =	vperm.xlane v18, v4;
	v18 =	vperm.xlane v21, v4  }
0x3d4: {  	v17 =	vsel vm2, v17, v19;
	v20 =	vperm.xlane v20, v4  }
0x3d5: {  	v17 =	vperm.xlane v17, v4;
	v16 =	vsel vm0, v16, v18  }
0x3d6: {  	v16 =	vsel vm1, v16, v20  }
0x3d7: {  	v16 =	vsel vm2, v16, v17  }
0x3d8: {  	(v2sf) =	vpush v16, $0x7  }
0x3d9: {  	(v2sf) =	vpush v16, $0x6  }
0x3da: {  	(v2sf) =	vpush v16, $0xF  }
0x3db: {  	(v2sf) =	vpush v16, $0xB  }
0x3dc: {  	(v2sf) =	vpush v16, $0x5;
	_ =	sdelay $0x2  }
0x3dd: {  	v27 =	vld [tilespmem:s26+$0x58A0]  }
0x3de: {  	v25 =	vld [tilespmem:s26+$0x5860]  }
0x3df: {  	v19 =	vld [tilespmem:s26+$0x58F0];
	(v2sf) =	vpush v16, $0xE  }
0x3e0: {  	v23 =	vld [tilespmem:s26+$0x58E0];
	(v2sf) =	vpush v16, $0xA  }
0x3e1: {  	v26 =	vld [tilespmem:s26+$0x5870];
	(v2sf) =	vpush v16, $0x4  }
0x3e2: {  	v22 =	vld [tilespmem:s26+$0x58B0];
	(v2sf) =	vpush v16, $0xD  }
0x3e3: {  	v28 =	vld [tilespmem:s26+$0x58D0];
	(v2sf) =	vpush v16, $0x9  }
0x3e4: {  	p0 =	sne.s32 s31, $0xFC00;
	v29 =	vld [tilespmem:s26+$0x5820];
	(v2sf) =	vpush v16, $0x3  }
.Ltmp11:
0x3e5: {  	v24 =	vld [tilespmem:s26+$0x5830];
	(v2sf) =	vpush v16, $0xC;
	s4 =	spop (v2sf);
	(pc) =	sbr.rel @p0 .LBB2_24-.Ltmp11, $4  }
0x3e6: {  	v21 =	vld [tilespmem:s26+$0x5840];
	(v2sf) =	vpush v16, $0x8;
	s25 =	smulhi.u32 $0x2AAAAAAB, s4;
	s15 =	spop (v2sf)  }
0x3e7: {  	v18 =	vld [tilespmem:s26+$0x5880];
	(v2sf) =	vpush v16, $0x2;
	s28 =	smulhi.u32 $0x2AAAAAAB, s15;
	s5 =	spop (v2sf)  }
0x3e8: {  	v20 =	vld [tilespmem:s26+$0x5800];
	(v2sf) =	vpush v16, $0x1;
	s17 =	smulhi.u32 $0x2AAAAAAB, s5;
	s1 =	spop (v2sf)  }
0x3e9: {  	s31 =	sadd.s32 $0x400, s31;
	v17 =	vld [tilespmem:s26+$0x58C0];
	(v2sf) =	vpush v16, $0x0;
	s7 =	smulhi.u32 $0x2AAAAAAB, s1;
	s18 =	spop (v2sf)  }
0x3ea: {  	_ =	sdelay $0x3  }
0x3eb: {  	s3 =	spop (v2sf)  }
0x3ec: {  	s6 =	spop (v2sf)  }
0x3ed: {  	s0 =	spop (v2sf)  }
0x3ee: {  	s9 =	spop (v2sf)  }
0x3ef: {  	s10 =	spop (v2sf)  }
0x3f0: {  	s8 =	spop (v2sf)  }
0x3f1: {  	s11 =	spop (v2sf)  }
0x3f2: {  	s13 =	spop (v2sf)  }
0x3f3: {  	s2 =	spop (v2sf)  }
0x3f4: {  	s20 =	smulhi.u32 $0x2AAAAAAB, s13;
	s13 =	sshra.s32 s13, $0x1F;
	s19 =	spop (v2sf)  }
0x3f5: {  	v32 =	vld [tilespmem:s26+$0x5890];
	s13 =	smul.u32 $0x2AAAAAAB, s13;
	s21 =	spop (v2sf)  }
0x3f6: {  	v35 =	vld [tilespmem:s26+$0x5810];
	s22 =	smulhi.u32 $0x2AAAAAAB, s21;
	s21 =	sshra.s32 s21, $0x1F  }
0x3f7: {  	v37 =	vld [tilespmem:s26+$0x5850];
	v19 =	vperm.xlane v19, v5;
	v22 =	vperm.xlane v22, v5;
	s21 =	smul.u32 $0x2AAAAAAB, s21  }
0x3f8: {  	v23 =	vperm.xlane v23, v3;
	v24 =	vperm.xlane v24, v5  }
0x3f9: {  	v26 =	vperm.xlane v26, v5;
	v28 =	vperm.xlane v28, v2;
	s5 =	sshra.s32 s5, $0x1F;
	s20 =	sadd.s32 s13, s20;
	s13 =	sadd.s32 s21, s22  }
0x3fa: {  	v27 =	vperm.xlane v27, v3;
	v29 =	vperm.xlane v29, v3;
	s5 =	smul.u32 $0x2AAAAAAB, s5;
	s29 =	sshrl.u32 s13, $0x1F  }
0x3fb: {  	v17 =	vsel vm0, v17, v28;
	s23 =	smulhi.u32 $0x2AAAAAAB, s3;
	v35 =	vperm.xlane v35, v2;
	v33 =	vmov s29;
	s29 =	simm.s32 $0x1  }
0x3fc: {  	v32 =	vperm.xlane v32, v2;
	v37 =	vperm.xlane v37, v2;
	v17 =	vsel vm1, v17, v23;
	s12 =	smulhi.u32 $0x2AAAAAAB, s9;
	s9 =	sshra.s32 s9, $0x1F;
	_ =	swait.ge [sflag:s29], $0x4000  }
0x3fd: {  	v25 =	vperm.xlane v25, v3;
	v17 =	vsel vm2, v17, v19;
	v20 =	vsel vm0, v20, v35;
	s9 =	smul.u32 $0x2AAAAAAB, s9;
	[sflag:s29] =	ssyncset.done $0x0  }
0x3fe: {  	v18 =	vsel vm0, v18, v32;
	v21 =	vsel vm0, v21, v37;
	v20 =	vsel vm1, v20, v29;
	s16 =	smulhi.u32 $0x2AAAAAAB, s11;
	s11 =	sshra.s32 s11, $0x1F;
	[sflag:s29] =	ssyncadd.s32 $0xFFFFC000  }
0x3ff: {  	v28 =	vperm.xlane v17, v6;
	v21 =	vsel vm1, v21, v25;
	v20 =	vsel vm2, v20, v24;
	s9 =	sadd.s32 s9, s12;
	s11 =	smul.u32 $0x2AAAAAAB, s11;
	_ =	swait.ge [sflag:s29], $0x4000  }
0x400: {  	v18 =	vsel vm1, v18, v27;
	v21 =	vsel vm2, v21, v26;
	v25 =	vperm.xlane v20, v6;
	s26 =	sshra.s32 s19, $0x1F;
	s12 =	sshrl.u32 s20, $0x1;
	[sflag:s29] =	ssyncset.done $0x0  }
0x401: {  	v18 =	vsel vm2, v18, v22;
	v23 =	vperm.xlane v21, v6;
	v36 =	vmov s12;
	s12 =	smul.u32 $0x2AAAAAAB, s26;
	s26 =	simm.s32 $0x0;
	[sflag:s29] =	ssyncadd.s32 $0xFFFFC000  }
0x402: {  	s3 =	sshra.s32 s3, $0x1F;
	s24 =	smulhi.u32 $0x2AAAAAAB, s6;
	v17 =	vsub.s32 v28, v17;
	v19 =	vsub.s32 v25, v20;
	v20 =	vperm.xlane v18, v6;
	v29 =	vld [tilespmem:s26+$0x158C0]  }
0x403: {  	s5 =	sadd.s32 s5, s17;
	s3 =	smul.u32 $0x2AAAAAAB, s3;
	v21 =	vsub.s32 v23, v21;
	v50 =	vperm.xlane v19, v4;
	v19 =	vperm.xlane v19, v7;
	s11 =	sadd.s32 s11, s16;
	v24 =	vld [tilespmem:s26+$0x158E0]  }
0x404: {  	s14 =	smulhi.u32 $0x2AAAAAAB, s10;
	v53 =	vperm.xlane v21, v4;
	v21 =	vperm.xlane v21, v7;
	s16 =	sshrl.u32 s9, $0x1F;
	v18 =	vsub.s32 v20, v18;
	s21 =	sshrl.u32 s11, $0x1F;
	v26 =	vld [tilespmem:s26+$0x158A0]  }
0x405: {  	v54 =	vperm.xlane v18, v4;
	v18 =	vperm.xlane v18, v7;
	s22 =	sshrl.u32 s20, $0x1F;
	s20 =	sshra.s32 s6, $0x1F;
	s6 =	sadd.s32 s3, s23;
	v30 =	vmov s21;
	v22 =	vld [tilespmem:s26+$0x158D0]  }
0x406: {  	s10 =	sshra.s32 s10, $0x1F;
	v28 =	vsel vm0, v50, v53;
	v19 =	vsel vm0, v19, v21;
	s23 =	sshrl.u32 s13, $0x1;
	v30 =	vsel vm3, s16, v30;
	s16 =	sshrl.u32 s6, $0x1F;
	v25 =	vld [tilespmem:s26+$0x15820]  }
0x407: {  	s10 =	smul.u32 $0x2AAAAAAB, s10;
	v21 =	vperm.xlane v17, v4;
	v38 =	vmov s23;
	s23 =	sshrl.u32 s5, $0x1F;
	v30 =	vsel vm4, s16, v30;
	v51 =	vld [tilespmem:s26+$0x15860]  }
0x408: {  	v28 =	vsel vm1, v28, v54;
	v20 =	vsel vm5, s23, v30;
	v30 =	vld [tilespmem:s26+$0x15810]  }
0x409: {  	s10 =	sadd.s32 s10, s14;
	s9 =	sshrl.u32 s9, $0x1;
	v18 =	vsel vm1, v19, v18;
	s11 =	sshrl.u32 s11, $0x1;
	v21 =	vsel vm2, v28, v21;
	v52 =	vld [tilespmem:s26+$0x15890]  }
0x40a: {  	v31 =	vmov s22;
	v34 =	vmov s11;
	s11 =	smulhi.u32 $0x2AAAAAAB, s19;
	s21 =	sshrl.u32 s10, $0x1F;
	s10 =	sshrl.u32 s10, $0x1;
	vm6 =	vlt.s32 v8, v21;
	v39 =	vld [tilespmem:s26+$0x15850]  }
0x40b: {  	s1 =	sshra.s32 s1, $0x1F;
	s22 =	smul.u32 $0x2AAAAAAB, s20;
	v31 =	vsel vm3, s21, v31;
	v34 =	vsel vm3, s9, v34;
	v36 =	vsel vm3, s10, v36;
	s6 =	sshrl.u32 s6, $0x1;
	v55 =	vld [tilespmem:s26+$0x15800]  }
0x40c: {  	s1 =	smul.u32 $0x2AAAAAAB, s1;
	s5 =	sshrl.u32 s5, $0x1;
	s19 =	sadd.s32 s12, s11;
	v33 =	vnsel vm7, $0x0, v33;
	v27 =	vsel vm4, s6, v34;
	v19 =	vnsel vm7, $0x0, v38;
	v57 =	vld [tilespmem:s26+$0x15840]  }
0x40d: {  	s9 =	smulhi.u32 $0x2AAAAAAB, s8;
	s14 =	sadd.s32 s22, s24;
	s21 =	sshrl.u32 s19, $0x1F;
	v27 =	vsel vm5, s5, v27;
	v28 =	vld [tilespmem:s26+$0x15830];
	v22 =	vperm.xlane v22, v2;
	v30 =	vperm.xlane v30, v2  }
0x40e: {  	s22 =	sshrl.u32 s14, $0x1;
	v33 =	vsel vm3, s21, v33;
	s29 =	smulhi.u32 $0x2AAAAAAB, s2;
	s2 =	sshra.s32 s2, $0x1F;
	v56 =	vld [tilespmem:s26+$0x15880];
	v58 =	vperm.xlane v52, v2;
	v26 =	vperm.xlane v26, v3  }
0x40f: {  	s10 =	sshra.s32 s8, $0x1F;
	s3 =	sshrl.u32 s19, $0x1;
	v23 =	vsel vm4, s22, v36;
	s2 =	smul.u32 $0x2AAAAAAB, s2;
	v59 =	vld [tilespmem:s26+$0x15870];
	v60 =	vperm.xlane v39, v2;
	v24 =	vperm.xlane v24, v3  }
0x410: {  	s6 =	smul.u32 $0x2AAAAAAB, s10;
	v19 =	vsel vm3, s3, v19;
	v61 =	vld [tilespmem:s26+$0x158B0];
	v25 =	vperm.xlane v25, v3;
	v34 =	vperm.xlane v51, v3  }
0x411: {  	v62 =	vld [tilespmem:s26+$0x158F0];
	s2 =	sadd.s32 s2, s29;
	v22 =	vsel vm0, v29, v22;
	v30 =	vsel vm0, v55, v30;
	v35 =	vsel vm0, v57, v60  }
0x412: {  	s1 =	sadd.s32 s1, s7;
	s3 =	sadd.s32 s6, s9;
	s7 =	sshrl.u32 s2, $0x1F;
	v22 =	vsel vm1, v22, v24;
	v24 =	vsel vm1, v30, v25;
	v25 =	vperm.xlane v28, v5  }
0x413: {  	s13 =	smulhi.u32 $0x2AAAAAAB, s0;
	s12 =	sshrl.u32 s3, $0x1F;
	v29 =	vsel vm4, s7, v33;
	v33 =	vsel vm0, v56, v58;
	v28 =	vsel vm1, v35, v34  }
0x414: {  	s0 =	sshra.s32 s0, $0x1F;
	s24 =	sshrl.u32 s1, $0x1F;
	s1 =	sshrl.u32 s1, $0x1;
	v24 =	vsel vm2, v24, v25;
	v25 =	vsel vm5, s12, v29;
	v29 =	vperm.xlane v59, v5  }
0x415: {  	s0 =	smul.u32 $0x2AAAAAAB, s0;
	v30 =	vperm.xlane v17, v7;
	v17 =	vsel vm5, s1, v23;
	v23 =	vperm.xlane v61, v5  }
0x416: {  	s17 =	sshra.s32 s4, $0x1F;
	s11 =	smulhi.u32 $0x2AAAAAAB, s18;
	v63 =	vperm.xlane v62, v5;
	v26 =	vsel vm1, v33, v26;
	v28 =	vsel vm2, v28, v29  }
0x417: {  	s20 =	sshrl.u32 s14, $0x1F;
	s14 =	sshra.s32 s18, $0x1F;
	s18 =	sshra.s32 s15, $0x1F;
	v23 =	vsel vm2, v26, v23;
	v24 =	vperm.xlane v24, v4;
	v28 =	vperm.xlane v28, v4  }
0x418: {  	s0 =	sadd.s32 s0, s13;
	v31 =	vsel vm4, s20, v31;
	s16 =	smul.u32 $0x2AAAAAAB, s14;
	s2 =	sshrl.u32 s2, $0x1;
	v22 =	vsel vm2, v22, v63;
	v23 =	vperm.xlane v23, v4  }
0x419: {  	s19 =	smul.u32 $0x2AAAAAAB, s18;
	s20 =	sshrl.u32 s0, $0x1F;
	s3 =	sshrl.u32 s3, $0x1;
	v19 =	vsel vm4, s2, v19;
	v22 =	vperm.xlane v22, v4;
	v24 =	vsel vm0, v24, v28  }
0x41a: {  	s0 =	sshrl.u32 s0, $0x1;
	v31 =	vsel vm5, s24, v31;
	v19 =	vsel vm5, s3, v19;
	s3 =	smul.u32 $0x2AAAAAAB, s17;
	s1 =	sadd.s32 s16, s11;
	v23 =	vsel vm1, v24, v23  }
0x41b: {  	s2 =	sadd.s32 s19, s28;
	v19 =	vsel vm8, s0, v19;
	s22 =	sshrl.u32 s1, $0x1;
	v24 =	vcombine.low v17, v27;
	v17 =	vsel vm2, v23, v22  }
0x41c: {  	v20 =	vcombine.low v31, v20;
	s24 =	sshrl.u32 s2, $0x1;
	s3 =	sadd.s32 s3, s25;
	v19 =	vsel vm14, s22, v19;
	(v2sf) =	vpush v17, $0x7  }
0x41d: {  	s28 =	sshrl.u32 s3, $0x1;
	s21 =	sshrl.u32 s1, $0x1F;
	v25 =	vsel vm8, s20, v25;
	v19 =	vsel vm10, s24, v19;
	(v2sf) =	vpush v17, $0x6  }
0x41e: {  	s23 =	sshrl.u32 s2, $0x1F;
	v25 =	vsel vm14, s21, v25;
	v19 =	vsel vm9, s28, v19;
	(v2sf) =	vpush v17, $0xF  }
0x41f: {  	v20 =	vperm.xlane v20, v9;
	s25 =	sshrl.u32 s3, $0x1F;
	v19 =	vperm.xlane v19, v10;
	v22 =	vsel vm10, s23, v25  }
0x420: {  	v22 =	vsel vm9, s25, v22;
	v23 =	vperm.xlane v24, v9;
	(v2sf) =	vpush v17, $0xB  }
0x421: {  	v24 =	vsel vm2, v18, v30;
	v22 =	vperm.xlane v22, v10;
	(v2sf) =	vpush v17, $0x5  }
0x422: {  	v26 =	vsel vm6, $0x4, v12;
	v28 =	vsel vm6, $0x3, v11;
	vm11 =	vlt.s32 v24, $0x2  }
0x423: {  	v19 =	vsel vm1, v19, v23;
	v27 =	vsel vm11, $0x2, v13;
	v18 =	vsel vm1, v22, v20  }
0x424: {  	v25 =	vld [tilespmem:s26+$0x9830];
	v20 =	vsub.s32 $0x0, v21;
	v22 =	vsub.s32 $0x0, v24;
	v18 =	vadd.s32 v18, v19  }
0x425: {  	v23 =	vld [tilespmem:s26+$0x98B0];
	v20 =	vmin.u32 v21, v20;
	v22 =	vmin.u32 v24, v22;
	v19 =	vmul.u32 $0xC, v18  }
0x426: {  	v21 =	vld [tilespmem:s26+$0x98F0];
	vm6 =	vlt.s32 v20, $0x17;
	(v2sf) =	vpush v17, $0xE;
	vm11 =	vlt.s32 v22, $0x3  }
0x427: {  	v24 =	vld [tilespmem:s26+$0x98E0];
	v29 =	vadd.s32 $0xFFFFFFE9, v20;
	vm13 =	vgt.s32 v20, $0x1A;
	(v2sf) =	vpush v17, $0xA  }
0x428: {  	v18 =	vld [tilespmem:s26+$0x98C0];
	vm6 =	vmand vm6, vm11;
	v16 =	vsub.s32 v16, v19;
	(v2sf) =	vpush v17, $0x4  }
0x429: {  	v20 =	vld [tilespmem:s26+$0x9800];
	vm12 =	vlt.s32 v16, $0x0;
	v22 =	vadd.s32 $0xC, v16;
	(v2sf) =	vpush v17, $0xD  }
0x42a: {  	v19 =	vld [tilespmem:s26+$0x9880];
	v16 =	vsel vm12, v22, v16;
	vm12 =	vmand vm13, vm11;
	(v2sf) =	vpush v17, $0x9  }
0x42b: {  	v22 =	vld [tilespmem:s26+$0x9840];
	vm13 =	vlt.s32 v16, $0x4;
	v16 =	vsel vm12, v28, v27;
	(v2sf) =	vpush v17, $0x3;
	s1 =	spop (v2sf)  }
0x42c: {  	vm12 =	vlt.u32 v29, $0x4;
	v27 =	vld [tilespmem:s26+$0x98A0];
	v16 =	vsel vm6, v26, v16;
	(v2sf) =	vpush v17, $0xC;
	s30 =	smulhi.u32 $0x2AAAAAAB, s1;
	s21 =	spop (v2sf)  }
0x42d: {  	v29 =	vld [tilespmem:s26+$0x98D0];
	vm6 =	vmand vm11, vm12;
	v28 =	vsel vm13, $0x1, v8;
	(v2sf) =	vpush v17, $0x8;
	s29 =	smulhi.u32 $0x2AAAAAAB, s21;
	s22 =	spop (v2sf)  }
0x42e: {  	v26 =	vld [tilespmem:s26+$0x9870];
	v16 =	vsel vm6, v28, v16;
	(v2sf) =	vpush v17, $0x2;
	s15 =	smulhi.u32 $0x2AAAAAAB, s22  }
0x42f: {  	v28 =	vld [tilespmem:s26+$0x9820];
	v16 =	vshll.u32 v14, v16;
	(v2sf) =	vpush v17, $0x1;
	s9 =	spop (v2sf);
	[dreg:$0x3] =	wrdreg s29  }
0x430: {  	s31 =	simm.s32 $0x400;
	v16 =	vor.u32 v15, v16;
	v15 =	vld [tilespmem:s26+$0x9860];
	(v2sf) =	vpush v17, $0x0;
	s4 =	smulhi.u32 $0x2AAAAAAB, s9;
	s20 =	spop (v2sf)  }
.LBB2_26:
0x431: {  	v30 =	vld [tilespmem:s26+$0x9890]  }
0x432: {  	s0 =	smulhi.u32 $0x2AAAAAAB, s20;
	v31 =	vld [tilespmem:s26+$0x9810];
	s1 =	sshra.s32 s1, $0x1F  }
0x433: {  	v32 =	vld [tilespmem:s26+$0x9850];
	s26 =	sshra.s32 s31, $0x2;
	s21 =	sshra.s32 s21, $0x1F;
	s1 =	smul.u32 $0x2AAAAAAB, s1  }
0x434: {  	s22 =	sshra.s32 s22, $0x1F;
	v34 =	vld [tilespmem:s26+$0x158F0];
	s21 =	smul.u32 $0x2AAAAAAB, s21  }
0x435: {  	s9 =	sshra.s32 s9, $0x1F;
	v35 =	vld [tilespmem:s26+$0x158B0];
	[dreg:$0x17] =	wrdreg s1;
	s1 =	smul.u32 $0x2AAAAAAB, s22  }
0x436: {  	s20 =	sshra.s32 s20, $0x1F;
	v36 =	vld [tilespmem:s26+$0x158E0];
	s22 =	smul.u32 $0x2AAAAAAB, s9  }
0x437: {  	v37 =	vld [tilespmem:s26+$0x15830];
	s9 =	smul.u32 $0x2AAAAAAB, s20;
	s5 =	spop (v2sf)  }
0x438: {  	v38 =	vld [tilespmem:s26+$0x15870];
	v39 =	vperm.xlane v21, v5;
	v41 =	vperm.xlane v23, v5;
	s10 =	smulhi.u32 $0x2AAAAAAB, s5;
	s29 =	spop (v2sf)  }
0x439: {  	v40 =	vld [tilespmem:s26+$0x158A0];
	v42 =	vperm.xlane v24, v3;
	v44 =	vperm.xlane v25, v5;
	s5 =	sshra.s32 s5, $0x1F;
	s12 =	smulhi.u32 $0x2AAAAAAB, s29  }
0x43a: {  	v43 =	vld [tilespmem:s26+$0x158D0];
	v45 =	vperm.xlane v26, v5;
	v47 =	vperm.xlane v27, v3;
	s16 =	spop (v2sf);
	s5 =	smul.u32 $0x2AAAAAAB, s5  }
0x43b: {  	v46 =	vld [tilespmem:s26+$0x15820];
	v48 =	vperm.xlane v29, v2;
	v49 =	vperm.xlane v28, v3;
	s29 =	sshra.s32 s29, $0x1F;
	s11 =	smulhi.u32 $0x2AAAAAAB, s16  }
0x43c: {  	v51 =	vld [tilespmem:s26+$0x15890];
	v50 =	vperm.xlane v15, v3;
	v31 =	vperm.xlane v31, v2;
	s28 =	spop (v2sf);
	s20 =	smul.u32 $0x2AAAAAAB, s29  }
0x43d: {  	v52 =	vld [tilespmem:s26+$0x15810];
	v30 =	vperm.xlane v30, v2;
	v32 =	vperm.xlane v32, v2;
	s16 =	sshra.s32 s16, $0x1F;
	s17 =	smulhi.u32 $0x2AAAAAAB, s28  }
0x43e: {  	v33 =	vld [tilespmem:s26+$0x158C0];
	v15 =	vperm.xlane v34, v5;
	v21 =	vperm.xlane v35, v5;
	s25 =	spop (v2sf);
	s16 =	smul.u32 $0x2AAAAAAB, s16  }
0x43f: {  	[dreg:$0x13] =	wrdreg s30;
	v59 =	vld [tilespmem:s26+$0x15800];
	v25 =	vperm.xlane v36, v3;
	v23 =	vperm.xlane v37, v5;
	s28 =	sshra.s32 s28, $0x1F;
	s18 =	smulhi.u32 $0x2AAAAAAB, s25  }
0x440: {  	v58 =	vld [tilespmem:s26+$0x15880];
	v24 =	vperm.xlane v38, v5;
	v26 =	vperm.xlane v40, v3;
	s30 =	spop (v2sf);
	s28 =	smul.u32 $0x2AAAAAAB, s28  }
0x441: {  	v29 =	vld [tilespmem:s26+$0x15860];
	v60 =	vperm.xlane v43, v2;
	v27 =	vperm.xlane v46, v3;
	s25 =	sshra.s32 s25, $0x1F;
	s13 =	smulhi.u32 $0x2AAAAAAB, s30  }
0x442: {  	v57 =	vld [tilespmem:s26+$0x15850];
	v61 =	vperm.xlane v52, v2;
	v62 =	vperm.xlane v51, v2;
	v63 =	vsel vm0, v18, v48;
	s3 =	spop (v2sf);
	s25 =	smul.u32 $0x2AAAAAAB, s25  }
0x443: {  	[dreg:$0xb] =	wrdreg s0;
	v30 =	vsel vm0, v19, v30;
	v31 =	vsel vm0, v20, v31;
	v22 =	vsel vm0, v22, v32;
	s29 =	sshra.s32 s30, $0x1F;
	s19 =	smulhi.u32 $0x2AAAAAAB, s3  }
0x444: {  	s1 =	sadd.s32 s1, s15;
	v42 =	vsel vm1, v63, v42;
	v18 =	vsel vm0, v33, v60;
	v19 =	vsel vm0, v59, v61;
	s14 =	spop (v2sf);
	s29 =	smul.u32 $0x2AAAAAAB, s29  }
0x445: {  	v20 =	vsel vm0, v58, v62;
	v31 =	vsel vm1, v31, v49;
	v22 =	vsel vm1, v22, v50;
	s5 =	sadd.s32 s5, s10;
	s3 =	sshra.s32 s3, $0x1F;
	s6 =	smulhi.u32 $0x2AAAAAAB, s14  }
0x446: {  	v30 =	vsel vm1, v30, v47;
	v32 =	vsel vm2, v42, v39;
	v28 =	vperm.xlane v29, v3;
	s10 =	sadd.s32 s20, s12;
	s0 =	spop (v2sf);
	s30 =	smul.u32 $0x2AAAAAAB, s3  }
0x447: {  	v29 =	vperm.xlane v57, v2;
	v31 =	vsel vm2, v31, v44;
	v22 =	vsel vm2, v22, v45;
	s12 =	sadd.s32 s28, s17;
	s14 =	sshra.s32 s14, $0x1F;
	s8 =	smulhi.u32 $0x2AAAAAAB, s0  }
0x448: {  	v30 =	vsel vm2, v30, v41;
	v46 =	vperm.xlane v32, v6;
	v43 =	vperm.xlane v31, v6;
	s17 =	sadd.s32 s25, s18;
	s24 =	spop (v2sf);
	s14 =	smul.u32 $0x2AAAAAAB, s14  }
0x449: {  	v20 =	vsel vm1, v20, v26;
	v18 =	vsel vm1, v18, v25;
	v44 =	vperm.xlane v22, v6;
	s28 =	sshrl.u32 s12, $0x1F;
	s0 =	sshra.s32 s0, $0x1F;
	s7 =	smulhi.u32 $0x2AAAAAAB, s24  }
0x44a: {  	v19 =	vsel vm1, v19, v27;
	v45 =	vperm.xlane v30, v6;
	v31 =	vsub.s32 v43, v31;
	s23 =	spop (v2sf);
	s3 =	sshra.s32 s24, $0x1F;
	s24 =	smul.u32 $0x2AAAAAAB, s0  }
0x44b: {  	v22 =	vsub.s32 v44, v22;
	s18 =	sshrl.u32 s12, $0x1;
	v47 =	vperm.xlane v31, v4;
	v31 =	vperm.xlane v31, v7;
	s20 =	sadd.s32 s30, s19;
	s2 =	smulhi.u32 $0x2AAAAAAB, s23  }
0x44c: {  	v30 =	vsub.s32 v45, v30;
	v34 =	vperm.xlane v22, v4;
	v22 =	vperm.xlane v22, v7;
	s19 =	sshrl.u32 s17, $0x1;
	s0 =	sshra.s32 s23, $0x1F;
	s23 =	smul.u32 $0x2AAAAAAB, s3  }
0x44d: {  	v32 =	vsub.s32 v46, v32;
	v33 =	vperm.xlane v30, v4;
	v30 =	vperm.xlane v30, v7;
	s3 =	sadd.s32 s22, s4;
	s6 =	sadd.s32 s14, s6;
	s4 =	sadd.s32 s29, s13  }
0x44e: {  	v34 =	vsel vm0, v47, v34;
	v22 =	vsel vm0, v31, v22;
	v31 =	vperm.xlane v32, v4;
	s22 =	sshrl.u32 s20, $0x1F;
	s29 =	sshrl.u32 s17, $0x1F;
	s17 =	rddreg [dreg:$0xb]  }
0x44f: {  	s15 =	smul.u32 $0x2AAAAAAB, s0;
	s0 =	sadd.s32 s16, s11;
	v33 =	vsel vm1, v34, v33;
	v22 =	vsel vm1, v22, v30;
	v30 =	vperm.xlane v32, v7;
	s14 =	sshrl.u32 s6, $0x1F  }
0x450: {  	v48 =	vmov s22;
	s11 =	sshrl.u32 s20, $0x1;
	s6 =	sshrl.u32 s6, $0x1;
	s16 =	sadd.s32 s24, s8;
	v31 =	vsel vm2, v33, v31;
	v49 =	vmov s14  }
0x451: {  	s20 =	sshrl.u32 s5, $0x1F;
	s22 =	sshrl.u32 s10, $0x1F;
	s5 =	sshrl.u32 s5, $0x1;
	v51 =	vmov s11;
	v52 =	vmov s6;
	v32 =	vsel vm3, s28, v48  }
0x452: {  	s13 =	sshrl.u32 s4, $0x1F;
	s7 =	sadd.s32 s23, s7;
	s2 =	sadd.s32 s15, s2;
	v33 =	vsel vm3, s29, v49;
	v35 =	vsel vm3, s18, v51;
	v36 =	vsel vm3, s19, v52  }
0x453: {  	s28 =	sshrl.u32 s1, $0x1F;
	v32 =	vsel vm4, s20, v32;
	s25 =	sshrl.u32 s2, $0x1F;
	s2 =	sshrl.u32 s2, $0x1;
	v33 =	vsel vm4, s22, v33;
	v35 =	vsel vm4, s5, v35  }
0x454: {  	s11 =	sshrl.u32 s16, $0x1F;
	s1 =	sshrl.u32 s1, $0x1;
	s29 =	sshrl.u32 s3, $0x1F;
	v32 =	vsel vm5, s28, v32;
	v50 =	vmov s25;
	v53 =	vmov s2  }
0x455: {  	s12 =	sshrl.u32 s16, $0x1;
	s24 =	sshrl.u32 s7, $0x1F;
	s8 =	sshrl.u32 s7, $0x1;
	v33 =	vsel vm5, s29, v33;
	v34 =	vnsel vm7, $0x0, v50;
	v37 =	vnsel vm7, $0x0, v53  }
0x456: {  	s14 =	sshrl.u32 s3, $0x1;
	s16 =	sshrl.u32 s0, $0x1F;
	s25 =	sshrl.u32 s10, $0x1;
	v35 =	vsel vm5, s1, v35;
	v34 =	vsel vm3, s24, v34;
	v37 =	vsel vm3, s8, v37  }
0x457: {  	s23 =	rddreg [dreg:$0x17];
	s15 =	sshrl.u32 s4, $0x1;
	s4 =	sadd.s32 s9, s17;
	v36 =	vsel vm4, s25, v36;
	v34 =	vsel vm4, s11, v34;
	v37 =	vsel vm4, s12, v37  }
0x458: {  	s0 =	sshrl.u32 s0, $0x1;
	s19 =	rddreg [dreg:$0x3];
	s18 =	sshrl.u32 s4, $0x1F;
	v32 =	vcombine.low v33, v32;
	v34 =	vsel vm5, s13, v34;
	v37 =	vsel vm5, s15, v37  }
0x459: {  	v54 =	vld [tilespmem:s26+$0x15840];
	s20 =	sshrl.u32 s4, $0x1;
	s22 =	rddreg [dreg:$0x13];
	s2 =	sadd.s32 s21, s19;
	v36 =	vsel vm5, s14, v36;
	v55 =	vsel vm8, s16, v34;
	v56 =	vsel vm8, s0, v37  }
0x45a: {  	s3 =	sadd.s32 s23, s22;
	s21 =	sshrl.u32 s2, $0x1F;
	s24 =	sshrl.u32 s2, $0x1;
	v35 =	vcombine.low v36, v35;
	v33 =	vsel vm14, s18, v55;
	v34 =	vsel vm14, s20, v56  }
0x45b: {  	s25 =	sshrl.u32 s3, $0x1F;
	s28 =	sshrl.u32 s3, $0x1;
	v32 =	vperm.xlane v32, v9;
	v33 =	vsel vm10, s21, v33;
	v34 =	vsel vm10, s24, v34  }
0x45c: {  	v35 =	vperm.xlane v35, v9;
	v33 =	vsel vm9, s25, v33;
	v34 =	vsel vm9, s28, v34  }
0x45d: {  	v22 =	vsel vm2, v22, v30;
	v30 =	vperm.xlane v33, v10;
	v57 =	vperm.xlane v34, v10  }
0x45e: {  	v29 =	vsel vm0, v54, v29;
	vm6 =	vlt.s32 v8, v31;
	v58 =	vsub.s32 $0x0, v31  }
0x45f: {  	vm11 =	vlt.s32 v22, $0x2;
	v30 =	vsel vm1, v30, v32;
	v59 =	vsel vm1, v57, v35  }
0x460: {  	v60 =	vsub.s32 $0x0, v22;
	v61 =	vsel vm6, $0x4, v12;
	v30 =	vadd.s32 v30, v59  }
0x461: {  	v31 =	vmin.u32 v31, v58;
	v63 =	vsel vm6, $0x3, v11;
	v30 =	vmul.u32 $0xC, v30  }
0x462: {  	v62 =	vsel vm11, $0x2, v13;
	v22 =	vmin.u32 v22, v60;
	vm6 =	vlt.s32 v31, $0x17  }
0x463: {  	vm13 =	vgt.s32 v31, $0x1A;
	vm11 =	vlt.s32 v22, $0x3;
	v17 =	vsub.s32 v17, v30  }
0x464: {  	v22 =	vadd.s32 $0xFFFFFFE9, v31;
	vm12 =	vlt.s32 v17, $0x0;
	v30 =	vadd.s32 $0xC, v17  }
0x465: {  	vm6 =	vmand vm6, vm11;
	v17 =	vsel vm12, v30, v17;
	vm12 =	vmand vm13, vm11  }
0x466: {  	vm13 =	vlt.s32 v17, $0x4;
	v17 =	vsel vm12, v63, v62;
	vm12 =	vlt.u32 v22, $0x4  }
0x467: {  	v17 =	vsel vm6, v61, v17;
	vm6 =	vmand vm11, vm12;
	v22 =	vsel vm13, $0x1, v8  }
0x468: {  	v19 =	vsel vm2, v19, v23;
	v17 =	vsel vm6, v22, v17;
	v22 =	vsel vm1, v29, v28  }
0x469: {  	v20 =	vsel vm2, v20, v21;
	v17 =	vshll.u32 v14, v17;
	v22 =	vsel vm2, v22, v24  }
0x46a: {  	v16 =	vor.u32 v16, v17;
	v17 =	vperm.xlane v19, v4;
	v19 =	vperm.xlane v22, v4  }
0x46b: {  	v15 =	vsel vm2, v18, v15;
	v20 =	vperm.xlane v20, v4  }
0x46c: {  	v15 =	vperm.xlane v15, v4;
	v17 =	vsel vm0, v17, v19  }
0x46d: {  	v17 =	vsel vm1, v17, v20  }
0x46e: {  	v17 =	vsel vm2, v17, v15  }
0x46f: {  	(v2sf) =	vpush v17, $0x7;
	_ =	sdelay $0x1  }
0x470: {  	(v2sf) =	vpush v17, $0x6  }
0x471: {  	(v2sf) =	vpush v17, $0xF;
	_ =	sdelay $0x1  }
0x472: {  	(v2sf) =	vpush v17, $0xB  }
0x473: {  	(v2sf) =	vpush v17, $0x5;
	_ =	sdelay $0x2  }
0x474: {  	v25 =	vld [tilespmem:s26+$0x9830]  }
0x475: {  	v26 =	vld [tilespmem:s26+$0x9870]  }
0x476: {  	v27 =	vld [tilespmem:s26+$0x98A0];
	(v2sf) =	vpush v17, $0xE  }
0x477: {  	v18 =	vld [tilespmem:s26+$0x98C0];
	(v2sf) =	vpush v17, $0xA  }
0x478: {  	v21 =	vld [tilespmem:s26+$0x98F0];
	(v2sf) =	vpush v17, $0x4  }
0x479: {  	v23 =	vld [tilespmem:s26+$0x98B0];
	(v2sf) =	vpush v17, $0xD  }
0x47a: {  	v29 =	vld [tilespmem:s26+$0x98D0];
	(v2sf) =	vpush v17, $0x9;
	s1 =	spop (v2sf)  }
0x47b: {  	p0 =	sne.s32 s31, $0xFC00;
	v28 =	vld [tilespmem:s26+$0x9820];
	(v2sf) =	vpush v17, $0x3;
	s30 =	smulhi.u32 $0x2AAAAAAB, s1  }
.Ltmp12:
0x47c: {  	v24 =	vld [tilespmem:s26+$0x98E0];
	(v2sf) =	vpush v17, $0xC;
	s21 =	spop (v2sf);
	(pc) =	sbr.rel @p0 .LBB2_26-.Ltmp12, $4  }
0x47d: {  	v22 =	vld [tilespmem:s26+$0x9840];
	(v2sf) =	vpush v17, $0x8;
	s29 =	smulhi.u32 $0x2AAAAAAB, s21;
	s22 =	spop (v2sf)  }
0x47e: {  	v19 =	vld [tilespmem:s26+$0x9880];
	(v2sf) =	vpush v17, $0x2;
	s15 =	smulhi.u32 $0x2AAAAAAB, s22  }
0x47f: {  	v20 =	vld [tilespmem:s26+$0x9800];
	(v2sf) =	vpush v17, $0x1;
	s9 =	spop (v2sf);
	[dreg:$0x3] =	wrdreg s29  }
0x480: {  	s31 =	sadd.s32 $0x400, s31;
	v15 =	vld [tilespmem:s26+$0x9860];
	(v2sf) =	vpush v17, $0x0;
	s4 =	smulhi.u32 $0x2AAAAAAB, s9;
	s20 =	spop (v2sf)  }
0x481: {  	_ =	sdelay $0x3  }
0x482: {  	s8 =	spop (v2sf)  }
0x483: {  	s17 =	spop (v2sf)  }
0x484: {  	s19 =	spop (v2sf)  }
0x485: {  	s23 =	spop (v2sf)  }
0x486: {  	s24 =	spop (v2sf)  }
0x487: {  	s25 =	spop (v2sf)  }
0x488: {  	s18 =	spop (v2sf)  }
0x489: {  	s5 =	smulhi.u32 $0x2AAAAAAB, s20;
	s14 =	spop (v2sf)  }
0x48a: {  	s28 =	simm.s32 $0x2;
	s1 =	sshra.s32 s1, $0x1F;
	s13 =	spop (v2sf)  }
0x48b: {  	v30 =	vld [tilespmem:s26+$0x9890];
	s7 =	sshra.s32 s21, $0x1F;
	s1 =	smul.u32 $0x2AAAAAAB, s1;
	s0 =	spop (v2sf)  }
0x48c: {  	v31 =	vld [tilespmem:s26+$0x9810];
	s16 =	sshra.s32 s22, $0x1F;
	s7 =	smul.u32 $0x2AAAAAAB, s7;
	s6 =	spop (v2sf)  }
0x48d: {  	v32 =	vld [tilespmem:s26+$0x9850];
	s9 =	sshra.s32 s9, $0x1F;
	s21 =	smul.u32 $0x2AAAAAAB, s16;
	_ =	swait.ge [sflag:s28], $0x800  }
0x48e: {  	s16 =	smul.u32 $0x2AAAAAAB, s9;
	[sflag:s28] =	ssyncset.done $0x0  }
0x48f: {  	s22 =	sshra.s32 s20, $0x1F;
	s10 =	smulhi.u32 $0x2AAAAAAB, s8;
	[sflag:s28] =	ssyncadd.s32 $0xFFFFF800  }
0x490: {  	s26 =	sshra.s32 s8, $0x1F;
	s8 =	smul.u32 $0x2AAAAAAB, s22;
	_ =	swait.ge [sflag:s28], $0x800  }
0x491: {  	s12 =	smulhi.u32 $0x2AAAAAAB, s17;
	[sflag:s28] =	ssyncset.done $0x0  }
0x492: {  	s22 =	smul.u32 $0x2AAAAAAB, s26;
	[sflag:s28] =	ssyncadd.s32 $0xFFFFF800  }
0x493: {  	v21 =	vperm.xlane v21, v5;
	v23 =	vperm.xlane v23, v5;
	s17 =	sshra.s32 s17, $0x1F;
	s2 =	smulhi.u32 $0x2AAAAAAB, s19;
	_ =	swait.ge [sflag:s28], $0x800  }
0x494: {  	v24 =	vperm.xlane v24, v3;
	v25 =	vperm.xlane v25, v5;
	s26 =	smul.u32 $0x2AAAAAAB, s17;
	[sflag:s28] =	ssyncset.done $0x0  }
0x495: {  	v26 =	vperm.xlane v26, v5;
	v29 =	vperm.xlane v29, v2;
	s20 =	sshra.s32 s19, $0x1F;
	s11 =	smulhi.u32 $0x2AAAAAAB, s23;
	[sflag:s28] =	ssyncadd.s32 $0xFFFFF800  }
0x496: {  	v27 =	vperm.xlane v27, v3;
	v31 =	vperm.xlane v31, v2;
	s20 =	smul.u32 $0x2AAAAAAB, s20;
	_ =	swait.ge [sflag:s28], $0x800  }
0x497: {  	v28 =	vperm.xlane v28, v3;
	v18 =	vsel vm0, v18, v29;
	v32 =	vperm.xlane v32, v2;
	s23 =	sshra.s32 s23, $0x1F;
	s3 =	smulhi.u32 $0x2AAAAAAB, s24;
	[sflag:s28] =	ssyncset.done $0x0  }
0x498: {  	v33 =	vperm.xlane v15, v3;
	v30 =	vperm.xlane v30, v2;
	v20 =	vsel vm0, v20, v31;
	s23 =	smul.u32 $0x2AAAAAAB, s23;
	s24 =	sshra.s32 s24, $0x1F;
	[sflag:s28] =	ssyncadd.s32 $0xFFFFF800  }
0x499: {  	v18 =	vsel vm1, v18, v24;
	s17 =	simm.s32 $0x0;
	v22 =	vsel vm0, v22, v32;
	v20 =	vsel vm1, v20, v28;
	s24 =	smul.u32 $0x2AAAAAAB, s24;
	_ =	swait.ge [sflag:s28], $0x800  }
0x49a: {  	v19 =	vsel vm0, v19, v30;
	v22 =	vsel vm1, v22, v33;
	v20 =	vsel vm2, v20, v25;
	s19 =	smulhi.u32 $0x2AAAAAAB, s25;
	s9 =	sshra.s32 s25, $0x1F;
	[sflag:s28] =	ssyncset.done $0x0  }
0x49b: {  	v19 =	vsel vm1, v19, v27;
	v22 =	vsel vm2, v22, v26;
	v24 =	vperm.xlane v20, v6;
	s25 =	smulhi.u32 $0x2AAAAAAB, s18;
	s18 =	sshra.s32 s18, $0x1F;
	[sflag:s28] =	ssyncadd.s32 $0xFFFFF800  }
0x49c: {  	v18 =	vsel vm2, v18, v21;
	v19 =	vsel vm2, v19, v23;
	v25 =	vperm.xlane v22, v6;
	s18 =	smul.u32 $0x2AAAAAAB, s18;
	v15 =	vld [tilespmem:s17+$0x1E000]  }
0x49d: {  	s4 =	sadd.s32 s16, s4;
	v23 =	vperm.xlane v18, v6;
	v21 =	vperm.xlane v19, v6;
	s29 =	smulhi.u32 $0x2AAAAAAB, s14;
	s14 =	sshra.s32 s14, $0x1F;
	v20 =	vsub.s32 v24, v20  }
0x49e: {  	s1 =	sadd.s32 s1, s30;
	s5 =	sadd.s32 s8, s5;
	v22 =	vsub.s32 v25, v22;
	s14 =	smul.u32 $0x2AAAAAAB, s14;
	v24 =	vperm.xlane v20, v4;
	v20 =	vperm.xlane v20, v7  }
0x49f: {  	s2 =	sadd.s32 s20, s2;
	s11 =	sadd.s32 s23, s11;
	v19 =	vsub.s32 v21, v19;
	v25 =	vperm.xlane v22, v4;
	v21 =	vperm.xlane v22, v7;
	s18 =	sadd.s32 s18, s25  }
0x4a0: {  	v18 =	vsub.s32 v23, v18;
	s3 =	sadd.s32 s24, s3;
	v22 =	vperm.xlane v19, v4;
	v19 =	vperm.xlane v19, v7;
	s14 =	sadd.s32 s14, s29;
	s23 =	sshrl.u32 s18, $0x1F  }
0x4a1: {  	v23 =	vsel vm0, v24, v25;
	v20 =	vsel vm0, v20, v21;
	s18 =	sshrl.u32 s18, $0x1;
	s24 =	sshrl.u32 s14, $0x1F;
	s28 =	smul.u32 $0x2AAAAAAB, s9;
	(v2sf) =	vpush v15, $0x1  }
0x4a2: {  	v21 =	vperm.xlane v18, v4;
	v18 =	vperm.xlane v18, v7;
	s14 =	sshrl.u32 s14, $0x1;
	s9 =	sadd.s32 s21, s15;
	s15 =	smulhi.u32 $0x2AAAAAAB, s13;
	(v2sf) =	vpush v15, $0x0  }
0x4a3: {  	v22 =	vsel vm1, v23, v22;
	v19 =	vsel vm1, v20, v19;
	v20 =	vmov s23;
	s21 =	sshra.s32 s13, $0x1F;
	s13 =	sadd.s32 s22, s10;
	s22 =	smulhi.u32 $0x2AAAAAAB, s6  }
0x4a4: {  	v24 =	vmov s18;
	s23 =	sshrl.u32 s5, $0x1F;
	v21 =	vsel vm2, v22, v21;
	v22 =	vmov s24;
	s10 =	sadd.s32 s26, s12;
	s12 =	smul.u32 $0x2AAAAAAB, s21  }
0x4a5: {  	v25 =	vmov s14;
	v18 =	vsel vm2, v19, v18;
	s6 =	sshra.s32 s6, $0x1F;
	s26 =	sshrl.u32 s11, $0x1F;
	s21 =	smulhi.u32 $0x2AAAAAAB, s0;
	(v2sf) =	vpush v15, $0xC  }
0x4a6: {  	vm6 =	vlt.s32 v8, v21;
	vm11 =	vlt.s32 v18, $0x2;
	s11 =	sshrl.u32 s11, $0x1;
	s0 =	sshra.s32 s0, $0x1F;
	s6 =	smul.u32 $0x2AAAAAAB, s6;
	(v2sf) =	vpush v15, $0x8  }
0x4a7: {  	s18 =	sshrl.u32 s13, $0x1F;
	v20 =	vsel vm3, s26, v20;
	s13 =	sshrl.u32 s13, $0x1;
	s26 =	sshrl.u32 s9, $0x1F;
	v24 =	vsel vm3, s11, v24;
	(v2sf) =	vpush v15, $0x2  }
0x4a8: {  	s19 =	sadd.s32 s28, s19;
	s28 =	sshrl.u32 s3, $0x1F;
	s3 =	sshrl.u32 s3, $0x1;
	v20 =	vsel vm4, s18, v20;
	v24 =	vsel vm4, s13, v24;
	(v2sf) =	vpush v15, $0x3  }
0x4a9: {  	s9 =	sshrl.u32 s9, $0x1;
	s6 =	sadd.s32 s6, s22;
	s22 =	sshrl.u32 s10, $0x1F;
	v22 =	vsel vm3, s28, v22;
	v25 =	vsel vm3, s3, v25;
	(v2sf) =	vpush v15, $0x4  }
0x4aa: {  	s0 =	smul.u32 $0x2AAAAAAB, s0;
	v20 =	vsel vm5, s26, v20;
	v24 =	vsel vm5, s9, v24;
	s25 =	sshrl.u32 s6, $0x1F;
	s6 =	sshrl.u32 s6, $0x1;
	v22 =	vsel vm4, s22, v22  }
0x4ab: {  	s12 =	sadd.s32 s12, s15;
	s28 =	sshrl.u32 s4, $0x1F;
	s20 =	sshrl.u32 s19, $0x1F;
	v23 =	vmov s25;
	v26 =	vmov s6;
	(v2sf) =	vpush v15, $0x9  }
0x4ac: {  	s4 =	sshrl.u32 s4, $0x1;
	s0 =	sadd.s32 s0, s21;
	s25 =	sshrl.u32 s10, $0x1;
	v22 =	vsel vm5, s28, v22;
	v23 =	vnsel vm7, $0x0, v23;
	(v2sf) =	vpush v15, $0xD  }
0x4ad: {  	s26 =	sshrl.u32 s5, $0x1;
	s24 =	sshrl.u32 s0, $0x1F;
	s0 =	sshrl.u32 s0, $0x1;
	v26 =	vnsel vm7, $0x0, v26;
	v25 =	vsel vm4, s25, v25;
	v20 =	vcombine.low v22, v20  }
0x4ae: {  	s11 =	sshrl.u32 s12, $0x1F;
	s15 =	sshrl.u32 s12, $0x1;
	s25 =	rddreg [dreg:$0x3];
	v23 =	vsel vm3, s24, v23;
	v26 =	vsel vm3, s0, v26;
	v25 =	vsel vm5, s4, v25  }
0x4af: {  	s21 =	sshrl.u32 s19, $0x1;
	s22 =	sshrl.u32 s2, $0x1F;
	s0 =	sadd.s32 s7, s25;
	v23 =	vsel vm4, s11, v23;
	v26 =	vsel vm4, s15, v26;
	(v2sf) =	vpush v15, $0xE  }
0x4b0: {  	s2 =	sshrl.u32 s2, $0x1;
	s9 =	sshrl.u32 s0, $0x1F;
	v23 =	vsel vm5, s20, v23;
	v26 =	vsel vm5, s21, v26;
	(v2sf) =	vpush v15, $0xA;
	s24 =	spop (v2sf)  }
0x4b1: {  	v24 =	vcombine.low v25, v24;
	s20 =	sshrl.u32 s0, $0x1;
	v22 =	vsel vm8, s22, v23;
	v23 =	vsel vm8, s2, v26;
	s28 =	spop (v2sf);
	s5 =	smulhi.u32 $0x2AAAAAAB, s24  }
0x4b2: {  	v20 =	vperm.xlane v20, v9;
	v22 =	vsel vm14, s23, v22;
	v23 =	vsel vm14, s26, v23;
	s23 =	sshrl.u32 s1, $0x1F;
	s24 =	sshra.s32 s24, $0x1F;
	s16 =	smulhi.u32 $0x2AAAAAAB, s28  }
0x4b3: {  	v24 =	vperm.xlane v24, v9;
	s1 =	sshrl.u32 s1, $0x1;
	v22 =	vsel vm10, s9, v22;
	v23 =	vsel vm10, s20, v23;
	s14 =	sshra.s32 s28, $0x1F;
	s7 =	smul.u32 $0x2AAAAAAB, s24  }
0x4b4: {  	v22 =	vsel vm9, s23, v22;
	v23 =	vsel vm9, s1, v23;
	(v2sf) =	vpush v15, $0x5;
	s13 =	spop (v2sf);
	s19 =	smul.u32 $0x2AAAAAAB, s14  }
0x4b5: {  	v19 =	vperm.xlane v22, v10;
	v22 =	vperm.xlane v23, v10;
	v23 =	vsub.s32 $0x0, v21;
	s11 =	spop (v2sf);
	s4 =	sshra.s32 s13, $0x1F;
	s31 =	smulhi.u32 $0x2AAAAAAB, s13  }
0x4b6: {  	v21 =	vmin.u32 v21, v23;
	v23 =	vsel vm11, $0x2, v13;
	(v2sf) =	vpush v15, $0xB;
	s18 =	spop (v2sf);
	s10 =	sshra.s32 s11, $0x1F;
	s29 =	smulhi.u32 $0x2AAAAAAB, s11  }
0x4b7: {  	v19 =	vsel vm1, v19, v20;
	v20 =	vsel vm1, v22, v24;
	v22 =	vsub.s32 $0x0, v18;
	s11 =	sadd.s32 s7, s5;
	s21 =	spop (v2sf);
	s22 =	smulhi.u32 $0x2AAAAAAB, s18  }
0x4b8: {  	vm13 =	vgt.s32 v21, $0x1A;
	v19 =	vadd.s32 v19, v20;
	(v2sf) =	vpush v15, $0x6;
	s8 =	sadd.s32 s19, s16;
	s0 =	smulhi.u32 $0x2AAAAAAB, s21;
	s25 =	spop (v2sf)  }
0x4b9: {  	v20 =	vsel vm6, $0x4, v12;
	v18 =	vmin.u32 v18, v22;
	(v2sf) =	vpush v15, $0xF;
	s16 =	sshra.s32 s18, $0x1F;
	s6 =	sshra.s32 s21, $0x1F;
	s3 =	smulhi.u32 $0x2AAAAAAB, s25  }
0x4ba: {  	v22 =	vsel vm6, $0x3, v11;
	vm6 =	vlt.s32 v21, $0x17;
	v19 =	vmul.u32 $0xC, v19;
	s13 =	sshrl.u32 s8, $0x1;
	s26 =	spop (v2sf);
	s12 =	smul.u32 $0x2AAAAAAB, s6  }
0x4bb: {  	vm11 =	vlt.s32 v18, $0x3;
	v18 =	vadd.s32 $0xFFFFFFE9, v21;
	v21 =	vld [tilespmem:s17+$0x1D800];
	(v2sf) =	vpush v15, $0x7;
	s8 =	sshrl.u32 s8, $0x1F;
	s2 =	smulhi.u32 $0x2AAAAAAB, s26;
	s28 =	spop (v2sf)  }
0x4bc: {  	v17 =	vsub.s32 v17, v19;
	v19 =	vld [tilespmem:s17+$0x1D000];
	[dreg:$0x4] =	wrdreg s22;
	s14 =	sshra.s32 s25, $0x1F;
	s18 =	smulhi.u32 $0x2AAAAAAB, s28  }
0x4bd: {  	vm12 =	vlt.s32 v17, $0x0;
	v26 =	vadd.s32 $0xC, v17;
	s9 =	sshra.s32 s26, $0x1F;
	s7 =	sshra.s32 s28, $0x1F;
	s28 =	smul.u32 $0x2AAAAAAB, s14  }
0x4be: {  	v25 =	vld [tilespmem:s17+$0x1C800];
	v17 =	vsel vm12, v26, v17;
	vm12 =	vmand vm13, vm11;
	s25 =	sshrl.u32 s11, $0x1F;
	s30 =	spop (v2sf);
	s9 =	smul.u32 $0x2AAAAAAB, s9  }
0x4bf: {  	v24 =	vld [tilespmem:s17+$0x1C000];
	vm6 =	vmand vm6, vm11;
	vm13 =	vlt.s32 v17, $0x4;
	v17 =	vsel vm12, v22, v23;
	s0 =	sadd.s32 s12, s0;
	s19 =	spop (v2sf);
	s6 =	smulhi.u32 $0x2AAAAAAB, s30  }
0x4c0: {  	vm12 =	vlt.u32 v18, $0x4;
	v18 =	vsel vm6, v20, v17;
	s26 =	sshra.s32 s30, $0x1F;
	s30 =	simm.s32 $0x10;
	s21 =	smulhi.u32 $0x2AAAAAAB, s19  }
0x4c1: {  	vm6 =	vmand vm11, vm12;
	v20 =	vsel vm13, $0x1, v8;
	v21 =	vsub.s32 v21, v19;
	s15 =	sshrl.u32 s0, $0x1F;
	s20 =	sshra.s32 s19, $0x1F;
	s26 =	smul.u32 $0x2AAAAAAB, s26  }
0x4c2: {  	v18 =	vsel vm6, v20, v18;
	v19 =	vsub.s32 $0x0, v21;
	s19 =	simm.s32 $0x80;
	v17 =	vld [tilespmem:s30+$0x1E000];
	s3 =	sadd.s32 s28, s3;
	s23 =	smul.u32 $0x2AAAAAAB, s20  }
0x4c3: {  	vm6 =	vlt.s32 v21, $0x2;
	v19 =	vmin.u32 v21, v19;
	v21 =	vmov s8;
	v23 =	vld [tilespmem:s30+$0x1C000];
	s9 =	sadd.s32 s9, s2;
	s8 =	sadd.s32 s26, s6;
	s22 =	spop (v2sf)  }
0x4c4: {  	v20 =	vsub.s32 v25, v24;
	v22 =	vmov s13;
	v25 =	vld [tilespmem:s30+$0x1C800];
	s13 =	sadd.s32 s23, s21;
	s24 =	sshra.s32 s22, $0x1F;
	s5 =	smulhi.u32 $0x2AAAAAAB, s22  }
0x4c5: {  	v18 =	vshll.u32 v14, v18;
	v24 =	vsub.s32 $0x0, v20;
	s17 =	sshrl.u32 s13, $0x1;
	s1 =	smul.u32 $0x2AAAAAAB, s24;
	s24 =	spop (v2sf)  }
0x4c6: {  	v16 =	vor.u32 v16, v18;
	v18 =	vmin.u32 v20, v24;
	s22 =	sshrl.u32 s11, $0x1;
	s14 =	sshra.s32 s24, $0x1F;
	s2 =	smulhi.u32 $0x2AAAAAAB, s24  }
0x4c7: {  	vm12 =	vlt.s32 v8, v20;
	v24 =	vadd.s32 $0xFFFFFFE9, v18;
	s20 =	spop (v2sf);
	(v2sf) =	vpush v17, $0x1;
	s24 =	sshrl.u32 s3, $0x1;
	s12 =	smul.u32 $0x2AAAAAAB, s14  }
0x4c8: {  	vm11 =	vlt.u32 v24, $0x4;
	v20 =	vnsel vm7, $0x0, v21;
	s23 =	sshra.s32 s20, $0x1F;
	s28 =	spop (v2sf);
	(v2sf) =	vpush v17, $0x0;
	s21 =	smulhi.u32 $0x2AAAAAAB, s20  }
0x4c9: {  	v24 =	vsel vm3, s25, v20;
	v21 =	vld [tilespmem:s30+$0x1D000];
	v20 =	vsub.s32 v25, v23;
	s20 =	sshrl.u32 s3, $0x1F;
	s11 =	smul.u32 $0x2AAAAAAB, s23;
	s23 =	sshrl.u32 s0, $0x1;
	(v2sf) =	vpush v17, $0xC  }
0x4ca: {  	vm13 =	vmmov vm6;
	v23 =	vld [tilespmem:s30+$0x1D800];
	v25 =	vsub.s32 $0x0, v20;
	s14 =	sshra.s32 s28, $0x1F;
	s25 =	spop (v2sf);
	s0 =	smulhi.u32 $0x2AAAAAAB, s28;
	(v2sf) =	vpush v17, $0x8  }
.LBB2_28:
0x4cb: {  	s30 =	smul.u32 $0x2AAAAAAB, s4  }
0x4cc: {  	s4 =	smulhi.u32 $0x2AAAAAAB, s25  }
0x4cd: {  	s7 =	smul.u32 $0x2AAAAAAB, s7  }
0x4ce: {  	s26 =	sshra.s32 s25, $0x1F;
	s16 =	smul.u32 $0x2AAAAAAB, s16  }
0x4cf: {  	s6 =	sshrl.u32 s8, $0x1;
	s3 =	smov.u32 s19;
	s14 =	smul.u32 $0x2AAAAAAB, s14  }
0x4d0: {  	s13 =	sshrl.u32 s13, $0x1F;
	s5 =	sadd.s32 s1, s5;
	s10 =	smul.u32 $0x2AAAAAAB, s10  }
0x4d1: {  	(v2sf) =	vpush v17, $0x2;
	p0 =	sne.s32 s19, $0x1FC0;
	[dreg:$0x18] =	wrdreg s3;
	s3 =	sshrl.u32 s9, $0x1  }
0x4d2: {  	vm15 =	vmmov vm11;
	(v2sf) =	vpush v17, $0x3;
	s1 =	sshrl.u32 s5, $0x1F;
	s12 =	sadd.s32 s12, s2;
	s9 =	sshrl.u32 s9, $0x1F  }
0x4d3: {  	vm6 =	vmmov vm12;
	vm12 =	vlt.s32 v8, v20;
	vm7 =	vcmask $0x300;
	s11 =	sadd.s32 s11, s21;
	s21 =	sshrl.u32 s5, $0x1;
	s28 =	sadd.s32 s30, s31  }
0x4d4: {  	vm8 =	vcmask $0x2320;
	vm10 =	vcmask $0x2B28;
	(v2sf) =	vpush v17, $0x4;
	s7 =	sadd.s32 s7, s18;
	s2 =	sadd.s32 s14, s0;
	s0 =	sshrl.u32 s12, $0x1  }
0x4d5: {  	s31 =	sshrl.u32 s11, $0x1;
	s10 =	sadd.s32 s10, s29;
	s18 =	smul.u32 $0x2AAAAAAB, s26;
	v26 =	vsub.s32 v23, v21;
	v21 =	vmin.u32 v20, v25;
	v20 =	vnsel vm7, $0x0, v22  }
0x4d6: {  	s30 =	sshrl.u32 s28, $0x1F;
	s25 =	sshrl.u32 s28, $0x1;
	(v2sf) =	vpush v17, $0x9;
	s28 =	rddreg [dreg:$0x4];
	v23 =	vsub.s32 $0x0, v26;
	v25 =	vadd.s32 $0xFFFFFFE9, v21  }
0x4d7: {  	s12 =	sshrl.u32 s12, $0x1F;
	s26 =	sshrl.u32 s10, $0x1;
	vm14 =	vlt.s32 v26, $0x2;
	v20 =	vsel vm3, s22, v20;
	s14 =	sadd.s32 s16, s28;
	(v2sf) =	vpush v17, $0xD  }
0x4d8: {  	s16 =	sshrl.u32 s7, $0x1;
	s22 =	sshrl.u32 s7, $0x1F;
	v22 =	vmov s26;
	v23 =	vmin.u32 v26, v23;
	vm11 =	vlt.u32 v25, $0x4;
	s7 =	sshrl.u32 s14, $0x1  }
0x4d9: {  	s10 =	sshrl.u32 s10, $0x1F;
	s28 =	sshrl.u32 s2, $0x1F;
	(v2sf) =	vpush v17, $0xE;
	s14 =	sshrl.u32 s14, $0x1F;
	v25 =	vmov s30;
	v20 =	vsel vm4, s7, v20  }
0x4da: {  	v26 =	vmov s25;
	s7 =	sshrl.u32 s11, $0x1F;
	v24 =	vsel vm4, s14, v24;
	v20 =	vsel vm5, s23, v20;
	s23 =	sshrl.u32 s8, $0x1F;
	s11 =	spop (v2sf)  }
0x4db: {  	(v2sf) =	vpush v17, $0xA;
	v26 =	vsel vm3, s16, v26;
	v24 =	vsel vm5, s15, v24;
	s15 =	sadd.s32 s18, s4;
	s8 =	smulhi.u32 $0x2AAAAAAB, s11;
	s26 =	spop (v2sf)  }
0x4dc: {  	v28 =	vsel vm3, s3, v22;
	v22 =	vsel vm3, s22, v25;
	s18 =	sshrl.u32 s2, $0x1;
	v26 =	vsel vm4, s6, v26;
	s11 =	sshra.s32 s11, $0x1F;
	s3 =	smulhi.u32 $0x2AAAAAAB, s26  }
0x4dd: {  	v20 =	vsel vm8, s24, v20;
	v22 =	vsel vm4, s23, v22;
	v24 =	vsel vm8, s20, v24;
	s14 =	spop (v2sf);
	s25 =	sshra.s32 s26, $0x1F;
	s23 =	smul.u32 $0x2AAAAAAB, s11  }
0x4de: {  	s6 =	sadd.s32 $0x40, s19;
	vm8 =	vcmask $0x3330;
	v20 =	vsel vm10, s21, v20;
	(v2sf) =	vpush v17, $0x5;
	s5 =	spop (v2sf);
	s22 =	smul.u32 $0x2AAAAAAB, s25  }
0x4df: {  	v27 =	vmov s10;
	v20 =	vsel vm8, s31, v20;
	s4 =	sshra.s32 s14, $0x1F;
	s31 =	smulhi.u32 $0x2AAAAAAB, s14;
	s10 =	sshra.s32 s5, $0x1F  }
0x4e0: {  	(v2sf) =	vpush v17, $0xB;
	s30 =	spop (v2sf);
	s11 =	sadd.s32 s23, s8;
	s29 =	smulhi.u32 $0x2AAAAAAB, s5  }
0x4e1: {  	vm9 =	vcmask $0x3B38;
	v25 =	vsel vm3, s9, v27;
	v28 =	vsel vm4, s17, v28;
	s16 =	sshra.s32 s30, $0x1F;
	s25 =	spop (v2sf);
	s26 =	smulhi.u32 $0x2AAAAAAB, s30  }
0x4e2: {  	v25 =	vsel vm4, s13, v25;
	v28 =	vsel vm5, s0, v28;
	(v2sf) =	vpush v17, $0x6;
	s30 =	sshrl.u32 s15, $0x1;
	s21 =	sadd.s32 s22, s3;
	s20 =	sshra.s32 s25, $0x1F  }
0x4e3: {  	v25 =	vsel vm5, s12, v25;
	v26 =	vsel vm5, s18, v26;
	s22 =	smulhi.u32 $0x2AAAAAAB, s25;
	(v2sf) =	vpush v17, $0xF;
	s24 =	sshrl.u32 s21, $0x1;
	s25 =	spop (v2sf)  }
0x4e4: {  	v27 =	vsel vm5, s28, v22;
	v24 =	vsel vm10, s1, v24;
	v26 =	vcombine.low v28, v26;
	[dreg:$0x4] =	wrdreg s26;
	s9 =	sshra.s32 s25, $0x1F;
	s2 =	smulhi.u32 $0x2AAAAAAB, s25  }
0x4e5: {  	v25 =	vcombine.low v25, v27;
	v20 =	vsel vm9, s30, v20;
	s26 =	sshrl.u32 s15, $0x1F;
	s28 =	spop (v2sf);
	(v2sf) =	vpush v17, $0x7;
	s30 =	smul.u32 $0x2AAAAAAB, s20  }
0x4e6: {  	v24 =	vsel vm8, s7, v24;
	v22 =	vmov s24;
	s24 =	sshrl.u32 s21, $0x1F;
	s0 =	smulhi.u32 $0x2AAAAAAB, s28;
	s15 =	spop (v2sf)  }
0x4e7: {  	v26 =	vperm.xlane v26, v9;
	v25 =	vperm.xlane v25, v9;
	v24 =	vsel vm9, s26, v24;
	s12 =	sshra.s32 s28, $0x1F;
	s28 =	rddreg [dreg:$0x18];
	s9 =	smul.u32 $0x2AAAAAAB, s9  }
0x4e8: {  	v20 =	vperm.xlane v20, v10;
	v24 =	vperm.xlane v24, v10;
	s18 =	smulhi.u32 $0x2AAAAAAB, s15;
	s13 =	sadd.s32 s30, s22;
	s30 =	sshra.s32 s28, $0x2  }
0x4e9: {  	vm8 =	vlt.s32 v19, $0x3;
	s1 =	sshrl.u32 s11, $0x1F;
	v27 =	vmov s24;
	s17 =	spop (v2sf);
	s24 =	smul.u32 $0x2AAAAAAB, s12;
	v63 =	vld [tilespmem:s30+$0x1C000]  }
0x4ea: {  	s7 =	sshra.s32 s15, $0x1F;
	v20 =	vsel vm1, v20, v26;
	v26 =	vsel vm6, $0x3, v11;
	s20 =	spop (v2sf);
	s3 =	smulhi.u32 $0x2AAAAAAB, s17;
	v30 =	vld [tilespmem:s30+$0x1C800];
	v24 =	vsel vm1, v24, v25  }
0x4eb: {  	v19 =	vmovc v23;
	s22 =	sshrl.u32 s11, $0x1;
	s8 =	sshra.s32 s17, $0x1F;
	v23 =	vld [tilespmem:s30+$0x1D800];
	s17 =	smulhi.u32 $0x2AAAAAAB, s20;
	v25 =	vnsel vm7, $0x0, v27;
	vm7 =	vlt.s32 v18, $0x17;
	v20 =	vadd.s32 v24, v20  }
0x4ec: {  	s15 =	sshrl.u32 s13, $0x1F;
	s23 =	sshra.s32 s20, $0x1F;
	v27 =	vsel vm6, $0x4, v12;
	vm6 =	vgt.s32 v18, $0x1A;
	v18 =	vmovc v21;
	v21 =	vld [tilespmem:s30+$0x1D000];
	s8 =	smul.u32 $0x2AAAAAAB, s8;
	v20 =	vmul.u32 $0xC, v20  }
0x4ed: {  	s19 =	smul.u32 $0x2AAAAAAB, s23;
	v24 =	vsel vm3, s1, v25;
	v25 =	vld [tilespmem:s30+$0x1E000];
	s30 =	sadd.s32 s9, s2;
	s25 =	spop (v2sf)  }
0x4ee: {  	s9 =	sadd.s32 s24, s0;
	v20 =	vsub.s32 v15, v20;
	s26 =	sshra.s32 s25, $0x1F;
	s5 =	smulhi.u32 $0x2AAAAAAB, s25  }
0x4ef: {  	v29 =	vsel vm13, $0x2, v13;
	s24 =	sshrl.u32 s30, $0x1;
	v15 =	vmovc v17;
	vm13 =	vlt.s32 v20, $0x0;
	v17 =	vadd.s32 $0xC, v20;
	s1 =	smul.u32 $0x2AAAAAAB, s26;
	s20 =	spop (v2sf)  }
0x4f0: {  	vm6 =	vmand vm6, vm8;
	vm7 =	vmand vm7, vm8;
	s8 =	sadd.s32 s8, s3;
	v31 =	vsel vm13, v17, v20;
	s23 =	sshra.s32 s20, $0x1F;
	s2 =	smulhi.u32 $0x2AAAAAAB, s20  }
.Ltmp13:
0x4f1: {  	v29 =	vsel vm6, v26, v29;
	vm6 =	vmand vm15, vm8;
	vm13 =	vlt.s32 v31, $0x4;
	s20 =	sshrl.u32 s30, $0x1F;
	s26 =	spop (v2sf);
	(pc) =	sbr.rel @p0 .LBB2_28-.Ltmp13, $4  }
0x4f2: {  	v20 =	vsel vm7, v27, v29;
	v26 =	vsel vm13, $0x1, v8;
	v17 =	vmovc v25;
	s12 =	smul.u32 $0x2AAAAAAB, s23;
	s23 =	sshrl.u32 s13, $0x1;
	s28 =	spop (v2sf);
	(v2sf) =	vpush v25, $0x1  }
0x4f3: {  	vm13 =	vmmov vm14;
	s13 =	sadd.s32 s19, s17;
	s25 =	sshra.s32 s26, $0x1F;
	v25 =	vsel vm6, v26, v20;
	s21 =	smulhi.u32 $0x2AAAAAAB, s26;
	(v2sf) =	vpush v17, $0x0  }
0x4f4: {  	s19 =	smov.u32 s6;
	v20 =	vsub.s32 v30, v63;
	s11 =	smul.u32 $0x2AAAAAAB, s25;
	s25 =	spop (v2sf);
	v26 =	vshll.u32 v14, v25;
	(v2sf) =	vpush v17, $0xC  }
0x4f5: {  	s17 =	sshrl.u32 s13, $0x1;
	s14 =	sshra.s32 s28, $0x1F;
	v25 =	vsub.s32 $0x0, v20;
	s0 =	smulhi.u32 $0x2AAAAAAB, s28;
	v16 =	vor.u32 v16, v26;
	(v2sf) =	vpush v17, $0x8  }
0x4f6: {  	(v2sf) =	vpush v17, $0x2  }
0x4f7: {  	(v2sf) =	vpush v17, $0x3  }
0x4f8: {  	(v2sf) =	vpush v17, $0x4  }
0x4f9: {  	(v2sf) =	vpush v17, $0x9  }
0x4fa: {  	(v2sf) =	vpush v17, $0xD  }
0x4fb: {  	s3 =	smul.u32 $0x2AAAAAAB, s7;
	(v2sf) =	vpush v17, $0xE  }
0x4fc: {  	s6 =	smul.u32 $0x2AAAAAAB, s16;
	(v2sf) =	vpush v17, $0xA  }
0x4fd: {  	s7 =	smul.u32 $0x2AAAAAAB, s14;
	[smem:$0x7E1] =	sst s3  }
0x4fe: {  	s14 =	smulhi.u32 $0x2AAAAAAB, s25;
	[smem:$0x7E3] =	sst s6;
	(v2sf) =	vpush v17, $0x5  }
0x4ff: {  	s26 =	smul.u32 $0x2AAAAAAB, s4;
	[smem:$0x7E2] =	sst s7  }
0x500: {  	s25 =	sshra.s32 s25, $0x1F;
	s30 =	smul.u32 $0x2AAAAAAB, s10;
	[smem:$0x7E5] =	sst s14  }
0x501: {  	s3 =	smul.u32 $0x2AAAAAAB, s25;
	s16 =	spop (v2sf)  }
0x502: {  	[smem:$0x7E4] =	sst s30;
	s19 =	spop (v2sf)  }
0x503: {  	[smem:$0x7E6] =	sst s3;
	s28 =	spop (v2sf)  }
0x504: {  	s25 =	smulhi.u32 $0x2AAAAAAB, s16;
	s6 =	spop (v2sf)  }
0x505: {  	s10 =	sshra.s32 s19, $0x1F;
	s14 =	smulhi.u32 $0x2AAAAAAB, s19;
	s7 =	spop (v2sf)  }
0x506: {  	s4 =	smul.u32 $0x2AAAAAAB, s10;
	s19 =	spop (v2sf)  }
0x507: {  	[smem:$0x7EF] =	sst s7;
	s7 =	spop (v2sf)  }
0x508: {  	s30 =	sshra.s32 s16, $0x1F;
	[smem:$0x7F0] =	sst s6;
	s6 =	spop (v2sf)  }
0x509: {  	[smem:$0x7E7] =	sst s14;
	s3 =	sshra.s32 s19, $0x1F;
	s16 =	spop (v2sf)  }
0x50a: {  	s3 =	smul.u32 $0x2AAAAAAB, s3;
	s10 =	spop (v2sf)  }
0x50b: {  	(v2sf) =	vpush v17, $0xB;
	s14 =	smulhi.u32 $0x2AAAAAAB, s19;
	s19 =	spop (v2sf)  }
0x50c: {  	[smem:$0x7EB] =	sst s3;
	s3 =	smulhi.u32 $0x2AAAAAAB, s19  }
0x50d: {  	[smem:$0x7EA] =	sst s14;
	s14 =	spop (v2sf)  }
0x50e: {  	[smem:$0x7EC] =	sst s3;
	s3 =	smulhi.u32 $0x2AAAAAAB, s14  }
0x50f: {  	s11 =	sadd.s32 s11, s21;
	s21 =	sld [smem:$0x7E5]  }
0x510: {  	s26 =	sadd.s32 s26, s31;
	[smem:$0x7ED] =	sst s3  }
0x511: {  	s31 =	smulhi.u32 $0x2AAAAAAB, s6;
	s3 =	sshra.s32 s6, $0x1F;
	s6 =	sld [smem:$0x7E1]  }
0x512: {  	[smem:$0x7F1] =	sst s16;
	s16 =	sshra.s32 s14, $0x1F  }
0x513: {  	[smem:$0x7E9] =	sst s25;
	s25 =	sshra.s32 s19, $0x1F;
	s19 =	smul.u32 $0x2AAAAAAB, s16  }
0x514: {  	s18 =	sadd.s32 s6, s18;
	s6 =	sld [smem:$0x7E4]  }
0x515: {  	[smem:$0x7EE] =	sst s19  }
0x516: {  	s19 =	sld [smem:$0x7E2]  }
0x517: {  	s6 =	sadd.s32 s6, s29;
	s29 =	sld [smem:$0x7E6]  }
0x518: {  	s30 =	smul.u32 $0x2AAAAAAB, s30;
	[smem:$0x7E8] =	sst s4;
	s4 =	sadd.s32 s1, s5  }
0x519: {  	s25 =	smul.u32 $0x2AAAAAAB, s25;
	s19 =	sadd.s32 s19, s0;
	s0 =	sld [smem:$0x7E7]  }
0x51a: {  	s1 =	spop (v2sf);
	s21 =	sadd.s32 s29, s21;
	s29 =	sld [smem:$0x7E8]  }
0x51b: {  	s2 =	sadd.s32 s12, s2;
	s14 =	smulhi.u32 $0x2AAAAAAB, s7;
	s5 =	sshra.s32 s1, $0x1F  }
0x51c: {  	s7 =	sshra.s32 s7, $0x1F;
	s12 =	smul.u32 $0x2AAAAAAB, s5;
	s5 =	sld [smem:$0x7E3]  }
0x51d: {  	s16 =	smul.u32 $0x2AAAAAAB, s3;
	s3 =	rddreg [dreg:$0x4];
	s0 =	sadd.s32 s29, s0  }
0x51e: {  	s7 =	smul.u32 $0x2AAAAAAB, s7;
	[smem:$0x7F2] =	sst s0  }
0x51f: {  	vm14 =	vcmask $0x300;
	(v2sf) =	vpush v17, $0x6;
	s5 =	sadd.s32 s5, s3;
	s3 =	smulhi.u32 $0x2AAAAAAB, s1;
	s0 =	sld [smem:$0x7E9]  }
0x520: {  	v22 =	vnsel vm14, $0x0, v22;
	s1 =	smulhi.u32 $0x2AAAAAAB, s10  }
0x521: {  	v22 =	vsel vm3, s22, v22;
	s22 =	sshrl.u32 s8, $0x1;
	s7 =	sadd.s32 s7, s14;
	s29 =	smulhi.u32 $0x2AAAAAAB, s28  }
0x522: {  	(v2sf) =	vpush v17, $0xF;
	s28 =	sshra.s32 s28, $0x1F;
	s0 =	sadd.s32 s30, s0;
	s30 =	sld [smem:$0x7EB]  }
0x523: {  	s10 =	sshra.s32 s10, $0x1F;
	s14 =	smul.u32 $0x2AAAAAAB, s28;
	[smem:$0x7F3] =	sst s0  }
0x524: {  	s8 =	sshrl.u32 s8, $0x1F;
	s0 =	smul.u32 $0x2AAAAAAB, s10;
	s10 =	sld [smem:$0x7EA]  }
0x525: {  	s31 =	sadd.s32 s16, s31;
	s16 =	sld [smem:$0x7ED];
	s28 =	sadd.s32 s14, s29  }
0x526: {  	(v2sf) =	vpush v17, $0x7;
	s29 =	sadd.s32 s12, s3;
	s3 =	sshrl.u32 s13, $0x1F;
	s12 =	sshrl.u32 s26, $0x1F  }
0x527: {  	s13 =	sshrl.u32 s26, $0x1;
	s10 =	sadd.s32 s30, s10;
	s30 =	sld [smem:$0x7EC]  }
0x528: {  	s26 =	sshrl.u32 s9, $0x1F;
	[smem:$0x7F6] =	sst s29;
	s29 =	sshrl.u32 s4, $0x1F  }
0x529: {  	s4 =	sshrl.u32 s4, $0x1;
	v27 =	vmov s12;
	s12 =	sshrl.u32 s19, $0x1F;
	s0 =	sadd.s32 s0, s1  }
0x52a: {  	vm10 =	vcmask $0x2320;
	[smem:$0x7F4] =	sst s0;
	s0 =	sshrl.u32 s18, $0x1;
	s25 =	sadd.s32 s25, s30  }
0x52b: {  	vm9 =	vcmask $0x2B28;
	vm15 =	vcmask $0x3330;
	vm6 =	vcmask $0x3B38;
	s18 =	sshrl.u32 s18, $0x1F;
	s30 =	sshrl.u32 s5, $0x1;
	[smem:$0x7F5] =	sst s25  }
0x52c: {  	v28 =	vmov s13;
	v27 =	vsel vm3, s18, v27;
	s5 =	sshrl.u32 s5, $0x1F;
	s25 =	sld [smem:$0x7EE];
	v22 =	vsel vm4, s30, v22;
	s30 =	sshrl.u32 s6, $0x1  }
0x52d: {  	s13 =	sshrl.u32 s19, $0x1;
	v27 =	vsel vm4, s8, v27;
	v24 =	vsel vm4, s5, v24;
	s5 =	sshrl.u32 s6, $0x1F;
	v26 =	vmov s30;
	s30 =	sld [smem:$0x7EF]  }
0x52e: {  	v21 =	vsub.s32 v23, v21;
	s19 =	spop (v2sf);
	s1 =	sshrl.u32 s11, $0x1;
	v27 =	vsel vm5, s12, v27;
	v29 =	vmov s5;
	s12 =	sld [smem:$0x7F5]  }
0x52f: {  	v44 =	vsel vm13, $0x2, v13;
	s11 =	sshrl.u32 s11, $0x1F;
	v24 =	vsel vm5, s15, v24;
	s5 =	sshrl.u32 s21, $0x1;
	v29 =	vsel vm3, s26, v29;
	s26 =	sld [smem:$0x7F1]  }
0x530: {  	vm7 =	vgt.s32 v18, $0x1A;
	v22 =	vsel vm5, s23, v22;
	v24 =	vsel vm10, s20, v24;
	s14 =	sadd.s32 s25, s16;
	s16 =	sshrl.u32 s9, $0x1;
	s25 =	sld [smem:$0x7F0]  }
0x531: {  	v28 =	vsel vm3, s0, v28;
	v22 =	vsel vm10, s24, v22;
	s9 =	sshrl.u32 s2, $0x1;
	v24 =	vsel vm9, s29, v24;
	s29 =	spop (v2sf);
	s23 =	smulhi.u32 $0x2AAAAAAB, s30  }
0x532: {  	vm8 =	vlt.s32 v19, $0x3;
	v28 =	vsel vm4, s22, v28;
	s2 =	sshrl.u32 s2, $0x1F;
	v22 =	vsel vm9, s4, v22;
	s4 =	sld [smem:$0x7F3];
	s22 =	smulhi.u32 $0x2AAAAAAB, s29  }
0x533: {  	v49 =	vmin.u32 v20, v25;
	vm11 =	vmmov vm11;
	vm7 =	vmand vm7, vm8;
	s6 =	sshra.s32 s30, $0x1F;
	s30 =	sshra.s32 s19, $0x1F;
	s18 =	smulhi.u32 $0x2AAAAAAB, s26  }
0x534: {  	v29 =	vsel vm4, s3, v29;
	v26 =	vsel vm3, s16, v26;
	s16 =	sshrl.u32 s21, $0x1F;
	v24 =	vsel vm15, s11, v24;
	s11 =	sshrl.u32 s7, $0x1F;
	s8 =	smul.u32 $0x2AAAAAAB, s30  }
0x535: {  	v47 =	vsub.s32 $0x0, v21;
	v29 =	vsel vm5, s2, v29;
	v26 =	vsel vm4, s17, v26;
	s17 =	spop (v2sf);
	s15 =	sshra.s32 s25, $0x1F;
	s0 =	smulhi.u32 $0x2AAAAAAB, s25  }
0x536: {  	v28 =	vsel vm5, s13, v28;
	v27 =	vcombine.low v29, v27;
	s25 =	sshra.s32 s26, $0x1F;
	s26 =	sld [smem:$0x7F2];
	v26 =	vsel vm5, s9, v26;
	s2 =	smulhi.u32 $0x2AAAAAAB, s17  }
0x537: {  	v22 =	vsel vm15, s1, v22;
	s13 =	sshrl.u32 s12, $0x1F;
	v24 =	vsel vm6, s16, v24;
	s16 =	sshra.s32 s29, $0x1F;
	s30 =	smul.u32 $0x2AAAAAAB, s25;
	v26 =	vcombine.low v26, v28  }
0x538: {  	v22 =	vsel vm6, s5, v22;
	s21 =	sshrl.u32 s4, $0x1F;
	s24 =	sshrl.u32 s4, $0x1;
	v24 =	vperm.xlane v24, v10;
	s25 =	smul.u32 $0x2AAAAAAB, s6;
	v27 =	vperm.xlane v27, v9  }
0x539: {  	v25 =	vadd.s32 $0xFFFFFFE9, v49;
	v22 =	vperm.xlane v22, v10;
	s20 =	sshrl.u32 s26, $0x1;
	s1 =	sshrl.u32 s26, $0x1F;
	s3 =	sadd.s32 s30, s18;
	v26 =	vperm.xlane v26, v9  }
0x53a: {  	s30 =	smul.u32 $0x2AAAAAAB, s15;
	s5 =	sadd.s32 s25, s23;
	s23 =	sshrl.u32 s28, $0x1F;
	v24 =	vsel vm1, v24, v27;
	v30 =	vmov s20;
	v31 =	vmov s1  }
0x53b: {  	s9 =	sld [smem:$0x7F4];
	v33 =	vmov s23;
	s29 =	sshrl.u32 s3, $0x1;
	s3 =	sshrl.u32 s3, $0x1F;
	v30 =	vnsel vm14, $0x0, v30;
	v31 =	vnsel vm14, $0x0, v31  }
0x53c: {  	s6 =	sshrl.u32 s31, $0x1F;
	s18 =	sshrl.u32 s5, $0x1;
	s0 =	sadd.s32 s30, s0;
	v37 =	vsel vm3, s3, v33;
	v22 =	vsel vm1, v22, v26;
	v30 =	vsel vm3, s24, v30  }
0x53d: {  	s5 =	sshrl.u32 s5, $0x1F;
	v31 =	vsel vm3, s21, v31;
	s24 =	sshrl.u32 s0, $0x1;
	s0 =	sshrl.u32 s0, $0x1F;
	v22 =	vadd.s32 v24, v22;
	v30 =	vsel vm4, s18, v30  }
0x53e: {  	s26 =	sshrl.u32 s10, $0x1F;
	s15 =	sshrl.u32 s10, $0x1;
	s25 =	smul.u32 $0x2AAAAAAB, s16;
	v31 =	vsel vm4, s5, v31;
	v32 =	vmov s24;
	v35 =	vmov s0  }
0x53f: {  	s10 =	sshrl.u32 s9, $0x1F;
	s20 =	smulhi.u32 $0x2AAAAAAB, s19;
	s30 =	sshrl.u32 s31, $0x1;
	v22 =	vmul.u32 $0xC, v22;
	v30 =	vsel vm5, s15, v30;
	v31 =	vsel vm5, s26, v31  }
0x540: {  	s1 =	sadd.s32 s25, s22;
	s21 =	sshrl.u32 s7, $0x1;
	s26 =	sshrl.u32 s28, $0x1;
	v36 =	vsel vm3, s30, v32;
	v38 =	vsel vm3, s6, v35;
	v32 =	vsel vm4, s10, v37  }
0x541: {  	s23 =	sshrl.u32 s9, $0x1;
	s4 =	sadd.s32 s8, s20;
	s16 =	sshrl.u32 s1, $0x1F;
	v34 =	vmov s26;
	v30 =	vsel vm10, s21, v30;
	v31 =	vsel vm10, s11, v31  }
0x542: {  	s8 =	sshrl.u32 s14, $0x1;
	s28 =	sshra.s32 s17, $0x1F;
	s17 =	sld [smem:$0x7F6];
	v33 =	vsel vm4, s13, v38;
	v32 =	vsel vm5, s16, v32;
	v15 =	vsub.s32 v15, v22  }
0x543: {  	s20 =	sshrl.u32 s14, $0x1F;
	s5 =	smul.u32 $0x2AAAAAAB, s28;
	s21 =	sshrl.u32 s12, $0x1;
	v22 =	vmin.u32 v21, v47;
	v63 =	vsel vm3, s29, v34;
	v30 =	vsel vm9, s8, v30  }
0x544: {  	s1 =	sshrl.u32 s1, $0x1;
	s22 =	sshrl.u32 s4, $0x1F;
	s15 =	sshrl.u32 s4, $0x1;
	v31 =	vsel vm9, s20, v31;
	v40 =	vsel vm4, s21, v36;
	v45 =	vadd.s32 $0xC, v15  }
0x545: {  	s2 =	sadd.s32 s5, s2;
	s18 =	sshrl.u32 s17, $0x1F;
	v30 =	vsel vm15, s15, v30;
	v39 =	vsel vm15, s22, v31;
	v42 =	vsel vm4, s23, v63;
	s24 =	sshrl.u32 s17, $0x1  }
0x546: {  	s19 =	sshrl.u32 s2, $0x1;
	v33 =	vsel vm5, s18, v33;
	s2 =	sshrl.u32 s2, $0x1F;
	v26 =	vsel vm5, s1, v42;
	v27 =	vsel vm5, s24, v40  }
0x547: {  	v30 =	vsel vm6, s19, v30;
	v41 =	vsel vm6, s2, v39;
	vm6 =	vmmov vm12  }
0x548: {  	vm12 =	vlt.s32 v15, $0x0;
	v50 =	vcombine.low v33, v32;
	v26 =	vcombine.low v27, v26  }
0x549: {  	v43 =	vsel vm6, $0x3, v11;
	v15 =	vsel vm12, v45, v15;
	v48 =	vsel vm6, $0x4, v12  }
0x54a: {  	vm6 =	vlt.s32 v18, $0x17;
	v51 =	vperm.xlane v30, v10;
	v24 =	vperm.xlane v41, v10  }
0x54b: {  	v46 =	vsel vm7, v43, v44;
	vm7 =	vlt.s32 v21, $0x2;
	vm6 =	vmand vm6, vm8  }
0x54c: {  	vm8 =	vmand vm11, vm8;
	v23 =	vperm.xlane v50, v9;
	v26 =	vperm.xlane v26, v9  }
0x54d: {  	vm11 =	vlt.u32 v25, $0x4;
	v19 =	vsel vm6, v48, v46;
	vm6 =	vlt.s32 v15, $0x4  }
0x54e: {  	vm7 =	vmmov vm7;
	v52 =	vsel vm1, v24, v23;
	v53 =	vsel vm1, v51, v26  }
0x54f: {  	v15 =	vsel vm6, $0x1, v8;
	vm6 =	vlt.s32 v8, v20;
	v54 =	vadd.s32 v52, v53  }
0x550: {  	v58 =	vsel vm7, $0x2, v13;
	v15 =	vsel vm8, v15, v19;
	v19 =	vmul.u32 $0xC, v54  }
0x551: {  	vm6 =	vmmov vm6;
	vm8 =	vmmov vm11;
	vm11 =	vlt.s32 v22, $0x3  }
0x552: {  	v55 =	vsel vm6, $0x3, v11;
	v56 =	vsel vm6, $0x4, v12;
	v57 =	vsub.s32 v17, v19  }
0x553: {  	vm6 =	vgt.s32 v49, $0x1A;
	vm7 =	vlt.s32 v57, $0x0;
	v59 =	vadd.s32 $0xC, v57  }
0x554: {  	vm6 =	vmand vm6, vm11;
	v17 =	vsel vm7, v59, v57;
	vm7 =	vlt.s32 v49, $0x17  }
0x555: {  	v60 =	vsel vm6, v55, v58;
	vm7 =	vmand vm7, vm11;
	vm6 =	vlt.s32 v17, $0x4  }
0x556: {  	vm8 =	vmand vm8, vm11;
	v61 =	vsel vm7, v56, v60;
	v62 =	vsel vm6, $0x1, v8  }
0x557: {  	v15 =	vshll.u32 v14, v15;
	v17 =	vsel vm8, v62, v61  }
0x558: {  	v15 =	vor.u32 v16, v15;
	v63 =	vshll.u32 v14, v17  }
0x559: {  	s25 =	simm.s32 $0x0;
	v15 =	vor.u32 v15, v63  }
0x55a: {  	s26 =	rddreg [dreg:$0x1d];
	s28 =	simm.s32 $0x1E800;
	s29 =	simm.s32 $0x3;
	[tilespmem:$0x1E800] =	vst v15  }
0x55b: {  	[hbm4b:s26+s25] =	stream.linear.scatter [tilespmem:s28], [sflag:$0x3], $0x10, $0x38;
	[tilespmem:$0x1E810] =	vst v63  }
0x55c: {  	_ =	swait.ge [sflag:s29], $0x10  }
0x55d: {  	s30 =	sld [smem:$0x7F7];
	_ =	sdelay $0x2  }
0x55e: {  	s31 =	rddreg [dreg:$0x1f];
	s2 =	sadd.s32 $0x1, s30  }
0x55f: {  	p0 =	sne.s32 s2, s31  }
.Ltmp14:
0x560: {  	_ = 	snop;
	(pc) =	sbr.rel @p0 .LBB2_1-.Ltmp14, $3  }
0x561: {  	_ =	sdelay $0x1  }
0x562: {  	vm7 =	vmmov vm14;
	[sflag:s29] =	ssyncset.done $0x0  }
0x563: {  	vm14 =	vmmov vm9;
	vm8 =	vmmov vm10;
	vm10 =	vmmov vm15;
	[sflag:s29] =	ssyncadd.s32 $0xFFFFFFF0  }
0x564: {  	_ =	sfence.sel $0x180000  }
0x565: {  	[bflag:$0x0] =	sbarrier.arrive $0xFFFF  }
0x566: {  	_ =	strace $0x90000047  }
0x567: {  	s0 =	stileid.u32;
	[bflag:$0x2] =	sbarrier.arrive $0xFFFF  }
0x568: {  	p0 =	sne.s32 s0, $0x0;
	s0 =	rddreg [dreg:$0x2]  }
0x569: {  	s0 =	sadd.s32 @!p0 $0x100000, s0  }
0x56a: {  	[sflag:s0] =	ssyncadd.tile.s32 @!p0 $0x1;
	_ =	shalt  }
.Lfunc_end2:
_tile_overlayer_lowered:
.L_overlay_start_2:
0x56b: {  	(tag) =	ssettag $0x2  }
0x56c: {  	s0 =	rddreg [dreg:$0x0];
	s2 =	stileid.u32  }
0x56d: {  	s1 =	rddreg [dreg:$0x1];
	p0 =	sne.s32 s2, $0x0  }
0x56e: {  	s3 =	rddreg [dreg:$0x2];
	[bflag:$0x3] =	sbarrier.arrive $0xFFFF;
	s2 =	simm.s32 @!p0 $0x1C03  }
0x56f: {  	[timem:s3], [sflag:s2] =	dma.local @!p0 [hbm:s0], s1  }
0x570: {  	s0 =	simm.s32 @!p0 $0x3  }
0x571: {  	_ =	swait.ge @!p0 [sflag:s0], s1  }
0x572: {  	s1 =	ssub.s32 @!p0 $0x0, s1;
	[sflag:s0] =	ssyncset.done @!p0 $0x0  }
0x573: {  	[sflag:s0] =	ssyncadd.s32 @!p0 s1  }
0x574: {  	[bflag:$0x3] =	sbarrier.arrive $0xFFFF  }
0x575: {  	_ =	shalt  }

</sc_bundles>
